<compile_context>
chip_gen: v7x
topology: tpu7x:2x2x1
jax: 0.10.2.dev20260603
libtpu: 0.0.44.dev20260713+nightly
codegen_flags: <defaults>
</compile_context>

<pallas_src>
import dataclasses
import functools

import jax
import jax.numpy as jnp
from jax import lax
from jax.experimental import pallas as pl
from jax.experimental.pallas import tpu as pltpu
from jax.experimental.pallas import tpu_sc as plsc

TAU = 2.0
V_TH = 1.0
BN_EPS = 1e-5
EPS = 1e-09
CAP_FACTOR = 1.25
MIN_EXPERT_CAPACITY = 4
E = 16


def _sc_compiler_params():
    cp = pltpu.CompilerParams()
    if "needs_layout_passes" in pltpu.CompilerParams.__dataclass_fields__:
        cp = dataclasses.replace(cp, needs_layout_passes=False)
    return cp


def _stage_a_body(x_ref, w_ref, b_ref, g_ref, bt_ref, lg_ref, bnss_ref,
                  s_ref, sq_ref, *, T, C, N, total_tokens):
    b = pl.program_id(0)
    nb = pl.num_programs(0)

    @pl.when(b == 0)
    def _():
        s_ref[...] = jnp.zeros_like(s_ref)
        sq_ref[...] = jnp.zeros_like(sq_ref)

    w = w_ref[...]
    bias = b_ref[...]
    v = jnp.zeros((N, C), jnp.float32)
    acc = jnp.zeros((1, E), jnp.float32)
    accsq = jnp.zeros((1, E), jnp.float32)
    for t in range(T):
        v = (v + x_ref[t, 0]) * 0.5
        s = (v >= V_TH).astype(jnp.float32)
        v = v * (1.0 - s)
        lg = jax.lax.dot_general(s, w, (((1,), (1,)), ((), ())),
                                 preferred_element_type=jnp.float32) + bias
        lg_ref[t, 0] = lg
        acc = acc + jnp.sum(lg, axis=0, keepdims=True)
        accsq = accsq + jnp.sum(lg * lg, axis=0, keepdims=True)
    s_ref[...] += acc
    sq_ref[...] += accsq

    @pl.when(b == nb - 1)
    def _():
        inv_n = 1.0 / float(total_tokens)
        mean = s_ref[...] * inv_n
        var = sq_ref[...] * inv_n - mean * mean
        scale = g_ref[...] * jax.lax.rsqrt(var + BN_EPS)
        shift = bt_ref[...] - mean * scale
        bnss_ref[0:1, :] = scale
        bnss_ref[1:2, :] = shift


def _router_body(lg_hbm, bnss_hbm, e1_hbm, p1_hbm, g1_hbm, e2_hbm, p2_hbm,
                 g2_hbm, proxy_hbm, c1f_hbm,
                 slab, bnss_v, e1b, p1b, g1b, e2b, p2pb, g2nb, p2b, g2b,
                 proxyb, c1fb, c1capb, sem, *, N, cap):
    cid = lax.axis_index("c")
    sid = lax.axis_index("s")
    g = cid * 16 + sid
    capf = float(cap)

    pltpu.async_copy(lg_hbm.at[g], slab, sem).wait()
    pltpu.async_copy(bnss_hbm, bnss_v, sem).wait()

    scale = bnss_v[0]
    shift = bnss_v[1]
    iota = lax.iota(jnp.int32, E)
    iotaf = iota.astype(jnp.float32)
    one = jnp.float32(1.0)

    def block(i, carry):
        c1, c2, proxy = carry
        zero16 = jnp.zeros((E,), jnp.float32)
        e1a = p1a = g1a = e2a = p2pa = g2na = zero16
        for k in range(E):
            y = slab[pl.ds(i * (E * E) + k * E, E)] * scale + shift
            mx = jnp.max(y, axis=0)
            ex = jnp.exp(y - mx)
            ssum = jnp.sum(ex, axis=0)
            p = ex / jnp.full((E,), ssum, jnp.float32)
            m1 = jnp.max(p, axis=0)
            eq1 = (p == m1).astype(jnp.float32)
            mask1 = eq1 * (plsc.cumsum(eq1) == one).astype(jnp.float32)
            p2 = p * (one - mask1)
            m2 = jnp.max(p2, axis=0)
            eq2 = (p2 == m2).astype(jnp.float32)
            mask2 = eq2 * (plsc.cumsum(eq2) == one).astype(jnp.float32)

            denv = jnp.full((E,), m1 + m2 + EPS, jnp.float32)
            g1v = jnp.full((E,), m1, jnp.float32) / denv
            g2v = jnp.full((E,), m2, jnp.float32) / denv
            keep1 = mask1 * (c1 < capf).astype(jnp.float32)
            kept1 = jnp.sum(keep1, axis=0)
            pos1 = jnp.sum(keep1 * c1, axis=0)

            lk = iota == k
            e1a = jnp.where(lk, jnp.full((E,), jnp.sum(mask1 * iotaf)), e1a)
            p1a = jnp.where(
                lk, jnp.full((E,), jnp.where(kept1 > 0, pos1, -1.0)), p1a)
            g1a = jnp.where(lk, g1v * jnp.full((E,), kept1), g1a)
            e2a = jnp.where(lk, jnp.full((E,), jnp.sum(mask2 * iotaf)), e2a)
            p2pa = jnp.where(lk, jnp.full((E,), jnp.sum(mask2 * c2)), p2pa)
            g2na = jnp.where(lk, g2v, g2na)

            c1 = c1 + mask1
            c2 = c2 + mask2
            proxy = proxy + p
        sl = pl.ds(i * E, E)
        e1b[sl] = e1a
        p1b[sl] = p1a
        g1b[sl] = g1a
        e2b[sl] = e2a
        p2pb[sl] = p2pa
        g2nb[sl] = g2na
        return c1, c2, proxy

    zero16 = jnp.zeros((E,), jnp.float32)
    c1, c2, proxy = lax.fori_loop(0, N // E, block,
                                  (zero16, zero16, zero16))
    c1fb[...] = c1
    proxyb[...] = proxy
    c1capb[...] = jnp.minimum(c1, capf)

    def pass2(i, carry):
        sl = pl.ds(i * E, E)
        base = plsc.load_gather(c1capb, [e2b[sl].astype(jnp.int32)])
        pos2 = p2pb[sl] + base
        ok = pos2 < capf
        p2b[sl] = jnp.where(ok, pos2, -1.0)
        g2b[sl] = jnp.where(ok, g2nb[sl], 0.0)
        return carry

    lax.fori_loop(0, N // E, pass2, 0)

    pltpu.async_copy(e1b, e1_hbm.at[g], sem).wait()
    pltpu.async_copy(p1b, p1_hbm.at[g], sem).wait()
    pltpu.async_copy(g1b, g1_hbm.at[g], sem).wait()
    pltpu.async_copy(e2b, e2_hbm.at[g], sem).wait()
    pltpu.async_copy(p2b, p2_hbm.at[g], sem).wait()
    pltpu.async_copy(g2b, g2_hbm.at[g], sem).wait()
    pltpu.async_copy(proxyb, proxy_hbm.at[g], sem).wait()
    pltpu.async_copy(c1fb, c1f_hbm.at[g], sem).wait()


def _stage_b_body(e1_ref, p1_ref, g1_ref, e2_ref, p2_ref, g2_ref,
                  proxy_ref, c1f_ref, comb_ref, disp_ref, loss_ref,
                  lacc_ref, *, N, cap):
    g = pl.program_id(0)
    ng = pl.num_programs(0)

    @pl.when(g == 0)
    def _():
        lacc_ref[...] = jnp.zeros_like(lacc_ref)

    e1 = e1_ref[0]
    p1 = p1_ref[0]
    g1 = g1_ref[0]
    e2 = e2_ref[0]
    p2 = p2_ref[0]
    g2 = g2_ref[0]

    iota_e = jax.lax.broadcasted_iota(jnp.int32, (1, E, N), 1).astype(
        jnp.float32)
    iota_p = jax.lax.broadcasted_iota(jnp.int32, (cap, 1, N), 0).astype(
        jnp.float32)
    me1 = (iota_e == e1[:, None, :]).astype(jnp.float32)
    me2 = (iota_e == e2[:, None, :]).astype(jnp.float32)
    oh1 = (iota_p == p1[None]).astype(jnp.float32)
    oh2 = (iota_p == p2[None]).astype(jnp.float32)
    d1 = me1 * oh1
    d2 = me2 * oh2
    comb_ref[0] = d1 * g1[:, None, :] + d2 * g2[:, None, :]
    disp_ref[0] = d1 + d2

    lacc_ref[...] += proxy_ref[0] * c1f_ref[0]

    @pl.when(g == ng - 1)
    def _():
        scale_l = float(E * E) / (float(N) * float(N) * float(ng) * float(E))
        loss_ref[...] = jnp.sum(
            lacc_ref[...], axis=1, keepdims=True) * scale_l


def kernel(x, conv_w, conv_b, bn_gamma, bn_beta):
    T, B, C, H, W = x.shape
    N = H * W
    G = T * B
    cap = min(N, int(N * CAP_FACTOR / E))
    cap = max(cap, MIN_EXPERT_CAPACITY)

    xt = x.transpose(0, 1, 3, 4, 2).reshape(T, B, N, C)

    stage_a = pl.pallas_call(
        functools.partial(_stage_a_body, T=T, C=C, N=N, total_tokens=G * N),
        grid=(B,),
        in_specs=[
            pl.BlockSpec((T, 1, N, C), lambda b: (0, b, 0, 0)),
            pl.BlockSpec((E, C), lambda b: (0, 0)),
            pl.BlockSpec((1, E), lambda b: (0, 0)),
            pl.BlockSpec((1, E), lambda b: (0, 0)),
            pl.BlockSpec((1, E), lambda b: (0, 0)),
        ],
        out_specs=[
            pl.BlockSpec((T, 1, N, E), lambda b: (0, b, 0, 0)),
            pl.BlockSpec((2, E), lambda b: (0, 0)),
        ],
        out_shape=[
            jax.ShapeDtypeStruct((T, B, N, E), jnp.float32),
            jax.ShapeDtypeStruct((2, E), jnp.float32),
        ],
        scratch_shapes=[
            pltpu.VMEM((1, E), jnp.float32),
            pltpu.VMEM((1, E), jnp.float32),
        ],
    )
    lg, bnss = stage_a(xt, conv_w, conv_b.reshape(1, E),
                       bn_gamma.reshape(1, E), bn_beta.reshape(1, E))

    lgt = lg.reshape(G, N * E)

    rowf = jax.ShapeDtypeStruct((G, N), jnp.float32)
    router = pl.kernel(
        functools.partial(_router_body, N=N, cap=cap),
        out_type=[rowf, rowf, rowf, rowf, rowf, rowf,
                  jax.ShapeDtypeStruct((G, E), jnp.float32),
                  jax.ShapeDtypeStruct((G, E), jnp.float32)],
        mesh=plsc.VectorSubcoreMesh(core_axis_name="c", subcore_axis_name="s"),
        compiler_params=_sc_compiler_params(),
        scratch_types=[
            pltpu.VMEM((N * E,), jnp.float32),
            pltpu.VMEM((2, E), jnp.float32),
            pltpu.VMEM((N,), jnp.float32),
            pltpu.VMEM((N,), jnp.float32),
            pltpu.VMEM((N,), jnp.float32),
            pltpu.VMEM((N,), jnp.float32),
            pltpu.VMEM((N,), jnp.float32),
            pltpu.VMEM((N,), jnp.float32),
            pltpu.VMEM((N,), jnp.float32),
            pltpu.VMEM((N,), jnp.float32),
            pltpu.VMEM((E,), jnp.float32),
            pltpu.VMEM((E,), jnp.float32),
            pltpu.VMEM((E,), jnp.float32),
            pltpu.SemaphoreType.DMA,
        ],
    )
    e1, p1, g1, e2, p2, g2, proxy, c1f = router(lgt, bnss)

    stage_b = pl.pallas_call(
        functools.partial(_stage_b_body, N=N, cap=cap),
        grid=(G,),
        in_specs=[pl.BlockSpec((1, 1, N), lambda g: (g, 0, 0))] * 6
        + [pl.BlockSpec((1, 1, E), lambda g: (g, 0, 0))] * 2,
        out_specs=[
            pl.BlockSpec((1, cap, E, N), lambda g: (g, 0, 0, 0)),
            pl.BlockSpec((1, cap, E, N), lambda g: (g, 0, 0, 0)),
            pl.BlockSpec((1, 1), lambda g: (0, 0)),
        ],
        out_shape=[
            jax.ShapeDtypeStruct((G, cap, E, N), jnp.float32),
            jax.ShapeDtypeStruct((G, cap, E, N), jnp.float32),
            jax.ShapeDtypeStruct((1, 1), jnp.float32),
        ],
        scratch_shapes=[
            pltpu.VMEM((1, E), jnp.float32),
        ],
    )
    comb, disp, loss = stage_b(
        e1.reshape(G, 1, N), p1.reshape(G, 1, N), g1.reshape(G, 1, N),
        e2.reshape(G, 1, N), p2.reshape(G, 1, N), g2.reshape(G, 1, N),
        proxy.reshape(G, 1, E), c1f.reshape(G, 1, E))

    disp = disp.transpose(0, 3, 2, 1)
    comb = comb.transpose(0, 3, 2, 1)
    return disp, comb, loss.reshape(()), cap

# --- scband reference (transcript-rebuilt; emitter-appended) ---
"""Pipeline reference for scband-spike-router-4329327034381 (READ-ONLY COPY).

The authoritative reference and input builder live on the scoring server;
editing this copy changes nothing except your own understanding.
"""

import jax, jax.numpy as jnp
import numpy as np

TAU = 2.0
V_TH = 1.0
BN_EPS = 1e-5
EPS = 1e-09
CAP_FACTOR = 1.25  # module defaults to training mode -> capacity_factor_train
MIN_EXPERT_CAPACITY = 4
NUM_EXPERTS = 16


def setup_inputs(seed: int = 0):
    key = jax.random.key(seed)
    k1, k2, k3 = jax.random.split(key, 3)
    x = jax.random.normal(k1, (4, 8, 768, 24, 24), dtype=jnp.float32)
    conv_w = jax.random.normal(k2, (NUM_EXPERTS, 768), dtype=jnp.float32) * (1.0 / np.sqrt(768.0))
    conv_b = jax.random.normal(k3, (NUM_EXPERTS,), dtype=jnp.float32) * 0.01
    bn_gamma = jnp.ones((NUM_EXPERTS,), jnp.float32)
    bn_beta = jnp.zeros((NUM_EXPERTS,), jnp.float32)
    return {"x": x, "conv_w": conv_w, "conv_b": conv_b, "bn_gamma": bn_gamma, "bn_beta": bn_beta}


def _surrogate_spike(v):
    # forward: hard heaviside(v - V_TH); backward: sigmoid surrogate (spikingjelly Sigmoid, alpha=4)
    sg = jax.nn.sigmoid(4.0 * (v - V_TH))
    hard = (v >= V_TH).astype(v.dtype)
    return sg + jax.lax.stop_gradient(hard - sg)


def _lif(x):
    # MultiStepLIFNode: tau=2.0, v_reset=0.0, v_threshold=1.0, decay_input=True, detach_reset=True
    T = x.shape[0]
    v = jnp.zeros_like(x[0])
    outs = []
    for t in range(T):
        v = v + (x[t] - v) / TAU
        s = _surrogate_spike(v)
        v = v * (1.0 - jax.lax.stop_gradient(s))  # hard reset to 0, detached
        outs.append(s)
    return jnp.stack(outs, axis=0)


def _cumsum_exclusive(t, axis):
    return jnp.cumsum(t, axis=axis) - t


def reference(x, conv_w, conv_b, bn_gamma, bn_beta):
    T, B, C, H, W = x.shape
    N = H * W
    E = NUM_EXPERTS
    dt = x.dtype

    spikes = _lif(x).reshape(T * B, C, H, W)
    out = jnp.einsum('nchw,ec->nehw', spikes, conv_w) + conv_b[None, :, None, None]
    # BatchNorm2d in training mode (batch statistics, biased variance)
    mean = out.mean(axis=(0, 2, 3), keepdims=True)
    var = out.var(axis=(0, 2, 3), keepdims=True)
    out = bn_gamma[None, :, None, None] * (out - mean) / jnp.sqrt(var + BN_EPS) + bn_beta[None, :, None, None]

    raw_gates = jnp.transpose(out, (0, 2, 3, 1)).reshape(T * B, N, E)
    raw_gates = jax.nn.softmax(raw_gates, axis=-1)

    v1, i1 = jax.lax.top_k(raw_gates, 1)
    gate_1 = v1[..., 0]
    index_1 = i1[..., 0]
    mask_1 = jax.nn.one_hot(index_1, E, dtype=dt)
    density_1_proxy = raw_gates

    gates_wo_1 = raw_gates * (1.0 - mask_1)
    v2, i2 = jax.lax.top_k(gates_wo_1, 1)
    gate_2 = v2[..., 0]
    index_2 = i2[..., 0]
    mask_2 = jax.nn.one_hot(index_2, E, dtype=dt)

    denom = gate_1 + gate_2 + EPS
    gate_1 = gate_1 / denom
    gate_2 = gate_2 / denom

    density_1 = mask_1.mean(axis=-2)
    density_1_proxy = density_1_proxy.mean(axis=-2)
    loss = (density_1_proxy * density_1).mean() * float(E ** 2)

    expert_capacity = min(N, int(N * CAP_FACTOR / E))
    expert_capacity = max(expert_capacity, MIN_EXPERT_CAPACITY)
    cap_f = float(expert_capacity)

    pos_1 = _cumsum_exclusive(mask_1, axis=-2) * mask_1
    mask_1 = mask_1 * (pos_1 < cap_f).astype(dt)
    mask_1_count = mask_1.sum(axis=-2, keepdims=True)
    mask_1_flat = mask_1.sum(axis=-1)
    pos_1 = pos_1.sum(axis=-1)
    gate_1 = gate_1 * mask_1_flat

    pos_2 = _cumsum_exclusive(mask_2, axis=-2) + mask_1_count
    pos_2 = pos_2 * mask_2
    mask_2 = mask_2 * (pos_2 < cap_f).astype(dt)
    mask_2_flat = mask_2.sum(axis=-1)
    pos_2 = pos_2.sum(axis=-1)
    gate_2 = gate_2 * mask_2_flat

    oh_e1 = jax.nn.one_hot(index_1, E, dtype=dt)
    oh_e2 = jax.nn.one_hot(index_2, E, dtype=dt)
    # safe_one_hot: out-of-range positions map to all-zero rows, which jax.nn.one_hot does natively
    oh_p1 = jax.nn.one_hot(pos_1.astype(jnp.int32), expert_capacity, dtype=dt)
    oh_p2 = jax.nn.one_hot(pos_2.astype(jnp.int32), expert_capacity, dtype=dt)

    combine_tensor = (
        gate_1[..., None, None] * mask_1_flat[..., None, None] * oh_e1[..., None] * oh_p1[..., None, :]
        + gate_2[..., None, None] * mask_2_flat[..., None, None] * oh_e2[..., None] * oh_p2[..., None, :]
    )
    dispatch_tensor = combine_tensor.astype(bool).astype(dt)
    return dispatch_tensor, combine_tensor, loss, expert_capacity

if __name__ == "__main__":
    import jax
    _d = setup_inputs()
    print(jax.jit(kernel)(*tuple(_d.values())))

</pallas_src>

<mosaic_0001>
#map = affine_map<(d0, d1) -> (0, 0)>
module attributes {stable_mosaic.version = 14 : i64} {
  func.func @_router_body(%arg0: i32, %arg1: i32, %arg2: memref<32x9216xf32, #tpu.memory_space<hbm>>, %arg3: memref<2x16xf32, #tpu.memory_space<hbm>>, %arg4: memref<32x576xf32, #tpu.memory_space<hbm>>, %arg5: memref<32x576xf32, #tpu.memory_space<hbm>>, %arg6: memref<32x576xf32, #tpu.memory_space<hbm>>, %arg7: memref<32x576xf32, #tpu.memory_space<hbm>>, %arg8: memref<32x576xf32, #tpu.memory_space<hbm>>, %arg9: memref<32x576xf32, #tpu.memory_space<hbm>>, %arg10: memref<32x16xf32, #tpu.memory_space<hbm>>, %arg11: memref<32x16xf32, #tpu.memory_space<hbm>>, %arg12: memref<9216xf32, #tpu.memory_space<vmem>>, %arg13: memref<2x16xf32, #tpu.memory_space<vmem>>, %arg14: memref<576xf32, #tpu.memory_space<vmem>>, %arg15: memref<576xf32, #tpu.memory_space<vmem>>, %arg16: memref<576xf32, #tpu.memory_space<vmem>>, %arg17: memref<576xf32, #tpu.memory_space<vmem>>, %arg18: memref<576xf32, #tpu.memory_space<vmem>>, %arg19: memref<576xf32, #tpu.memory_space<vmem>>, %arg20: memref<576xf32, #tpu.memory_space<vmem>>, %arg21: memref<576xf32, #tpu.memory_space<vmem>>, %arg22: memref<16xf32, #tpu.memory_space<vmem>>, %arg23: memref<16xf32, #tpu.memory_space<vmem>>, %arg24: memref<16xf32, #tpu.memory_space<vmem>>, %arg25: memref<!tpu.dma_semaphore, #tpu.memory_space<semaphore_mem>>) attributes {dimension_semantics = [#tpu.dimension_semantics<core_parallel>, #tpu.dimension_semantics<subcore_parallel>], iteration_bounds = array<i64: 2, 16>, scalar_prefetch = 0 : i64, scratch_operands = 14 : i64, tpu.core_type = #tpu.core_type<sc_vector_subcore>, window_params = [{transform_indices = #map}, {transform_indices = #map}, {transform_indices = #map}, {transform_indices = #map}, {transform_indices = #map}, {transform_indices = #map}, {transform_indices = #map}, {transform_indices = #map}, {transform_indices = #map}, {transform_indices = #map}]} {
    %mul3A = arith.constant 16 : i32
    %mul3A_0 = arith.muli %arg0, %mul3A : i32
    %add3A = arith.addi %mul3A_0, %arg1 : i32
    %dma_start3A = arith.constant 0 : i32
    %dma_start3A_1 = tpu.memref_slice %arg2[%add3A, %dma_start3A] : memref<32x9216xf32, #tpu.memory_space<hbm>> -> memref<1x9216xf32, #tpu.memory_space<hbm>>
    %dma_start3A_2 = tpu.memref_squeeze %dma_start3A_1 : memref<1x9216xf32, #tpu.memory_space<hbm>> -> memref<9216xf32, #tpu.memory_space<hbm>>
    %dma_start3A_3 = arith.constant 0 : i32
    %dma_start3A_4 = tpu.memref_slice %arg2[%add3A, %dma_start3A_3] : memref<32x9216xf32, #tpu.memory_space<hbm>> -> memref<1x9216xf32, #tpu.memory_space<hbm>>
    %dma_start3A_5 = tpu.memref_squeeze %dma_start3A_4 : memref<1x9216xf32, #tpu.memory_space<hbm>> -> memref<9216xf32, #tpu.memory_space<hbm>>
    tpu.enqueue_dma source(%dma_start3A_5 : memref<9216xf32, #tpu.memory_space<hbm>>) target(%arg12 : memref<9216xf32, #tpu.memory_space<vmem>>) target_semaphore(%arg25 : memref<!tpu.dma_semaphore, #tpu.memory_space<semaphore_mem>>)
    %dma_wait3A = arith.constant 0 : i32
    %dma_wait3A_6 = tpu.memref_slice %arg2[%add3A, %dma_wait3A] : memref<32x9216xf32, #tpu.memory_space<hbm>> -> memref<1x9216xf32, #tpu.memory_space<hbm>>
    %dma_wait3A_7 = tpu.memref_squeeze %dma_wait3A_6 : memref<1x9216xf32, #tpu.memory_space<hbm>> -> memref<9216xf32, #tpu.memory_space<hbm>>
    %dma_wait3A_8 = arith.constant 0 : i32
    %dma_wait3A_9 = tpu.memref_slice %arg2[%add3A, %dma_wait3A_8] : memref<32x9216xf32, #tpu.memory_space<hbm>> -> memref<1x9216xf32, #tpu.memory_space<hbm>>
    %dma_wait3A_10 = tpu.memref_squeeze %dma_wait3A_9 : memref<1x9216xf32, #tpu.memory_space<hbm>> -> memref<9216xf32, #tpu.memory_space<hbm>>
    tpu.wait_dma2 semaphore(%arg25 : memref<!tpu.dma_semaphore, #tpu.memory_space<semaphore_mem>>) src(%dma_wait3A_10 : memref<9216xf32, #tpu.memory_space<hbm>>) dst(%arg12 : memref<9216xf32, #tpu.memory_space<vmem>>)
    tpu.enqueue_dma source(%arg3 : memref<2x16xf32, #tpu.memory_space<hbm>>) target(%arg13 : memref<2x16xf32, #tpu.memory_space<vmem>>) target_semaphore(%arg25 : memref<!tpu.dma_semaphore, #tpu.memory_space<semaphore_mem>>)
    tpu.wait_dma2 semaphore(%arg25 : memref<!tpu.dma_semaphore, #tpu.memory_space<semaphore_mem>>) src(%arg3 : memref<2x16xf32, #tpu.memory_space<hbm>>) dst(%arg13 : memref<2x16xf32, #tpu.memory_space<vmem>>)
    %get3A = arith.constant 0 : i32
    %get3A_11 = arith.index_cast %get3A : i32 to index
    %get3A_12 = arith.constant 0 : index
    %get3A_13 = tpu.vector_load %arg13[%get3A_11, %get3A_12] {strides = array<i32>} : memref<2x16xf32, #tpu.memory_space<vmem>>, vector<16xf32>,
    %get3A_14 = arith.constant 1 : i32
    %get3A_15 = arith.index_cast %get3A_14 : i32 to index
    %get3A_16 = arith.constant 0 : index
    %get3A_17 = tpu.vector_load %arg13[%get3A_15, %get3A_16] {strides = array<i32>} : memref<2x16xf32, #tpu.memory_space<vmem>>, vector<16xf32>,
    %iota3A = tpu.iota {dimensions = array<i32: 0>} : vector<16xi32>
    %convert_element_type3A = arith.sitofp %iota3A : vector<16xi32> to vector<16xf32>
    %broadcast_in_dim3A = arith.constant 0.000000e+00 : f32
    %broadcast_in_dim3A_18 = vector.broadcast %broadcast_in_dim3A : f32 to vector<16xf32>
    %scan3A = arith.constant 1.000000e+00 : f32
    %scan3A_19 = arith.constant 0 : i32
    %scan3A_20 = arith.constant 36 : i32
    %scan3A_21 = arith.addi %scan3A_19, %scan3A_20 : i32
    %scan3A_22 = arith.constant 1 : i32
    %scan3A_23:3 = scf.for %scan3A_134 = %scan3A_19 to %scan3A_21 step %scan3A_22 iter_args(%scan3A_135 = %broadcast_in_dim3A_18, %scan3A_136 = %broadcast_in_dim3A_18, %scan3A_137 = %broadcast_in_dim3A_18) -> (vector<16xf32>, vector<16xf32>, vector<16xf32>)  : i32 {
      %broadcast_in_dim3A_138 = arith.constant 0.000000e+00 : f32
      %broadcast_in_dim3A_139 = vector.broadcast %broadcast_in_dim3A_138 : f32 to vector<16xf32>
      %mul3A_140 = arith.constant 256 : i32
      %mul3A_141 = arith.muli %scan3A_134, %mul3A_140 : i32
      %add3A_142 = arith.constant 0 : i32
      %add3A_143 = arith.addi %mul3A_141, %add3A_142 : i32
      %get3A_144 = arith.index_cast %add3A_143 : i32 to index
      %get3A_145 = tpu.vector_load %arg12[%get3A_144] {strides = array<i32>} : memref<9216xf32, #tpu.memory_space<vmem>>, vector<16xf32>,
      %mul3A_146 = arith.mulf %get3A_145, %get3A_13 : vector<16xf32>
      %add3A_147 = arith.addf %mul3A_146, %get3A_17 : vector<16xf32>
      %reduce_max3A = arith.constant true
      %reduce_max3A_148 = vector.broadcast %reduce_max3A : i1 to vector<16xi1>
      %reduce_max3A_149 = tpu.scan <max>, %add3A_147 masked %reduce_max3A_148 : vector<16xf32>, vector<16xi1> -> vector<16xf32>
      %reduce_max3A_150 = vector.extract %reduce_max3A_149[15] : f32 from vector<16xf32>
      %sub3A = vector.broadcast %reduce_max3A_150 : f32 to vector<16xf32>
      %sub3A_151 = arith.subf %add3A_147, %sub3A : vector<16xf32>
      %exp3A = math.exp %sub3A_151 : vector<16xf32>
      %reduce_sum3A = arith.constant true
      %reduce_sum3A_152 = vector.broadcast %reduce_sum3A : i1 to vector<16xi1>
      %reduce_sum3A_153 = tpu.scan <sum>, %exp3A masked %reduce_sum3A_152 : vector<16xf32>, vector<16xi1> -> vector<16xf32>
      %reduce_sum3A_154 = vector.extract %reduce_sum3A_153[15] : f32 from vector<16xf32>
      %broadcast_in_dim3A_155 = vector.broadcast %reduce_sum3A_154 : f32 to vector<16xf32>
      %div3A = arith.divf %exp3A, %broadcast_in_dim3A_155 : vector<16xf32>
      %reduce_max3A_156 = arith.constant true
      %reduce_max3A_157 = vector.broadcast %reduce_max3A_156 : i1 to vector<16xi1>
      %reduce_max3A_158 = tpu.scan <max>, %div3A masked %reduce_max3A_157 : vector<16xf32>, vector<16xi1> -> vector<16xf32>
      %reduce_max3A_159 = vector.extract %reduce_max3A_158[15] : f32 from vector<16xf32>
      %eq3A = vector.broadcast %reduce_max3A_159 : f32 to vector<16xf32>
      %eq3A_160 = arith.cmpf oeq, %div3A, %eq3A : vector<16xf32>
      %convert_element_type3A_161 = arith.extui %eq3A_160 : vector<16xi1> to vector<16xi32>
      %convert_element_type3A_162 = arith.sitofp %convert_element_type3A_161 : vector<16xi32> to vector<16xf32>
      %broadcast_in_dim3A_163 = arith.constant true
      %broadcast_in_dim3A_164 = vector.broadcast %broadcast_in_dim3A_163 : i1 to vector<16xi1>
      %masked_cumsum3A = tpu.scan <sum>, %convert_element_type3A_162 masked %broadcast_in_dim3A_164 : vector<16xf32>, vector<16xi1> -> vector<16xf32>
      %eq3A_165 = vector.broadcast %scan3A : f32 to vector<16xf32>
      %eq3A_166 = arith.cmpf oeq, %masked_cumsum3A, %eq3A_165 : vector<16xf32>
      %convert_element_type3A_167 = arith.extui %eq3A_166 : vector<16xi1> to vector<16xi32>
      %convert_element_type3A_168 = arith.sitofp %convert_element_type3A_167 : vector<16xi32> to vector<16xf32>
      %mul3A_169 = arith.mulf %convert_element_type3A_162, %convert_element_type3A_168 : vector<16xf32>
      %sub3A_170 = vector.broadcast %scan3A : f32 to vector<16xf32>
      %sub3A_171 = arith.subf %sub3A_170, %mul3A_169 : vector<16xf32>
      %mul3A_172 = arith.mulf %div3A, %sub3A_171 : vector<16xf32>
      %reduce_max3A_173 = arith.constant true
      %reduce_max3A_174 = vector.broadcast %reduce_max3A_173 : i1 to vector<16xi1>
      %reduce_max3A_175 = tpu.scan <max>, %mul3A_172 masked %reduce_max3A_174 : vector<16xf32>, vector<16xi1> -> vector<16xf32>
      %reduce_max3A_176 = vector.extract %reduce_max3A_175[15] : f32 from vector<16xf32>
      %eq3A_177 = vector.broadcast %reduce_max3A_176 : f32 to vector<16xf32>
      %eq3A_178 = arith.cmpf oeq, %mul3A_172, %eq3A_177 : vector<16xf32>
      %convert_element_type3A_179 = arith.extui %eq3A_178 : vector<16xi1> to vector<16xi32>
      %convert_element_type3A_180 = arith.sitofp %convert_element_type3A_179 : vector<16xi32> to vector<16xf32>
      %broadcast_in_dim3A_181 = arith.constant true
      %broadcast_in_dim3A_182 = vector.broadcast %broadcast_in_dim3A_181 : i1 to vector<16xi1>
      %masked_cumsum3A_183 = tpu.scan <sum>, %convert_element_type3A_180 masked %broadcast_in_dim3A_182 : vector<16xf32>, vector<16xi1> -> vector<16xf32>
      %eq3A_184 = vector.broadcast %scan3A : f32 to vector<16xf32>
      %eq3A_185 = arith.cmpf oeq, %masked_cumsum3A_183, %eq3A_184 : vector<16xf32>
      %convert_element_type3A_186 = arith.extui %eq3A_185 : vector<16xi1> to vector<16xi32>
      %convert_element_type3A_187 = arith.sitofp %convert_element_type3A_186 : vector<16xi32> to vector<16xf32>
      %mul3A_188 = arith.mulf %convert_element_type3A_180, %convert_element_type3A_187 : vector<16xf32>
      %add3A_189 = arith.addf %reduce_max3A_159, %reduce_max3A_176 : f32
      %add3A_190 = arith.constant 9.99999971E-10 : f32
      %add3A_191 = arith.addf %add3A_189, %add3A_190 : f32
      %broadcast_in_dim3A_192 = vector.broadcast %add3A_191 : f32 to vector<16xf32>
      %broadcast_in_dim3A_193 = vector.broadcast %reduce_max3A_159 : f32 to vector<16xf32>
      %div3A_194 = arith.divf %broadcast_in_dim3A_193, %broadcast_in_dim3A_192 : vector<16xf32>
      %broadcast_in_dim3A_195 = vector.broadcast %reduce_max3A_176 : f32 to vector<16xf32>
      %div3A_196 = arith.divf %broadcast_in_dim3A_195, %broadcast_in_dim3A_192 : vector<16xf32>
      %lt3A = arith.constant 4.500000e+01 : f32
      %lt3A_197 = vector.broadcast %lt3A : f32 to vector<16xf32>
      %lt3A_198 = arith.cmpf olt, %scan3A_135, %lt3A_197 : vector<16xf32>
      %convert_element_type3A_199 = arith.extui %lt3A_198 : vector<16xi1> to vector<16xi32>
      %convert_element_type3A_200 = arith.sitofp %convert_element_type3A_199 : vector<16xi32> to vector<16xf32>
      %mul3A_201 = arith.mulf %mul3A_169, %convert_element_type3A_200 : vector<16xf32>
      %reduce_sum3A_202 = arith.constant true
      %reduce_sum3A_203 = vector.broadcast %reduce_sum3A_202 : i1 to vector<16xi1>
      %reduce_sum3A_204 = tpu.scan <sum>, %mul3A_201 masked %reduce_sum3A_203 : vector<16xf32>, vector<16xi1> -> vector<16xf32>
      %reduce_sum3A_205 = vector.extract %reduce_sum3A_204[15] : f32 from vector<16xf32>
      %mul3A_206 = arith.mulf %mul3A_201, %scan3A_135 : vector<16xf32>
      %reduce_sum3A_207 = arith.constant true
      %reduce_sum3A_208 = vector.broadcast %reduce_sum3A_207 : i1 to vector<16xi1>
      %reduce_sum3A_209 = tpu.scan <sum>, %mul3A_206 masked %reduce_sum3A_208 : vector<16xf32>, vector<16xi1> -> vector<16xf32>
      %reduce_sum3A_210 = vector.extract %reduce_sum3A_209[15] : f32 from vector<16xf32>
      %eq3A_211 = arith.constant 0 : i32
      %eq3A_212 = vector.broadcast %eq3A_211 : i32 to vector<16xi32>
      %eq3A_213 = arith.cmpi eq, %iota3A, %eq3A_212 : vector<16xi32>
      %mul3A_214 = arith.mulf %mul3A_169, %convert_element_type3A : vector<16xf32>
      %reduce_sum3A_215 = arith.constant true
      %reduce_sum3A_216 = vector.broadcast %reduce_sum3A_215 : i1 to vector<16xi1>
      %reduce_sum3A_217 = tpu.scan <sum>, %mul3A_214 masked %reduce_sum3A_216 : vector<16xf32>, vector<16xi1> -> vector<16xf32>
      %reduce_sum3A_218 = vector.extract %reduce_sum3A_217[15] : f32 from vector<16xf32>
      %broadcast_in_dim3A_219 = vector.broadcast %reduce_sum3A_218 : f32 to vector<16xf32>
      %select_n3A = arith.select %eq3A_213, %broadcast_in_dim3A_219, %broadcast_in_dim3A_139 : vector<16xi1>, vector<16xf32>
      %gt3A = arith.constant 0.000000e+00 : f32
      %gt3A_220 = arith.cmpf ogt, %reduce_sum3A_205, %gt3A : f32
      %jit3A = arith.constant -1.000000e+00 : f32
      %select_n3A_221 = arith.select %gt3A_220, %reduce_sum3A_210, %jit3A : f32
      %broadcast_in_dim3A_222 = vector.broadcast %select_n3A_221 : f32 to vector<16xf32>
      %select_n3A_223 = arith.select %eq3A_213, %broadcast_in_dim3A_222, %broadcast_in_dim3A_139 : vector<16xi1>, vector<16xf32>
      %broadcast_in_dim3A_224 = vector.broadcast %reduce_sum3A_205 : f32 to vector<16xf32>
      %mul3A_225 = arith.mulf %div3A_194, %broadcast_in_dim3A_224 : vector<16xf32>
      %select_n3A_226 = arith.select %eq3A_213, %mul3A_225, %broadcast_in_dim3A_139 : vector<16xi1>, vector<16xf32>
      %mul3A_227 = arith.mulf %mul3A_188, %convert_element_type3A : vector<16xf32>
      %reduce_sum3A_228 = arith.constant true
      %reduce_sum3A_229 = vector.broadcast %reduce_sum3A_228 : i1 to vector<16xi1>
      %reduce_sum3A_230 = tpu.scan <sum>, %mul3A_227 masked %reduce_sum3A_229 : vector<16xf32>, vector<16xi1> -> vector<16xf32>
      %reduce_sum3A_231 = vector.extract %reduce_sum3A_230[15] : f32 from vector<16xf32>
      %broadcast_in_dim3A_232 = vector.broadcast %reduce_sum3A_231 : f32 to vector<16xf32>
      %select_n3A_233 = arith.select %eq3A_213, %broadcast_in_dim3A_232, %broadcast_in_dim3A_139 : vector<16xi1>, vector<16xf32>
      %mul3A_234 = arith.mulf %mul3A_188, %scan3A_136 : vector<16xf32>
      %reduce_sum3A_235 = arith.constant true
      %reduce_sum3A_236 = vector.broadcast %reduce_sum3A_235 : i1 to vector<16xi1>
      %reduce_sum3A_237 = tpu.scan <sum>, %mul3A_234 masked %reduce_sum3A_236 : vector<16xf32>, vector<16xi1> -> vector<16xf32>
      %reduce_sum3A_238 = vector.extract %reduce_sum3A_237[15] : f32 from vector<16xf32>
      %broadcast_in_dim3A_239 = vector.broadcast %reduce_sum3A_238 : f32 to vector<16xf32>
      %select_n3A_240 = arith.select %eq3A_213, %broadcast_in_dim3A_239, %broadcast_in_dim3A_139 : vector<16xi1>, vector<16xf32>
      %select_n3A_241 = arith.select %eq3A_213, %div3A_196, %broadcast_in_dim3A_139 : vector<16xi1>, vector<16xf32>
      %add3A_242 = arith.addf %scan3A_135, %mul3A_169 : vector<16xf32>
      %add3A_243 = arith.addf %scan3A_136, %mul3A_188 : vector<16xf32>
      %add3A_244 = arith.addf %scan3A_137, %div3A : vector<16xf32>
      %mul3A_245 = arith.constant 256 : i32
      %mul3A_246 = arith.muli %scan3A_134, %mul3A_245 : i32
      %add3A_247 = arith.constant 16 : i32
      %add3A_248 = arith.addi %mul3A_246, %add3A_247 : i32
      %get3A_249 = arith.index_cast %add3A_248 : i32 to index
      %get3A_250 = tpu.vector_load %arg12[%get3A_249] {strides = array<i32>} : memref<9216xf32, #tpu.memory_space<vmem>>, vector<16xf32>,
      %mul3A_251 = arith.mulf %get3A_250, %get3A_13 : vector<16xf32>
      %add3A_252 = arith.addf %mul3A_251, %get3A_17 : vector<16xf32>
      %reduce_max3A_253 = arith.constant true
      %reduce_max3A_254 = vector.broadcast %reduce_max3A_253 : i1 to vector<16xi1>
      %reduce_max3A_255 = tpu.scan <max>, %add3A_252 masked %reduce_max3A_254 : vector<16xf32>, vector<16xi1> -> vector<16xf32>
      %reduce_max3A_256 = vector.extract %reduce_max3A_255[15] : f32 from vector<16xf32>
      %sub3A_257 = vector.broadcast %reduce_max3A_256 : f32 to vector<16xf32>
      %sub3A_258 = arith.subf %add3A_252, %sub3A_257 : vector<16xf32>
      %exp3A_259 = math.exp %sub3A_258 : vector<16xf32>
      %reduce_sum3A_260 = arith.constant true
      %reduce_sum3A_261 = vector.broadcast %reduce_sum3A_260 : i1 to vector<16xi1>
      %reduce_sum3A_262 = tpu.scan <sum>, %exp3A_259 masked %reduce_sum3A_261 : vector<16xf32>, vector<16xi1> -> vector<16xf32>
      %reduce_sum3A_263 = vector.extract %reduce_sum3A_262[15] : f32 from vector<16xf32>
      %broadcast_in_dim3A_264 = vector.broadcast %reduce_sum3A_263 : f32 to vector<16xf32>
      %div3A_265 = arith.divf %exp3A_259, %broadcast_in_dim3A_264 : vector<16xf32>
      %reduce_max3A_266 = arith.constant true
      %reduce_max3A_267 = vector.broadcast %reduce_max3A_266 : i1 to vector<16xi1>
      %reduce_max3A_268 = tpu.scan <max>, %div3A_265 masked %reduce_max3A_267 : vector<16xf32>, vector<16xi1> -> vector<16xf32>
      %reduce_max3A_269 = vector.extract %reduce_max3A_268[15] : f32 from vector<16xf32>
      %eq3A_270 = vector.broadcast %reduce_max3A_269 : f32 to vector<16xf32>
      %eq3A_271 = arith.cmpf oeq, %div3A_265, %eq3A_270 : vector<16xf32>
      %convert_element_type3A_272 = arith.extui %eq3A_271 : vector<16xi1> to vector<16xi32>
      %convert_element_type3A_273 = arith.sitofp %convert_element_type3A_272 : vector<16xi32> to vector<16xf32>
      %broadcast_in_dim3A_274 = arith.constant true
      %broadcast_in_dim3A_275 = vector.broadcast %broadcast_in_dim3A_274 : i1 to vector<16xi1>
      %masked_cumsum3A_276 = tpu.scan <sum>, %convert_element_type3A_273 masked %broadcast_in_dim3A_275 : vector<16xf32>, vector<16xi1> -> vector<16xf32>
      %eq3A_277 = vector.broadcast %scan3A : f32 to vector<16xf32>
      %eq3A_278 = arith.cmpf oeq, %masked_cumsum3A_276, %eq3A_277 : vector<16xf32>
      %convert_element_type3A_279 = arith.extui %eq3A_278 : vector<16xi1> to vector<16xi32>
      %convert_element_type3A_280 = arith.sitofp %convert_element_type3A_279 : vector<16xi32> to vector<16xf32>
      %mul3A_281 = arith.mulf %convert_element_type3A_273, %convert_element_type3A_280 : vector<16xf32>
      %sub3A_282 = vector.broadcast %scan3A : f32 to vector<16xf32>
      %sub3A_283 = arith.subf %sub3A_282, %mul3A_281 : vector<16xf32>
      %mul3A_284 = arith.mulf %div3A_265, %sub3A_283 : vector<16xf32>
      %reduce_max3A_285 = arith.constant true
      %reduce_max3A_286 = vector.broadcast %reduce_max3A_285 : i1 to vector<16xi1>
      %reduce_max3A_287 = tpu.scan <max>, %mul3A_284 masked %reduce_max3A_286 : vector<16xf32>, vector<16xi1> -> vector<16xf32>
      %reduce_max3A_288 = vector.extract %reduce_max3A_287[15] : f32 from vector<16xf32>
      %eq3A_289 = vector.broadcast %reduce_max3A_288 : f32 to vector<16xf32>
      %eq3A_290 = arith.cmpf oeq, %mul3A_284, %eq3A_289 : vector<16xf32>
      %convert_element_type3A_291 = arith.extui %eq3A_290 : vector<16xi1> to vector<16xi32>
      %convert_element_type3A_292 = arith.sitofp %convert_element_type3A_291 : vector<16xi32> to vector<16xf32>
      %broadcast_in_dim3A_293 = arith.constant true
      %broadcast_in_dim3A_294 = vector.broadcast %broadcast_in_dim3A_293 : i1 to vector<16xi1>
      %masked_cumsum3A_295 = tpu.scan <sum>, %convert_element_type3A_292 masked %broadcast_in_dim3A_294 : vector<16xf32>, vector<16xi1> -> vector<16xf32>
      %eq3A_296 = vector.broadcast %scan3A : f32 to vector<16xf32>
      %eq3A_297 = arith.cmpf oeq, %masked_cumsum3A_295, %eq3A_296 : vector<16xf32>
      %convert_element_type3A_298 = arith.extui %eq3A_297 : vector<16xi1> to vector<16xi32>
      %convert_element_type3A_299 = arith.sitofp %convert_element_type3A_298 : vector<16xi32> to vector<16xf32>
      %mul3A_300 = arith.mulf %convert_element_type3A_292, %convert_element_type3A_299 : vector<16xf32>
      %add3A_301 = arith.addf %reduce_max3A_269, %reduce_max3A_288 : f32
      %add3A_302 = arith.constant 9.99999971E-10 : f32
      %add3A_303 = arith.addf %add3A_301, %add3A_302 : f32
      %broadcast_in_dim3A_304 = vector.broadcast %add3A_303 : f32 to vector<16xf32>
      %broadcast_in_dim3A_305 = vector.broadcast %reduce_max3A_269 : f32 to vector<16xf32>
      %div3A_306 = arith.divf %broadcast_in_dim3A_305, %broadcast_in_dim3A_304 : vector<16xf32>
      %broadcast_in_dim3A_307 = vector.broadcast %reduce_max3A_288 : f32 to vector<16xf32>
      %div3A_308 = arith.divf %broadcast_in_dim3A_307, %broadcast_in_dim3A_304 : vector<16xf32>
      %lt3A_309 = arith.constant 4.500000e+01 : f32
      %lt3A_310 = vector.broadcast %lt3A_309 : f32 to vector<16xf32>
      %lt3A_311 = arith.cmpf olt, %add3A_242, %lt3A_310 : vector<16xf32>
      %convert_element_type3A_312 = arith.extui %lt3A_311 : vector<16xi1> to vector<16xi32>
      %convert_element_type3A_313 = arith.sitofp %convert_element_type3A_312 : vector<16xi32> to vector<16xf32>
      %mul3A_314 = arith.mulf %mul3A_281, %convert_element_type3A_313 : vector<16xf32>
      %reduce_sum3A_315 = arith.constant true
      %reduce_sum3A_316 = vector.broadcast %reduce_sum3A_315 : i1 to vector<16xi1>
      %reduce_sum3A_317 = tpu.scan <sum>, %mul3A_314 masked %reduce_sum3A_316 : vector<16xf32>, vector<16xi1> -> vector<16xf32>
      %reduce_sum3A_318 = vector.extract %reduce_sum3A_317[15] : f32 from vector<16xf32>
      %mul3A_319 = arith.mulf %mul3A_314, %add3A_242 : vector<16xf32>
      %reduce_sum3A_320 = arith.constant true
      %reduce_sum3A_321 = vector.broadcast %reduce_sum3A_320 : i1 to vector<16xi1>
      %reduce_sum3A_322 = tpu.scan <sum>, %mul3A_319 masked %reduce_sum3A_321 : vector<16xf32>, vector<16xi1> -> vector<16xf32>
      %reduce_sum3A_323 = vector.extract %reduce_sum3A_322[15] : f32 from vector<16xf32>
      %eq3A_324 = arith.constant 1 : i32
      %eq3A_325 = vector.broadcast %eq3A_324 : i32 to vector<16xi32>
      %eq3A_326 = arith.cmpi eq, %iota3A, %eq3A_325 : vector<16xi32>
      %mul3A_327 = arith.mulf %mul3A_281, %convert_element_type3A : vector<16xf32>
      %reduce_sum3A_328 = arith.constant true
      %reduce_sum3A_329 = vector.broadcast %reduce_sum3A_328 : i1 to vector<16xi1>
      %reduce_sum3A_330 = tpu.scan <sum>, %mul3A_327 masked %reduce_sum3A_329 : vector<16xf32>, vector<16xi1> -> vector<16xf32>
      %reduce_sum3A_331 = vector.extract %reduce_sum3A_330[15] : f32 from vector<16xf32>
      %broadcast_in_dim3A_332 = vector.broadcast %reduce_sum3A_331 : f32 to vector<16xf32>
      %select_n3A_333 = arith.select %eq3A_326, %broadcast_in_dim3A_332, %select_n3A : vector<16xi1>, vector<16xf32>
      %gt3A_334 = arith.constant 0.000000e+00 : f32
      %gt3A_335 = arith.cmpf ogt, %reduce_sum3A_318, %gt3A_334 : f32
      %jit3A_336 = arith.constant -1.000000e+00 : f32
      %select_n3A_337 = arith.select %gt3A_335, %reduce_sum3A_323, %jit3A_336 : f32
      %broadcast_in_dim3A_338 = vector.broadcast %select_n3A_337 : f32 to vector<16xf32>
      %select_n3A_339 = arith.select %eq3A_326, %broadcast_in_dim3A_338, %select_n3A_223 : vector<16xi1>, vector<16xf32>
      %broadcast_in_dim3A_340 = vector.broadcast %reduce_sum3A_318 : f32 to vector<16xf32>
      %mul3A_341 = arith.mulf %div3A_306, %broadcast_in_dim3A_340 : vector<16xf32>
      %select_n3A_342 = arith.select %eq3A_326, %mul3A_341, %select_n3A_226 : vector<16xi1>, vector<16xf32>
      %mul3A_343 = arith.mulf %mul3A_300, %convert_element_type3A : vector<16xf32>
      %reduce_sum3A_344 = arith.constant true
      %reduce_sum3A_345 = vector.broadcast %reduce_sum3A_344 : i1 to vector<16xi1>
      %reduce_sum3A_346 = tpu.scan <sum>, %mul3A_343 masked %reduce_sum3A_345 : vector<16xf32>, vector<16xi1> -> vector<16xf32>
      %reduce_sum3A_347 = vector.extract %reduce_sum3A_346[15] : f32 from vector<16xf32>
      %broadcast_in_dim3A_348 = vector.broadcast %reduce_sum3A_347 : f32 to vector<16xf32>
      %select_n3A_349 = arith.select %eq3A_326, %broadcast_in_dim3A_348, %select_n3A_233 : vector<16xi1>, vector<16xf32>
      %mul3A_350 = arith.mulf %mul3A_300, %add3A_243 : vector<16xf32>
      %reduce_sum3A_351 = arith.constant true
      %reduce_sum3A_352 = vector.broadcast %reduce_sum3A_351 : i1 to vector<16xi1>
      %reduce_sum3A_353 = tpu.scan <sum>, %mul3A_350 masked %reduce_sum3A_352 : vector<16xf32>, vector<16xi1> -> vector<16xf32>
      %reduce_sum3A_354 = vector.extract %reduce_sum3A_353[15] : f32 from vector<16xf32>
      %broadcast_in_dim3A_355 = vector.broadcast %reduce_sum3A_354 : f32 to vector<16xf32>
      %select_n3A_356 = arith.select %eq3A_326, %broadcast_in_dim3A_355, %select_n3A_240 : vector<16xi1>, vector<16xf32>
      %select_n3A_357 = arith.select %eq3A_326, %div3A_308, %select_n3A_241 : vector<16xi1>, vector<16xf32>
      %add3A_358 = arith.addf %add3A_242, %mul3A_281 : vector<16xf32>
      %add3A_359 = arith.addf %add3A_243, %mul3A_300 : vector<16xf32>
      %add3A_360 = arith.addf %add3A_244, %div3A_265 : vector<16xf32>
      %mul3A_361 = arith.constant 256 : i32
      %mul3A_362 = arith.muli %scan3A_134, %mul3A_361 : i32
      %add3A_363 = arith.constant 32 : i32
      %add3A_364 = arith.addi %mul3A_362, %add3A_363 : i32
      %get3A_365 = arith.index_cast %add3A_364 : i32 to index
      %get3A_366 = tpu.vector_load %arg12[%get3A_365] {strides = array<i32>} : memref<9216xf32, #tpu.memory_space<vmem>>, vector<16xf32>,
      %mul3A_367 = arith.mulf %get3A_366, %get3A_13 : vector<16xf32>
      %add3A_368 = arith.addf %mul3A_367, %get3A_17 : vector<16xf32>
      %reduce_max3A_369 = arith.constant true
      %reduce_max3A_370 = vector.broadcast %reduce_max3A_369 : i1 to vector<16xi1>
      %reduce_max3A_371 = tpu.scan <max>, %add3A_368 masked %reduce_max3A_370 : vector<16xf32>, vector<16xi1> -> vector<16xf32>
      %reduce_max3A_372 = vector.extract %reduce_max3A_371[15] : f32 from vector<16xf32>
      %sub3A_373 = vector.broadcast %reduce_max3A_372 : f32 to vector<16xf32>
      %sub3A_374 = arith.subf %add3A_368, %sub3A_373 : vector<16xf32>
      %exp3A_375 = math.exp %sub3A_374 : vector<16xf32>
      %reduce_sum3A_376 = arith.constant true
      %reduce_sum3A_377 = vector.broadcast %reduce_sum3A_376 : i1 to vector<16xi1>
      %reduce_sum3A_378 = tpu.scan <sum>, %exp3A_375 masked %reduce_sum3A_377 : vector<16xf32>, vector<16xi1> -> vector<16xf32>
      %reduce_sum3A_379 = vector.extract %reduce_sum3A_378[15] : f32 from vector<16xf32>
      %broadcast_in_dim3A_380 = vector.broadcast %reduce_sum3A_379 : f32 to vector<16xf32>
      %div3A_381 = arith.divf %exp3A_375, %broadcast_in_dim3A_380 : vector<16xf32>
      %reduce_max3A_382 = arith.constant true
      %reduce_max3A_383 = vector.broadcast %reduce_max3A_382 : i1 to vector<16xi1>
      %reduce_max3A_384 = tpu.scan <max>, %div3A_381 masked %reduce_max3A_383 : vector<16xf32>, vector<16xi1> -> vector<16xf32>
      %reduce_max3A_385 = vector.extract %reduce_max3A_384[15] : f32 from vector<16xf32>
      %eq3A_386 = vector.broadcast %reduce_max3A_385 : f32 to vector<16xf32>
      %eq3A_387 = arith.cmpf oeq, %div3A_381, %eq3A_386 : vector<16xf32>
      %convert_element_type3A_388 = arith.extui %eq3A_387 : vector<16xi1> to vector<16xi32>
      %convert_element_type3A_389 = arith.sitofp %convert_element_type3A_388 : vector<16xi32> to vector<16xf32>
      %broadcast_in_dim3A_390 = arith.constant true
      %broadcast_in_dim3A_391 = vector.broadcast %broadcast_in_dim3A_390 : i1 to vector<16xi1>
      %masked_cumsum3A_392 = tpu.scan <sum>, %convert_element_type3A_389 masked %broadcast_in_dim3A_391 : vector<16xf32>, vector<16xi1> -> vector<16xf32>
      %eq3A_393 = vector.broadcast %scan3A : f32 to vector<16xf32>
      %eq3A_394 = arith.cmpf oeq, %masked_cumsum3A_392, %eq3A_393 : vector<16xf32>
      %convert_element_type3A_395 = arith.extui %eq3A_394 : vector<16xi1> to vector<16xi32>
      %convert_element_type3A_396 = arith.sitofp %convert_element_type3A_395 : vector<16xi32> to vector<16xf32>
      %mul3A_397 = arith.mulf %convert_element_type3A_389, %convert_element_type3A_396 : vector<16xf32>
      %sub3A_398 = vector.broadcast %scan3A : f32 to vector<16xf32>
      %sub3A_399 = arith.subf %sub3A_398, %mul3A_397 : vector<16xf32>
      %mul3A_400 = arith.mulf %div3A_381, %sub3A_399 : vector<16xf32>
      %reduce_max3A_401 = arith.constant true
      %reduce_max3A_402 = vector.broadcast %reduce_max3A_401 : i1 to vector<16xi1>
      %reduce_max3A_403 = tpu.scan <max>, %mul3A_400 masked %reduce_max3A_402 : vector<16xf32>, vector<16xi1> -> vector<16xf32>
      %reduce_max3A_404 = vector.extract %reduce_max3A_403[15] : f32 from vector<16xf32>
      %eq3A_405 = vector.broadcast %reduce_max3A_404 : f32 to vector<16xf32>
      %eq3A_406 = arith.cmpf oeq, %mul3A_400, %eq3A_405 : vector<16xf32>
      %convert_element_type3A_407 = arith.extui %eq3A_406 : vector<16xi1> to vector<16xi32>
      %convert_element_type3A_408 = arith.sitofp %convert_element_type3A_407 : vector<16xi32> to vector<16xf32>
      %broadcast_in_dim3A_409 = arith.constant true
      %broadcast_in_dim3A_410 = vector.broadcast %broadcast_in_dim3A_409 : i1 to vector<16xi1>
      %masked_cumsum3A_411 = tpu.scan <sum>, %convert_element_type3A_408 masked %broadcast_in_dim3A_410 : vector<16xf32>, vector<16xi1> -> vector<16xf32>
      %eq3A_412 = vector.broadcast %scan3A : f32 to vector<16xf32>
      %eq3A_413 = arith.cmpf oeq, %masked_cumsum3A_411, %eq3A_412 : vector<16xf32>
      %convert_element_type3A_414 = arith.extui %eq3A_413 : vector<16xi1> to vector<16xi32>
      %convert_element_type3A_415 = arith.sitofp %convert_element_type3A_414 : vector<16xi32> to vector<16xf32>
      %mul3A_416 = arith.mulf %convert_element_type3A_408, %convert_element_type3A_415 : vector<16xf32>
      %add3A_417 = arith.addf %reduce_max3A_385, %reduce_max3A_404 : f32
      %add3A_418 = arith.constant 9.99999971E-10 : f32
      %add3A_419 = arith.addf %add3A_417, %add3A_418 : f32
      %broadcast_in_dim3A_420 = vector.broadcast %add3A_419 : f32 to vector<16xf32>
      %broadcast_in_dim3A_421 = vector.broadcast %reduce_max3A_385 : f32 to vector<16xf32>
      %div3A_422 = arith.divf %broadcast_in_dim3A_421, %broadcast_in_dim3A_420 : vector<16xf32>
      %broadcast_in_dim3A_423 = vector.broadcast %reduce_max3A_404 : f32 to vector<16xf32>
      %div3A_424 = arith.divf %broadcast_in_dim3A_423, %broadcast_in_dim3A_420 : vector<16xf32>
      %lt3A_425 = arith.constant 4.500000e+01 : f32
      %lt3A_426 = vector.broadcast %lt3A_425 : f32 to vector<16xf32>
      %lt3A_427 = arith.cmpf olt, %add3A_358, %lt3A_426 : vector<16xf32>
      %convert_element_type3A_428 = arith.extui %lt3A_427 : vector<16xi1> to vector<16xi32>
      %convert_element_type3A_429 = arith.sitofp %convert_element_type3A_428 : vector<16xi32> to vector<16xf32>
      %mul3A_430 = arith.mulf %mul3A_397, %convert_element_type3A_429 : vector<16xf32>
      %reduce_sum3A_431 = arith.constant true
      %reduce_sum3A_432 = vector.broadcast %reduce_sum3A_431 : i1 to vector<16xi1>
      %reduce_sum3A_433 = tpu.scan <sum>, %mul3A_430 masked %reduce_sum3A_432 : vector<16xf32>, vector<16xi1> -> vector<16xf32>
      %reduce_sum3A_434 = vector.extract %reduce_sum3A_433[15] : f32 from vector<16xf32>
      %mul3A_435 = arith.mulf %mul3A_430, %add3A_358 : vector<16xf32>
      %reduce_sum3A_436 = arith.constant true
      %reduce_sum3A_437 = vector.broadcast %reduce_sum3A_436 : i1 to vector<16xi1>
      %reduce_sum3A_438 = tpu.scan <sum>, %mul3A_435 masked %reduce_sum3A_437 : vector<16xf32>, vector<16xi1> -> vector<16xf32>
      %reduce_sum3A_439 = vector.extract %reduce_sum3A_438[15] : f32 from vector<16xf32>
      %eq3A_440 = arith.constant 2 : i32
      %eq3A_441 = vector.broadcast %eq3A_440 : i32 to vector<16xi32>
      %eq3A_442 = arith.cmpi eq, %iota3A, %eq3A_441 : vector<16xi32>
      %mul3A_443 = arith.mulf %mul3A_397, %convert_element_type3A : vector<16xf32>
      %reduce_sum3A_444 = arith.constant true
      %reduce_sum3A_445 = vector.broadcast %reduce_sum3A_444 : i1 to vector<16xi1>
      %reduce_sum3A_446 = tpu.scan <sum>, %mul3A_443 masked %reduce_sum3A_445 : vector<16xf32>, vector<16xi1> -> vector<16xf32>
      %reduce_sum3A_447 = vector.extract %reduce_sum3A_446[15] : f32 from vector<16xf32>
      %broadcast_in_dim3A_448 = vector.broadcast %reduce_sum3A_447 : f32 to vector<16xf32>
      %select_n3A_449 = arith.select %eq3A_442, %broadcast_in_dim3A_448, %select_n3A_333 : vector<16xi1>, vector<16xf32>
      %gt3A_450 = arith.constant 0.000000e+00 : f32
      %gt3A_451 = arith.cmpf ogt, %reduce_sum3A_434, %gt3A_450 : f32
      %jit3A_452 = arith.constant -1.000000e+00 : f32
      %select_n3A_453 = arith.select %gt3A_451, %reduce_sum3A_439, %jit3A_452 : f32
      %broadcast_in_dim3A_454 = vector.broadcast %select_n3A_453 : f32 to vector<16xf32>
      %select_n3A_455 = arith.select %eq3A_442, %broadcast_in_dim3A_454, %select_n3A_339 : vector<16xi1>, vector<16xf32>
      %broadcast_in_dim3A_456 = vector.broadcast %reduce_sum3A_434 : f32 to vector<16xf32>
      %mul3A_457 = arith.mulf %div3A_422, %broadcast_in_dim3A_456 : vector<16xf32>
      %select_n3A_458 = arith.select %eq3A_442, %mul3A_457, %select_n3A_342 : vector<16xi1>, vector<16xf32>
      %mul3A_459 = arith.mulf %mul3A_416, %convert_element_type3A : vector<16xf32>
      %reduce_sum3A_460 = arith.constant true
      %reduce_sum3A_461 = vector.broadcast %reduce_sum3A_460 : i1 to vector<16xi1>
      %reduce_sum3A_462 = tpu.scan <sum>, %mul3A_459 masked %reduce_sum3A_461 : vector<16xf32>, vector<16xi1> -> vector<16xf32>
      %reduce_sum3A_463 = vector.extract %reduce_sum3A_462[15] : f32 from vector<16xf32>
      %broadcast_in_dim3A_464 = vector.broadcast %reduce_sum3A_463 : f32 to vector<16xf32>
      %select_n3A_465 = arith.select %eq3A_442, %broadcast_in_dim3A_464, %select_n3A_349 : vector<16xi1>, vector<16xf32>
      %mul3A_466 = arith.mulf %mul3A_416, %add3A_359 : vector<16xf32>
      %reduce_sum3A_467 = arith.constant true
      %reduce_sum3A_468 = vector.broadcast %reduce_sum3A_467 : i1 to vector<16xi1>
      %reduce_sum3A_469 = tpu.scan <sum>, %mul3A_466 masked %reduce_sum3A_468 : vector<16xf32>, vector<16xi1> -> vector<16xf32>
      %reduce_sum3A_470 = vector.extract %reduce_sum3A_469[15] : f32 from vector<16xf32>
      %broadcast_in_dim3A_471 = vector.broadcast %reduce_sum3A_470 : f32 to vector<16xf32>
      %select_n3A_472 = arith.select %eq3A_442, %broadcast_in_dim3A_471, %select_n3A_356 : vector<16xi1>, vector<16xf32>
      %select_n3A_473 = arith.select %eq3A_442, %div3A_424, %select_n3A_357 : vector<16xi1>, vector<16xf32>
      %add3A_474 = arith.addf %add3A_358, %mul3A_397 : vector<16xf32>
      %add3A_475 = arith.addf %add3A_359, %mul3A_416 : vector<16xf32>
      %add3A_476 = arith.addf %add3A_360, %div3A_381 : vector<16xf32>
      %mul3A_477 = arith.constant 256 : i32
      %mul3A_478 = arith.muli %scan3A_134, %mul3A_477 : i32
      %add3A_479 = arith.constant 48 : i32
      %add3A_480 = arith.addi %mul3A_478, %add3A_479 : i32
      %get3A_481 = arith.index_cast %add3A_480 : i32 to index
      %get3A_482 = tpu.vector_load %arg12[%get3A_481] {strides = array<i32>} : memref<9216xf32, #tpu.memory_space<vmem>>, vector<16xf32>,
      %mul3A_483 = arith.mulf %get3A_482, %get3A_13 : vector<16xf32>
      %add3A_484 = arith.addf %mul3A_483, %get3A_17 : vector<16xf32>
      %reduce_max3A_485 = arith.constant true
      %reduce_max3A_486 = vector.broadcast %reduce_max3A_485 : i1 to vector<16xi1>
      %reduce_max3A_487 = tpu.scan <max>, %add3A_484 masked %reduce_max3A_486 : vector<16xf32>, vector<16xi1> -> vector<16xf32>
      %reduce_max3A_488 = vector.extract %reduce_max3A_487[15] : f32 from vector<16xf32>
      %sub3A_489 = vector.broadcast %reduce_max3A_488 : f32 to vector<16xf32>
      %sub3A_490 = arith.subf %add3A_484, %sub3A_489 : vector<16xf32>
      %exp3A_491 = math.exp %sub3A_490 : vector<16xf32>
      %reduce_sum3A_492 = arith.constant true
      %reduce_sum3A_493 = vector.broadcast %reduce_sum3A_492 : i1 to vector<16xi1>
      %reduce_sum3A_494 = tpu.scan <sum>, %exp3A_491 masked %reduce_sum3A_493 : vector<16xf32>, vector<16xi1> -> vector<16xf32>
      %reduce_sum3A_495 = vector.extract %reduce_sum3A_494[15] : f32 from vector<16xf32>
      %broadcast_in_dim3A_496 = vector.broadcast %reduce_sum3A_495 : f32 to vector<16xf32>
      %div3A_497 = arith.divf %exp3A_491, %broadcast_in_dim3A_496 : vector<16xf32>
      %reduce_max3A_498 = arith.constant true
      %reduce_max3A_499 = vector.broadcast %reduce_max3A_498 : i1 to vector<16xi1>
      %reduce_max3A_500 = tpu.scan <max>, %div3A_497 masked %reduce_max3A_499 : vector<16xf32>, vector<16xi1> -> vector<16xf32>
      %reduce_max3A_501 = vector.extract %reduce_max3A_500[15] : f32 from vector<16xf32>
      %eq3A_502 = vector.broadcast %reduce_max3A_501 : f32 to vector<16xf32>
      %eq3A_503 = arith.cmpf oeq, %div3A_497, %eq3A_502 : vector<16xf32>
      %convert_element_type3A_504 = arith.extui %eq3A_503 : vector<16xi1> to vector<16xi32>
      %convert_element_type3A_505 = arith.sitofp %convert_element_type3A_504 : vector<16xi32> to vector<16xf32>
      %broadcast_in_dim3A_506 = arith.constant true
      %broadcast_in_dim3A_507 = vector.broadcast %broadcast_in_dim3A_506 : i1 to vector<16xi1>
      %masked_cumsum3A_508 = tpu.scan <sum>, %convert_element_type3A_505 masked %broadcast_in_dim3A_507 : vector<16xf32>, vector<16xi1> -> vector<16xf32>
      %eq3A_509 = vector.broadcast %scan3A : f32 to vector<16xf32>
      %eq3A_510 = arith.cmpf oeq, %masked_cumsum3A_508, %eq3A_509 : vector<16xf32>
      %convert_element_type3A_511 = arith.extui %eq3A_510 : vector<16xi1> to vector<16xi32>
      %convert_element_type3A_512 = arith.sitofp %convert_element_type3A_511 : vector<16xi32> to vector<16xf32>
      %mul3A_513 = arith.mulf %convert_element_type3A_505, %convert_element_type3A_512 : vector<16xf32>
      %sub3A_514 = vector.broadcast %scan3A : f32 to vector<16xf32>
      %sub3A_515 = arith.subf %sub3A_514, %mul3A_513 : vector<16xf32>
      %mul3A_516 = arith.mulf %div3A_497, %sub3A_515 : vector<16xf32>
      %reduce_max3A_517 = arith.constant true
      %reduce_max3A_518 = vector.broadcast %reduce_max3A_517 : i1 to vector<16xi1>
      %reduce_max3A_519 = tpu.scan <max>, %mul3A_516 masked %reduce_max3A_518 : vector<16xf32>, vector<16xi1> -> vector<16xf32>
      %reduce_max3A_520 = vector.extract %reduce_max3A_519[15] : f32 from vector<16xf32>
      %eq3A_521 = vector.broadcast %reduce_max3A_520 : f32 to vector<16xf32>
      %eq3A_522 = arith.cmpf oeq, %mul3A_516, %eq3A_521 : vector<16xf32>
      %convert_element_type3A_523 = arith.extui %eq3A_522 : vector<16xi1> to vector<16xi32>
      %convert_element_type3A_524 = arith.sitofp %convert_element_type3A_523 : vector<16xi32> to vector<16xf32>
      %broadcast_in_dim3A_525 = arith.constant true
      %broadcast_in_dim3A_526 = vector.broadcast %broadcast_in_dim3A_525 : i1 to vector<16xi1>
      %masked_cumsum3A_527 = tpu.scan <sum>, %convert_element_type3A_524 masked %broadcast_in_dim3A_526 : vector<16xf32>, vector<16xi1> -> vector<16xf32>
      %eq3A_528 = vector.broadcast %scan3A : f32 to vector<16xf32>
      %eq3A_529 = arith.cmpf oeq, %masked_cumsum3A_527, %eq3A_528 : vector<16xf32>
      %convert_element_type3A_530 = arith.extui %eq3A_529 : vector<16xi1> to vector<16xi32>
      %convert_element_type3A_531 = arith.sitofp %convert_element_type3A_530 : vector<16xi32> to vector<16xf32>
      %mul3A_532 = arith.mulf %convert_element_type3A_524, %convert_element_type3A_531 : vector<16xf32>
      %add3A_533 = arith.addf %reduce_max3A_501, %reduce_max3A_520 : f32
      %add3A_534 = arith.constant 9.99999971E-10 : f32
      %add3A_535 = arith.addf %add3A_533, %add3A_534 : f32
      %broadcast_in_dim3A_536 = vector.broadcast %add3A_535 : f32 to vector<16xf32>
      %broadcast_in_dim3A_537 = vector.broadcast %reduce_max3A_501 : f32 to vector<16xf32>
      %div3A_538 = arith.divf %broadcast_in_dim3A_537, %broadcast_in_dim3A_536 : vector<16xf32>
      %broadcast_in_dim3A_539 = vector.broadcast %reduce_max3A_520 : f32 to vector<16xf32>
      %div3A_540 = arith.divf %broadcast_in_dim3A_539, %broadcast_in_dim3A_536 : vector<16xf32>
      %lt3A_541 = arith.constant 4.500000e+01 : f32
      %lt3A_542 = vector.broadcast %lt3A_541 : f32 to vector<16xf32>
      %lt3A_543 = arith.cmpf olt, %add3A_474, %lt3A_542 : vector<16xf32>
      %convert_element_type3A_544 = arith.extui %lt3A_543 : vector<16xi1> to vector<16xi32>
      %convert_element_type3A_545 = arith.sitofp %convert_element_type3A_544 : vector<16xi32> to vector<16xf32>
      %mul3A_546 = arith.mulf %mul3A_513, %convert_element_type3A_545 : vector<16xf32>
      %reduce_sum3A_547 = arith.constant true
      %reduce_sum3A_548 = vector.broadcast %reduce_sum3A_547 : i1 to vector<16xi1>
      %reduce_sum3A_549 = tpu.scan <sum>, %mul3A_546 masked %reduce_sum3A_548 : vector<16xf32>, vector<16xi1> -> vector<16xf32>
      %reduce_sum3A_550 = vector.extract %reduce_sum3A_549[15] : f32 from vector<16xf32>
      %mul3A_551 = arith.mulf %mul3A_546, %add3A_474 : vector<16xf32>
      %reduce_sum3A_552 = arith.constant true
      %reduce_sum3A_553 = vector.broadcast %reduce_sum3A_552 : i1 to vector<16xi1>
      %reduce_sum3A_554 = tpu.scan <sum>, %mul3A_551 masked %reduce_sum3A_553 : vector<16xf32>, vector<16xi1> -> vector<16xf32>
      %reduce_sum3A_555 = vector.extract %reduce_sum3A_554[15] : f32 from vector<16xf32>
      %eq3A_556 = arith.constant 3 : i32
      %eq3A_557 = vector.broadcast %eq3A_556 : i32 to vector<16xi32>
      %eq3A_558 = arith.cmpi eq, %iota3A, %eq3A_557 : vector<16xi32>
      %mul3A_559 = arith.mulf %mul3A_513, %convert_element_type3A : vector<16xf32>
      %reduce_sum3A_560 = arith.constant true
      %reduce_sum3A_561 = vector.broadcast %reduce_sum3A_560 : i1 to vector<16xi1>
      %reduce_sum3A_562 = tpu.scan <sum>, %mul3A_559 masked %reduce_sum3A_561 : vector<16xf32>, vector<16xi1> -> vector<16xf32>
      %reduce_sum3A_563 = vector.extract %reduce_sum3A_562[15] : f32 from vector<16xf32>
      %broadcast_in_dim3A_564 = vector.broadcast %reduce_sum3A_563 : f32 to vector<16xf32>
      %select_n3A_565 = arith.select %eq3A_558, %broadcast_in_dim3A_564, %select_n3A_449 : vector<16xi1>, vector<16xf32>
      %gt3A_566 = arith.constant 0.000000e+00 : f32
      %gt3A_567 = arith.cmpf ogt, %reduce_sum3A_550, %gt3A_566 : f32
      %jit3A_568 = arith.constant -1.000000e+00 : f32
      %select_n3A_569 = arith.select %gt3A_567, %reduce_sum3A_555, %jit3A_568 : f32
      %broadcast_in_dim3A_570 = vector.broadcast %select_n3A_569 : f32 to vector<16xf32>
      %select_n3A_571 = arith.select %eq3A_558, %broadcast_in_dim3A_570, %select_n3A_455 : vector<16xi1>, vector<16xf32>
      %broadcast_in_dim3A_572 = vector.broadcast %reduce_sum3A_550 : f32 to vector<16xf32>
      %mul3A_573 = arith.mulf %div3A_538, %broadcast_in_dim3A_572 : vector<16xf32>
      %select_n3A_574 = arith.select %eq3A_558, %mul3A_573, %select_n3A_458 : vector<16xi1>, vector<16xf32>
      %mul3A_575 = arith.mulf %mul3A_532, %convert_element_type3A : vector<16xf32>
      %reduce_sum3A_576 = arith.constant true
      %reduce_sum3A_577 = vector.broadcast %reduce_sum3A_576 : i1 to vector<16xi1>
      %reduce_sum3A_578 = tpu.scan <sum>, %mul3A_575 masked %reduce_sum3A_577 : vector<16xf32>, vector<16xi1> -> vector<16xf32>
      %reduce_sum3A_579 = vector.extract %reduce_sum3A_578[15] : f32 from vector<16xf32>
      %broadcast_in_dim3A_580 = vector.broadcast %reduce_sum3A_579 : f32 to vector<16xf32>
      %select_n3A_581 = arith.select %eq3A_558, %broadcast_in_dim3A_580, %select_n3A_465 : vector<16xi1>, vector<16xf32>
      %mul3A_582 = arith.mulf %mul3A_532, %add3A_475 : vector<16xf32>
      %reduce_sum3A_583 = arith.constant true
      %reduce_sum3A_584 = vector.broadcast %reduce_sum3A_583 : i1 to vector<16xi1>
      %reduce_sum3A_585 = tpu.scan <sum>, %mul3A_582 masked %reduce_sum3A_584 : vector<16xf32>, vector<16xi1> -> vector<16xf32>
      %reduce_sum3A_586 = vector.extract %reduce_sum3A_585[15] : f32 from vector<16xf32>
      %broadcast_in_dim3A_587 = vector.broadcast %reduce_sum3A_586 : f32 to vector<16xf32>
      %select_n3A_588 = arith.select %eq3A_558, %broadcast_in_dim3A_587, %select_n3A_472 : vector<16xi1>, vector<16xf32>
      %select_n3A_589 = arith.select %eq3A_558, %div3A_540, %select_n3A_473 : vector<16xi1>, vector<16xf32>
      %add3A_590 = arith.addf %add3A_474, %mul3A_513 : vector<16xf32>
      %add3A_591 = arith.addf %add3A_475, %mul3A_532 : vector<16xf32>
      %add3A_592 = arith.addf %add3A_476, %div3A_497 : vector<16xf32>
      %mul3A_593 = arith.constant 256 : i32
      %mul3A_594 = arith.muli %scan3A_134, %mul3A_593 : i32
      %add3A_595 = arith.constant 64 : i32
      %add3A_596 = arith.addi %mul3A_594, %add3A_595 : i32
      %get3A_597 = arith.index_cast %add3A_596 : i32 to index
      %get3A_598 = tpu.vector_load %arg12[%get3A_597] {strides = array<i32>} : memref<9216xf32, #tpu.memory_space<vmem>>, vector<16xf32>,
      %mul3A_599 = arith.mulf %get3A_598, %get3A_13 : vector<16xf32>
      %add3A_600 = arith.addf %mul3A_599, %get3A_17 : vector<16xf32>
      %reduce_max3A_601 = arith.constant true
      %reduce_max3A_602 = vector.broadcast %reduce_max3A_601 : i1 to vector<16xi1>
      %reduce_max3A_603 = tpu.scan <max>, %add3A_600 masked %reduce_max3A_602 : vector<16xf32>, vector<16xi1> -> vector<16xf32>
      %reduce_max3A_604 = vector.extract %reduce_max3A_603[15] : f32 from vector<16xf32>
      %sub3A_605 = vector.broadcast %reduce_max3A_604 : f32 to vector<16xf32>
      %sub3A_606 = arith.subf %add3A_600, %sub3A_605 : vector<16xf32>
      %exp3A_607 = math.exp %sub3A_606 : vector<16xf32>
      %reduce_sum3A_608 = arith.constant true
      %reduce_sum3A_609 = vector.broadcast %reduce_sum3A_608 : i1 to vector<16xi1>
      %reduce_sum3A_610 = tpu.scan <sum>, %exp3A_607 masked %reduce_sum3A_609 : vector<16xf32>, vector<16xi1> -> vector<16xf32>
      %reduce_sum3A_611 = vector.extract %reduce_sum3A_610[15] : f32 from vector<16xf32>
      %broadcast_in_dim3A_612 = vector.broadcast %reduce_sum3A_611 : f32 to vector<16xf32>
      %div3A_613 = arith.divf %exp3A_607, %broadcast_in_dim3A_612 : vector<16xf32>
      %reduce_max3A_614 = arith.constant true
      %reduce_max3A_615 = vector.broadcast %reduce_max3A_614 : i1 to vector<16xi1>
      %reduce_max3A_616 = tpu.scan <max>, %div3A_613 masked %reduce_max3A_615 : vector<16xf32>, vector<16xi1> -> vector<16xf32>
      %reduce_max3A_617 = vector.extract %reduce_max3A_616[15] : f32 from vector<16xf32>
      %eq3A_618 = vector.broadcast %reduce_max3A_617 : f32 to vector<16xf32>
      %eq3A_619 = arith.cmpf oeq, %div3A_613, %eq3A_618 : vector<16xf32>
      %convert_element_type3A_620 = arith.extui %eq3A_619 : vector<16xi1> to vector<16xi32>
      %convert_element_type3A_621 = arith.sitofp %convert_element_type3A_620 : vector<16xi32> to vector<16xf32>
      %broadcast_in_dim3A_622 = arith.constant true
      %broadcast_in_dim3A_623 = vector.broadcast %broadcast_in_dim3A_622 : i1 to vector<16xi1>
      %masked_cumsum3A_624 = tpu.scan <sum>, %convert_element_type3A_621 masked %broadcast_in_dim3A_623 : vector<16xf32>, vector<16xi1> -> vector<16xf32>
      %eq3A_625 = vector.broadcast %scan3A : f32 to vector<16xf32>
      %eq3A_626 = arith.cmpf oeq, %masked_cumsum3A_624, %eq3A_625 : vector<16xf32>
      %convert_element_type3A_627 = arith.extui %eq3A_626 : vector<16xi1> to vector<16xi32>
      %convert_element_type3A_628 = arith.sitofp %convert_element_type3A_627 : vector<16xi32> to vector<16xf32>
      %mul3A_629 = arith.mulf %convert_element_type3A_621, %convert_element_type3A_628 : vector<16xf32>
      %sub3A_630 = vector.broadcast %scan3A : f32 to vector<16xf32>
      %sub3A_631 = arith.subf %sub3A_630, %mul3A_629 : vector<16xf32>
      %mul3A_632 = arith.mulf %div3A_613, %sub3A_631 : vector<16xf32>
      %reduce_max3A_633 = arith.constant true
      %reduce_max3A_634 = vector.broadcast %reduce_max3A_633 : i1 to vector<16xi1>
      %reduce_max3A_635 = tpu.scan <max>, %mul3A_632 masked %reduce_max3A_634 : vector<16xf32>, vector<16xi1> -> vector<16xf32>
      %reduce_max3A_636 = vector.extract %reduce_max3A_635[15] : f32 from vector<16xf32>
      %eq3A_637 = vector.broadcast %reduce_max3A_636 : f32 to vector<16xf32>
      %eq3A_638 = arith.cmpf oeq, %mul3A_632, %eq3A_637 : vector<16xf32>
      %convert_element_type3A_639 = arith.extui %eq3A_638 : vector<16xi1> to vector<16xi32>
      %convert_element_type3A_640 = arith.sitofp %convert_element_type3A_639 : vector<16xi32> to vector<16xf32>
      %broadcast_in_dim3A_641 = arith.constant true
      %broadcast_in_dim3A_642 = vector.broadcast %broadcast_in_dim3A_641 : i1 to vector<16xi1>
      %masked_cumsum3A_643 = tpu.scan <sum>, %convert_element_type3A_640 masked %broadcast_in_dim3A_642 : vector<16xf32>, vector<16xi1> -> vector<16xf32>
      %eq3A_644 = vector.broadcast %scan3A : f32 to vector<16xf32>
      %eq3A_645 = arith.cmpf oeq, %masked_cumsum3A_643, %eq3A_644 : vector<16xf32>
      %convert_element_type3A_646 = arith.extui %eq3A_645 : vector<16xi1> to vector<16xi32>
      %convert_element_type3A_647 = arith.sitofp %convert_element_type3A_646 : vector<16xi32> to vector<16xf32>
      %mul3A_648 = arith.mulf %convert_element_type3A_640, %convert_element_type3A_647 : vector<16xf32>
      %add3A_649 = arith.addf %reduce_max3A_617, %reduce_max3A_636 : f32
      %add3A_650 = arith.constant 9.99999971E-10 : f32
      %add3A_651 = arith.addf %add3A_649, %add3A_650 : f32
      %broadcast_in_dim3A_652 = vector.broadcast %add3A_651 : f32 to vector<16xf32>
      %broadcast_in_dim3A_653 = vector.broadcast %reduce_max3A_617 : f32 to vector<16xf32>
      %div3A_654 = arith.divf %broadcast_in_dim3A_653, %broadcast_in_dim3A_652 : vector<16xf32>
      %broadcast_in_dim3A_655 = vector.broadcast %reduce_max3A_636 : f32 to vector<16xf32>
      %div3A_656 = arith.divf %broadcast_in_dim3A_655, %broadcast_in_dim3A_652 : vector<16xf32>
      %lt3A_657 = arith.constant 4.500000e+01 : f32
      %lt3A_658 = vector.broadcast %lt3A_657 : f32 to vector<16xf32>
      %lt3A_659 = arith.cmpf olt, %add3A_590, %lt3A_658 : vector<16xf32>
      %convert_element_type3A_660 = arith.extui %lt3A_659 : vector<16xi1> to vector<16xi32>
      %convert_element_type3A_661 = arith.sitofp %convert_element_type3A_660 : vector<16xi32> to vector<16xf32>
      %mul3A_662 = arith.mulf %mul3A_629, %convert_element_type3A_661 : vector<16xf32>
      %reduce_sum3A_663 = arith.constant true
      %reduce_sum3A_664 = vector.broadcast %reduce_sum3A_663 : i1 to vector<16xi1>
      %reduce_sum3A_665 = tpu.scan <sum>, %mul3A_662 masked %reduce_sum3A_664 : vector<16xf32>, vector<16xi1> -> vector<16xf32>
      %reduce_sum3A_666 = vector.extract %reduce_sum3A_665[15] : f32 from vector<16xf32>
      %mul3A_667 = arith.mulf %mul3A_662, %add3A_590 : vector<16xf32>
      %reduce_sum3A_668 = arith.constant true
      %reduce_sum3A_669 = vector.broadcast %reduce_sum3A_668 : i1 to vector<16xi1>
      %reduce_sum3A_670 = tpu.scan <sum>, %mul3A_667 masked %reduce_sum3A_669 : vector<16xf32>, vector<16xi1> -> vector<16xf32>
      %reduce_sum3A_671 = vector.extract %reduce_sum3A_670[15] : f32 from vector<16xf32>
      %eq3A_672 = arith.constant 4 : i32
      %eq3A_673 = vector.broadcast %eq3A_672 : i32 to vector<16xi32>
      %eq3A_674 = arith.cmpi eq, %iota3A, %eq3A_673 : vector<16xi32>
      %mul3A_675 = arith.mulf %mul3A_629, %convert_element_type3A : vector<16xf32>
      %reduce_sum3A_676 = arith.constant true
      %reduce_sum3A_677 = vector.broadcast %reduce_sum3A_676 : i1 to vector<16xi1>
      %reduce_sum3A_678 = tpu.scan <sum>, %mul3A_675 masked %reduce_sum3A_677 : vector<16xf32>, vector<16xi1> -> vector<16xf32>
      %reduce_sum3A_679 = vector.extract %reduce_sum3A_678[15] : f32 from vector<16xf32>
      %broadcast_in_dim3A_680 = vector.broadcast %reduce_sum3A_679 : f32 to vector<16xf32>
      %select_n3A_681 = arith.select %eq3A_674, %broadcast_in_dim3A_680, %select_n3A_565 : vector<16xi1>, vector<16xf32>
      %gt3A_682 = arith.constant 0.000000e+00 : f32
      %gt3A_683 = arith.cmpf ogt, %reduce_sum3A_666, %gt3A_682 : f32
      %jit3A_684 = arith.constant -1.000000e+00 : f32
      %select_n3A_685 = arith.select %gt3A_683, %reduce_sum3A_671, %jit3A_684 : f32
      %broadcast_in_dim3A_686 = vector.broadcast %select_n3A_685 : f32 to vector<16xf32>
      %select_n3A_687 = arith.select %eq3A_674, %broadcast_in_dim3A_686, %select_n3A_571 : vector<16xi1>, vector<16xf32>
      %broadcast_in_dim3A_688 = vector.broadcast %reduce_sum3A_666 : f32 to vector<16xf32>
      %mul3A_689 = arith.mulf %div3A_654, %broadcast_in_dim3A_688 : vector<16xf32>
      %select_n3A_690 = arith.select %eq3A_674, %mul3A_689, %select_n3A_574 : vector<16xi1>, vector<16xf32>
      %mul3A_691 = arith.mulf %mul3A_648, %convert_element_type3A : vector<16xf32>
      %reduce_sum3A_692 = arith.constant true
      %reduce_sum3A_693 = vector.broadcast %reduce_sum3A_692 : i1 to vector<16xi1>
      %reduce_sum3A_694 = tpu.scan <sum>, %mul3A_691 masked %reduce_sum3A_693 : vector<16xf32>, vector<16xi1> -> vector<16xf32>
      %reduce_sum3A_695 = vector.extract %reduce_sum3A_694[15] : f32 from vector<16xf32>
      %broadcast_in_dim3A_696 = vector.broadcast %reduce_sum3A_695 : f32 to vector<16xf32>
      %select_n3A_697 = arith.select %eq3A_674, %broadcast_in_dim3A_696, %select_n3A_581 : vector<16xi1>, vector<16xf32>
      %mul3A_698 = arith.mulf %mul3A_648, %add3A_591 : vector<16xf32>
      %reduce_sum3A_699 = arith.constant true
      %reduce_sum3A_700 = vector.broadcast %reduce_sum3A_699 : i1 to vector<16xi1>
      %reduce_sum3A_701 = tpu.scan <sum>, %mul3A_698 masked %reduce_sum3A_700 : vector<16xf32>, vector<16xi1> -> vector<16xf32>
      %reduce_sum3A_702 = vector.extract %reduce_sum3A_701[15] : f32 from vector<16xf32>
      %broadcast_in_dim3A_703 = vector.broadcast %reduce_sum3A_702 : f32 to vector<16xf32>
      %select_n3A_704 = arith.select %eq3A_674, %broadcast_in_dim3A_703, %select_n3A_588 : vector<16xi1>, vector<16xf32>
      %select_n3A_705 = arith.select %eq3A_674, %div3A_656, %select_n3A_589 : vector<16xi1>, vector<16xf32>
      %add3A_706 = arith.addf %add3A_590, %mul3A_629 : vector<16xf32>
      %add3A_707 = arith.addf %add3A_591, %mul3A_648 : vector<16xf32>
      %add3A_708 = arith.addf %add3A_592, %div3A_613 : vector<16xf32>
      %mul3A_709 = arith.constant 256 : i32
      %mul3A_710 = arith.muli %scan3A_134, %mul3A_709 : i32
      %add3A_711 = arith.constant 80 : i32
      %add3A_712 = arith.addi %mul3A_710, %add3A_711 : i32
      %get3A_713 = arith.index_cast %add3A_712 : i32 to index
      %get3A_714 = tpu.vector_load %arg12[%get3A_713] {strides = array<i32>} : memref<9216xf32, #tpu.memory_space<vmem>>, vector<16xf32>,
      %mul3A_715 = arith.mulf %get3A_714, %get3A_13 : vector<16xf32>
      %add3A_716 = arith.addf %mul3A_715, %get3A_17 : vector<16xf32>
      %reduce_max3A_717 = arith.constant true
      %reduce_max3A_718 = vector.broadcast %reduce_max3A_717 : i1 to vector<16xi1>
      %reduce_max3A_719 = tpu.scan <max>, %add3A_716 masked %reduce_max3A_718 : vector<16xf32>, vector<16xi1> -> vector<16xf32>
      %reduce_max3A_720 = vector.extract %reduce_max3A_719[15] : f32 from vector<16xf32>
      %sub3A_721 = vector.broadcast %reduce_max3A_720 : f32 to vector<16xf32>
      %sub3A_722 = arith.subf %add3A_716, %sub3A_721 : vector<16xf32>
      %exp3A_723 = math.exp %sub3A_722 : vector<16xf32>
      %reduce_sum3A_724 = arith.constant true
      %reduce_sum3A_725 = vector.broadcast %reduce_sum3A_724 : i1 to vector<16xi1>
      %reduce_sum3A_726 = tpu.scan <sum>, %exp3A_723 masked %reduce_sum3A_725 : vector<16xf32>, vector<16xi1> -> vector<16xf32>
      %reduce_sum3A_727 = vector.extract %reduce_sum3A_726[15] : f32 from vector<16xf32>
      %broadcast_in_dim3A_728 = vector.broadcast %reduce_sum3A_727 : f32 to vector<16xf32>
      %div3A_729 = arith.divf %exp3A_723, %broadcast_in_dim3A_728 : vector<16xf32>
      %reduce_max3A_730 = arith.constant true
      %reduce_max3A_731 = vector.broadcast %reduce_max3A_730 : i1 to vector<16xi1>
      %reduce_max3A_732 = tpu.scan <max>, %div3A_729 masked %reduce_max3A_731 : vector<16xf32>, vector<16xi1> -> vector<16xf32>
      %reduce_max3A_733 = vector.extract %reduce_max3A_732[15] : f32 from vector<16xf32>
      %eq3A_734 = vector.broadcast %reduce_max3A_733 : f32 to vector<16xf32>
      %eq3A_735 = arith.cmpf oeq, %div3A_729, %eq3A_734 : vector<16xf32>
      %convert_element_type3A_736 = arith.extui %eq3A_735 : vector<16xi1> to vector<16xi32>
      %convert_element_type3A_737 = arith.sitofp %convert_element_type3A_736 : vector<16xi32> to vector<16xf32>
      %broadcast_in_dim3A_738 = arith.constant true
      %broadcast_in_dim3A_739 = vector.broadcast %broadcast_in_dim3A_738 : i1 to vector<16xi1>
      %masked_cumsum3A_740 = tpu.scan <sum>, %convert_element_type3A_737 masked %broadcast_in_dim3A_739 : vector<16xf32>, vector<16xi1> -> vector<16xf32>
      %eq3A_741 = vector.broadcast %scan3A : f32 to vector<16xf32>
      %eq3A_742 = arith.cmpf oeq, %masked_cumsum3A_740, %eq3A_741 : vector<16xf32>
      %convert_element_type3A_743 = arith.extui %eq3A_742 : vector<16xi1> to vector<16xi32>
      %convert_element_type3A_744 = arith.sitofp %convert_element_type3A_743 : vector<16xi32> to vector<16xf32>
      %mul3A_745 = arith.mulf %convert_element_type3A_737, %convert_element_type3A_744 : vector<16xf32>
      %sub3A_746 = vector.broadcast %scan3A : f32 to vector<16xf32>
      %sub3A_747 = arith.subf %sub3A_746, %mul3A_745 : vector<16xf32>
      %mul3A_748 = arith.mulf %div3A_729, %sub3A_747 : vector<16xf32>
      %reduce_max3A_749 = arith.constant true
      %reduce_max3A_750 = vector.broadcast %reduce_max3A_749 : i1 to vector<16xi1>
      %reduce_max3A_751 = tpu.scan <max>, %mul3A_748 masked %reduce_max3A_750 : vector<16xf32>, vector<16xi1> -> vector<16xf32>
      %reduce_max3A_752 = vector.extract %reduce_max3A_751[15] : f32 from vector<16xf32>
      %eq3A_753 = vector.broadcast %reduce_max3A_752 : f32 to vector<16xf32>
      %eq3A_754 = arith.cmpf oeq, %mul3A_748, %eq3A_753 : vector<16xf32>
      %convert_element_type3A_755 = arith.extui %eq3A_754 : vector<16xi1> to vector<16xi32>
      %convert_element_type3A_756 = arith.sitofp %convert_element_type3A_755 : vector<16xi32> to vector<16xf32>
      %broadcast_in_dim3A_757 = arith.constant true
      %broadcast_in_dim3A_758 = vector.broadcast %broadcast_in_dim3A_757 : i1 to vector<16xi1>
      %masked_cumsum3A_759 = tpu.scan <sum>, %convert_element_type3A_756 masked %broadcast_in_dim3A_758 : vector<16xf32>, vector<16xi1> -> vector<16xf32>
      %eq3A_760 = vector.broadcast %scan3A : f32 to vector<16xf32>
      %eq3A_761 = arith.cmpf oeq, %masked_cumsum3A_759, %eq3A_760 : vector<16xf32>
      %convert_element_type3A_762 = arith.extui %eq3A_761 : vector<16xi1> to vector<16xi32>
      %convert_element_type3A_763 = arith.sitofp %convert_element_type3A_762 : vector<16xi32> to vector<16xf32>
      %mul3A_764 = arith.mulf %convert_element_type3A_756, %convert_element_type3A_763 : vector<16xf32>
      %add3A_765 = arith.addf %reduce_max3A_733, %reduce_max3A_752 : f32
      %add3A_766 = arith.constant 9.99999971E-10 : f32
      %add3A_767 = arith.addf %add3A_765, %add3A_766 : f32
      %broadcast_in_dim3A_768 = vector.broadcast %add3A_767 : f32 to vector<16xf32>
      %broadcast_in_dim3A_769 = vector.broadcast %reduce_max3A_733 : f32 to vector<16xf32>
      %div3A_770 = arith.divf %broadcast_in_dim3A_769, %broadcast_in_dim3A_768 : vector<16xf32>
      %broadcast_in_dim3A_771 = vector.broadcast %reduce_max3A_752 : f32 to vector<16xf32>
      %div3A_772 = arith.divf %broadcast_in_dim3A_771, %broadcast_in_dim3A_768 : vector<16xf32>
      %lt3A_773 = arith.constant 4.500000e+01 : f32
      %lt3A_774 = vector.broadcast %lt3A_773 : f32 to vector<16xf32>
      %lt3A_775 = arith.cmpf olt, %add3A_706, %lt3A_774 : vector<16xf32>
      %convert_element_type3A_776 = arith.extui %lt3A_775 : vector<16xi1> to vector<16xi32>
      %convert_element_type3A_777 = arith.sitofp %convert_element_type3A_776 : vector<16xi32> to vector<16xf32>
      %mul3A_778 = arith.mulf %mul3A_745, %convert_element_type3A_777 : vector<16xf32>
      %reduce_sum3A_779 = arith.constant true
      %reduce_sum3A_780 = vector.broadcast %reduce_sum3A_779 : i1 to vector<16xi1>
      %reduce_sum3A_781 = tpu.scan <sum>, %mul3A_778 masked %reduce_sum3A_780 : vector<16xf32>, vector<16xi1> -> vector<16xf32>
      %reduce_sum3A_782 = vector.extract %reduce_sum3A_781[15] : f32 from vector<16xf32>
      %mul3A_783 = arith.mulf %mul3A_778, %add3A_706 : vector<16xf32>
      %reduce_sum3A_784 = arith.constant true
      %reduce_sum3A_785 = vector.broadcast %reduce_sum3A_784 : i1 to vector<16xi1>
      %reduce_sum3A_786 = tpu.scan <sum>, %mul3A_783 masked %reduce_sum3A_785 : vector<16xf32>, vector<16xi1> -> vector<16xf32>
      %reduce_sum3A_787 = vector.extract %reduce_sum3A_786[15] : f32 from vector<16xf32>
      %eq3A_788 = arith.constant 5 : i32
      %eq3A_789 = vector.broadcast %eq3A_788 : i32 to vector<16xi32>
      %eq3A_790 = arith.cmpi eq, %iota3A, %eq3A_789 : vector<16xi32>
      %mul3A_791 = arith.mulf %mul3A_745, %convert_element_type3A : vector<16xf32>
      %reduce_sum3A_792 = arith.constant true
      %reduce_sum3A_793 = vector.broadcast %reduce_sum3A_792 : i1 to vector<16xi1>
      %reduce_sum3A_794 = tpu.scan <sum>, %mul3A_791 masked %reduce_sum3A_793 : vector<16xf32>, vector<16xi1> -> vector<16xf32>
      %reduce_sum3A_795 = vector.extract %reduce_sum3A_794[15] : f32 from vector<16xf32>
      %broadcast_in_dim3A_796 = vector.broadcast %reduce_sum3A_795 : f32 to vector<16xf32>
      %select_n3A_797 = arith.select %eq3A_790, %broadcast_in_dim3A_796, %select_n3A_681 : vector<16xi1>, vector<16xf32>
      %gt3A_798 = arith.constant 0.000000e+00 : f32
      %gt3A_799 = arith.cmpf ogt, %reduce_sum3A_782, %gt3A_798 : f32
      %jit3A_800 = arith.constant -1.000000e+00 : f32
      %select_n3A_801 = arith.select %gt3A_799, %reduce_sum3A_787, %jit3A_800 : f32
      %broadcast_in_dim3A_802 = vector.broadcast %select_n3A_801 : f32 to vector<16xf32>
      %select_n3A_803 = arith.select %eq3A_790, %broadcast_in_dim3A_802, %select_n3A_687 : vector<16xi1>, vector<16xf32>
      %broadcast_in_dim3A_804 = vector.broadcast %reduce_sum3A_782 : f32 to vector<16xf32>
      %mul3A_805 = arith.mulf %div3A_770, %broadcast_in_dim3A_804 : vector<16xf32>
      %select_n3A_806 = arith.select %eq3A_790, %mul3A_805, %select_n3A_690 : vector<16xi1>, vector<16xf32>
      %mul3A_807 = arith.mulf %mul3A_764, %convert_element_type3A : vector<16xf32>
      %reduce_sum3A_808 = arith.constant true
      %reduce_sum3A_809 = vector.broadcast %reduce_sum3A_808 : i1 to vector<16xi1>
      %reduce_sum3A_810 = tpu.scan <sum>, %mul3A_807 masked %reduce_sum3A_809 : vector<16xf32>, vector<16xi1> -> vector<16xf32>
      %reduce_sum3A_811 = vector.extract %reduce_sum3A_810[15] : f32 from vector<16xf32>
      %broadcast_in_dim3A_812 = vector.broadcast %reduce_sum3A_811 : f32 to vector<16xf32>
      %select_n3A_813 = arith.select %eq3A_790, %broadcast_in_dim3A_812, %select_n3A_697 : vector<16xi1>, vector<16xf32>
      %mul3A_814 = arith.mulf %mul3A_764, %add3A_707 : vector<16xf32>
      %reduce_sum3A_815 = arith.constant true
      %reduce_sum3A_816 = vector.broadcast %reduce_sum3A_815 : i1 to vector<16xi1>
      %reduce_sum3A_817 = tpu.scan <sum>, %mul3A_814 masked %reduce_sum3A_816 : vector<16xf32>, vector<16xi1> -> vector<16xf32>
      %reduce_sum3A_818 = vector.extract %reduce_sum3A_817[15] : f32 from vector<16xf32>
      %broadcast_in_dim3A_819 = vector.broadcast %reduce_sum3A_818 : f32 to vector<16xf32>
      %select_n3A_820 = arith.select %eq3A_790, %broadcast_in_dim3A_819, %select_n3A_704 : vector<16xi1>, vector<16xf32>
      %select_n3A_821 = arith.select %eq3A_790, %div3A_772, %select_n3A_705 : vector<16xi1>, vector<16xf32>
      %add3A_822 = arith.addf %add3A_706, %mul3A_745 : vector<16xf32>
      %add3A_823 = arith.addf %add3A_707, %mul3A_764 : vector<16xf32>
      %add3A_824 = arith.addf %add3A_708, %div3A_729 : vector<16xf32>
      %mul3A_825 = arith.constant 256 : i32
      %mul3A_826 = arith.muli %scan3A_134, %mul3A_825 : i32
      %add3A_827 = arith.constant 96 : i32
      %add3A_828 = arith.addi %mul3A_826, %add3A_827 : i32
      %get3A_829 = arith.index_cast %add3A_828 : i32 to index
      %get3A_830 = tpu.vector_load %arg12[%get3A_829] {strides = array<i32>} : memref<9216xf32, #tpu.memory_space<vmem>>, vector<16xf32>,
      %mul3A_831 = arith.mulf %get3A_830, %get3A_13 : vector<16xf32>
      %add3A_832 = arith.addf %mul3A_831, %get3A_17 : vector<16xf32>
      %reduce_max3A_833 = arith.constant true
      %reduce_max3A_834 = vector.broadcast %reduce_max3A_833 : i1 to vector<16xi1>
      %reduce_max3A_835 = tpu.scan <max>, %add3A_832 masked %reduce_max3A_834 : vector<16xf32>, vector<16xi1> -> vector<16xf32>
      %reduce_max3A_836 = vector.extract %reduce_max3A_835[15] : f32 from vector<16xf32>
      %sub3A_837 = vector.broadcast %reduce_max3A_836 : f32 to vector<16xf32>
      %sub3A_838 = arith.subf %add3A_832, %sub3A_837 : vector<16xf32>
      %exp3A_839 = math.exp %sub3A_838 : vector<16xf32>
      %reduce_sum3A_840 = arith.constant true
      %reduce_sum3A_841 = vector.broadcast %reduce_sum3A_840 : i1 to vector<16xi1>
      %reduce_sum3A_842 = tpu.scan <sum>, %exp3A_839 masked %reduce_sum3A_841 : vector<16xf32>, vector<16xi1> -> vector<16xf32>
      %reduce_sum3A_843 = vector.extract %reduce_sum3A_842[15] : f32 from vector<16xf32>
      %broadcast_in_dim3A_844 = vector.broadcast %reduce_sum3A_843 : f32 to vector<16xf32>
      %div3A_845 = arith.divf %exp3A_839, %broadcast_in_dim3A_844 : vector<16xf32>
      %reduce_max3A_846 = arith.constant true
      %reduce_max3A_847 = vector.broadcast %reduce_max3A_846 : i1 to vector<16xi1>
      %reduce_max3A_848 = tpu.scan <max>, %div3A_845 masked %reduce_max3A_847 : vector<16xf32>, vector<16xi1> -> vector<16xf32>
      %reduce_max3A_849 = vector.extract %reduce_max3A_848[15] : f32 from vector<16xf32>
      %eq3A_850 = vector.broadcast %reduce_max3A_849 : f32 to vector<16xf32>
      %eq3A_851 = arith.cmpf oeq, %div3A_845, %eq3A_850 : vector<16xf32>
      %convert_element_type3A_852 = arith.extui %eq3A_851 : vector<16xi1> to vector<16xi32>
      %convert_element_type3A_853 = arith.sitofp %convert_element_type3A_852 : vector<16xi32> to vector<16xf32>
      %broadcast_in_dim3A_854 = arith.constant true
      %broadcast_in_dim3A_855 = vector.broadcast %broadcast_in_dim3A_854 : i1 to vector<16xi1>
      %masked_cumsum3A_856 = tpu.scan <sum>, %convert_element_type3A_853 masked %broadcast_in_dim3A_855 : vector<16xf32>, vector<16xi1> -> vector<16xf32>
      %eq3A_857 = vector.broadcast %scan3A : f32 to vector<16xf32>
      %eq3A_858 = arith.cmpf oeq, %masked_cumsum3A_856, %eq3A_857 : vector<16xf32>
      %convert_element_type3A_859 = arith.extui %eq3A_858 : vector<16xi1> to vector<16xi32>
      %convert_element_type3A_860 = arith.sitofp %convert_element_type3A_859 : vector<16xi32> to vector<16xf32>
      %mul3A_861 = arith.mulf %convert_element_type3A_853, %convert_element_type3A_860 : vector<16xf32>
      %sub3A_862 = vector.broadcast %scan3A : f32 to vector<16xf32>
      %sub3A_863 = arith.subf %sub3A_862, %mul3A_861 : vector<16xf32>
      %mul3A_864 = arith.mulf %div3A_845, %sub3A_863 : vector<16xf32>
      %reduce_max3A_865 = arith.constant true
      %reduce_max3A_866 = vector.broadcast %reduce_max3A_865 : i1 to vector<16xi1>
      %reduce_max3A_867 = tpu.scan <max>, %mul3A_864 masked %reduce_max3A_866 : vector<16xf32>, vector<16xi1> -> vector<16xf32>
      %reduce_max3A_868 = vector.extract %reduce_max3A_867[15] : f32 from vector<16xf32>
      %eq3A_869 = vector.broadcast %reduce_max3A_868 : f32 to vector<16xf32>
      %eq3A_870 = arith.cmpf oeq, %mul3A_864, %eq3A_869 : vector<16xf32>
      %convert_element_type3A_871 = arith.extui %eq3A_870 : vector<16xi1> to vector<16xi32>
      %convert_element_type3A_872 = arith.sitofp %convert_element_type3A_871 : vector<16xi32> to vector<16xf32>
      %broadcast_in_dim3A_873 = arith.constant true
      %broadcast_in_dim3A_874 = vector.broadcast %broadcast_in_dim3A_873 : i1 to vector<16xi1>
      %masked_cumsum3A_875 = tpu.scan <sum>, %convert_element_type3A_872 masked %broadcast_in_dim3A_874 : vector<16xf32>, vector<16xi1> -> vector<16xf32>
      %eq3A_876 = vector.broadcast %scan3A : f32 to vector<16xf32>
      %eq3A_877 = arith.cmpf oeq, %masked_cumsum3A_875, %eq3A_876 : vector<16xf32>
      %convert_element_type3A_878 = arith.extui %eq3A_877 : vector<16xi1> to vector<16xi32>
      %convert_element_type3A_879 = arith.sitofp %convert_element_type3A_878 : vector<16xi32> to vector<16xf32>
      %mul3A_880 = arith.mulf %convert_element_type3A_872, %convert_element_type3A_879 : vector<16xf32>
      %add3A_881 = arith.addf %reduce_max3A_849, %reduce_max3A_868 : f32
      %add3A_882 = arith.constant 9.99999971E-10 : f32
      %add3A_883 = arith.addf %add3A_881, %add3A_882 : f32
      %broadcast_in_dim3A_884 = vector.broadcast %add3A_883 : f32 to vector<16xf32>
      %broadcast_in_dim3A_885 = vector.broadcast %reduce_max3A_849 : f32 to vector<16xf32>
      %div3A_886 = arith.divf %broadcast_in_dim3A_885, %broadcast_in_dim3A_884 : vector<16xf32>
      %broadcast_in_dim3A_887 = vector.broadcast %reduce_max3A_868 : f32 to vector<16xf32>
      %div3A_888 = arith.divf %broadcast_in_dim3A_887, %broadcast_in_dim3A_884 : vector<16xf32>
      %lt3A_889 = arith.constant 4.500000e+01 : f32
      %lt3A_890 = vector.broadcast %lt3A_889 : f32 to vector<16xf32>
      %lt3A_891 = arith.cmpf olt, %add3A_822, %lt3A_890 : vector<16xf32>
      %convert_element_type3A_892 = arith.extui %lt3A_891 : vector<16xi1> to vector<16xi32>
      %convert_element_type3A_893 = arith.sitofp %convert_element_type3A_892 : vector<16xi32> to vector<16xf32>
      %mul3A_894 = arith.mulf %mul3A_861, %convert_element_type3A_893 : vector<16xf32>
      %reduce_sum3A_895 = arith.constant true
      %reduce_sum3A_896 = vector.broadcast %reduce_sum3A_895 : i1 to vector<16xi1>
      %reduce_sum3A_897 = tpu.scan <sum>, %mul3A_894 masked %reduce_sum3A_896 : vector<16xf32>, vector<16xi1> -> vector<16xf32>
      %reduce_sum3A_898 = vector.extract %reduce_sum3A_897[15] : f32 from vector<16xf32>
      %mul3A_899 = arith.mulf %mul3A_894, %add3A_822 : vector<16xf32>
      %reduce_sum3A_900 = arith.constant true
      %reduce_sum3A_901 = vector.broadcast %reduce_sum3A_900 : i1 to vector<16xi1>
      %reduce_sum3A_902 = tpu.scan <sum>, %mul3A_899 masked %reduce_sum3A_901 : vector<16xf32>, vector<16xi1> -> vector<16xf32>
      %reduce_sum3A_903 = vector.extract %reduce_sum3A_902[15] : f32 from vector<16xf32>
      %eq3A_904 = arith.constant 6 : i32
      %eq3A_905 = vector.broadcast %eq3A_904 : i32 to vector<16xi32>
      %eq3A_906 = arith.cmpi eq, %iota3A, %eq3A_905 : vector<16xi32>
      %mul3A_907 = arith.mulf %mul3A_861, %convert_element_type3A : vector<16xf32>
      %reduce_sum3A_908 = arith.constant true
      %reduce_sum3A_909 = vector.broadcast %reduce_sum3A_908 : i1 to vector<16xi1>
      %reduce_sum3A_910 = tpu.scan <sum>, %mul3A_907 masked %reduce_sum3A_909 : vector<16xf32>, vector<16xi1> -> vector<16xf32>
      %reduce_sum3A_911 = vector.extract %reduce_sum3A_910[15] : f32 from vector<16xf32>
      %broadcast_in_dim3A_912 = vector.broadcast %reduce_sum3A_911 : f32 to vector<16xf32>
      %select_n3A_913 = arith.select %eq3A_906, %broadcast_in_dim3A_912, %select_n3A_797 : vector<16xi1>, vector<16xf32>
      %gt3A_914 = arith.constant 0.000000e+00 : f32
      %gt3A_915 = arith.cmpf ogt, %reduce_sum3A_898, %gt3A_914 : f32
      %jit3A_916 = arith.constant -1.000000e+00 : f32
      %select_n3A_917 = arith.select %gt3A_915, %reduce_sum3A_903, %jit3A_916 : f32
      %broadcast_in_dim3A_918 = vector.broadcast %select_n3A_917 : f32 to vector<16xf32>
      %select_n3A_919 = arith.select %eq3A_906, %broadcast_in_dim3A_918, %select_n3A_803 : vector<16xi1>, vector<16xf32>
      %broadcast_in_dim3A_920 = vector.broadcast %reduce_sum3A_898 : f32 to vector<16xf32>
      %mul3A_921 = arith.mulf %div3A_886, %broadcast_in_dim3A_920 : vector<16xf32>
      %select_n3A_922 = arith.select %eq3A_906, %mul3A_921, %select_n3A_806 : vector<16xi1>, vector<16xf32>
      %mul3A_923 = arith.mulf %mul3A_880, %convert_element_type3A : vector<16xf32>
      %reduce_sum3A_924 = arith.constant true
      %reduce_sum3A_925 = vector.broadcast %reduce_sum3A_924 : i1 to vector<16xi1>
      %reduce_sum3A_926 = tpu.scan <sum>, %mul3A_923 masked %reduce_sum3A_925 : vector<16xf32>, vector<16xi1> -> vector<16xf32>
      %reduce_sum3A_927 = vector.extract %reduce_sum3A_926[15] : f32 from vector<16xf32>
      %broadcast_in_dim3A_928 = vector.broadcast %reduce_sum3A_927 : f32 to vector<16xf32>
      %select_n3A_929 = arith.select %eq3A_906, %broadcast_in_dim3A_928, %select_n3A_813 : vector<16xi1>, vector<16xf32>
      %mul3A_930 = arith.mulf %mul3A_880, %add3A_823 : vector<16xf32>
      %reduce_sum3A_931 = arith.constant true
      %reduce_sum3A_932 = vector.broadcast %reduce_sum3A_931 : i1 to vector<16xi1>
      %reduce_sum3A_933 = tpu.scan <sum>, %mul3A_930 masked %reduce_sum3A_932 : vector<16xf32>, vector<16xi1> -> vector<16xf32>
      %reduce_sum3A_934 = vector.extract %reduce_sum3A_933[15] : f32 from vector<16xf32>
      %broadcast_in_dim3A_935 = vector.broadcast %reduce_sum3A_934 : f32 to vector<16xf32>
      %select_n3A_936 = arith.select %eq3A_906, %broadcast_in_dim3A_935, %select_n3A_820 : vector<16xi1>, vector<16xf32>
      %select_n3A_937 = arith.select %eq3A_906, %div3A_888, %select_n3A_821 : vector<16xi1>, vector<16xf32>
      %add3A_938 = arith.addf %add3A_822, %mul3A_861 : vector<16xf32>
      %add3A_939 = arith.addf %add3A_823, %mul3A_880 : vector<16xf32>
      %add3A_940 = arith.addf %add3A_824, %div3A_845 : vector<16xf32>
      %mul3A_941 = arith.constant 256 : i32
      %mul3A_942 = arith.muli %scan3A_134, %mul3A_941 : i32
      %add3A_943 = arith.constant 112 : i32
      %add3A_944 = arith.addi %mul3A_942, %add3A_943 : i32
      %get3A_945 = arith.index_cast %add3A_944 : i32 to index
      %get3A_946 = tpu.vector_load %arg12[%get3A_945] {strides = array<i32>} : memref<9216xf32, #tpu.memory_space<vmem>>, vector<16xf32>,
      %mul3A_947 = arith.mulf %get3A_946, %get3A_13 : vector<16xf32>
      %add3A_948 = arith.addf %mul3A_947, %get3A_17 : vector<16xf32>
      %reduce_max3A_949 = arith.constant true
      %reduce_max3A_950 = vector.broadcast %reduce_max3A_949 : i1 to vector<16xi1>
      %reduce_max3A_951 = tpu.scan <max>, %add3A_948 masked %reduce_max3A_950 : vector<16xf32>, vector<16xi1> -> vector<16xf32>
      %reduce_max3A_952 = vector.extract %reduce_max3A_951[15] : f32 from vector<16xf32>
      %sub3A_953 = vector.broadcast %reduce_max3A_952 : f32 to vector<16xf32>
      %sub3A_954 = arith.subf %add3A_948, %sub3A_953 : vector<16xf32>
      %exp3A_955 = math.exp %sub3A_954 : vector<16xf32>
      %reduce_sum3A_956 = arith.constant true
      %reduce_sum3A_957 = vector.broadcast %reduce_sum3A_956 : i1 to vector<16xi1>
      %reduce_sum3A_958 = tpu.scan <sum>, %exp3A_955 masked %reduce_sum3A_957 : vector<16xf32>, vector<16xi1> -> vector<16xf32>
      %reduce_sum3A_959 = vector.extract %reduce_sum3A_958[15] : f32 from vector<16xf32>
      %broadcast_in_dim3A_960 = vector.broadcast %reduce_sum3A_959 : f32 to vector<16xf32>
      %div3A_961 = arith.divf %exp3A_955, %broadcast_in_dim3A_960 : vector<16xf32>
      %reduce_max3A_962 = arith.constant true
      %reduce_max3A_963 = vector.broadcast %reduce_max3A_962 : i1 to vector<16xi1>
      %reduce_max3A_964 = tpu.scan <max>, %div3A_961 masked %reduce_max3A_963 : vector<16xf32>, vector<16xi1> -> vector<16xf32>
      %reduce_max3A_965 = vector.extract %reduce_max3A_964[15] : f32 from vector<16xf32>
      %eq3A_966 = vector.broadcast %reduce_max3A_965 : f32 to vector<16xf32>
      %eq3A_967 = arith.cmpf oeq, %div3A_961, %eq3A_966 : vector<16xf32>
      %convert_element_type3A_968 = arith.extui %eq3A_967 : vector<16xi1> to vector<16xi32>
      %convert_element_type3A_969 = arith.sitofp %convert_element_type3A_968 : vector<16xi32> to vector<16xf32>
      %broadcast_in_dim3A_970 = arith.constant true
      %broadcast_in_dim3A_971 = vector.broadcast %broadcast_in_dim3A_970 : i1 to vector<16xi1>
      %masked_cumsum3A_972 = tpu.scan <sum>, %convert_element_type3A_969 masked %broadcast_in_dim3A_971 : vector<16xf32>, vector<16xi1> -> vector<16xf32>
      %eq3A_973 = vector.broadcast %scan3A : f32 to vector<16xf32>
      %eq3A_974 = arith.cmpf oeq, %masked_cumsum3A_972, %eq3A_973 : vector<16xf32>
      %convert_element_type3A_975 = arith.extui %eq3A_974 : vector<16xi1> to vector<16xi32>
      %convert_element_type3A_976 = arith.sitofp %convert_element_type3A_975 : vector<16xi32> to vector<16xf32>
      %mul3A_977 = arith.mulf %convert_element_type3A_969, %convert_element_type3A_976 : vector<16xf32>
      %sub3A_978 = vector.broadcast %scan3A : f32 to vector<16xf32>
      %sub3A_979 = arith.subf %sub3A_978, %mul3A_977 : vector<16xf32>
      %mul3A_980 = arith.mulf %div3A_961, %sub3A_979 : vector<16xf32>
      %reduce_max3A_981 = arith.constant true
      %reduce_max3A_982 = vector.broadcast %reduce_max3A_981 : i1 to vector<16xi1>
      %reduce_max3A_983 = tpu.scan <max>, %mul3A_980 masked %reduce_max3A_982 : vector<16xf32>, vector<16xi1> -> vector<16xf32>
      %reduce_max3A_984 = vector.extract %reduce_max3A_983[15] : f32 from vector<16xf32>
      %eq3A_985 = vector.broadcast %reduce_max3A_984 : f32 to vector<16xf32>
      %eq3A_986 = arith.cmpf oeq, %mul3A_980, %eq3A_985 : vector<16xf32>
      %convert_element_type3A_987 = arith.extui %eq3A_986 : vector<16xi1> to vector<16xi32>
      %convert_element_type3A_988 = arith.sitofp %convert_element_type3A_987 : vector<16xi32> to vector<16xf32>
      %broadcast_in_dim3A_989 = arith.constant true
      %broadcast_in_dim3A_990 = vector.broadcast %broadcast_in_dim3A_989 : i1 to vector<16xi1>
      %masked_cumsum3A_991 = tpu.scan <sum>, %convert_element_type3A_988 masked %broadcast_in_dim3A_990 : vector<16xf32>, vector<16xi1> -> vector<16xf32>
      %eq3A_992 = vector.broadcast %scan3A : f32 to vector<16xf32>
      %eq3A_993 = arith.cmpf oeq, %masked_cumsum3A_991, %eq3A_992 : vector<16xf32>
      %convert_element_type3A_994 = arith.extui %eq3A_993 : vector<16xi1> to vector<16xi32>
      %convert_element_type3A_995 = arith.sitofp %convert_element_type3A_994 : vector<16xi32> to vector<16xf32>
      %mul3A_996 = arith.mulf %convert_element_type3A_988, %convert_element_type3A_995 : vector<16xf32>
      %add3A_997 = arith.addf %reduce_max3A_965, %reduce_max3A_984 : f32
      %add3A_998 = arith.constant 9.99999971E-10 : f32
      %add3A_999 = arith.addf %add3A_997, %add3A_998 : f32
      %broadcast_in_dim3A_1000 = vector.broadcast %add3A_999 : f32 to vector<16xf32>
      %broadcast_in_dim3A_1001 = vector.broadcast %reduce_max3A_965 : f32 to vector<16xf32>
      %div3A_1002 = arith.divf %broadcast_in_dim3A_1001, %broadcast_in_dim3A_1000 : vector<16xf32>
      %broadcast_in_dim3A_1003 = vector.broadcast %reduce_max3A_984 : f32 to vector<16xf32>
      %div3A_1004 = arith.divf %broadcast_in_dim3A_1003, %broadcast_in_dim3A_1000 : vector<16xf32>
      %lt3A_1005 = arith.constant 4.500000e+01 : f32
      %lt3A_1006 = vector.broadcast %lt3A_1005 : f32 to vector<16xf32>
      %lt3A_1007 = arith.cmpf olt, %add3A_938, %lt3A_1006 : vector<16xf32>
      %convert_element_type3A_1008 = arith.extui %lt3A_1007 : vector<16xi1> to vector<16xi32>
      %convert_element_type3A_1009 = arith.sitofp %convert_element_type3A_1008 : vector<16xi32> to vector<16xf32>
      %mul3A_1010 = arith.mulf %mul3A_977, %convert_element_type3A_1009 : vector<16xf32>
      %reduce_sum3A_1011 = arith.constant true
      %reduce_sum3A_1012 = vector.broadcast %reduce_sum3A_1011 : i1 to vector<16xi1>
      %reduce_sum3A_1013 = tpu.scan <sum>, %mul3A_1010 masked %reduce_sum3A_1012 : vector<16xf32>, vector<16xi1> -> vector<16xf32>
      %reduce_sum3A_1014 = vector.extract %reduce_sum3A_1013[15] : f32 from vector<16xf32>
      %mul3A_1015 = arith.mulf %mul3A_1010, %add3A_938 : vector<16xf32>
      %reduce_sum3A_1016 = arith.constant true
      %reduce_sum3A_1017 = vector.broadcast %reduce_sum3A_1016 : i1 to vector<16xi1>
      %reduce_sum3A_1018 = tpu.scan <sum>, %mul3A_1015 masked %reduce_sum3A_1017 : vector<16xf32>, vector<16xi1> -> vector<16xf32>
      %reduce_sum3A_1019 = vector.extract %reduce_sum3A_1018[15] : f32 from vector<16xf32>
      %eq3A_1020 = arith.constant 7 : i32
      %eq3A_1021 = vector.broadcast %eq3A_1020 : i32 to vector<16xi32>
      %eq3A_1022 = arith.cmpi eq, %iota3A, %eq3A_1021 : vector<16xi32>
      %mul3A_1023 = arith.mulf %mul3A_977, %convert_element_type3A : vector<16xf32>
      %reduce_sum3A_1024 = arith.constant true
      %reduce_sum3A_1025 = vector.broadcast %reduce_sum3A_1024 : i1 to vector<16xi1>
      %reduce_sum3A_1026 = tpu.scan <sum>, %mul3A_1023 masked %reduce_sum3A_1025 : vector<16xf32>, vector<16xi1> -> vector<16xf32>
      %reduce_sum3A_1027 = vector.extract %reduce_sum3A_1026[15] : f32 from vector<16xf32>
      %broadcast_in_dim3A_1028 = vector.broadcast %reduce_sum3A_1027 : f32 to vector<16xf32>
      %select_n3A_1029 = arith.select %eq3A_1022, %broadcast_in_dim3A_1028, %select_n3A_913 : vector<16xi1>, vector<16xf32>
      %gt3A_1030 = arith.constant 0.000000e+00 : f32
      %gt3A_1031 = arith.cmpf ogt, %reduce_sum3A_1014, %gt3A_1030 : f32
      %jit3A_1032 = arith.constant -1.000000e+00 : f32
      %select_n3A_1033 = arith.select %gt3A_1031, %reduce_sum3A_1019, %jit3A_1032 : f32
      %broadcast_in_dim3A_1034 = vector.broadcast %select_n3A_1033 : f32 to vector<16xf32>
      %select_n3A_1035 = arith.select %eq3A_1022, %broadcast_in_dim3A_1034, %select_n3A_919 : vector<16xi1>, vector<16xf32>
      %broadcast_in_dim3A_1036 = vector.broadcast %reduce_sum3A_1014 : f32 to vector<16xf32>
      %mul3A_1037 = arith.mulf %div3A_1002, %broadcast_in_dim3A_1036 : vector<16xf32>
      %select_n3A_1038 = arith.select %eq3A_1022, %mul3A_1037, %select_n3A_922 : vector<16xi1>, vector<16xf32>
      %mul3A_1039 = arith.mulf %mul3A_996, %convert_element_type3A : vector<16xf32>
      %reduce_sum3A_1040 = arith.constant true
      %reduce_sum3A_1041 = vector.broadcast %reduce_sum3A_1040 : i1 to vector<16xi1>
      %reduce_sum3A_1042 = tpu.scan <sum>, %mul3A_1039 masked %reduce_sum3A_1041 : vector<16xf32>, vector<16xi1> -> vector<16xf32>
      %reduce_sum3A_1043 = vector.extract %reduce_sum3A_1042[15] : f32 from vector<16xf32>
      %broadcast_in_dim3A_1044 = vector.broadcast %reduce_sum3A_1043 : f32 to vector<16xf32>
      %select_n3A_1045 = arith.select %eq3A_1022, %broadcast_in_dim3A_1044, %select_n3A_929 : vector<16xi1>, vector<16xf32>
      %mul3A_1046 = arith.mulf %mul3A_996, %add3A_939 : vector<16xf32>
      %reduce_sum3A_1047 = arith.constant true
      %reduce_sum3A_1048 = vector.broadcast %reduce_sum3A_1047 : i1 to vector<16xi1>
      %reduce_sum3A_1049 = tpu.scan <sum>, %mul3A_1046 masked %reduce_sum3A_1048 : vector<16xf32>, vector<16xi1> -> vector<16xf32>
      %reduce_sum3A_1050 = vector.extract %reduce_sum3A_1049[15] : f32 from vector<16xf32>
      %broadcast_in_dim3A_1051 = vector.broadcast %reduce_sum3A_1050 : f32 to vector<16xf32>
      %select_n3A_1052 = arith.select %eq3A_1022, %broadcast_in_dim3A_1051, %select_n3A_936 : vector<16xi1>, vector<16xf32>
      %select_n3A_1053 = arith.select %eq3A_1022, %div3A_1004, %select_n3A_937 : vector<16xi1>, vector<16xf32>
      %add3A_1054 = arith.addf %add3A_938, %mul3A_977 : vector<16xf32>
      %add3A_1055 = arith.addf %add3A_939, %mul3A_996 : vector<16xf32>
      %add3A_1056 = arith.addf %add3A_940, %div3A_961 : vector<16xf32>
      %mul3A_1057 = arith.constant 256 : i32
      %mul3A_1058 = arith.muli %scan3A_134, %mul3A_1057 : i32
      %add3A_1059 = arith.constant 128 : i32
      %add3A_1060 = arith.addi %mul3A_1058, %add3A_1059 : i32
      %get3A_1061 = arith.index_cast %add3A_1060 : i32 to index
      %get3A_1062 = tpu.vector_load %arg12[%get3A_1061] {strides = array<i32>} : memref<9216xf32, #tpu.memory_space<vmem>>, vector<16xf32>,
      %mul3A_1063 = arith.mulf %get3A_1062, %get3A_13 : vector<16xf32>
      %add3A_1064 = arith.addf %mul3A_1063, %get3A_17 : vector<16xf32>
      %reduce_max3A_1065 = arith.constant true
      %reduce_max3A_1066 = vector.broadcast %reduce_max3A_1065 : i1 to vector<16xi1>
      %reduce_max3A_1067 = tpu.scan <max>, %add3A_1064 masked %reduce_max3A_1066 : vector<16xf32>, vector<16xi1> -> vector<16xf32>
      %reduce_max3A_1068 = vector.extract %reduce_max3A_1067[15] : f32 from vector<16xf32>
      %sub3A_1069 = vector.broadcast %reduce_max3A_1068 : f32 to vector<16xf32>
      %sub3A_1070 = arith.subf %add3A_1064, %sub3A_1069 : vector<16xf32>
      %exp3A_1071 = math.exp %sub3A_1070 : vector<16xf32>
      %reduce_sum3A_1072 = arith.constant true
      %reduce_sum3A_1073 = vector.broadcast %reduce_sum3A_1072 : i1 to vector<16xi1>
      %reduce_sum3A_1074 = tpu.scan <sum>, %exp3A_1071 masked %reduce_sum3A_1073 : vector<16xf32>, vector<16xi1> -> vector<16xf32>
      %reduce_sum3A_1075 = vector.extract %reduce_sum3A_1074[15] : f32 from vector<16xf32>
      %broadcast_in_dim3A_1076 = vector.broadcast %reduce_sum3A_1075 : f32 to vector<16xf32>
      %div3A_1077 = arith.divf %exp3A_1071, %broadcast_in_dim3A_1076 : vector<16xf32>
      %reduce_max3A_1078 = arith.constant true
      %reduce_max3A_1079 = vector.broadcast %reduce_max3A_1078 : i1 to vector<16xi1>
      %reduce_max3A_1080 = tpu.scan <max>, %div3A_1077 masked %reduce_max3A_1079 : vector<16xf32>, vector<16xi1> -> vector<16xf32>
      %reduce_max3A_1081 = vector.extract %reduce_max3A_1080[15] : f32 from vector<16xf32>
      %eq3A_1082 = vector.broadcast %reduce_max3A_1081 : f32 to vector<16xf32>
      %eq3A_1083 = arith.cmpf oeq, %div3A_1077, %eq3A_1082 : vector<16xf32>
      %convert_element_type3A_1084 = arith.extui %eq3A_1083 : vector<16xi1> to vector<16xi32>
      %convert_element_type3A_1085 = arith.sitofp %convert_element_type3A_1084 : vector<16xi32> to vector<16xf32>
      %broadcast_in_dim3A_1086 = arith.constant true
      %broadcast_in_dim3A_1087 = vector.broadcast %broadcast_in_dim3A_1086 : i1 to vector<16xi1>
      %masked_cumsum3A_1088 = tpu.scan <sum>, %convert_element_type3A_1085 masked %broadcast_in_dim3A_1087 : vector<16xf32>, vector<16xi1> -> vector<16xf32>
      %eq3A_1089 = vector.broadcast %scan3A : f32 to vector<16xf32>
      %eq3A_1090 = arith.cmpf oeq, %masked_cumsum3A_1088, %eq3A_1089 : vector<16xf32>
      %convert_element_type3A_1091 = arith.extui %eq3A_1090 : vector<16xi1> to vector<16xi32>
      %convert_element_type3A_1092 = arith.sitofp %convert_element_type3A_1091 : vector<16xi32> to vector<16xf32>
      %mul3A_1093 = arith.mulf %convert_element_type3A_1085, %convert_element_type3A_1092 : vector<16xf32>
      %sub3A_1094 = vector.broadcast %scan3A : f32 to vector<16xf32>
      %sub3A_1095 = arith.subf %sub3A_1094, %mul3A_1093 : vector<16xf32>
      %mul3A_1096 = arith.mulf %div3A_1077, %sub3A_1095 : vector<16xf32>
      %reduce_max3A_1097 = arith.constant true
      %reduce_max3A_1098 = vector.broadcast %reduce_max3A_1097 : i1 to vector<16xi1>
      %reduce_max3A_1099 = tpu.scan <max>, %mul3A_1096 masked %reduce_max3A_1098 : vector<16xf32>, vector<16xi1> -> vector<16xf32>
      %reduce_max3A_1100 = vector.extract %reduce_max3A_1099[15] : f32 from vector<16xf32>
      %eq3A_1101 = vector.broadcast %reduce_max3A_1100 : f32 to vector<16xf32>
      %eq3A_1102 = arith.cmpf oeq, %mul3A_1096, %eq3A_1101 : vector<16xf32>
      %convert_element_type3A_1103 = arith.extui %eq3A_1102 : vector<16xi1> to vector<16xi32>
      %convert_element_type3A_1104 = arith.sitofp %convert_element_type3A_1103 : vector<16xi32> to vector<16xf32>
      %broadcast_in_dim3A_1105 = arith.constant true
      %broadcast_in_dim3A_1106 = vector.broadcast %broadcast_in_dim3A_1105 : i1 to vector<16xi1>
      %masked_cumsum3A_1107 = tpu.scan <sum>, %convert_element_type3A_1104 masked %broadcast_in_dim3A_1106 : vector<16xf32>, vector<16xi1> -> vector<16xf32>
      %eq3A_1108 = vector.broadcast %scan3A : f32 to vector<16xf32>
      %eq3A_1109 = arith.cmpf oeq, %masked_cumsum3A_1107, %eq3A_1108 : vector<16xf32>
      %convert_element_type3A_1110 = arith.extui %eq3A_1109 : vector<16xi1> to vector<16xi32>
      %convert_element_type3A_1111 = arith.sitofp %convert_element_type3A_1110 : vector<16xi32> to vector<16xf32>
      %mul3A_1112 = arith.mulf %convert_element_type3A_1104, %convert_element_type3A_1111 : vector<16xf32>
      %add3A_1113 = arith.addf %reduce_max3A_1081, %reduce_max3A_1100 : f32
      %add3A_1114 = arith.constant 9.99999971E-10 : f32
      %add3A_1115 = arith.addf %add3A_1113, %add3A_1114 : f32
      %broadcast_in_dim3A_1116 = vector.broadcast %add3A_1115 : f32 to vector<16xf32>
      %broadcast_in_dim3A_1117 = vector.broadcast %reduce_max3A_1081 : f32 to vector<16xf32>
      %div3A_1118 = arith.divf %broadcast_in_dim3A_1117, %broadcast_in_dim3A_1116 : vector<16xf32>
      %broadcast_in_dim3A_1119 = vector.broadcast %reduce_max3A_1100 : f32 to vector<16xf32>
      %div3A_1120 = arith.divf %broadcast_in_dim3A_1119, %broadcast_in_dim3A_1116 : vector<16xf32>
      %lt3A_1121 = arith.constant 4.500000e+01 : f32
      %lt3A_1122 = vector.broadcast %lt3A_1121 : f32 to vector<16xf32>
      %lt3A_1123 = arith.cmpf olt, %add3A_1054, %lt3A_1122 : vector<16xf32>
      %convert_element_type3A_1124 = arith.extui %lt3A_1123 : vector<16xi1> to vector<16xi32>
      %convert_element_type3A_1125 = arith.sitofp %convert_element_type3A_1124 : vector<16xi32> to vector<16xf32>
      %mul3A_1126 = arith.mulf %mul3A_1093, %convert_element_type3A_1125 : vector<16xf32>
      %reduce_sum3A_1127 = arith.constant true
      %reduce_sum3A_1128 = vector.broadcast %reduce_sum3A_1127 : i1 to vector<16xi1>
      %reduce_sum3A_1129 = tpu.scan <sum>, %mul3A_1126 masked %reduce_sum3A_1128 : vector<16xf32>, vector<16xi1> -> vector<16xf32>
      %reduce_sum3A_1130 = vector.extract %reduce_sum3A_1129[15] : f32 from vector<16xf32>
      %mul3A_1131 = arith.mulf %mul3A_1126, %add3A_1054 : vector<16xf32>
      %reduce_sum3A_1132 = arith.constant true
      %reduce_sum3A_1133 = vector.broadcast %reduce_sum3A_1132 : i1 to vector<16xi1>
      %reduce_sum3A_1134 = tpu.scan <sum>, %mul3A_1131 masked %reduce_sum3A_1133 : vector<16xf32>, vector<16xi1> -> vector<16xf32>
      %reduce_sum3A_1135 = vector.extract %reduce_sum3A_1134[15] : f32 from vector<16xf32>
      %eq3A_1136 = arith.constant 8 : i32
      %eq3A_1137 = vector.broadcast %eq3A_1136 : i32 to vector<16xi32>
      %eq3A_1138 = arith.cmpi eq, %iota3A, %eq3A_1137 : vector<16xi32>
      %mul3A_1139 = arith.mulf %mul3A_1093, %convert_element_type3A : vector<16xf32>
      %reduce_sum3A_1140 = arith.constant true
      %reduce_sum3A_1141 = vector.broadcast %reduce_sum3A_1140 : i1 to vector<16xi1>
      %reduce_sum3A_1142 = tpu.scan <sum>, %mul3A_1139 masked %reduce_sum3A_1141 : vector<16xf32>, vector<16xi1> -> vector<16xf32>
      %reduce_sum3A_1143 = vector.extract %reduce_sum3A_1142[15] : f32 from vector<16xf32>
      %broadcast_in_dim3A_1144 = vector.broadcast %reduce_sum3A_1143 : f32 to vector<16xf32>
      %select_n3A_1145 = arith.select %eq3A_1138, %broadcast_in_dim3A_1144, %select_n3A_1029 : vector<16xi1>, vector<16xf32>
      %gt3A_1146 = arith.constant 0.000000e+00 : f32
      %gt3A_1147 = arith.cmpf ogt, %reduce_sum3A_1130, %gt3A_1146 : f32
      %jit3A_1148 = arith.constant -1.000000e+00 : f32
      %select_n3A_1149 = arith.select %gt3A_1147, %reduce_sum3A_1135, %jit3A_1148 : f32
      %broadcast_in_dim3A_1150 = vector.broadcast %select_n3A_1149 : f32 to vector<16xf32>
      %select_n3A_1151 = arith.select %eq3A_1138, %broadcast_in_dim3A_1150, %select_n3A_1035 : vector<16xi1>, vector<16xf32>
      %broadcast_in_dim3A_1152 = vector.broadcast %reduce_sum3A_1130 : f32 to vector<16xf32>
      %mul3A_1153 = arith.mulf %div3A_1118, %broadcast_in_dim3A_1152 : vector<16xf32>
      %select_n3A_1154 = arith.select %eq3A_1138, %mul3A_1153, %select_n3A_1038 : vector<16xi1>, vector<16xf32>
      %mul3A_1155 = arith.mulf %mul3A_1112, %convert_element_type3A : vector<16xf32>
      %reduce_sum3A_1156 = arith.constant true
      %reduce_sum3A_1157 = vector.broadcast %reduce_sum3A_1156 : i1 to vector<16xi1>
      %reduce_sum3A_1158 = tpu.scan <sum>, %mul3A_1155 masked %reduce_sum3A_1157 : vector<16xf32>, vector<16xi1> -> vector<16xf32>
      %reduce_sum3A_1159 = vector.extract %reduce_sum3A_1158[15] : f32 from vector<16xf32>
      %broadcast_in_dim3A_1160 = vector.broadcast %reduce_sum3A_1159 : f32 to vector<16xf32>
      %select_n3A_1161 = arith.select %eq3A_1138, %broadcast_in_dim3A_1160, %select_n3A_1045 : vector<16xi1>, vector<16xf32>
      %mul3A_1162 = arith.mulf %mul3A_1112, %add3A_1055 : vector<16xf32>
      %reduce_sum3A_1163 = arith.constant true
      %reduce_sum3A_1164 = vector.broadcast %reduce_sum3A_1163 : i1 to vector<16xi1>
      %reduce_sum3A_1165 = tpu.scan <sum>, %mul3A_1162 masked %reduce_sum3A_1164 : vector<16xf32>, vector<16xi1> -> vector<16xf32>
      %reduce_sum3A_1166 = vector.extract %reduce_sum3A_1165[15] : f32 from vector<16xf32>
      %broadcast_in_dim3A_1167 = vector.broadcast %reduce_sum3A_1166 : f32 to vector<16xf32>
      %select_n3A_1168 = arith.select %eq3A_1138, %broadcast_in_dim3A_1167, %select_n3A_1052 : vector<16xi1>, vector<16xf32>
      %select_n3A_1169 = arith.select %eq3A_1138, %div3A_1120, %select_n3A_1053 : vector<16xi1>, vector<16xf32>
      %add3A_1170 = arith.addf %add3A_1054, %mul3A_1093 : vector<16xf32>
      %add3A_1171 = arith.addf %add3A_1055, %mul3A_1112 : vector<16xf32>
      %add3A_1172 = arith.addf %add3A_1056, %div3A_1077 : vector<16xf32>
      %mul3A_1173 = arith.constant 256 : i32
      %mul3A_1174 = arith.muli %scan3A_134, %mul3A_1173 : i32
      %add3A_1175 = arith.constant 144 : i32
      %add3A_1176 = arith.addi %mul3A_1174, %add3A_1175 : i32
      %get3A_1177 = arith.index_cast %add3A_1176 : i32 to index
      %get3A_1178 = tpu.vector_load %arg12[%get3A_1177] {strides = array<i32>} : memref<9216xf32, #tpu.memory_space<vmem>>, vector<16xf32>,
      %mul3A_1179 = arith.mulf %get3A_1178, %get3A_13 : vector<16xf32>
      %add3A_1180 = arith.addf %mul3A_1179, %get3A_17 : vector<16xf32>
      %reduce_max3A_1181 = arith.constant true
      %reduce_max3A_1182 = vector.broadcast %reduce_max3A_1181 : i1 to vector<16xi1>
      %reduce_max3A_1183 = tpu.scan <max>, %add3A_1180 masked %reduce_max3A_1182 : vector<16xf32>, vector<16xi1> -> vector<16xf32>
      %reduce_max3A_1184 = vector.extract %reduce_max3A_1183[15] : f32 from vector<16xf32>
      %sub3A_1185 = vector.broadcast %reduce_max3A_1184 : f32 to vector<16xf32>
      %sub3A_1186 = arith.subf %add3A_1180, %sub3A_1185 : vector<16xf32>
      %exp3A_1187 = math.exp %sub3A_1186 : vector<16xf32>
      %reduce_sum3A_1188 = arith.constant true
      %reduce_sum3A_1189 = vector.broadcast %reduce_sum3A_1188 : i1 to vector<16xi1>
      %reduce_sum3A_1190 = tpu.scan <sum>, %exp3A_1187 masked %reduce_sum3A_1189 : vector<16xf32>, vector<16xi1> -> vector<16xf32>
      %reduce_sum3A_1191 = vector.extract %reduce_sum3A_1190[15] : f32 from vector<16xf32>
      %broadcast_in_dim3A_1192 = vector.broadcast %reduce_sum3A_1191 : f32 to vector<16xf32>
      %div3A_1193 = arith.divf %exp3A_1187, %broadcast_in_dim3A_1192 : vector<16xf32>
      %reduce_max3A_1194 = arith.constant true
      %reduce_max3A_1195 = vector.broadcast %reduce_max3A_1194 : i1 to vector<16xi1>
      %reduce_max3A_1196 = tpu.scan <max>, %div3A_1193 masked %reduce_max3A_1195 : vector<16xf32>, vector<16xi1> -> vector<16xf32>
      %reduce_max3A_1197 = vector.extract %reduce_max3A_1196[15] : f32 from vector<16xf32>
      %eq3A_1198 = vector.broadcast %reduce_max3A_1197 : f32 to vector<16xf32>
      %eq3A_1199 = arith.cmpf oeq, %div3A_1193, %eq3A_1198 : vector<16xf32>
      %convert_element_type3A_1200 = arith.extui %eq3A_1199 : vector<16xi1> to vector<16xi32>
      %convert_element_type3A_1201 = arith.sitofp %convert_element_type3A_1200 : vector<16xi32> to vector<16xf32>
      %broadcast_in_dim3A_1202 = arith.constant true
      %broadcast_in_dim3A_1203 = vector.broadcast %broadcast_in_dim3A_1202 : i1 to vector<16xi1>
      %masked_cumsum3A_1204 = tpu.scan <sum>, %convert_element_type3A_1201 masked %broadcast_in_dim3A_1203 : vector<16xf32>, vector<16xi1> -> vector<16xf32>
      %eq3A_1205 = vector.broadcast %scan3A : f32 to vector<16xf32>
      %eq3A_1206 = arith.cmpf oeq, %masked_cumsum3A_1204, %eq3A_1205 : vector<16xf32>
      %convert_element_type3A_1207 = arith.extui %eq3A_1206 : vector<16xi1> to vector<16xi32>
      %convert_element_type3A_1208 = arith.sitofp %convert_element_type3A_1207 : vector<16xi32> to vector<16xf32>
      %mul3A_1209 = arith.mulf %convert_element_type3A_1201, %convert_element_type3A_1208 : vector<16xf32>
      %sub3A_1210 = vector.broadcast %scan3A : f32 to vector<16xf32>
      %sub3A_1211 = arith.subf %sub3A_1210, %mul3A_1209 : vector<16xf32>
      %mul3A_1212 = arith.mulf %div3A_1193, %sub3A_1211 : vector<16xf32>
      %reduce_max3A_1213 = arith.constant true
      %reduce_max3A_1214 = vector.broadcast %reduce_max3A_1213 : i1 to vector<16xi1>
      %reduce_max3A_1215 = tpu.scan <max>, %mul3A_1212 masked %reduce_max3A_1214 : vector<16xf32>, vector<16xi1> -> vector<16xf32>
      %reduce_max3A_1216 = vector.extract %reduce_max3A_1215[15] : f32 from vector<16xf32>
      %eq3A_1217 = vector.broadcast %reduce_max3A_1216 : f32 to vector<16xf32>
      %eq3A_1218 = arith.cmpf oeq, %mul3A_1212, %eq3A_1217 : vector<16xf32>
      %convert_element_type3A_1219 = arith.extui %eq3A_1218 : vector<16xi1> to vector<16xi32>
      %convert_element_type3A_1220 = arith.sitofp %convert_element_type3A_1219 : vector<16xi32> to vector<16xf32>
      %broadcast_in_dim3A_1221 = arith.constant true
      %broadcast_in_dim3A_1222 = vector.broadcast %broadcast_in_dim3A_1221 : i1 to vector<16xi1>
      %masked_cumsum3A_1223 = tpu.scan <sum>, %convert_element_type3A_1220 masked %broadcast_in_dim3A_1222 : vector<16xf32>, vector<16xi1> -> vector<16xf32>
      %eq3A_1224 = vector.broadcast %scan3A : f32 to vector<16xf32>
      %eq3A_1225 = arith.cmpf oeq, %masked_cumsum3A_1223, %eq3A_1224 : vector<16xf32>
      %convert_element_type3A_1226 = arith.extui %eq3A_1225 : vector<16xi1> to vector<16xi32>
      %convert_element_type3A_1227 = arith.sitofp %convert_element_type3A_1226 : vector<16xi32> to vector<16xf32>
      %mul3A_1228 = arith.mulf %convert_element_type3A_1220, %convert_element_type3A_1227 : vector<16xf32>
      %add3A_1229 = arith.addf %reduce_max3A_1197, %reduce_max3A_1216 : f32
      %add3A_1230 = arith.constant 9.99999971E-10 : f32
      %add3A_1231 = arith.addf %add3A_1229, %add3A_1230 : f32
      %broadcast_in_dim3A_1232 = vector.broadcast %add3A_1231 : f32 to vector<16xf32>
      %broadcast_in_dim3A_1233 = vector.broadcast %reduce_max3A_1197 : f32 to vector<16xf32>
      %div3A_1234 = arith.divf %broadcast_in_dim3A_1233, %broadcast_in_dim3A_1232 : vector<16xf32>
      %broadcast_in_dim3A_1235 = vector.broadcast %reduce_max3A_1216 : f32 to vector<16xf32>
      %div3A_1236 = arith.divf %broadcast_in_dim3A_1235, %broadcast_in_dim3A_1232 : vector<16xf32>
      %lt3A_1237 = arith.constant 4.500000e+01 : f32
      %lt3A_1238 = vector.broadcast %lt3A_1237 : f32 to vector<16xf32>
      %lt3A_1239 = arith.cmpf olt, %add3A_1170, %lt3A_1238 : vector<16xf32>
      %convert_element_type3A_1240 = arith.extui %lt3A_1239 : vector<16xi1> to vector<16xi32>
      %convert_element_type3A_1241 = arith.sitofp %convert_element_type3A_1240 : vector<16xi32> to vector<16xf32>
      %mul3A_1242 = arith.mulf %mul3A_1209, %convert_element_type3A_1241 : vector<16xf32>
      %reduce_sum3A_1243 = arith.constant true
      %reduce_sum3A_1244 = vector.broadcast %reduce_sum3A_1243 : i1 to vector<16xi1>
      %reduce_sum3A_1245 = tpu.scan <sum>, %mul3A_1242 masked %reduce_sum3A_1244 : vector<16xf32>, vector<16xi1> -> vector<16xf32>
      %reduce_sum3A_1246 = vector.extract %reduce_sum3A_1245[15] : f32 from vector<16xf32>
      %mul3A_1247 = arith.mulf %mul3A_1242, %add3A_1170 : vector<16xf32>
      %reduce_sum3A_1248 = arith.constant true
      %reduce_sum3A_1249 = vector.broadcast %reduce_sum3A_1248 : i1 to vector<16xi1>
      %reduce_sum3A_1250 = tpu.scan <sum>, %mul3A_1247 masked %reduce_sum3A_1249 : vector<16xf32>, vector<16xi1> -> vector<16xf32>
      %reduce_sum3A_1251 = vector.extract %reduce_sum3A_1250[15] : f32 from vector<16xf32>
      %eq3A_1252 = arith.constant 9 : i32
      %eq3A_1253 = vector.broadcast %eq3A_1252 : i32 to vector<16xi32>
      %eq3A_1254 = arith.cmpi eq, %iota3A, %eq3A_1253 : vector<16xi32>
      %mul3A_1255 = arith.mulf %mul3A_1209, %convert_element_type3A : vector<16xf32>
      %reduce_sum3A_1256 = arith.constant true
      %reduce_sum3A_1257 = vector.broadcast %reduce_sum3A_1256 : i1 to vector<16xi1>
      %reduce_sum3A_1258 = tpu.scan <sum>, %mul3A_1255 masked %reduce_sum3A_1257 : vector<16xf32>, vector<16xi1> -> vector<16xf32>
      %reduce_sum3A_1259 = vector.extract %reduce_sum3A_1258[15] : f32 from vector<16xf32>
      %broadcast_in_dim3A_1260 = vector.broadcast %reduce_sum3A_1259 : f32 to vector<16xf32>
      %select_n3A_1261 = arith.select %eq3A_1254, %broadcast_in_dim3A_1260, %select_n3A_1145 : vector<16xi1>, vector<16xf32>
      %gt3A_1262 = arith.constant 0.000000e+00 : f32
      %gt3A_1263 = arith.cmpf ogt, %reduce_sum3A_1246, %gt3A_1262 : f32
      %jit3A_1264 = arith.constant -1.000000e+00 : f32
      %select_n3A_1265 = arith.select %gt3A_1263, %reduce_sum3A_1251, %jit3A_1264 : f32
      %broadcast_in_dim3A_1266 = vector.broadcast %select_n3A_1265 : f32 to vector<16xf32>
      %select_n3A_1267 = arith.select %eq3A_1254, %broadcast_in_dim3A_1266, %select_n3A_1151 : vector<16xi1>, vector<16xf32>
      %broadcast_in_dim3A_1268 = vector.broadcast %reduce_sum3A_1246 : f32 to vector<16xf32>
      %mul3A_1269 = arith.mulf %div3A_1234, %broadcast_in_dim3A_1268 : vector<16xf32>
      %select_n3A_1270 = arith.select %eq3A_1254, %mul3A_1269, %select_n3A_1154 : vector<16xi1>, vector<16xf32>
      %mul3A_1271 = arith.mulf %mul3A_1228, %convert_element_type3A : vector<16xf32>
      %reduce_sum3A_1272 = arith.constant true
      %reduce_sum3A_1273 = vector.broadcast %reduce_sum3A_1272 : i1 to vector<16xi1>
      %reduce_sum3A_1274 = tpu.scan <sum>, %mul3A_1271 masked %reduce_sum3A_1273 : vector<16xf32>, vector<16xi1> -> vector<16xf32>
      %reduce_sum3A_1275 = vector.extract %reduce_sum3A_1274[15] : f32 from vector<16xf32>
      %broadcast_in_dim3A_1276 = vector.broadcast %reduce_sum3A_1275 : f32 to vector<16xf32>
      %select_n3A_1277 = arith.select %eq3A_1254, %broadcast_in_dim3A_1276, %select_n3A_1161 : vector<16xi1>, vector<16xf32>
      %mul3A_1278 = arith.mulf %mul3A_1228, %add3A_1171 : vector<16xf32>
      %reduce_sum3A_1279 = arith.constant true
      %reduce_sum3A_1280 = vector.broadcast %reduce_sum3A_1279 : i1 to vector<16xi1>
      %reduce_sum3A_1281 = tpu.scan <sum>, %mul3A_1278 masked %reduce_sum3A_1280 : vector<16xf32>, vector<16xi1> -> vector<16xf32>
      %reduce_sum3A_1282 = vector.extract %reduce_sum3A_1281[15] : f32 from vector<16xf32>
      %broadcast_in_dim3A_1283 = vector.broadcast %reduce_sum3A_1282 : f32 to vector<16xf32>
      %select_n3A_1284 = arith.select %eq3A_1254, %broadcast_in_dim3A_1283, %select_n3A_1168 : vector<16xi1>, vector<16xf32>
      %select_n3A_1285 = arith.select %eq3A_1254, %div3A_1236, %select_n3A_1169 : vector<16xi1>, vector<16xf32>
      %add3A_1286 = arith.addf %add3A_1170, %mul3A_1209 : vector<16xf32>
      %add3A_1287 = arith.addf %add3A_1171, %mul3A_1228 : vector<16xf32>
      %add3A_1288 = arith.addf %add3A_1172, %div3A_1193 : vector<16xf32>
      %mul3A_1289 = arith.constant 256 : i32
      %mul3A_1290 = arith.muli %scan3A_134, %mul3A_1289 : i32
      %add3A_1291 = arith.constant 160 : i32
      %add3A_1292 = arith.addi %mul3A_1290, %add3A_1291 : i32
      %get3A_1293 = arith.index_cast %add3A_1292 : i32 to index
      %get3A_1294 = tpu.vector_load %arg12[%get3A_1293] {strides = array<i32>} : memref<9216xf32, #tpu.memory_space<vmem>>, vector<16xf32>,
      %mul3A_1295 = arith.mulf %get3A_1294, %get3A_13 : vector<16xf32>
      %add3A_1296 = arith.addf %mul3A_1295, %get3A_17 : vector<16xf32>
      %reduce_max3A_1297 = arith.constant true
      %reduce_max3A_1298 = vector.broadcast %reduce_max3A_1297 : i1 to vector<16xi1>
      %reduce_max3A_1299 = tpu.scan <max>, %add3A_1296 masked %reduce_max3A_1298 : vector<16xf32>, vector<16xi1> -> vector<16xf32>
      %reduce_max3A_1300 = vector.extract %reduce_max3A_1299[15] : f32 from vector<16xf32>
      %sub3A_1301 = vector.broadcast %reduce_max3A_1300 : f32 to vector<16xf32>
      %sub3A_1302 = arith.subf %add3A_1296, %sub3A_1301 : vector<16xf32>
      %exp3A_1303 = math.exp %sub3A_1302 : vector<16xf32>
      %reduce_sum3A_1304 = arith.constant true
      %reduce_sum3A_1305 = vector.broadcast %reduce_sum3A_1304 : i1 to vector<16xi1>
      %reduce_sum3A_1306 = tpu.scan <sum>, %exp3A_1303 masked %reduce_sum3A_1305 : vector<16xf32>, vector<16xi1> -> vector<16xf32>
      %reduce_sum3A_1307 = vector.extract %reduce_sum3A_1306[15] : f32 from vector<16xf32>
      %broadcast_in_dim3A_1308 = vector.broadcast %reduce_sum3A_1307 : f32 to vector<16xf32>
      %div3A_1309 = arith.divf %exp3A_1303, %broadcast_in_dim3A_1308 : vector<16xf32>
      %reduce_max3A_1310 = arith.constant true
      %reduce_max3A_1311 = vector.broadcast %reduce_max3A_1310 : i1 to vector<16xi1>
      %reduce_max3A_1312 = tpu.scan <max>, %div3A_1309 masked %reduce_max3A_1311 : vector<16xf32>, vector<16xi1> -> vector<16xf32>
      %reduce_max3A_1313 = vector.extract %reduce_max3A_1312[15] : f32 from vector<16xf32>
      %eq3A_1314 = vector.broadcast %reduce_max3A_1313 : f32 to vector<16xf32>
      %eq3A_1315 = arith.cmpf oeq, %div3A_1309, %eq3A_1314 : vector<16xf32>
      %convert_element_type3A_1316 = arith.extui %eq3A_1315 : vector<16xi1> to vector<16xi32>
      %convert_element_type3A_1317 = arith.sitofp %convert_element_type3A_1316 : vector<16xi32> to vector<16xf32>
      %broadcast_in_dim3A_1318 = arith.constant true
      %broadcast_in_dim3A_1319 = vector.broadcast %broadcast_in_dim3A_1318 : i1 to vector<16xi1>
      %masked_cumsum3A_1320 = tpu.scan <sum>, %convert_element_type3A_1317 masked %broadcast_in_dim3A_1319 : vector<16xf32>, vector<16xi1> -> vector<16xf32>
      %eq3A_1321 = vector.broadcast %scan3A : f32 to vector<16xf32>
      %eq3A_1322 = arith.cmpf oeq, %masked_cumsum3A_1320, %eq3A_1321 : vector<16xf32>
      %convert_element_type3A_1323 = arith.extui %eq3A_1322 : vector<16xi1> to vector<16xi32>
      %convert_element_type3A_1324 = arith.sitofp %convert_element_type3A_1323 : vector<16xi32> to vector<16xf32>
      %mul3A_1325 = arith.mulf %convert_element_type3A_1317, %convert_element_type3A_1324 : vector<16xf32>
      %sub3A_1326 = vector.broadcast %scan3A : f32 to vector<16xf32>
      %sub3A_1327 = arith.subf %sub3A_1326, %mul3A_1325 : vector<16xf32>
      %mul3A_1328 = arith.mulf %div3A_1309, %sub3A_1327 : vector<16xf32>
      %reduce_max3A_1329 = arith.constant true
      %reduce_max3A_1330 = vector.broadcast %reduce_max3A_1329 : i1 to vector<16xi1>
      %reduce_max3A_1331 = tpu.scan <max>, %mul3A_1328 masked %reduce_max3A_1330 : vector<16xf32>, vector<16xi1> -> vector<16xf32>
      %reduce_max3A_1332 = vector.extract %reduce_max3A_1331[15] : f32 from vector<16xf32>
      %eq3A_1333 = vector.broadcast %reduce_max3A_1332 : f32 to vector<16xf32>
      %eq3A_1334 = arith.cmpf oeq, %mul3A_1328, %eq3A_1333 : vector<16xf32>
      %convert_element_type3A_1335 = arith.extui %eq3A_1334 : vector<16xi1> to vector<16xi32>
      %convert_element_type3A_1336 = arith.sitofp %convert_element_type3A_1335 : vector<16xi32> to vector<16xf32>
      %broadcast_in_dim3A_1337 = arith.constant true
      %broadcast_in_dim3A_1338 = vector.broadcast %broadcast_in_dim3A_1337 : i1 to vector<16xi1>
      %masked_cumsum3A_1339 = tpu.scan <sum>, %convert_element_type3A_1336 masked %broadcast_in_dim3A_1338 : vector<16xf32>, vector<16xi1> -> vector<16xf32>
      %eq3A_1340 = vector.broadcast %scan3A : f32 to vector<16xf32>
      %eq3A_1341 = arith.cmpf oeq, %masked_cumsum3A_1339, %eq3A_1340 : vector<16xf32>
      %convert_element_type3A_1342 = arith.extui %eq3A_1341 : vector<16xi1> to vector<16xi32>
      %convert_element_type3A_1343 = arith.sitofp %convert_element_type3A_1342 : vector<16xi32> to vector<16xf32>
      %mul3A_1344 = arith.mulf %convert_element_type3A_1336, %convert_element_type3A_1343 : vector<16xf32>
      %add3A_1345 = arith.addf %reduce_max3A_1313, %reduce_max3A_1332 : f32
      %add3A_1346 = arith.constant 9.99999971E-10 : f32
      %add3A_1347 = arith.addf %add3A_1345, %add3A_1346 : f32
      %broadcast_in_dim3A_1348 = vector.broadcast %add3A_1347 : f32 to vector<16xf32>
      %broadcast_in_dim3A_1349 = vector.broadcast %reduce_max3A_1313 : f32 to vector<16xf32>
      %div3A_1350 = arith.divf %broadcast_in_dim3A_1349, %broadcast_in_dim3A_1348 : vector<16xf32>
      %broadcast_in_dim3A_1351 = vector.broadcast %reduce_max3A_1332 : f32 to vector<16xf32>
      %div3A_1352 = arith.divf %broadcast_in_dim3A_1351, %broadcast_in_dim3A_1348 : vector<16xf32>
      %lt3A_1353 = arith.constant 4.500000e+01 : f32
      %lt3A_1354 = vector.broadcast %lt3A_1353 : f32 to vector<16xf32>
      %lt3A_1355 = arith.cmpf olt, %add3A_1286, %lt3A_1354 : vector<16xf32>
      %convert_element_type3A_1356 = arith.extui %lt3A_1355 : vector<16xi1> to vector<16xi32>
      %convert_element_type3A_1357 = arith.sitofp %convert_element_type3A_1356 : vector<16xi32> to vector<16xf32>
      %mul3A_1358 = arith.mulf %mul3A_1325, %convert_element_type3A_1357 : vector<16xf32>
      %reduce_sum3A_1359 = arith.constant true
      %reduce_sum3A_1360 = vector.broadcast %reduce_sum3A_1359 : i1 to vector<16xi1>
      %reduce_sum3A_1361 = tpu.scan <sum>, %mul3A_1358 masked %reduce_sum3A_1360 : vector<16xf32>, vector<16xi1> -> vector<16xf32>
      %reduce_sum3A_1362 = vector.extract %reduce_sum3A_1361[15] : f32 from vector<16xf32>
      %mul3A_1363 = arith.mulf %mul3A_1358, %add3A_1286 : vector<16xf32>
      %reduce_sum3A_1364 = arith.constant true
      %reduce_sum3A_1365 = vector.broadcast %reduce_sum3A_1364 : i1 to vector<16xi1>
      %reduce_sum3A_1366 = tpu.scan <sum>, %mul3A_1363 masked %reduce_sum3A_1365 : vector<16xf32>, vector<16xi1> -> vector<16xf32>
      %reduce_sum3A_1367 = vector.extract %reduce_sum3A_1366[15] : f32 from vector<16xf32>
      %eq3A_1368 = arith.constant 10 : i32
      %eq3A_1369 = vector.broadcast %eq3A_1368 : i32 to vector<16xi32>
      %eq3A_1370 = arith.cmpi eq, %iota3A, %eq3A_1369 : vector<16xi32>
      %mul3A_1371 = arith.mulf %mul3A_1325, %convert_element_type3A : vector<16xf32>
      %reduce_sum3A_1372 = arith.constant true
      %reduce_sum3A_1373 = vector.broadcast %reduce_sum3A_1372 : i1 to vector<16xi1>
      %reduce_sum3A_1374 = tpu.scan <sum>, %mul3A_1371 masked %reduce_sum3A_1373 : vector<16xf32>, vector<16xi1> -> vector<16xf32>
      %reduce_sum3A_1375 = vector.extract %reduce_sum3A_1374[15] : f32 from vector<16xf32>
      %broadcast_in_dim3A_1376 = vector.broadcast %reduce_sum3A_1375 : f32 to vector<16xf32>
      %select_n3A_1377 = arith.select %eq3A_1370, %broadcast_in_dim3A_1376, %select_n3A_1261 : vector<16xi1>, vector<16xf32>
      %gt3A_1378 = arith.constant 0.000000e+00 : f32
      %gt3A_1379 = arith.cmpf ogt, %reduce_sum3A_1362, %gt3A_1378 : f32
      %jit3A_1380 = arith.constant -1.000000e+00 : f32
      %select_n3A_1381 = arith.select %gt3A_1379, %reduce_sum3A_1367, %jit3A_1380 : f32
      %broadcast_in_dim3A_1382 = vector.broadcast %select_n3A_1381 : f32 to vector<16xf32>
      %select_n3A_1383 = arith.select %eq3A_1370, %broadcast_in_dim3A_1382, %select_n3A_1267 : vector<16xi1>, vector<16xf32>
      %broadcast_in_dim3A_1384 = vector.broadcast %reduce_sum3A_1362 : f32 to vector<16xf32>
      %mul3A_1385 = arith.mulf %div3A_1350, %broadcast_in_dim3A_1384 : vector<16xf32>
      %select_n3A_1386 = arith.select %eq3A_1370, %mul3A_1385, %select_n3A_1270 : vector<16xi1>, vector<16xf32>
      %mul3A_1387 = arith.mulf %mul3A_1344, %convert_element_type3A : vector<16xf32>
      %reduce_sum3A_1388 = arith.constant true
      %reduce_sum3A_1389 = vector.broadcast %reduce_sum3A_1388 : i1 to vector<16xi1>
      %reduce_sum3A_1390 = tpu.scan <sum>, %mul3A_1387 masked %reduce_sum3A_1389 : vector<16xf32>, vector<16xi1> -> vector<16xf32>
      %reduce_sum3A_1391 = vector.extract %reduce_sum3A_1390[15] : f32 from vector<16xf32>
      %broadcast_in_dim3A_1392 = vector.broadcast %reduce_sum3A_1391 : f32 to vector<16xf32>
      %select_n3A_1393 = arith.select %eq3A_1370, %broadcast_in_dim3A_1392, %select_n3A_1277 : vector<16xi1>, vector<16xf32>
      %mul3A_1394 = arith.mulf %mul3A_1344, %add3A_1287 : vector<16xf32>
      %reduce_sum3A_1395 = arith.constant true
      %reduce_sum3A_1396 = vector.broadcast %reduce_sum3A_1395 : i1 to vector<16xi1>
      %reduce_sum3A_1397 = tpu.scan <sum>, %mul3A_1394 masked %reduce_sum3A_1396 : vector<16xf32>, vector<16xi1> -> vector<16xf32>
      %reduce_sum3A_1398 = vector.extract %reduce_sum3A_1397[15] : f32 from vector<16xf32>
      %broadcast_in_dim3A_1399 = vector.broadcast %reduce_sum3A_1398 : f32 to vector<16xf32>
      %select_n3A_1400 = arith.select %eq3A_1370, %broadcast_in_dim3A_1399, %select_n3A_1284 : vector<16xi1>, vector<16xf32>
      %select_n3A_1401 = arith.select %eq3A_1370, %div3A_1352, %select_n3A_1285 : vector<16xi1>, vector<16xf32>
      %add3A_1402 = arith.addf %add3A_1286, %mul3A_1325 : vector<16xf32>
      %add3A_1403 = arith.addf %add3A_1287, %mul3A_1344 : vector<16xf32>
      %add3A_1404 = arith.addf %add3A_1288, %div3A_1309 : vector<16xf32>
      %mul3A_1405 = arith.constant 256 : i32
      %mul3A_1406 = arith.muli %scan3A_134, %mul3A_1405 : i32
      %add3A_1407 = arith.constant 176 : i32
      %add3A_1408 = arith.addi %mul3A_1406, %add3A_1407 : i32
      %get3A_1409 = arith.index_cast %add3A_1408 : i32 to index
      %get3A_1410 = tpu.vector_load %arg12[%get3A_1409] {strides = array<i32>} : memref<9216xf32, #tpu.memory_space<vmem>>, vector<16xf32>,
      %mul3A_1411 = arith.mulf %get3A_1410, %get3A_13 : vector<16xf32>
      %add3A_1412 = arith.addf %mul3A_1411, %get3A_17 : vector<16xf32>
      %reduce_max3A_1413 = arith.constant true
      %reduce_max3A_1414 = vector.broadcast %reduce_max3A_1413 : i1 to vector<16xi1>
      %reduce_max3A_1415 = tpu.scan <max>, %add3A_1412 masked %reduce_max3A_1414 : vector<16xf32>, vector<16xi1> -> vector<16xf32>
      %reduce_max3A_1416 = vector.extract %reduce_max3A_1415[15] : f32 from vector<16xf32>
      %sub3A_1417 = vector.broadcast %reduce_max3A_1416 : f32 to vector<16xf32>
      %sub3A_1418 = arith.subf %add3A_1412, %sub3A_1417 : vector<16xf32>
      %exp3A_1419 = math.exp %sub3A_1418 : vector<16xf32>
      %reduce_sum3A_1420 = arith.constant true
      %reduce_sum3A_1421 = vector.broadcast %reduce_sum3A_1420 : i1 to vector<16xi1>
      %reduce_sum3A_1422 = tpu.scan <sum>, %exp3A_1419 masked %reduce_sum3A_1421 : vector<16xf32>, vector<16xi1> -> vector<16xf32>
      %reduce_sum3A_1423 = vector.extract %reduce_sum3A_1422[15] : f32 from vector<16xf32>
      %broadcast_in_dim3A_1424 = vector.broadcast %reduce_sum3A_1423 : f32 to vector<16xf32>
      %div3A_1425 = arith.divf %exp3A_1419, %broadcast_in_dim3A_1424 : vector<16xf32>
      %reduce_max3A_1426 = arith.constant true
      %reduce_max3A_1427 = vector.broadcast %reduce_max3A_1426 : i1 to vector<16xi1>
      %reduce_max3A_1428 = tpu.scan <max>, %div3A_1425 masked %reduce_max3A_1427 : vector<16xf32>, vector<16xi1> -> vector<16xf32>
      %reduce_max3A_1429 = vector.extract %reduce_max3A_1428[15] : f32 from vector<16xf32>
      %eq3A_1430 = vector.broadcast %reduce_max3A_1429 : f32 to vector<16xf32>
      %eq3A_1431 = arith.cmpf oeq, %div3A_1425, %eq3A_1430 : vector<16xf32>
      %convert_element_type3A_1432 = arith.extui %eq3A_1431 : vector<16xi1> to vector<16xi32>
      %convert_element_type3A_1433 = arith.sitofp %convert_element_type3A_1432 : vector<16xi32> to vector<16xf32>
      %broadcast_in_dim3A_1434 = arith.constant true
      %broadcast_in_dim3A_1435 = vector.broadcast %broadcast_in_dim3A_1434 : i1 to vector<16xi1>
      %masked_cumsum3A_1436 = tpu.scan <sum>, %convert_element_type3A_1433 masked %broadcast_in_dim3A_1435 : vector<16xf32>, vector<16xi1> -> vector<16xf32>
      %eq3A_1437 = vector.broadcast %scan3A : f32 to vector<16xf32>
      %eq3A_1438 = arith.cmpf oeq, %masked_cumsum3A_1436, %eq3A_1437 : vector<16xf32>
      %convert_element_type3A_1439 = arith.extui %eq3A_1438 : vector<16xi1> to vector<16xi32>
      %convert_element_type3A_1440 = arith.sitofp %convert_element_type3A_1439 : vector<16xi32> to vector<16xf32>
      %mul3A_1441 = arith.mulf %convert_element_type3A_1433, %convert_element_type3A_1440 : vector<16xf32>
      %sub3A_1442 = vector.broadcast %scan3A : f32 to vector<16xf32>
      %sub3A_1443 = arith.subf %sub3A_1442, %mul3A_1441 : vector<16xf32>
      %mul3A_1444 = arith.mulf %div3A_1425, %sub3A_1443 : vector<16xf32>
      %reduce_max3A_1445 = arith.constant true
      %reduce_max3A_1446 = vector.broadcast %reduce_max3A_1445 : i1 to vector<16xi1>
      %reduce_max3A_1447 = tpu.scan <max>, %mul3A_1444 masked %reduce_max3A_1446 : vector<16xf32>, vector<16xi1> -> vector<16xf32>
      %reduce_max3A_1448 = vector.extract %reduce_max3A_1447[15] : f32 from vector<16xf32>
      %eq3A_1449 = vector.broadcast %reduce_max3A_1448 : f32 to vector<16xf32>
      %eq3A_1450 = arith.cmpf oeq, %mul3A_1444, %eq3A_1449 : vector<16xf32>
      %convert_element_type3A_1451 = arith.extui %eq3A_1450 : vector<16xi1> to vector<16xi32>
      %convert_element_type3A_1452 = arith.sitofp %convert_element_type3A_1451 : vector<16xi32> to vector<16xf32>
      %broadcast_in_dim3A_1453 = arith.constant true
      %broadcast_in_dim3A_1454 = vector.broadcast %broadcast_in_dim3A_1453 : i1 to vector<16xi1>
      %masked_cumsum3A_1455 = tpu.scan <sum>, %convert_element_type3A_1452 masked %broadcast_in_dim3A_1454 : vector<16xf32>, vector<16xi1> -> vector<16xf32>
      %eq3A_1456 = vector.broadcast %scan3A : f32 to vector<16xf32>
      %eq3A_1457 = arith.cmpf oeq, %masked_cumsum3A_1455, %eq3A_1456 : vector<16xf32>
      %convert_element_type3A_1458 = arith.extui %eq3A_1457 : vector<16xi1> to vector<16xi32>
      %convert_element_type3A_1459 = arith.sitofp %convert_element_type3A_1458 : vector<16xi32> to vector<16xf32>
      %mul3A_1460 = arith.mulf %convert_element_type3A_1452, %convert_element_type3A_1459 : vector<16xf32>
      %add3A_1461 = arith.addf %reduce_max3A_1429, %reduce_max3A_1448 : f32
      %add3A_1462 = arith.constant 9.99999971E-10 : f32
      %add3A_1463 = arith.addf %add3A_1461, %add3A_1462 : f32
      %broadcast_in_dim3A_1464 = vector.broadcast %add3A_1463 : f32 to vector<16xf32>
      %broadcast_in_dim3A_1465 = vector.broadcast %reduce_max3A_1429 : f32 to vector<16xf32>
      %div3A_1466 = arith.divf %broadcast_in_dim3A_1465, %broadcast_in_dim3A_1464 : vector<16xf32>
      %broadcast_in_dim3A_1467 = vector.broadcast %reduce_max3A_1448 : f32 to vector<16xf32>
      %div3A_1468 = arith.divf %broadcast_in_dim3A_1467, %broadcast_in_dim3A_1464 : vector<16xf32>
      %lt3A_1469 = arith.constant 4.500000e+01 : f32
      %lt3A_1470 = vector.broadcast %lt3A_1469 : f32 to vector<16xf32>
      %lt3A_1471 = arith.cmpf olt, %add3A_1402, %lt3A_1470 : vector<16xf32>
      %convert_element_type3A_1472 = arith.extui %lt3A_1471 : vector<16xi1> to vector<16xi32>
      %convert_element_type3A_1473 = arith.sitofp %convert_element_type3A_1472 : vector<16xi32> to vector<16xf32>
      %mul3A_1474 = arith.mulf %mul3A_1441, %convert_element_type3A_1473 : vector<16xf32>
      %reduce_sum3A_1475 = arith.constant true
      %reduce_sum3A_1476 = vector.broadcast %reduce_sum3A_1475 : i1 to vector<16xi1>
      %reduce_sum3A_1477 = tpu.scan <sum>, %mul3A_1474 masked %reduce_sum3A_1476 : vector<16xf32>, vector<16xi1> -> vector<16xf32>
      %reduce_sum3A_1478 = vector.extract %reduce_sum3A_1477[15] : f32 from vector<16xf32>
      %mul3A_1479 = arith.mulf %mul3A_1474, %add3A_1402 : vector<16xf32>
      %reduce_sum3A_1480 = arith.constant true
      %reduce_sum3A_1481 = vector.broadcast %reduce_sum3A_1480 : i1 to vector<16xi1>
      %reduce_sum3A_1482 = tpu.scan <sum>, %mul3A_1479 masked %reduce_sum3A_1481 : vector<16xf32>, vector<16xi1> -> vector<16xf32>
      %reduce_sum3A_1483 = vector.extract %reduce_sum3A_1482[15] : f32 from vector<16xf32>
      %eq3A_1484 = arith.constant 11 : i32
      %eq3A_1485 = vector.broadcast %eq3A_1484 : i32 to vector<16xi32>
      %eq3A_1486 = arith.cmpi eq, %iota3A, %eq3A_1485 : vector<16xi32>
      %mul3A_1487 = arith.mulf %mul3A_1441, %convert_element_type3A : vector<16xf32>
      %reduce_sum3A_1488 = arith.constant true
      %reduce_sum3A_1489 = vector.broadcast %reduce_sum3A_1488 : i1 to vector<16xi1>
      %reduce_sum3A_1490 = tpu.scan <sum>, %mul3A_1487 masked %reduce_sum3A_1489 : vector<16xf32>, vector<16xi1> -> vector<16xf32>
      %reduce_sum3A_1491 = vector.extract %reduce_sum3A_1490[15] : f32 from vector<16xf32>
      %broadcast_in_dim3A_1492 = vector.broadcast %reduce_sum3A_1491 : f32 to vector<16xf32>
      %select_n3A_1493 = arith.select %eq3A_1486, %broadcast_in_dim3A_1492, %select_n3A_1377 : vector<16xi1>, vector<16xf32>
      %gt3A_1494 = arith.constant 0.000000e+00 : f32
      %gt3A_1495 = arith.cmpf ogt, %reduce_sum3A_1478, %gt3A_1494 : f32
      %jit3A_1496 = arith.constant -1.000000e+00 : f32
      %select_n3A_1497 = arith.select %gt3A_1495, %reduce_sum3A_1483, %jit3A_1496 : f32
      %broadcast_in_dim3A_1498 = vector.broadcast %select_n3A_1497 : f32 to vector<16xf32>
      %select_n3A_1499 = arith.select %eq3A_1486, %broadcast_in_dim3A_1498, %select_n3A_1383 : vector<16xi1>, vector<16xf32>
      %broadcast_in_dim3A_1500 = vector.broadcast %reduce_sum3A_1478 : f32 to vector<16xf32>
      %mul3A_1501 = arith.mulf %div3A_1466, %broadcast_in_dim3A_1500 : vector<16xf32>
      %select_n3A_1502 = arith.select %eq3A_1486, %mul3A_1501, %select_n3A_1386 : vector<16xi1>, vector<16xf32>
      %mul3A_1503 = arith.mulf %mul3A_1460, %convert_element_type3A : vector<16xf32>
      %reduce_sum3A_1504 = arith.constant true
      %reduce_sum3A_1505 = vector.broadcast %reduce_sum3A_1504 : i1 to vector<16xi1>
      %reduce_sum3A_1506 = tpu.scan <sum>, %mul3A_1503 masked %reduce_sum3A_1505 : vector<16xf32>, vector<16xi1> -> vector<16xf32>
      %reduce_sum3A_1507 = vector.extract %reduce_sum3A_1506[15] : f32 from vector<16xf32>
      %broadcast_in_dim3A_1508 = vector.broadcast %reduce_sum3A_1507 : f32 to vector<16xf32>
      %select_n3A_1509 = arith.select %eq3A_1486, %broadcast_in_dim3A_1508, %select_n3A_1393 : vector<16xi1>, vector<16xf32>
      %mul3A_1510 = arith.mulf %mul3A_1460, %add3A_1403 : vector<16xf32>
      %reduce_sum3A_1511 = arith.constant true
      %reduce_sum3A_1512 = vector.broadcast %reduce_sum3A_1511 : i1 to vector<16xi1>
      %reduce_sum3A_1513 = tpu.scan <sum>, %mul3A_1510 masked %reduce_sum3A_1512 : vector<16xf32>, vector<16xi1> -> vector<16xf32>
      %reduce_sum3A_1514 = vector.extract %reduce_sum3A_1513[15] : f32 from vector<16xf32>
      %broadcast_in_dim3A_1515 = vector.broadcast %reduce_sum3A_1514 : f32 to vector<16xf32>
      %select_n3A_1516 = arith.select %eq3A_1486, %broadcast_in_dim3A_1515, %select_n3A_1400 : vector<16xi1>, vector<16xf32>
      %select_n3A_1517 = arith.select %eq3A_1486, %div3A_1468, %select_n3A_1401 : vector<16xi1>, vector<16xf32>
      %add3A_1518 = arith.addf %add3A_1402, %mul3A_1441 : vector<16xf32>
      %add3A_1519 = arith.addf %add3A_1403, %mul3A_1460 : vector<16xf32>
      %add3A_1520 = arith.addf %add3A_1404, %div3A_1425 : vector<16xf32>
      %mul3A_1521 = arith.constant 256 : i32
      %mul3A_1522 = arith.muli %scan3A_134, %mul3A_1521 : i32
      %add3A_1523 = arith.constant 192 : i32
      %add3A_1524 = arith.addi %mul3A_1522, %add3A_1523 : i32
      %get3A_1525 = arith.index_cast %add3A_1524 : i32 to index
      %get3A_1526 = tpu.vector_load %arg12[%get3A_1525] {strides = array<i32>} : memref<9216xf32, #tpu.memory_space<vmem>>, vector<16xf32>,
      %mul3A_1527 = arith.mulf %get3A_1526, %get3A_13 : vector<16xf32>
      %add3A_1528 = arith.addf %mul3A_1527, %get3A_17 : vector<16xf32>
      %reduce_max3A_1529 = arith.constant true
      %reduce_max3A_1530 = vector.broadcast %reduce_max3A_1529 : i1 to vector<16xi1>
      %reduce_max3A_1531 = tpu.scan <max>, %add3A_1528 masked %reduce_max3A_1530 : vector<16xf32>, vector<16xi1> -> vector<16xf32>
      %reduce_max3A_1532 = vector.extract %reduce_max3A_1531[15] : f32 from vector<16xf32>
      %sub3A_1533 = vector.broadcast %reduce_max3A_1532 : f32 to vector<16xf32>
      %sub3A_1534 = arith.subf %add3A_1528, %sub3A_1533 : vector<16xf32>
      %exp3A_1535 = math.exp %sub3A_1534 : vector<16xf32>
      %reduce_sum3A_1536 = arith.constant true
      %reduce_sum3A_1537 = vector.broadcast %reduce_sum3A_1536 : i1 to vector<16xi1>
      %reduce_sum3A_1538 = tpu.scan <sum>, %exp3A_1535 masked %reduce_sum3A_1537 : vector<16xf32>, vector<16xi1> -> vector<16xf32>
      %reduce_sum3A_1539 = vector.extract %reduce_sum3A_1538[15] : f32 from vector<16xf32>
      %broadcast_in_dim3A_1540 = vector.broadcast %reduce_sum3A_1539 : f32 to vector<16xf32>
      %div3A_1541 = arith.divf %exp3A_1535, %broadcast_in_dim3A_1540 : vector<16xf32>
      %reduce_max3A_1542 = arith.constant true
      %reduce_max3A_1543 = vector.broadcast %reduce_max3A_1542 : i1 to vector<16xi1>
      %reduce_max3A_1544 = tpu.scan <max>, %div3A_1541 masked %reduce_max3A_1543 : vector<16xf32>, vector<16xi1> -> vector<16xf32>
      %reduce_max3A_1545 = vector.extract %reduce_max3A_1544[15] : f32 from vector<16xf32>
      %eq3A_1546 = vector.broadcast %reduce_max3A_1545 : f32 to vector<16xf32>
      %eq3A_1547 = arith.cmpf oeq, %div3A_1541, %eq3A_1546 : vector<16xf32>
      %convert_element_type3A_1548 = arith.extui %eq3A_1547 : vector<16xi1> to vector<16xi32>
      %convert_element_type3A_1549 = arith.sitofp %convert_element_type3A_1548 : vector<16xi32> to vector<16xf32>
      %broadcast_in_dim3A_1550 = arith.constant true
      %broadcast_in_dim3A_1551 = vector.broadcast %broadcast_in_dim3A_1550 : i1 to vector<16xi1>
      %masked_cumsum3A_1552 = tpu.scan <sum>, %convert_element_type3A_1549 masked %broadcast_in_dim3A_1551 : vector<16xf32>, vector<16xi1> -> vector<16xf32>
      %eq3A_1553 = vector.broadcast %scan3A : f32 to vector<16xf32>
      %eq3A_1554 = arith.cmpf oeq, %masked_cumsum3A_1552, %eq3A_1553 : vector<16xf32>
      %convert_element_type3A_1555 = arith.extui %eq3A_1554 : vector<16xi1> to vector<16xi32>
      %convert_element_type3A_1556 = arith.sitofp %convert_element_type3A_1555 : vector<16xi32> to vector<16xf32>
      %mul3A_1557 = arith.mulf %convert_element_type3A_1549, %convert_element_type3A_1556 : vector<16xf32>
      %sub3A_1558 = vector.broadcast %scan3A : f32 to vector<16xf32>
      %sub3A_1559 = arith.subf %sub3A_1558, %mul3A_1557 : vector<16xf32>
      %mul3A_1560 = arith.mulf %div3A_1541, %sub3A_1559 : vector<16xf32>
      %reduce_max3A_1561 = arith.constant true
      %reduce_max3A_1562 = vector.broadcast %reduce_max3A_1561 : i1 to vector<16xi1>
      %reduce_max3A_1563 = tpu.scan <max>, %mul3A_1560 masked %reduce_max3A_1562 : vector<16xf32>, vector<16xi1> -> vector<16xf32>
      %reduce_max3A_1564 = vector.extract %reduce_max3A_1563[15] : f32 from vector<16xf32>
      %eq3A_1565 = vector.broadcast %reduce_max3A_1564 : f32 to vector<16xf32>
      %eq3A_1566 = arith.cmpf oeq, %mul3A_1560, %eq3A_1565 : vector<16xf32>
      %convert_element_type3A_1567 = arith.extui %eq3A_1566 : vector<16xi1> to vector<16xi32>
      %convert_element_type3A_1568 = arith.sitofp %convert_element_type3A_1567 : vector<16xi32> to vector<16xf32>
      %broadcast_in_dim3A_1569 = arith.constant true
      %broadcast_in_dim3A_1570 = vector.broadcast %broadcast_in_dim3A_1569 : i1 to vector<16xi1>
      %masked_cumsum3A_1571 = tpu.scan <sum>, %convert_element_type3A_1568 masked %broadcast_in_dim3A_1570 : vector<16xf32>, vector<16xi1> -> vector<16xf32>
      %eq3A_1572 = vector.broadcast %scan3A : f32 to vector<16xf32>
      %eq3A_1573 = arith.cmpf oeq, %masked_cumsum3A_1571, %eq3A_1572 : vector<16xf32>
      %convert_element_type3A_1574 = arith.extui %eq3A_1573 : vector<16xi1> to vector<16xi32>
      %convert_element_type3A_1575 = arith.sitofp %convert_element_type3A_1574 : vector<16xi32> to vector<16xf32>
      %mul3A_1576 = arith.mulf %convert_element_type3A_1568, %convert_element_type3A_1575 : vector<16xf32>
      %add3A_1577 = arith.addf %reduce_max3A_1545, %reduce_max3A_1564 : f32
      %add3A_1578 = arith.constant 9.99999971E-10 : f32
      %add3A_1579 = arith.addf %add3A_1577, %add3A_1578 : f32
      %broadcast_in_dim3A_1580 = vector.broadcast %add3A_1579 : f32 to vector<16xf32>
      %broadcast_in_dim3A_1581 = vector.broadcast %reduce_max3A_1545 : f32 to vector<16xf32>
      %div3A_1582 = arith.divf %broadcast_in_dim3A_1581, %broadcast_in_dim3A_1580 : vector<16xf32>
      %broadcast_in_dim3A_1583 = vector.broadcast %reduce_max3A_1564 : f32 to vector<16xf32>
      %div3A_1584 = arith.divf %broadcast_in_dim3A_1583, %broadcast_in_dim3A_1580 : vector<16xf32>
      %lt3A_1585 = arith.constant 4.500000e+01 : f32
      %lt3A_1586 = vector.broadcast %lt3A_1585 : f32 to vector<16xf32>
      %lt3A_1587 = arith.cmpf olt, %add3A_1518, %lt3A_1586 : vector<16xf32>
      %convert_element_type3A_1588 = arith.extui %lt3A_1587 : vector<16xi1> to vector<16xi32>
      %convert_element_type3A_1589 = arith.sitofp %convert_element_type3A_1588 : vector<16xi32> to vector<16xf32>
      %mul3A_1590 = arith.mulf %mul3A_1557, %convert_element_type3A_1589 : vector<16xf32>
      %reduce_sum3A_1591 = arith.constant true
      %reduce_sum3A_1592 = vector.broadcast %reduce_sum3A_1591 : i1 to vector<16xi1>
      %reduce_sum3A_1593 = tpu.scan <sum>, %mul3A_1590 masked %reduce_sum3A_1592 : vector<16xf32>, vector<16xi1> -> vector<16xf32>
      %reduce_sum3A_1594 = vector.extract %reduce_sum3A_1593[15] : f32 from vector<16xf32>
      %mul3A_1595 = arith.mulf %mul3A_1590, %add3A_1518 : vector<16xf32>
      %reduce_sum3A_1596 = arith.constant true
      %reduce_sum3A_1597 = vector.broadcast %reduce_sum3A_1596 : i1 to vector<16xi1>
      %reduce_sum3A_1598 = tpu.scan <sum>, %mul3A_1595 masked %reduce_sum3A_1597 : vector<16xf32>, vector<16xi1> -> vector<16xf32>
      %reduce_sum3A_1599 = vector.extract %reduce_sum3A_1598[15] : f32 from vector<16xf32>
      %eq3A_1600 = arith.constant 12 : i32
      %eq3A_1601 = vector.broadcast %eq3A_1600 : i32 to vector<16xi32>
      %eq3A_1602 = arith.cmpi eq, %iota3A, %eq3A_1601 : vector<16xi32>
      %mul3A_1603 = arith.mulf %mul3A_1557, %convert_element_type3A : vector<16xf32>
      %reduce_sum3A_1604 = arith.constant true
      %reduce_sum3A_1605 = vector.broadcast %reduce_sum3A_1604 : i1 to vector<16xi1>
      %reduce_sum3A_1606 = tpu.scan <sum>, %mul3A_1603 masked %reduce_sum3A_1605 : vector<16xf32>, vector<16xi1> -> vector<16xf32>
      %reduce_sum3A_1607 = vector.extract %reduce_sum3A_1606[15] : f32 from vector<16xf32>
      %broadcast_in_dim3A_1608 = vector.broadcast %reduce_sum3A_1607 : f32 to vector<16xf32>
      %select_n3A_1609 = arith.select %eq3A_1602, %broadcast_in_dim3A_1608, %select_n3A_1493 : vector<16xi1>, vector<16xf32>
      %gt3A_1610 = arith.constant 0.000000e+00 : f32
      %gt3A_1611 = arith.cmpf ogt, %reduce_sum3A_1594, %gt3A_1610 : f32
      %jit3A_1612 = arith.constant -1.000000e+00 : f32
      %select_n3A_1613 = arith.select %gt3A_1611, %reduce_sum3A_1599, %jit3A_1612 : f32
      %broadcast_in_dim3A_1614 = vector.broadcast %select_n3A_1613 : f32 to vector<16xf32>
      %select_n3A_1615 = arith.select %eq3A_1602, %broadcast_in_dim3A_1614, %select_n3A_1499 : vector<16xi1>, vector<16xf32>
      %broadcast_in_dim3A_1616 = vector.broadcast %reduce_sum3A_1594 : f32 to vector<16xf32>
      %mul3A_1617 = arith.mulf %div3A_1582, %broadcast_in_dim3A_1616 : vector<16xf32>
      %select_n3A_1618 = arith.select %eq3A_1602, %mul3A_1617, %select_n3A_1502 : vector<16xi1>, vector<16xf32>
      %mul3A_1619 = arith.mulf %mul3A_1576, %convert_element_type3A : vector<16xf32>
      %reduce_sum3A_1620 = arith.constant true
      %reduce_sum3A_1621 = vector.broadcast %reduce_sum3A_1620 : i1 to vector<16xi1>
      %reduce_sum3A_1622 = tpu.scan <sum>, %mul3A_1619 masked %reduce_sum3A_1621 : vector<16xf32>, vector<16xi1> -> vector<16xf32>
      %reduce_sum3A_1623 = vector.extract %reduce_sum3A_1622[15] : f32 from vector<16xf32>
      %broadcast_in_dim3A_1624 = vector.broadcast %reduce_sum3A_1623 : f32 to vector<16xf32>
      %select_n3A_1625 = arith.select %eq3A_1602, %broadcast_in_dim3A_1624, %select_n3A_1509 : vector<16xi1>, vector<16xf32>
      %mul3A_1626 = arith.mulf %mul3A_1576, %add3A_1519 : vector<16xf32>
      %reduce_sum3A_1627 = arith.constant true
      %reduce_sum3A_1628 = vector.broadcast %reduce_sum3A_1627 : i1 to vector<16xi1>
      %reduce_sum3A_1629 = tpu.scan <sum>, %mul3A_1626 masked %reduce_sum3A_1628 : vector<16xf32>, vector<16xi1> -> vector<16xf32>
      %reduce_sum3A_1630 = vector.extract %reduce_sum3A_1629[15] : f32 from vector<16xf32>
      %broadcast_in_dim3A_1631 = vector.broadcast %reduce_sum3A_1630 : f32 to vector<16xf32>
      %select_n3A_1632 = arith.select %eq3A_1602, %broadcast_in_dim3A_1631, %select_n3A_1516 : vector<16xi1>, vector<16xf32>
      %select_n3A_1633 = arith.select %eq3A_1602, %div3A_1584, %select_n3A_1517 : vector<16xi1>, vector<16xf32>
      %add3A_1634 = arith.addf %add3A_1518, %mul3A_1557 : vector<16xf32>
      %add3A_1635 = arith.addf %add3A_1519, %mul3A_1576 : vector<16xf32>
      %add3A_1636 = arith.addf %add3A_1520, %div3A_1541 : vector<16xf32>
      %mul3A_1637 = arith.constant 256 : i32
      %mul3A_1638 = arith.muli %scan3A_134, %mul3A_1637 : i32
      %add3A_1639 = arith.constant 208 : i32
      %add3A_1640 = arith.addi %mul3A_1638, %add3A_1639 : i32
      %get3A_1641 = arith.index_cast %add3A_1640 : i32 to index
      %get3A_1642 = tpu.vector_load %arg12[%get3A_1641] {strides = array<i32>} : memref<9216xf32, #tpu.memory_space<vmem>>, vector<16xf32>,
      %mul3A_1643 = arith.mulf %get3A_1642, %get3A_13 : vector<16xf32>
      %add3A_1644 = arith.addf %mul3A_1643, %get3A_17 : vector<16xf32>
      %reduce_max3A_1645 = arith.constant true
      %reduce_max3A_1646 = vector.broadcast %reduce_max3A_1645 : i1 to vector<16xi1>
      %reduce_max3A_1647 = tpu.scan <max>, %add3A_1644 masked %reduce_max3A_1646 : vector<16xf32>, vector<16xi1> -> vector<16xf32>
      %reduce_max3A_1648 = vector.extract %reduce_max3A_1647[15] : f32 from vector<16xf32>
      %sub3A_1649 = vector.broadcast %reduce_max3A_1648 : f32 to vector<16xf32>
      %sub3A_1650 = arith.subf %add3A_1644, %sub3A_1649 : vector<16xf32>
      %exp3A_1651 = math.exp %sub3A_1650 : vector<16xf32>
      %reduce_sum3A_1652 = arith.constant true
      %reduce_sum3A_1653 = vector.broadcast %reduce_sum3A_1652 : i1 to vector<16xi1>
      %reduce_sum3A_1654 = tpu.scan <sum>, %exp3A_1651 masked %reduce_sum3A_1653 : vector<16xf32>, vector<16xi1> -> vector<16xf32>
      %reduce_sum3A_1655 = vector.extract %reduce_sum3A_1654[15] : f32 from vector<16xf32>
      %broadcast_in_dim3A_1656 = vector.broadcast %reduce_sum3A_1655 : f32 to vector<16xf32>
      %div3A_1657 = arith.divf %exp3A_1651, %broadcast_in_dim3A_1656 : vector<16xf32>
      %reduce_max3A_1658 = arith.constant true
      %reduce_max3A_1659 = vector.broadcast %reduce_max3A_1658 : i1 to vector<16xi1>
      %reduce_max3A_1660 = tpu.scan <max>, %div3A_1657 masked %reduce_max3A_1659 : vector<16xf32>, vector<16xi1> -> vector<16xf32>
      %reduce_max3A_1661 = vector.extract %reduce_max3A_1660[15] : f32 from vector<16xf32>
      %eq3A_1662 = vector.broadcast %reduce_max3A_1661 : f32 to vector<16xf32>
      %eq3A_1663 = arith.cmpf oeq, %div3A_1657, %eq3A_1662 : vector<16xf32>
      %convert_element_type3A_1664 = arith.extui %eq3A_1663 : vector<16xi1> to vector<16xi32>
      %convert_element_type3A_1665 = arith.sitofp %convert_element_type3A_1664 : vector<16xi32> to vector<16xf32>
      %broadcast_in_dim3A_1666 = arith.constant true
      %broadcast_in_dim3A_1667 = vector.broadcast %broadcast_in_dim3A_1666 : i1 to vector<16xi1>
      %masked_cumsum3A_1668 = tpu.scan <sum>, %convert_element_type3A_1665 masked %broadcast_in_dim3A_1667 : vector<16xf32>, vector<16xi1> -> vector<16xf32>
      %eq3A_1669 = vector.broadcast %scan3A : f32 to vector<16xf32>
      %eq3A_1670 = arith.cmpf oeq, %masked_cumsum3A_1668, %eq3A_1669 : vector<16xf32>
      %convert_element_type3A_1671 = arith.extui %eq3A_1670 : vector<16xi1> to vector<16xi32>
      %convert_element_type3A_1672 = arith.sitofp %convert_element_type3A_1671 : vector<16xi32> to vector<16xf32>
      %mul3A_1673 = arith.mulf %convert_element_type3A_1665, %convert_element_type3A_1672 : vector<16xf32>
      %sub3A_1674 = vector.broadcast %scan3A : f32 to vector<16xf32>
      %sub3A_1675 = arith.subf %sub3A_1674, %mul3A_1673 : vector<16xf32>
      %mul3A_1676 = arith.mulf %div3A_1657, %sub3A_1675 : vector<16xf32>
      %reduce_max3A_1677 = arith.constant true
      %reduce_max3A_1678 = vector.broadcast %reduce_max3A_1677 : i1 to vector<16xi1>
      %reduce_max3A_1679 = tpu.scan <max>, %mul3A_1676 masked %reduce_max3A_1678 : vector<16xf32>, vector<16xi1> -> vector<16xf32>
      %reduce_max3A_1680 = vector.extract %reduce_max3A_1679[15] : f32 from vector<16xf32>
      %eq3A_1681 = vector.broadcast %reduce_max3A_1680 : f32 to vector<16xf32>
      %eq3A_1682 = arith.cmpf oeq, %mul3A_1676, %eq3A_1681 : vector<16xf32>
      %convert_element_type3A_1683 = arith.extui %eq3A_1682 : vector<16xi1> to vector<16xi32>
      %convert_element_type3A_1684 = arith.sitofp %convert_element_type3A_1683 : vector<16xi32> to vector<16xf32>
      %broadcast_in_dim3A_1685 = arith.constant true
      %broadcast_in_dim3A_1686 = vector.broadcast %broadcast_in_dim3A_1685 : i1 to vector<16xi1>
      %masked_cumsum3A_1687 = tpu.scan <sum>, %convert_element_type3A_1684 masked %broadcast_in_dim3A_1686 : vector<16xf32>, vector<16xi1> -> vector<16xf32>
      %eq3A_1688 = vector.broadcast %scan3A : f32 to vector<16xf32>
      %eq3A_1689 = arith.cmpf oeq, %masked_cumsum3A_1687, %eq3A_1688 : vector<16xf32>
      %convert_element_type3A_1690 = arith.extui %eq3A_1689 : vector<16xi1> to vector<16xi32>
      %convert_element_type3A_1691 = arith.sitofp %convert_element_type3A_1690 : vector<16xi32> to vector<16xf32>
      %mul3A_1692 = arith.mulf %convert_element_type3A_1684, %convert_element_type3A_1691 : vector<16xf32>
      %add3A_1693 = arith.addf %reduce_max3A_1661, %reduce_max3A_1680 : f32
      %add3A_1694 = arith.constant 9.99999971E-10 : f32
      %add3A_1695 = arith.addf %add3A_1693, %add3A_1694 : f32
      %broadcast_in_dim3A_1696 = vector.broadcast %add3A_1695 : f32 to vector<16xf32>
      %broadcast_in_dim3A_1697 = vector.broadcast %reduce_max3A_1661 : f32 to vector<16xf32>
      %div3A_1698 = arith.divf %broadcast_in_dim3A_1697, %broadcast_in_dim3A_1696 : vector<16xf32>
      %broadcast_in_dim3A_1699 = vector.broadcast %reduce_max3A_1680 : f32 to vector<16xf32>
      %div3A_1700 = arith.divf %broadcast_in_dim3A_1699, %broadcast_in_dim3A_1696 : vector<16xf32>
      %lt3A_1701 = arith.constant 4.500000e+01 : f32
      %lt3A_1702 = vector.broadcast %lt3A_1701 : f32 to vector<16xf32>
      %lt3A_1703 = arith.cmpf olt, %add3A_1634, %lt3A_1702 : vector<16xf32>
      %convert_element_type3A_1704 = arith.extui %lt3A_1703 : vector<16xi1> to vector<16xi32>
      %convert_element_type3A_1705 = arith.sitofp %convert_element_type3A_1704 : vector<16xi32> to vector<16xf32>
      %mul3A_1706 = arith.mulf %mul3A_1673, %convert_element_type3A_1705 : vector<16xf32>
      %reduce_sum3A_1707 = arith.constant true
      %reduce_sum3A_1708 = vector.broadcast %reduce_sum3A_1707 : i1 to vector<16xi1>
      %reduce_sum3A_1709 = tpu.scan <sum>, %mul3A_1706 masked %reduce_sum3A_1708 : vector<16xf32>, vector<16xi1> -> vector<16xf32>
      %reduce_sum3A_1710 = vector.extract %reduce_sum3A_1709[15] : f32 from vector<16xf32>
      %mul3A_1711 = arith.mulf %mul3A_1706, %add3A_1634 : vector<16xf32>
      %reduce_sum3A_1712 = arith.constant true
      %reduce_sum3A_1713 = vector.broadcast %reduce_sum3A_1712 : i1 to vector<16xi1>
      %reduce_sum3A_1714 = tpu.scan <sum>, %mul3A_1711 masked %reduce_sum3A_1713 : vector<16xf32>, vector<16xi1> -> vector<16xf32>
      %reduce_sum3A_1715 = vector.extract %reduce_sum3A_1714[15] : f32 from vector<16xf32>
      %eq3A_1716 = arith.constant 13 : i32
      %eq3A_1717 = vector.broadcast %eq3A_1716 : i32 to vector<16xi32>
      %eq3A_1718 = arith.cmpi eq, %iota3A, %eq3A_1717 : vector<16xi32>
      %mul3A_1719 = arith.mulf %mul3A_1673, %convert_element_type3A : vector<16xf32>
      %reduce_sum3A_1720 = arith.constant true
      %reduce_sum3A_1721 = vector.broadcast %reduce_sum3A_1720 : i1 to vector<16xi1>
      %reduce_sum3A_1722 = tpu.scan <sum>, %mul3A_1719 masked %reduce_sum3A_1721 : vector<16xf32>, vector<16xi1> -> vector<16xf32>
      %reduce_sum3A_1723 = vector.extract %reduce_sum3A_1722[15] : f32 from vector<16xf32>
      %broadcast_in_dim3A_1724 = vector.broadcast %reduce_sum3A_1723 : f32 to vector<16xf32>
      %select_n3A_1725 = arith.select %eq3A_1718, %broadcast_in_dim3A_1724, %select_n3A_1609 : vector<16xi1>, vector<16xf32>
      %gt3A_1726 = arith.constant 0.000000e+00 : f32
      %gt3A_1727 = arith.cmpf ogt, %reduce_sum3A_1710, %gt3A_1726 : f32
      %jit3A_1728 = arith.constant -1.000000e+00 : f32
      %select_n3A_1729 = arith.select %gt3A_1727, %reduce_sum3A_1715, %jit3A_1728 : f32
      %broadcast_in_dim3A_1730 = vector.broadcast %select_n3A_1729 : f32 to vector<16xf32>
      %select_n3A_1731 = arith.select %eq3A_1718, %broadcast_in_dim3A_1730, %select_n3A_1615 : vector<16xi1>, vector<16xf32>
      %broadcast_in_dim3A_1732 = vector.broadcast %reduce_sum3A_1710 : f32 to vector<16xf32>
      %mul3A_1733 = arith.mulf %div3A_1698, %broadcast_in_dim3A_1732 : vector<16xf32>
      %select_n3A_1734 = arith.select %eq3A_1718, %mul3A_1733, %select_n3A_1618 : vector<16xi1>, vector<16xf32>
      %mul3A_1735 = arith.mulf %mul3A_1692, %convert_element_type3A : vector<16xf32>
      %reduce_sum3A_1736 = arith.constant true
      %reduce_sum3A_1737 = vector.broadcast %reduce_sum3A_1736 : i1 to vector<16xi1>
      %reduce_sum3A_1738 = tpu.scan <sum>, %mul3A_1735 masked %reduce_sum3A_1737 : vector<16xf32>, vector<16xi1> -> vector<16xf32>
      %reduce_sum3A_1739 = vector.extract %reduce_sum3A_1738[15] : f32 from vector<16xf32>
      %broadcast_in_dim3A_1740 = vector.broadcast %reduce_sum3A_1739 : f32 to vector<16xf32>
      %select_n3A_1741 = arith.select %eq3A_1718, %broadcast_in_dim3A_1740, %select_n3A_1625 : vector<16xi1>, vector<16xf32>
      %mul3A_1742 = arith.mulf %mul3A_1692, %add3A_1635 : vector<16xf32>
      %reduce_sum3A_1743 = arith.constant true
      %reduce_sum3A_1744 = vector.broadcast %reduce_sum3A_1743 : i1 to vector<16xi1>
      %reduce_sum3A_1745 = tpu.scan <sum>, %mul3A_1742 masked %reduce_sum3A_1744 : vector<16xf32>, vector<16xi1> -> vector<16xf32>
      %reduce_sum3A_1746 = vector.extract %reduce_sum3A_1745[15] : f32 from vector<16xf32>
      %broadcast_in_dim3A_1747 = vector.broadcast %reduce_sum3A_1746 : f32 to vector<16xf32>
      %select_n3A_1748 = arith.select %eq3A_1718, %broadcast_in_dim3A_1747, %select_n3A_1632 : vector<16xi1>, vector<16xf32>
      %select_n3A_1749 = arith.select %eq3A_1718, %div3A_1700, %select_n3A_1633 : vector<16xi1>, vector<16xf32>
      %add3A_1750 = arith.addf %add3A_1634, %mul3A_1673 : vector<16xf32>
      %add3A_1751 = arith.addf %add3A_1635, %mul3A_1692 : vector<16xf32>
      %add3A_1752 = arith.addf %add3A_1636, %div3A_1657 : vector<16xf32>
      %mul3A_1753 = arith.constant 256 : i32
      %mul3A_1754 = arith.muli %scan3A_134, %mul3A_1753 : i32
      %add3A_1755 = arith.constant 224 : i32
      %add3A_1756 = arith.addi %mul3A_1754, %add3A_1755 : i32
      %get3A_1757 = arith.index_cast %add3A_1756 : i32 to index
      %get3A_1758 = tpu.vector_load %arg12[%get3A_1757] {strides = array<i32>} : memref<9216xf32, #tpu.memory_space<vmem>>, vector<16xf32>,
      %mul3A_1759 = arith.mulf %get3A_1758, %get3A_13 : vector<16xf32>
      %add3A_1760 = arith.addf %mul3A_1759, %get3A_17 : vector<16xf32>
      %reduce_max3A_1761 = arith.constant true
      %reduce_max3A_1762 = vector.broadcast %reduce_max3A_1761 : i1 to vector<16xi1>
      %reduce_max3A_1763 = tpu.scan <max>, %add3A_1760 masked %reduce_max3A_1762 : vector<16xf32>, vector<16xi1> -> vector<16xf32>
      %reduce_max3A_1764 = vector.extract %reduce_max3A_1763[15] : f32 from vector<16xf32>
      %sub3A_1765 = vector.broadcast %reduce_max3A_1764 : f32 to vector<16xf32>
      %sub3A_1766 = arith.subf %add3A_1760, %sub3A_1765 : vector<16xf32>
      %exp3A_1767 = math.exp %sub3A_1766 : vector<16xf32>
      %reduce_sum3A_1768 = arith.constant true
      %reduce_sum3A_1769 = vector.broadcast %reduce_sum3A_1768 : i1 to vector<16xi1>
      %reduce_sum3A_1770 = tpu.scan <sum>, %exp3A_1767 masked %reduce_sum3A_1769 : vector<16xf32>, vector<16xi1> -> vector<16xf32>
      %reduce_sum3A_1771 = vector.extract %reduce_sum3A_1770[15] : f32 from vector<16xf32>
      %broadcast_in_dim3A_1772 = vector.broadcast %reduce_sum3A_1771 : f32 to vector<16xf32>
      %div3A_1773 = arith.divf %exp3A_1767, %broadcast_in_dim3A_1772 : vector<16xf32>
      %reduce_max3A_1774 = arith.constant true
      %reduce_max3A_1775 = vector.broadcast %reduce_max3A_1774 : i1 to vector<16xi1>
      %reduce_max3A_1776 = tpu.scan <max>, %div3A_1773 masked %reduce_max3A_1775 : vector<16xf32>, vector<16xi1> -> vector<16xf32>
      %reduce_max3A_1777 = vector.extract %reduce_max3A_1776[15] : f32 from vector<16xf32>
      %eq3A_1778 = vector.broadcast %reduce_max3A_1777 : f32 to vector<16xf32>
      %eq3A_1779 = arith.cmpf oeq, %div3A_1773, %eq3A_1778 : vector<16xf32>
      %convert_element_type3A_1780 = arith.extui %eq3A_1779 : vector<16xi1> to vector<16xi32>
      %convert_element_type3A_1781 = arith.sitofp %convert_element_type3A_1780 : vector<16xi32> to vector<16xf32>
      %broadcast_in_dim3A_1782 = arith.constant true
      %broadcast_in_dim3A_1783 = vector.broadcast %broadcast_in_dim3A_1782 : i1 to vector<16xi1>
      %masked_cumsum3A_1784 = tpu.scan <sum>, %convert_element_type3A_1781 masked %broadcast_in_dim3A_1783 : vector<16xf32>, vector<16xi1> -> vector<16xf32>
      %eq3A_1785 = vector.broadcast %scan3A : f32 to vector<16xf32>
      %eq3A_1786 = arith.cmpf oeq, %masked_cumsum3A_1784, %eq3A_1785 : vector<16xf32>
      %convert_element_type3A_1787 = arith.extui %eq3A_1786 : vector<16xi1> to vector<16xi32>
      %convert_element_type3A_1788 = arith.sitofp %convert_element_type3A_1787 : vector<16xi32> to vector<16xf32>
      %mul3A_1789 = arith.mulf %convert_element_type3A_1781, %convert_element_type3A_1788 : vector<16xf32>
      %sub3A_1790 = vector.broadcast %scan3A : f32 to vector<16xf32>
      %sub3A_1791 = arith.subf %sub3A_1790, %mul3A_1789 : vector<16xf32>
      %mul3A_1792 = arith.mulf %div3A_1773, %sub3A_1791 : vector<16xf32>
      %reduce_max3A_1793 = arith.constant true
      %reduce_max3A_1794 = vector.broadcast %reduce_max3A_1793 : i1 to vector<16xi1>
      %reduce_max3A_1795 = tpu.scan <max>, %mul3A_1792 masked %reduce_max3A_1794 : vector<16xf32>, vector<16xi1> -> vector<16xf32>
      %reduce_max3A_1796 = vector.extract %reduce_max3A_1795[15] : f32 from vector<16xf32>
      %eq3A_1797 = vector.broadcast %reduce_max3A_1796 : f32 to vector<16xf32>
      %eq3A_1798 = arith.cmpf oeq, %mul3A_1792, %eq3A_1797 : vector<16xf32>
      %convert_element_type3A_1799 = arith.extui %eq3A_1798 : vector<16xi1> to vector<16xi32>
      %convert_element_type3A_1800 = arith.sitofp %convert_element_type3A_1799 : vector<16xi32> to vector<16xf32>
      %broadcast_in_dim3A_1801 = arith.constant true
      %broadcast_in_dim3A_1802 = vector.broadcast %broadcast_in_dim3A_1801 : i1 to vector<16xi1>
      %masked_cumsum3A_1803 = tpu.scan <sum>, %convert_element_type3A_1800 masked %broadcast_in_dim3A_1802 : vector<16xf32>, vector<16xi1> -> vector<16xf32>
      %eq3A_1804 = vector.broadcast %scan3A : f32 to vector<16xf32>
      %eq3A_1805 = arith.cmpf oeq, %masked_cumsum3A_1803, %eq3A_1804 : vector<16xf32>
      %convert_element_type3A_1806 = arith.extui %eq3A_1805 : vector<16xi1> to vector<16xi32>
      %convert_element_type3A_1807 = arith.sitofp %convert_element_type3A_1806 : vector<16xi32> to vector<16xf32>
      %mul3A_1808 = arith.mulf %convert_element_type3A_1800, %convert_element_type3A_1807 : vector<16xf32>
      %add3A_1809 = arith.addf %reduce_max3A_1777, %reduce_max3A_1796 : f32
      %add3A_1810 = arith.constant 9.99999971E-10 : f32
      %add3A_1811 = arith.addf %add3A_1809, %add3A_1810 : f32
      %broadcast_in_dim3A_1812 = vector.broadcast %add3A_1811 : f32 to vector<16xf32>
      %broadcast_in_dim3A_1813 = vector.broadcast %reduce_max3A_1777 : f32 to vector<16xf32>
      %div3A_1814 = arith.divf %broadcast_in_dim3A_1813, %broadcast_in_dim3A_1812 : vector<16xf32>
      %broadcast_in_dim3A_1815 = vector.broadcast %reduce_max3A_1796 : f32 to vector<16xf32>
      %div3A_1816 = arith.divf %broadcast_in_dim3A_1815, %broadcast_in_dim3A_1812 : vector<16xf32>
      %lt3A_1817 = arith.constant 4.500000e+01 : f32
      %lt3A_1818 = vector.broadcast %lt3A_1817 : f32 to vector<16xf32>
      %lt3A_1819 = arith.cmpf olt, %add3A_1750, %lt3A_1818 : vector<16xf32>
      %convert_element_type3A_1820 = arith.extui %lt3A_1819 : vector<16xi1> to vector<16xi32>
      %convert_element_type3A_1821 = arith.sitofp %convert_element_type3A_1820 : vector<16xi32> to vector<16xf32>
      %mul3A_1822 = arith.mulf %mul3A_1789, %convert_element_type3A_1821 : vector<16xf32>
      %reduce_sum3A_1823 = arith.constant true
      %reduce_sum3A_1824 = vector.broadcast %reduce_sum3A_1823 : i1 to vector<16xi1>
      %reduce_sum3A_1825 = tpu.scan <sum>, %mul3A_1822 masked %reduce_sum3A_1824 : vector<16xf32>, vector<16xi1> -> vector<16xf32>
      %reduce_sum3A_1826 = vector.extract %reduce_sum3A_1825[15] : f32 from vector<16xf32>
      %mul3A_1827 = arith.mulf %mul3A_1822, %add3A_1750 : vector<16xf32>
      %reduce_sum3A_1828 = arith.constant true
      %reduce_sum3A_1829 = vector.broadcast %reduce_sum3A_1828 : i1 to vector<16xi1>
      %reduce_sum3A_1830 = tpu.scan <sum>, %mul3A_1827 masked %reduce_sum3A_1829 : vector<16xf32>, vector<16xi1> -> vector<16xf32>
      %reduce_sum3A_1831 = vector.extract %reduce_sum3A_1830[15] : f32 from vector<16xf32>
      %eq3A_1832 = arith.constant 14 : i32
      %eq3A_1833 = vector.broadcast %eq3A_1832 : i32 to vector<16xi32>
      %eq3A_1834 = arith.cmpi eq, %iota3A, %eq3A_1833 : vector<16xi32>
      %mul3A_1835 = arith.mulf %mul3A_1789, %convert_element_type3A : vector<16xf32>
      %reduce_sum3A_1836 = arith.constant true
      %reduce_sum3A_1837 = vector.broadcast %reduce_sum3A_1836 : i1 to vector<16xi1>
      %reduce_sum3A_1838 = tpu.scan <sum>, %mul3A_1835 masked %reduce_sum3A_1837 : vector<16xf32>, vector<16xi1> -> vector<16xf32>
      %reduce_sum3A_1839 = vector.extract %reduce_sum3A_1838[15] : f32 from vector<16xf32>
      %broadcast_in_dim3A_1840 = vector.broadcast %reduce_sum3A_1839 : f32 to vector<16xf32>
      %select_n3A_1841 = arith.select %eq3A_1834, %broadcast_in_dim3A_1840, %select_n3A_1725 : vector<16xi1>, vector<16xf32>
      %gt3A_1842 = arith.constant 0.000000e+00 : f32
      %gt3A_1843 = arith.cmpf ogt, %reduce_sum3A_1826, %gt3A_1842 : f32
      %jit3A_1844 = arith.constant -1.000000e+00 : f32
      %select_n3A_1845 = arith.select %gt3A_1843, %reduce_sum3A_1831, %jit3A_1844 : f32
      %broadcast_in_dim3A_1846 = vector.broadcast %select_n3A_1845 : f32 to vector<16xf32>
      %select_n3A_1847 = arith.select %eq3A_1834, %broadcast_in_dim3A_1846, %select_n3A_1731 : vector<16xi1>, vector<16xf32>
      %broadcast_in_dim3A_1848 = vector.broadcast %reduce_sum3A_1826 : f32 to vector<16xf32>
      %mul3A_1849 = arith.mulf %div3A_1814, %broadcast_in_dim3A_1848 : vector<16xf32>
      %select_n3A_1850 = arith.select %eq3A_1834, %mul3A_1849, %select_n3A_1734 : vector<16xi1>, vector<16xf32>
      %mul3A_1851 = arith.mulf %mul3A_1808, %convert_element_type3A : vector<16xf32>
      %reduce_sum3A_1852 = arith.constant true
      %reduce_sum3A_1853 = vector.broadcast %reduce_sum3A_1852 : i1 to vector<16xi1>
      %reduce_sum3A_1854 = tpu.scan <sum>, %mul3A_1851 masked %reduce_sum3A_1853 : vector<16xf32>, vector<16xi1> -> vector<16xf32>
      %reduce_sum3A_1855 = vector.extract %reduce_sum3A_1854[15] : f32 from vector<16xf32>
      %broadcast_in_dim3A_1856 = vector.broadcast %reduce_sum3A_1855 : f32 to vector<16xf32>
      %select_n3A_1857 = arith.select %eq3A_1834, %broadcast_in_dim3A_1856, %select_n3A_1741 : vector<16xi1>, vector<16xf32>
      %mul3A_1858 = arith.mulf %mul3A_1808, %add3A_1751 : vector<16xf32>
      %reduce_sum3A_1859 = arith.constant true
      %reduce_sum3A_1860 = vector.broadcast %reduce_sum3A_1859 : i1 to vector<16xi1>
      %reduce_sum3A_1861 = tpu.scan <sum>, %mul3A_1858 masked %reduce_sum3A_1860 : vector<16xf32>, vector<16xi1> -> vector<16xf32>
      %reduce_sum3A_1862 = vector.extract %reduce_sum3A_1861[15] : f32 from vector<16xf32>
      %broadcast_in_dim3A_1863 = vector.broadcast %reduce_sum3A_1862 : f32 to vector<16xf32>
      %select_n3A_1864 = arith.select %eq3A_1834, %broadcast_in_dim3A_1863, %select_n3A_1748 : vector<16xi1>, vector<16xf32>
      %select_n3A_1865 = arith.select %eq3A_1834, %div3A_1816, %select_n3A_1749 : vector<16xi1>, vector<16xf32>
      %add3A_1866 = arith.addf %add3A_1750, %mul3A_1789 : vector<16xf32>
      %add3A_1867 = arith.addf %add3A_1751, %mul3A_1808 : vector<16xf32>
      %add3A_1868 = arith.addf %add3A_1752, %div3A_1773 : vector<16xf32>
      %mul3A_1869 = arith.constant 256 : i32
      %mul3A_1870 = arith.muli %scan3A_134, %mul3A_1869 : i32
      %add3A_1871 = arith.constant 240 : i32
      %add3A_1872 = arith.addi %mul3A_1870, %add3A_1871 : i32
      %get3A_1873 = arith.index_cast %add3A_1872 : i32 to index
      %get3A_1874 = tpu.vector_load %arg12[%get3A_1873] {strides = array<i32>} : memref<9216xf32, #tpu.memory_space<vmem>>, vector<16xf32>,
      %mul3A_1875 = arith.mulf %get3A_1874, %get3A_13 : vector<16xf32>
      %add3A_1876 = arith.addf %mul3A_1875, %get3A_17 : vector<16xf32>
      %reduce_max3A_1877 = arith.constant true
      %reduce_max3A_1878 = vector.broadcast %reduce_max3A_1877 : i1 to vector<16xi1>
      %reduce_max3A_1879 = tpu.scan <max>, %add3A_1876 masked %reduce_max3A_1878 : vector<16xf32>, vector<16xi1> -> vector<16xf32>
      %reduce_max3A_1880 = vector.extract %reduce_max3A_1879[15] : f32 from vector<16xf32>
      %sub3A_1881 = vector.broadcast %reduce_max3A_1880 : f32 to vector<16xf32>
      %sub3A_1882 = arith.subf %add3A_1876, %sub3A_1881 : vector<16xf32>
      %exp3A_1883 = math.exp %sub3A_1882 : vector<16xf32>
      %reduce_sum3A_1884 = arith.constant true
      %reduce_sum3A_1885 = vector.broadcast %reduce_sum3A_1884 : i1 to vector<16xi1>
      %reduce_sum3A_1886 = tpu.scan <sum>, %exp3A_1883 masked %reduce_sum3A_1885 : vector<16xf32>, vector<16xi1> -> vector<16xf32>
      %reduce_sum3A_1887 = vector.extract %reduce_sum3A_1886[15] : f32 from vector<16xf32>
      %broadcast_in_dim3A_1888 = vector.broadcast %reduce_sum3A_1887 : f32 to vector<16xf32>
      %div3A_1889 = arith.divf %exp3A_1883, %broadcast_in_dim3A_1888 : vector<16xf32>
      %reduce_max3A_1890 = arith.constant true
      %reduce_max3A_1891 = vector.broadcast %reduce_max3A_1890 : i1 to vector<16xi1>
      %reduce_max3A_1892 = tpu.scan <max>, %div3A_1889 masked %reduce_max3A_1891 : vector<16xf32>, vector<16xi1> -> vector<16xf32>
      %reduce_max3A_1893 = vector.extract %reduce_max3A_1892[15] : f32 from vector<16xf32>
      %eq3A_1894 = vector.broadcast %reduce_max3A_1893 : f32 to vector<16xf32>
      %eq3A_1895 = arith.cmpf oeq, %div3A_1889, %eq3A_1894 : vector<16xf32>
      %convert_element_type3A_1896 = arith.extui %eq3A_1895 : vector<16xi1> to vector<16xi32>
      %convert_element_type3A_1897 = arith.sitofp %convert_element_type3A_1896 : vector<16xi32> to vector<16xf32>
      %broadcast_in_dim3A_1898 = arith.constant true
      %broadcast_in_dim3A_1899 = vector.broadcast %broadcast_in_dim3A_1898 : i1 to vector<16xi1>
      %masked_cumsum3A_1900 = tpu.scan <sum>, %convert_element_type3A_1897 masked %broadcast_in_dim3A_1899 : vector<16xf32>, vector<16xi1> -> vector<16xf32>
      %eq3A_1901 = vector.broadcast %scan3A : f32 to vector<16xf32>
      %eq3A_1902 = arith.cmpf oeq, %masked_cumsum3A_1900, %eq3A_1901 : vector<16xf32>
      %convert_element_type3A_1903 = arith.extui %eq3A_1902 : vector<16xi1> to vector<16xi32>
      %convert_element_type3A_1904 = arith.sitofp %convert_element_type3A_1903 : vector<16xi32> to vector<16xf32>
      %mul3A_1905 = arith.mulf %convert_element_type3A_1897, %convert_element_type3A_1904 : vector<16xf32>
      %sub3A_1906 = vector.broadcast %scan3A : f32 to vector<16xf32>
      %sub3A_1907 = arith.subf %sub3A_1906, %mul3A_1905 : vector<16xf32>
      %mul3A_1908 = arith.mulf %div3A_1889, %sub3A_1907 : vector<16xf32>
      %reduce_max3A_1909 = arith.constant true
      %reduce_max3A_1910 = vector.broadcast %reduce_max3A_1909 : i1 to vector<16xi1>
      %reduce_max3A_1911 = tpu.scan <max>, %mul3A_1908 masked %reduce_max3A_1910 : vector<16xf32>, vector<16xi1> -> vector<16xf32>
      %reduce_max3A_1912 = vector.extract %reduce_max3A_1911[15] : f32 from vector<16xf32>
      %eq3A_1913 = vector.broadcast %reduce_max3A_1912 : f32 to vector<16xf32>
      %eq3A_1914 = arith.cmpf oeq, %mul3A_1908, %eq3A_1913 : vector<16xf32>
      %convert_element_type3A_1915 = arith.extui %eq3A_1914 : vector<16xi1> to vector<16xi32>
      %convert_element_type3A_1916 = arith.sitofp %convert_element_type3A_1915 : vector<16xi32> to vector<16xf32>
      %broadcast_in_dim3A_1917 = arith.constant true
      %broadcast_in_dim3A_1918 = vector.broadcast %broadcast_in_dim3A_1917 : i1 to vector<16xi1>
      %masked_cumsum3A_1919 = tpu.scan <sum>, %convert_element_type3A_1916 masked %broadcast_in_dim3A_1918 : vector<16xf32>, vector<16xi1> -> vector<16xf32>
      %eq3A_1920 = vector.broadcast %scan3A : f32 to vector<16xf32>
      %eq3A_1921 = arith.cmpf oeq, %masked_cumsum3A_1919, %eq3A_1920 : vector<16xf32>
      %convert_element_type3A_1922 = arith.extui %eq3A_1921 : vector<16xi1> to vector<16xi32>
      %convert_element_type3A_1923 = arith.sitofp %convert_element_type3A_1922 : vector<16xi32> to vector<16xf32>
      %mul3A_1924 = arith.mulf %convert_element_type3A_1916, %convert_element_type3A_1923 : vector<16xf32>
      %add3A_1925 = arith.addf %reduce_max3A_1893, %reduce_max3A_1912 : f32
      %add3A_1926 = arith.constant 9.99999971E-10 : f32
      %add3A_1927 = arith.addf %add3A_1925, %add3A_1926 : f32
      %broadcast_in_dim3A_1928 = vector.broadcast %add3A_1927 : f32 to vector<16xf32>
      %broadcast_in_dim3A_1929 = vector.broadcast %reduce_max3A_1893 : f32 to vector<16xf32>
      %div3A_1930 = arith.divf %broadcast_in_dim3A_1929, %broadcast_in_dim3A_1928 : vector<16xf32>
      %broadcast_in_dim3A_1931 = vector.broadcast %reduce_max3A_1912 : f32 to vector<16xf32>
      %div3A_1932 = arith.divf %broadcast_in_dim3A_1931, %broadcast_in_dim3A_1928 : vector<16xf32>
      %lt3A_1933 = arith.constant 4.500000e+01 : f32
      %lt3A_1934 = vector.broadcast %lt3A_1933 : f32 to vector<16xf32>
      %lt3A_1935 = arith.cmpf olt, %add3A_1866, %lt3A_1934 : vector<16xf32>
      %convert_element_type3A_1936 = arith.extui %lt3A_1935 : vector<16xi1> to vector<16xi32>
      %convert_element_type3A_1937 = arith.sitofp %convert_element_type3A_1936 : vector<16xi32> to vector<16xf32>
      %mul3A_1938 = arith.mulf %mul3A_1905, %convert_element_type3A_1937 : vector<16xf32>
      %reduce_sum3A_1939 = arith.constant true
      %reduce_sum3A_1940 = vector.broadcast %reduce_sum3A_1939 : i1 to vector<16xi1>
      %reduce_sum3A_1941 = tpu.scan <sum>, %mul3A_1938 masked %reduce_sum3A_1940 : vector<16xf32>, vector<16xi1> -> vector<16xf32>
      %reduce_sum3A_1942 = vector.extract %reduce_sum3A_1941[15] : f32 from vector<16xf32>
      %mul3A_1943 = arith.mulf %mul3A_1938, %add3A_1866 : vector<16xf32>
      %reduce_sum3A_1944 = arith.constant true
      %reduce_sum3A_1945 = vector.broadcast %reduce_sum3A_1944 : i1 to vector<16xi1>
      %reduce_sum3A_1946 = tpu.scan <sum>, %mul3A_1943 masked %reduce_sum3A_1945 : vector<16xf32>, vector<16xi1> -> vector<16xf32>
      %reduce_sum3A_1947 = vector.extract %reduce_sum3A_1946[15] : f32 from vector<16xf32>
      %eq3A_1948 = arith.constant 15 : i32
      %eq3A_1949 = vector.broadcast %eq3A_1948 : i32 to vector<16xi32>
      %eq3A_1950 = arith.cmpi eq, %iota3A, %eq3A_1949 : vector<16xi32>
      %mul3A_1951 = arith.mulf %mul3A_1905, %convert_element_type3A : vector<16xf32>
      %reduce_sum3A_1952 = arith.constant true
      %reduce_sum3A_1953 = vector.broadcast %reduce_sum3A_1952 : i1 to vector<16xi1>
      %reduce_sum3A_1954 = tpu.scan <sum>, %mul3A_1951 masked %reduce_sum3A_1953 : vector<16xf32>, vector<16xi1> -> vector<16xf32>
      %reduce_sum3A_1955 = vector.extract %reduce_sum3A_1954[15] : f32 from vector<16xf32>
      %broadcast_in_dim3A_1956 = vector.broadcast %reduce_sum3A_1955 : f32 to vector<16xf32>
      %select_n3A_1957 = arith.select %eq3A_1950, %broadcast_in_dim3A_1956, %select_n3A_1841 : vector<16xi1>, vector<16xf32>
      %gt3A_1958 = arith.constant 0.000000e+00 : f32
      %gt3A_1959 = arith.cmpf ogt, %reduce_sum3A_1942, %gt3A_1958 : f32
      %jit3A_1960 = arith.constant -1.000000e+00 : f32
      %select_n3A_1961 = arith.select %gt3A_1959, %reduce_sum3A_1947, %jit3A_1960 : f32
      %broadcast_in_dim3A_1962 = vector.broadcast %select_n3A_1961 : f32 to vector<16xf32>
      %select_n3A_1963 = arith.select %eq3A_1950, %broadcast_in_dim3A_1962, %select_n3A_1847 : vector<16xi1>, vector<16xf32>
      %broadcast_in_dim3A_1964 = vector.broadcast %reduce_sum3A_1942 : f32 to vector<16xf32>
      %mul3A_1965 = arith.mulf %div3A_1930, %broadcast_in_dim3A_1964 : vector<16xf32>
      %select_n3A_1966 = arith.select %eq3A_1950, %mul3A_1965, %select_n3A_1850 : vector<16xi1>, vector<16xf32>
      %mul3A_1967 = arith.mulf %mul3A_1924, %convert_element_type3A : vector<16xf32>
      %reduce_sum3A_1968 = arith.constant true
      %reduce_sum3A_1969 = vector.broadcast %reduce_sum3A_1968 : i1 to vector<16xi1>
      %reduce_sum3A_1970 = tpu.scan <sum>, %mul3A_1967 masked %reduce_sum3A_1969 : vector<16xf32>, vector<16xi1> -> vector<16xf32>
      %reduce_sum3A_1971 = vector.extract %reduce_sum3A_1970[15] : f32 from vector<16xf32>
      %broadcast_in_dim3A_1972 = vector.broadcast %reduce_sum3A_1971 : f32 to vector<16xf32>
      %select_n3A_1973 = arith.select %eq3A_1950, %broadcast_in_dim3A_1972, %select_n3A_1857 : vector<16xi1>, vector<16xf32>
      %mul3A_1974 = arith.mulf %mul3A_1924, %add3A_1867 : vector<16xf32>
      %reduce_sum3A_1975 = arith.constant true
      %reduce_sum3A_1976 = vector.broadcast %reduce_sum3A_1975 : i1 to vector<16xi1>
      %reduce_sum3A_1977 = tpu.scan <sum>, %mul3A_1974 masked %reduce_sum3A_1976 : vector<16xf32>, vector<16xi1> -> vector<16xf32>
      %reduce_sum3A_1978 = vector.extract %reduce_sum3A_1977[15] : f32 from vector<16xf32>
      %broadcast_in_dim3A_1979 = vector.broadcast %reduce_sum3A_1978 : f32 to vector<16xf32>
      %select_n3A_1980 = arith.select %eq3A_1950, %broadcast_in_dim3A_1979, %select_n3A_1864 : vector<16xi1>, vector<16xf32>
      %select_n3A_1981 = arith.select %eq3A_1950, %div3A_1932, %select_n3A_1865 : vector<16xi1>, vector<16xf32>
      %add3A_1982 = arith.addf %add3A_1866, %mul3A_1905 : vector<16xf32>
      %add3A_1983 = arith.addf %add3A_1867, %mul3A_1924 : vector<16xf32>
      %add3A_1984 = arith.addf %add3A_1868, %div3A_1889 : vector<16xf32>
      %mul3A_1985 = arith.constant 16 : i32
      %mul3A_1986 = arith.muli %scan3A_134, %mul3A_1985 : i32
      %swap3A_1987 = arith.index_cast %mul3A_1986 : i32 to index
      %swap3A_1988 = tpu.vector_load %arg14[%swap3A_1987] {strides = array<i32>} : memref<576xf32, #tpu.memory_space<vmem>>, vector<16xf32>,
      tpu.vector_store %arg14[%swap3A_1987], %select_n3A_1957 {strides = array<i32>} : memref<576xf32, #tpu.memory_space<vmem>>, vector<16xf32>,
      %swap3A_1989 = arith.index_cast %mul3A_1986 : i32 to index
      %swap3A_1990 = tpu.vector_load %arg15[%swap3A_1989] {strides = array<i32>} : memref<576xf32, #tpu.memory_space<vmem>>, vector<16xf32>,
      tpu.vector_store %arg15[%swap3A_1989], %select_n3A_1963 {strides = array<i32>} : memref<576xf32, #tpu.memory_space<vmem>>, vector<16xf32>,
      %swap3A_1991 = arith.index_cast %mul3A_1986 : i32 to index
      %swap3A_1992 = tpu.vector_load %arg16[%swap3A_1991] {strides = array<i32>} : memref<576xf32, #tpu.memory_space<vmem>>, vector<16xf32>,
      tpu.vector_store %arg16[%swap3A_1991], %select_n3A_1966 {strides = array<i32>} : memref<576xf32, #tpu.memory_space<vmem>>, vector<16xf32>,
      %swap3A_1993 = arith.index_cast %mul3A_1986 : i32 to index
      %swap3A_1994 = tpu.vector_load %arg17[%swap3A_1993] {strides = array<i32>} : memref<576xf32, #tpu.memory_space<vmem>>, vector<16xf32>,
      tpu.vector_store %arg17[%swap3A_1993], %select_n3A_1973 {strides = array<i32>} : memref<576xf32, #tpu.memory_space<vmem>>, vector<16xf32>,
      %swap3A_1995 = arith.index_cast %mul3A_1986 : i32 to index
      %swap3A_1996 = tpu.vector_load %arg18[%swap3A_1995] {strides = array<i32>} : memref<576xf32, #tpu.memory_space<vmem>>, vector<16xf32>,
      tpu.vector_store %arg18[%swap3A_1995], %select_n3A_1980 {strides = array<i32>} : memref<576xf32, #tpu.memory_space<vmem>>, vector<16xf32>,
      %swap3A_1997 = arith.index_cast %mul3A_1986 : i32 to index
      %swap3A_1998 = tpu.vector_load %arg19[%swap3A_1997] {strides = array<i32>} : memref<576xf32, #tpu.memory_space<vmem>>, vector<16xf32>,
      tpu.vector_store %arg19[%swap3A_1997], %select_n3A_1981 {strides = array<i32>} : memref<576xf32, #tpu.memory_space<vmem>>, vector<16xf32>,
      scf.yield %add3A_1982, %add3A_1983, %add3A_1984 : vector<16xf32>, vector<16xf32>, vector<16xf32>
    }
    %scan3A_24 = arith.constant 36 : i32
    %swap3A = arith.constant 0 : index
    %swap3A_25 = tpu.vector_load %arg23[%swap3A] {strides = array<i32>} : memref<16xf32, #tpu.memory_space<vmem>>, vector<16xf32>,
    tpu.vector_store %arg23[%swap3A], %scan3A_23#0 {strides = array<i32>} : memref<16xf32, #tpu.memory_space<vmem>>, vector<16xf32>,
    %swap3A_26 = arith.constant 0 : index
    %swap3A_27 = tpu.vector_load %arg22[%swap3A_26] {strides = array<i32>} : memref<16xf32, #tpu.memory_space<vmem>>, vector<16xf32>,
    tpu.vector_store %arg22[%swap3A_26], %scan3A_23#2 {strides = array<i32>} : memref<16xf32, #tpu.memory_space<vmem>>, vector<16xf32>,
    %min3A = arith.constant 4.500000e+01 : f32
    %min3A_28 = vector.broadcast %min3A : f32 to vector<16xf32>
    %min3A_29 = arith.minimumf %scan3A_23#0, %min3A_28 : vector<16xf32>
    %swap3A_30 = arith.constant 0 : index
    %swap3A_31 = tpu.vector_load %arg24[%swap3A_30] {strides = array<i32>} : memref<16xf32, #tpu.memory_space<vmem>>, vector<16xf32>,
    tpu.vector_store %arg24[%swap3A_30], %min3A_29 {strides = array<i32>} : memref<16xf32, #tpu.memory_space<vmem>>, vector<16xf32>,
    %scan3A_32 = arith.constant 0 : i32
    %scan3A_33 = arith.constant 0 : i32
    %scan3A_34 = arith.constant 36 : i32
    %scan3A_35 = arith.addi %scan3A_33, %scan3A_34 : i32
    %scan3A_36 = arith.constant 1 : i32
    scf.for %scan3A_134 = %scan3A_33 to %scan3A_35 step %scan3A_36  : i32 {
      %mul3A_135 = arith.constant 16 : i32
      %mul3A_136 = arith.muli %scan3A_134, %mul3A_135 : i32
      %get3A_137 = arith.index_cast %mul3A_136 : i32 to index
      %get3A_138 = tpu.vector_load %arg17[%get3A_137] {strides = array<i32>} : memref<576xf32, #tpu.memory_space<vmem>>, vector<16xf32>,
      %convert_element_type3A_139 = arith.fptosi %get3A_138 : vector<16xf32> to vector<16xi32>
      %gather3A = tpu.vector_load_idx %arg24[%convert_element_type3A_139] : memref<16xf32, #tpu.memory_space<vmem>>[vector<16xi32>], vector<16xf32>,
      %get3A_140 = arith.index_cast %mul3A_136 : i32 to index
      %get3A_141 = tpu.vector_load %arg18[%get3A_140] {strides = array<i32>} : memref<576xf32, #tpu.memory_space<vmem>>, vector<16xf32>,
      %add3A_142 = arith.addf %get3A_141, %gather3A : vector<16xf32>
      %lt3A = arith.constant 4.500000e+01 : f32
      %lt3A_143 = vector.broadcast %lt3A : f32 to vector<16xf32>
      %lt3A_144 = arith.cmpf olt, %add3A_142, %lt3A_143 : vector<16xf32>
      %jit3A = arith.constant -1.000000e+00 : f32
      %broadcast_in_dim3A_145 = vector.broadcast %jit3A : f32 to vector<16xf32>
      %select_n3A = arith.select %lt3A_144, %add3A_142, %broadcast_in_dim3A_145 : vector<16xi1>, vector<16xf32>
      %swap3A_146 = arith.index_cast %mul3A_136 : i32 to index
      %swap3A_147 = tpu.vector_load %arg20[%swap3A_146] {strides = array<i32>} : memref<576xf32, #tpu.memory_space<vmem>>, vector<16xf32>,
      tpu.vector_store %arg20[%swap3A_146], %select_n3A {strides = array<i32>} : memref<576xf32, #tpu.memory_space<vmem>>, vector<16xf32>,
      %get3A_148 = arith.index_cast %mul3A_136 : i32 to index
      %get3A_149 = tpu.vector_load %arg19[%get3A_148] {strides = array<i32>} : memref<576xf32, #tpu.memory_space<vmem>>, vector<16xf32>,
      %jit3A_150 = arith.constant 0.000000e+00 : f32
      %broadcast_in_dim3A_151 = vector.broadcast %jit3A_150 : f32 to vector<16xf32>
      %select_n3A_152 = arith.select %lt3A_144, %get3A_149, %broadcast_in_dim3A_151 : vector<16xi1>, vector<16xf32>
      %swap3A_153 = arith.index_cast %mul3A_136 : i32 to index
      %swap3A_154 = tpu.vector_load %arg21[%swap3A_153] {strides = array<i32>} : memref<576xf32, #tpu.memory_space<vmem>>, vector<16xf32>,
      tpu.vector_store %arg21[%swap3A_153], %select_n3A_152 {strides = array<i32>} : memref<576xf32, #tpu.memory_space<vmem>>, vector<16xf32>,
    }
    %scan3A_37 = arith.constant 36 : i32
    %dma_start3A_38 = arith.constant 0 : i32
    %dma_start3A_39 = tpu.memref_slice %arg4[%add3A, %dma_start3A_38] : memref<32x576xf32, #tpu.memory_space<hbm>> -> memref<1x576xf32, #tpu.memory_space<hbm>>
    %dma_start3A_40 = tpu.memref_squeeze %dma_start3A_39 : memref<1x576xf32, #tpu.memory_space<hbm>> -> memref<576xf32, #tpu.memory_space<hbm>>
    %dma_start3A_41 = arith.constant 0 : i32
    %dma_start3A_42 = tpu.memref_slice %arg4[%add3A, %dma_start3A_41] : memref<32x576xf32, #tpu.memory_space<hbm>> -> memref<1x576xf32, #tpu.memory_space<hbm>>
    %dma_start3A_43 = tpu.memref_squeeze %dma_start3A_42 : memref<1x576xf32, #tpu.memory_space<hbm>> -> memref<576xf32, #tpu.memory_space<hbm>>
    tpu.enqueue_dma source(%arg14 : memref<576xf32, #tpu.memory_space<vmem>>) target(%dma_start3A_43 : memref<576xf32, #tpu.memory_space<hbm>>) target_semaphore(%arg25 : memref<!tpu.dma_semaphore, #tpu.memory_space<semaphore_mem>>)
    %dma_wait3A_44 = arith.constant 0 : i32
    %dma_wait3A_45 = tpu.memref_slice %arg4[%add3A, %dma_wait3A_44] : memref<32x576xf32, #tpu.memory_space<hbm>> -> memref<1x576xf32, #tpu.memory_space<hbm>>
    %dma_wait3A_46 = tpu.memref_squeeze %dma_wait3A_45 : memref<1x576xf32, #tpu.memory_space<hbm>> -> memref<576xf32, #tpu.memory_space<hbm>>
    %dma_wait3A_47 = arith.constant 0 : i32
    %dma_wait3A_48 = tpu.memref_slice %arg4[%add3A, %dma_wait3A_47] : memref<32x576xf32, #tpu.memory_space<hbm>> -> memref<1x576xf32, #tpu.memory_space<hbm>>
    %dma_wait3A_49 = tpu.memref_squeeze %dma_wait3A_48 : memref<1x576xf32, #tpu.memory_space<hbm>> -> memref<576xf32, #tpu.memory_space<hbm>>
    tpu.wait_dma2 semaphore(%arg25 : memref<!tpu.dma_semaphore, #tpu.memory_space<semaphore_mem>>) src(%arg14 : memref<576xf32, #tpu.memory_space<vmem>>) dst(%dma_wait3A_49 : memref<576xf32, #tpu.memory_space<hbm>>)
    %dma_start3A_50 = arith.constant 0 : i32
    %dma_start3A_51 = tpu.memref_slice %arg5[%add3A, %dma_start3A_50] : memref<32x576xf32, #tpu.memory_space<hbm>> -> memref<1x576xf32, #tpu.memory_space<hbm>>
    %dma_start3A_52 = tpu.memref_squeeze %dma_start3A_51 : memref<1x576xf32, #tpu.memory_space<hbm>> -> memref<576xf32, #tpu.memory_space<hbm>>
    %dma_start3A_53 = arith.constant 0 : i32
    %dma_start3A_54 = tpu.memref_slice %arg5[%add3A, %dma_start3A_53] : memref<32x576xf32, #tpu.memory_space<hbm>> -> memref<1x576xf32, #tpu.memory_space<hbm>>
    %dma_start3A_55 = tpu.memref_squeeze %dma_start3A_54 : memref<1x576xf32, #tpu.memory_space<hbm>> -> memref<576xf32, #tpu.memory_space<hbm>>
    tpu.enqueue_dma source(%arg15 : memref<576xf32, #tpu.memory_space<vmem>>) target(%dma_start3A_55 : memref<576xf32, #tpu.memory_space<hbm>>) target_semaphore(%arg25 : memref<!tpu.dma_semaphore, #tpu.memory_space<semaphore_mem>>)
    %dma_wait3A_56 = arith.constant 0 : i32
    %dma_wait3A_57 = tpu.memref_slice %arg5[%add3A, %dma_wait3A_56] : memref<32x576xf32, #tpu.memory_space<hbm>> -> memref<1x576xf32, #tpu.memory_space<hbm>>
    %dma_wait3A_58 = tpu.memref_squeeze %dma_wait3A_57 : memref<1x576xf32, #tpu.memory_space<hbm>> -> memref<576xf32, #tpu.memory_space<hbm>>
    %dma_wait3A_59 = arith.constant 0 : i32
    %dma_wait3A_60 = tpu.memref_slice %arg5[%add3A, %dma_wait3A_59] : memref<32x576xf32, #tpu.memory_space<hbm>> -> memref<1x576xf32, #tpu.memory_space<hbm>>
    %dma_wait3A_61 = tpu.memref_squeeze %dma_wait3A_60 : memref<1x576xf32, #tpu.memory_space<hbm>> -> memref<576xf32, #tpu.memory_space<hbm>>
    tpu.wait_dma2 semaphore(%arg25 : memref<!tpu.dma_semaphore, #tpu.memory_space<semaphore_mem>>) src(%arg15 : memref<576xf32, #tpu.memory_space<vmem>>) dst(%dma_wait3A_61 : memref<576xf32, #tpu.memory_space<hbm>>)
    %dma_start3A_62 = arith.constant 0 : i32
    %dma_start3A_63 = tpu.memref_slice %arg6[%add3A, %dma_start3A_62] : memref<32x576xf32, #tpu.memory_space<hbm>> -> memref<1x576xf32, #tpu.memory_space<hbm>>
    %dma_start3A_64 = tpu.memref_squeeze %dma_start3A_63 : memref<1x576xf32, #tpu.memory_space<hbm>> -> memref<576xf32, #tpu.memory_space<hbm>>
    %dma_start3A_65 = arith.constant 0 : i32
    %dma_start3A_66 = tpu.memref_slice %arg6[%add3A, %dma_start3A_65] : memref<32x576xf32, #tpu.memory_space<hbm>> -> memref<1x576xf32, #tpu.memory_space<hbm>>
    %dma_start3A_67 = tpu.memref_squeeze %dma_start3A_66 : memref<1x576xf32, #tpu.memory_space<hbm>> -> memref<576xf32, #tpu.memory_space<hbm>>
    tpu.enqueue_dma source(%arg16 : memref<576xf32, #tpu.memory_space<vmem>>) target(%dma_start3A_67 : memref<576xf32, #tpu.memory_space<hbm>>) target_semaphore(%arg25 : memref<!tpu.dma_semaphore, #tpu.memory_space<semaphore_mem>>)
    %dma_wait3A_68 = arith.constant 0 : i32
    %dma_wait3A_69 = tpu.memref_slice %arg6[%add3A, %dma_wait3A_68] : memref<32x576xf32, #tpu.memory_space<hbm>> -> memref<1x576xf32, #tpu.memory_space<hbm>>
    %dma_wait3A_70 = tpu.memref_squeeze %dma_wait3A_69 : memref<1x576xf32, #tpu.memory_space<hbm>> -> memref<576xf32, #tpu.memory_space<hbm>>
    %dma_wait3A_71 = arith.constant 0 : i32
    %dma_wait3A_72 = tpu.memref_slice %arg6[%add3A, %dma_wait3A_71] : memref<32x576xf32, #tpu.memory_space<hbm>> -> memref<1x576xf32, #tpu.memory_space<hbm>>
    %dma_wait3A_73 = tpu.memref_squeeze %dma_wait3A_72 : memref<1x576xf32, #tpu.memory_space<hbm>> -> memref<576xf32, #tpu.memory_space<hbm>>
    tpu.wait_dma2 semaphore(%arg25 : memref<!tpu.dma_semaphore, #tpu.memory_space<semaphore_mem>>) src(%arg16 : memref<576xf32, #tpu.memory_space<vmem>>) dst(%dma_wait3A_73 : memref<576xf32, #tpu.memory_space<hbm>>)
    %dma_start3A_74 = arith.constant 0 : i32
    %dma_start3A_75 = tpu.memref_slice %arg7[%add3A, %dma_start3A_74] : memref<32x576xf32, #tpu.memory_space<hbm>> -> memref<1x576xf32, #tpu.memory_space<hbm>>
    %dma_start3A_76 = tpu.memref_squeeze %dma_start3A_75 : memref<1x576xf32, #tpu.memory_space<hbm>> -> memref<576xf32, #tpu.memory_space<hbm>>
    %dma_start3A_77 = arith.constant 0 : i32
    %dma_start3A_78 = tpu.memref_slice %arg7[%add3A, %dma_start3A_77] : memref<32x576xf32, #tpu.memory_space<hbm>> -> memref<1x576xf32, #tpu.memory_space<hbm>>
    %dma_start3A_79 = tpu.memref_squeeze %dma_start3A_78 : memref<1x576xf32, #tpu.memory_space<hbm>> -> memref<576xf32, #tpu.memory_space<hbm>>
    tpu.enqueue_dma source(%arg17 : memref<576xf32, #tpu.memory_space<vmem>>) target(%dma_start3A_79 : memref<576xf32, #tpu.memory_space<hbm>>) target_semaphore(%arg25 : memref<!tpu.dma_semaphore, #tpu.memory_space<semaphore_mem>>)
    %dma_wait3A_80 = arith.constant 0 : i32
    %dma_wait3A_81 = tpu.memref_slice %arg7[%add3A, %dma_wait3A_80] : memref<32x576xf32, #tpu.memory_space<hbm>> -> memref<1x576xf32, #tpu.memory_space<hbm>>
    %dma_wait3A_82 = tpu.memref_squeeze %dma_wait3A_81 : memref<1x576xf32, #tpu.memory_space<hbm>> -> memref<576xf32, #tpu.memory_space<hbm>>
    %dma_wait3A_83 = arith.constant 0 : i32
    %dma_wait3A_84 = tpu.memref_slice %arg7[%add3A, %dma_wait3A_83] : memref<32x576xf32, #tpu.memory_space<hbm>> -> memref<1x576xf32, #tpu.memory_space<hbm>>
    %dma_wait3A_85 = tpu.memref_squeeze %dma_wait3A_84 : memref<1x576xf32, #tpu.memory_space<hbm>> -> memref<576xf32, #tpu.memory_space<hbm>>
    tpu.wait_dma2 semaphore(%arg25 : memref<!tpu.dma_semaphore, #tpu.memory_space<semaphore_mem>>) src(%arg17 : memref<576xf32, #tpu.memory_space<vmem>>) dst(%dma_wait3A_85 : memref<576xf32, #tpu.memory_space<hbm>>)
    %dma_start3A_86 = arith.constant 0 : i32
    %dma_start3A_87 = tpu.memref_slice %arg8[%add3A, %dma_start3A_86] : memref<32x576xf32, #tpu.memory_space<hbm>> -> memref<1x576xf32, #tpu.memory_space<hbm>>
    %dma_start3A_88 = tpu.memref_squeeze %dma_start3A_87 : memref<1x576xf32, #tpu.memory_space<hbm>> -> memref<576xf32, #tpu.memory_space<hbm>>
    %dma_start3A_89 = arith.constant 0 : i32
    %dma_start3A_90 = tpu.memref_slice %arg8[%add3A, %dma_start3A_89] : memref<32x576xf32, #tpu.memory_space<hbm>> -> memref<1x576xf32, #tpu.memory_space<hbm>>
    %dma_start3A_91 = tpu.memref_squeeze %dma_start3A_90 : memref<1x576xf32, #tpu.memory_space<hbm>> -> memref<576xf32, #tpu.memory_space<hbm>>
    tpu.enqueue_dma source(%arg20 : memref<576xf32, #tpu.memory_space<vmem>>) target(%dma_start3A_91 : memref<576xf32, #tpu.memory_space<hbm>>) target_semaphore(%arg25 : memref<!tpu.dma_semaphore, #tpu.memory_space<semaphore_mem>>)
    %dma_wait3A_92 = arith.constant 0 : i32
    %dma_wait3A_93 = tpu.memref_slice %arg8[%add3A, %dma_wait3A_92] : memref<32x576xf32, #tpu.memory_space<hbm>> -> memref<1x576xf32, #tpu.memory_space<hbm>>
    %dma_wait3A_94 = tpu.memref_squeeze %dma_wait3A_93 : memref<1x576xf32, #tpu.memory_space<hbm>> -> memref<576xf32, #tpu.memory_space<hbm>>
    %dma_wait3A_95 = arith.constant 0 : i32
    %dma_wait3A_96 = tpu.memref_slice %arg8[%add3A, %dma_wait3A_95] : memref<32x576xf32, #tpu.memory_space<hbm>> -> memref<1x576xf32, #tpu.memory_space<hbm>>
    %dma_wait3A_97 = tpu.memref_squeeze %dma_wait3A_96 : memref<1x576xf32, #tpu.memory_space<hbm>> -> memref<576xf32, #tpu.memory_space<hbm>>
    tpu.wait_dma2 semaphore(%arg25 : memref<!tpu.dma_semaphore, #tpu.memory_space<semaphore_mem>>) src(%arg20 : memref<576xf32, #tpu.memory_space<vmem>>) dst(%dma_wait3A_97 : memref<576xf32, #tpu.memory_space<hbm>>)
    %dma_start3A_98 = arith.constant 0 : i32
    %dma_start3A_99 = tpu.memref_slice %arg9[%add3A, %dma_start3A_98] : memref<32x576xf32, #tpu.memory_space<hbm>> -> memref<1x576xf32, #tpu.memory_space<hbm>>
    %dma_start3A_100 = tpu.memref_squeeze %dma_start3A_99 : memref<1x576xf32, #tpu.memory_space<hbm>> -> memref<576xf32, #tpu.memory_space<hbm>>
    %dma_start3A_101 = arith.constant 0 : i32
    %dma_start3A_102 = tpu.memref_slice %arg9[%add3A, %dma_start3A_101] : memref<32x576xf32, #tpu.memory_space<hbm>> -> memref<1x576xf32, #tpu.memory_space<hbm>>
    %dma_start3A_103 = tpu.memref_squeeze %dma_start3A_102 : memref<1x576xf32, #tpu.memory_space<hbm>> -> memref<576xf32, #tpu.memory_space<hbm>>
    tpu.enqueue_dma source(%arg21 : memref<576xf32, #tpu.memory_space<vmem>>) target(%dma_start3A_103 : memref<576xf32, #tpu.memory_space<hbm>>) target_semaphore(%arg25 : memref<!tpu.dma_semaphore, #tpu.memory_space<semaphore_mem>>)
    %dma_wait3A_104 = arith.constant 0 : i32
    %dma_wait3A_105 = tpu.memref_slice %arg9[%add3A, %dma_wait3A_104] : memref<32x576xf32, #tpu.memory_space<hbm>> -> memref<1x576xf32, #tpu.memory_space<hbm>>
    %dma_wait3A_106 = tpu.memref_squeeze %dma_wait3A_105 : memref<1x576xf32, #tpu.memory_space<hbm>> -> memref<576xf32, #tpu.memory_space<hbm>>
    %dma_wait3A_107 = arith.constant 0 : i32
    %dma_wait3A_108 = tpu.memref_slice %arg9[%add3A, %dma_wait3A_107] : memref<32x576xf32, #tpu.memory_space<hbm>> -> memref<1x576xf32, #tpu.memory_space<hbm>>
    %dma_wait3A_109 = tpu.memref_squeeze %dma_wait3A_108 : memref<1x576xf32, #tpu.memory_space<hbm>> -> memref<576xf32, #tpu.memory_space<hbm>>
    tpu.wait_dma2 semaphore(%arg25 : memref<!tpu.dma_semaphore, #tpu.memory_space<semaphore_mem>>) src(%arg21 : memref<576xf32, #tpu.memory_space<vmem>>) dst(%dma_wait3A_109 : memref<576xf32, #tpu.memory_space<hbm>>)
    %dma_start3A_110 = arith.constant 0 : i32
    %dma_start3A_111 = tpu.memref_slice %arg10[%add3A, %dma_start3A_110] : memref<32x16xf32, #tpu.memory_space<hbm>> -> memref<1x16xf32, #tpu.memory_space<hbm>>
    %dma_start3A_112 = tpu.memref_squeeze %dma_start3A_111 : memref<1x16xf32, #tpu.memory_space<hbm>> -> memref<16xf32, #tpu.memory_space<hbm>>
    %dma_start3A_113 = arith.constant 0 : i32
    %dma_start3A_114 = tpu.memref_slice %arg10[%add3A, %dma_start3A_113] : memref<32x16xf32, #tpu.memory_space<hbm>> -> memref<1x16xf32, #tpu.memory_space<hbm>>
    %dma_start3A_115 = tpu.memref_squeeze %dma_start3A_114 : memref<1x16xf32, #tpu.memory_space<hbm>> -> memref<16xf32, #tpu.memory_space<hbm>>
    tpu.enqueue_dma source(%arg22 : memref<16xf32, #tpu.memory_space<vmem>>) target(%dma_start3A_115 : memref<16xf32, #tpu.memory_space<hbm>>) target_semaphore(%arg25 : memref<!tpu.dma_semaphore, #tpu.memory_space<semaphore_mem>>)
    %dma_wait3A_116 = arith.constant 0 : i32
    %dma_wait3A_117 = tpu.memref_slice %arg10[%add3A, %dma_wait3A_116] : memref<32x16xf32, #tpu.memory_space<hbm>> -> memref<1x16xf32, #tpu.memory_space<hbm>>
    %dma_wait3A_118 = tpu.memref_squeeze %dma_wait3A_117 : memref<1x16xf32, #tpu.memory_space<hbm>> -> memref<16xf32, #tpu.memory_space<hbm>>
    %dma_wait3A_119 = arith.constant 0 : i32
    %dma_wait3A_120 = tpu.memref_slice %arg10[%add3A, %dma_wait3A_119] : memref<32x16xf32, #tpu.memory_space<hbm>> -> memref<1x16xf32, #tpu.memory_space<hbm>>
    %dma_wait3A_121 = tpu.memref_squeeze %dma_wait3A_120 : memref<1x16xf32, #tpu.memory_space<hbm>> -> memref<16xf32, #tpu.memory_space<hbm>>
    tpu.wait_dma2 semaphore(%arg25 : memref<!tpu.dma_semaphore, #tpu.memory_space<semaphore_mem>>) src(%arg22 : memref<16xf32, #tpu.memory_space<vmem>>) dst(%dma_wait3A_121 : memref<16xf32, #tpu.memory_space<hbm>>)
    %dma_start3A_122 = arith.constant 0 : i32
    %dma_start3A_123 = tpu.memref_slice %arg11[%add3A, %dma_start3A_122] : memref<32x16xf32, #tpu.memory_space<hbm>> -> memref<1x16xf32, #tpu.memory_space<hbm>>
    %dma_start3A_124 = tpu.memref_squeeze %dma_start3A_123 : memref<1x16xf32, #tpu.memory_space<hbm>> -> memref<16xf32, #tpu.memory_space<hbm>>
    %dma_start3A_125 = arith.constant 0 : i32
    %dma_start3A_126 = tpu.memref_slice %arg11[%add3A, %dma_start3A_125] : memref<32x16xf32, #tpu.memory_space<hbm>> -> memref<1x16xf32, #tpu.memory_space<hbm>>
    %dma_start3A_127 = tpu.memref_squeeze %dma_start3A_126 : memref<1x16xf32, #tpu.memory_space<hbm>> -> memref<16xf32, #tpu.memory_space<hbm>>
    tpu.enqueue_dma source(%arg23 : memref<16xf32, #tpu.memory_space<vmem>>) target(%dma_start3A_127 : memref<16xf32, #tpu.memory_space<hbm>>) target_semaphore(%arg25 : memref<!tpu.dma_semaphore, #tpu.memory_space<semaphore_mem>>)
    %dma_wait3A_128 = arith.constant 0 : i32
    %dma_wait3A_129 = tpu.memref_slice %arg11[%add3A, %dma_wait3A_128] : memref<32x16xf32, #tpu.memory_space<hbm>> -> memref<1x16xf32, #tpu.memory_space<hbm>>
    %dma_wait3A_130 = tpu.memref_squeeze %dma_wait3A_129 : memref<1x16xf32, #tpu.memory_space<hbm>> -> memref<16xf32, #tpu.memory_space<hbm>>
    %dma_wait3A_131 = arith.constant 0 : i32
    %dma_wait3A_132 = tpu.memref_slice %arg11[%add3A, %dma_wait3A_131] : memref<32x16xf32, #tpu.memory_space<hbm>> -> memref<1x16xf32, #tpu.memory_space<hbm>>
    %dma_wait3A_133 = tpu.memref_squeeze %dma_wait3A_132 : memref<1x16xf32, #tpu.memory_space<hbm>> -> memref<16xf32, #tpu.memory_space<hbm>>
    tpu.wait_dma2 semaphore(%arg25 : memref<!tpu.dma_semaphore, #tpu.memory_space<semaphore_mem>>) src(%arg23 : memref<16xf32, #tpu.memory_space<vmem>>) dst(%dma_wait3A_133 : memref<16xf32, #tpu.memory_space<hbm>>)
    return
  }
}

module attributes {stable_mosaic.version = 14 : i64} {
  func.func @_stage_b_body(%arg0: i32, %arg1: memref<1x1x576xf32, #tpu.memory_space<vmem>>, %arg2: memref<1x1x576xf32, #tpu.memory_space<vmem>>, %arg3: memref<1x1x576xf32, #tpu.memory_space<vmem>>, %arg4: memref<1x1x576xf32, #tpu.memory_space<vmem>>, %arg5: memref<1x1x576xf32, #tpu.memory_space<vmem>>, %arg6: memref<1x1x576xf32, #tpu.memory_space<vmem>>, %arg7: memref<1x1x16xf32, #tpu.memory_space<vmem>>, %arg8: memref<1x1x16xf32, #tpu.memory_space<vmem>>, %arg9: memref<1x45x16x576xf32, #tpu.memory_space<vmem>>, %arg10: memref<1x45x16x576xf32, #tpu.memory_space<vmem>>, %arg11: memref<1x1xf32, #tpu.memory_space<vmem>>, %arg12: memref<1x16xf32, #tpu.memory_space<vmem>>) attributes {dimension_semantics = [#tpu.dimension_semantics<arbitrary>], iteration_bounds = array<i64: 32>, scalar_prefetch = 0 : i64, scratch_operands = 1 : i64, tpu.core_type = #tpu.core_type<tc>, window_params = [{transform_indices = @transform_0, window_bounds = array<i64: 1, 1, 576>}, {transform_indices = @transform_1, window_bounds = array<i64: 1, 1, 576>}, {transform_indices = @transform_2, window_bounds = array<i64: 1, 1, 576>}, {transform_indices = @transform_3, window_bounds = array<i64: 1, 1, 576>}, {transform_indices = @transform_4, window_bounds = array<i64: 1, 1, 576>}, {transform_indices = @transform_5, window_bounds = array<i64: 1, 1, 576>}, {transform_indices = @transform_6, window_bounds = array<i64: 1, 1, 16>}, {transform_indices = @transform_7, window_bounds = array<i64: 1, 1, 16>}, {transform_indices = @transform_8, window_bounds = array<i64: 1, 45, 16, 576>}, {transform_indices = @transform_9, window_bounds = array<i64: 1, 45, 16, 576>}, {pipeline_mode = #tpu.pipeline_mode<synchronous>, transform_indices = @transform_10, window_bounds = array<i64: 1, 1>}]} {
    %eq3A = arith.constant 0 : i32
    %eq3A_0 = arith.cmpi eq, %arg0, %eq3A : i32
    %convert_element_type3A = arith.extui %eq3A_0 : i1 to i32
    %cond3A = arith.constant 0 : i32
    %cond3A_1 = arith.cmpi ne, %convert_element_type3A, %cond3A : i32
    scf.if %cond3A_1 {
      %broadcast_in_dim3A_101 = arith.constant 0.000000e+00 : f32
      %broadcast_in_dim3A_102 = vector.broadcast %broadcast_in_dim3A_101 : f32 to vector<1x16xf32>
      %swap3A_103 = arith.constant 0 : index
      %swap3A_104 = arith.constant 0 : index
      %swap3A_105 = vector.load %arg12[%swap3A_103, %swap3A_104] : memref<1x16xf32, #tpu.memory_space<vmem>>, vector<1x16xf32>
      tpu.vector_store %arg12[%swap3A_103, %swap3A_104], %broadcast_in_dim3A_102 {strides = array<i32>} : memref<1x16xf32, #tpu.memory_space<vmem>>, vector<1x16xf32>,
    } else {
    }
    %get3A = arith.constant 0 : index
    %get3A_2 = arith.constant 0 : index
    %get3A_3 = arith.constant 0 : index
    %get3A_4 = vector.load %arg1[%get3A, %get3A_2, %get3A_3] : memref<1x1x576xf32, #tpu.memory_space<vmem>>, vector<1x1x576xf32>
    %get3A_5 = vector.shape_cast %get3A_4 : vector<1x1x576xf32> to vector<1x576xf32>
    %get3A_6 = arith.constant 0 : index
    %get3A_7 = arith.constant 0 : index
    %get3A_8 = arith.constant 0 : index
    %get3A_9 = vector.load %arg2[%get3A_6, %get3A_7, %get3A_8] : memref<1x1x576xf32, #tpu.memory_space<vmem>>, vector<1x1x576xf32>
    %get3A_10 = vector.shape_cast %get3A_9 : vector<1x1x576xf32> to vector<1x576xf32>
    %get3A_11 = arith.constant 0 : index
    %get3A_12 = arith.constant 0 : index
    %get3A_13 = arith.constant 0 : index
    %get3A_14 = vector.load %arg3[%get3A_11, %get3A_12, %get3A_13] : memref<1x1x576xf32, #tpu.memory_space<vmem>>, vector<1x1x576xf32>
    %get3A_15 = vector.shape_cast %get3A_14 : vector<1x1x576xf32> to vector<1x576xf32>
    %get3A_16 = arith.constant 0 : index
    %get3A_17 = arith.constant 0 : index
    %get3A_18 = arith.constant 0 : index
    %get3A_19 = vector.load %arg4[%get3A_16, %get3A_17, %get3A_18] : memref<1x1x576xf32, #tpu.memory_space<vmem>>, vector<1x1x576xf32>
    %get3A_20 = vector.shape_cast %get3A_19 : vector<1x1x576xf32> to vector<1x576xf32>
    %get3A_21 = arith.constant 0 : index
    %get3A_22 = arith.constant 0 : index
    %get3A_23 = arith.constant 0 : index
    %get3A_24 = vector.load %arg5[%get3A_21, %get3A_22, %get3A_23] : memref<1x1x576xf32, #tpu.memory_space<vmem>>, vector<1x1x576xf32>
    %get3A_25 = vector.shape_cast %get3A_24 : vector<1x1x576xf32> to vector<1x576xf32>
    %get3A_26 = arith.constant 0 : index
    %get3A_27 = arith.constant 0 : index
    %get3A_28 = arith.constant 0 : index
    %get3A_29 = vector.load %arg6[%get3A_26, %get3A_27, %get3A_28] : memref<1x1x576xf32, #tpu.memory_space<vmem>>, vector<1x1x576xf32>
    %get3A_30 = vector.shape_cast %get3A_29 : vector<1x1x576xf32> to vector<1x576xf32>
    %iota3A = tpu.iota {dimensions = array<i32: 1>} : vector<1x16x576xi32>
    %convert_element_type3A_31 = arith.sitofp %iota3A : vector<1x16x576xi32> to vector<1x16x576xf32>
    %iota3A_32 = tpu.iota {dimensions = array<i32: 0>} : vector<45x1x576xi32>
    %convert_element_type3A_33 = arith.sitofp %iota3A_32 : vector<45x1x576xi32> to vector<45x1x576xf32>
    %broadcast_in_dim3A = vector.shape_cast %get3A_5 : vector<1x576xf32> to vector<1x1x576xf32>
    %eq3A_34 = vector.broadcast %broadcast_in_dim3A : vector<1x1x576xf32> to vector<1x16x576xf32>
    %eq3A_35 = arith.cmpf oeq, %convert_element_type3A_31, %eq3A_34 : vector<1x16x576xf32>
    %convert_element_type3A_36 = arith.extui %eq3A_35 : vector<1x16x576xi1> to vector<1x16x576xi32>
    %convert_element_type3A_37 = arith.sitofp %convert_element_type3A_36 : vector<1x16x576xi32> to vector<1x16x576xf32>
    %broadcast_in_dim3A_38 = vector.shape_cast %get3A_20 : vector<1x576xf32> to vector<1x1x576xf32>
    %eq3A_39 = vector.broadcast %broadcast_in_dim3A_38 : vector<1x1x576xf32> to vector<1x16x576xf32>
    %eq3A_40 = arith.cmpf oeq, %convert_element_type3A_31, %eq3A_39 : vector<1x16x576xf32>
    %convert_element_type3A_41 = arith.extui %eq3A_40 : vector<1x16x576xi1> to vector<1x16x576xi32>
    %convert_element_type3A_42 = arith.sitofp %convert_element_type3A_41 : vector<1x16x576xi32> to vector<1x16x576xf32>
    %broadcast_in_dim3A_43 = vector.shape_cast %get3A_10 : vector<1x576xf32> to vector<1x1x576xf32>
    %eq3A_44 = vector.broadcast %broadcast_in_dim3A_43 : vector<1x1x576xf32> to vector<45x1x576xf32>
    %eq3A_45 = arith.cmpf oeq, %convert_element_type3A_33, %eq3A_44 : vector<45x1x576xf32>
    %convert_element_type3A_46 = arith.extui %eq3A_45 : vector<45x1x576xi1> to vector<45x1x576xi32>
    %convert_element_type3A_47 = arith.sitofp %convert_element_type3A_46 : vector<45x1x576xi32> to vector<45x1x576xf32>
    %broadcast_in_dim3A_48 = vector.shape_cast %get3A_25 : vector<1x576xf32> to vector<1x1x576xf32>
    %eq3A_49 = vector.broadcast %broadcast_in_dim3A_48 : vector<1x1x576xf32> to vector<45x1x576xf32>
    %eq3A_50 = arith.cmpf oeq, %convert_element_type3A_33, %eq3A_49 : vector<45x1x576xf32>
    %convert_element_type3A_51 = arith.extui %eq3A_50 : vector<45x1x576xi1> to vector<45x1x576xi32>
    %convert_element_type3A_52 = arith.sitofp %convert_element_type3A_51 : vector<45x1x576xi32> to vector<45x1x576xf32>
    %mul3A = vector.broadcast %convert_element_type3A_37 : vector<1x16x576xf32> to vector<45x16x576xf32>
    %mul3A_53 = vector.broadcast %convert_element_type3A_47 : vector<45x1x576xf32> to vector<45x16x576xf32>
    %mul3A_54 = arith.mulf %mul3A, %mul3A_53 : vector<45x16x576xf32>
    %mul3A_55 = vector.broadcast %convert_element_type3A_42 : vector<1x16x576xf32> to vector<45x16x576xf32>
    %mul3A_56 = vector.broadcast %convert_element_type3A_52 : vector<45x1x576xf32> to vector<45x16x576xf32>
    %mul3A_57 = arith.mulf %mul3A_55, %mul3A_56 : vector<45x16x576xf32>
    %broadcast_in_dim3A_58 = vector.shape_cast %get3A_15 : vector<1x576xf32> to vector<1x1x576xf32>
    %mul3A_59 = vector.broadcast %broadcast_in_dim3A_58 : vector<1x1x576xf32> to vector<45x16x576xf32>
    %mul3A_60 = arith.mulf %mul3A_54, %mul3A_59 : vector<45x16x576xf32>
    %broadcast_in_dim3A_61 = vector.shape_cast %get3A_30 : vector<1x576xf32> to vector<1x1x576xf32>
    %mul3A_62 = vector.broadcast %broadcast_in_dim3A_61 : vector<1x1x576xf32> to vector<45x16x576xf32>
    %mul3A_63 = arith.mulf %mul3A_57, %mul3A_62 : vector<45x16x576xf32>
    %add3A = arith.addf %mul3A_60, %mul3A_63 : vector<45x16x576xf32>
    %swap3A = arith.constant 0 : index
    %swap3A_64 = arith.constant 0 : index
    %swap3A_65 = arith.constant 0 : index
    %swap3A_66 = arith.constant 0 : index
    %swap3A_67 = vector.load %arg9[%swap3A, %swap3A_64, %swap3A_65, %swap3A_66] : memref<1x45x16x576xf32, #tpu.memory_space<vmem>>, vector<1x45x16x576xf32>
    %swap3A_68 = vector.shape_cast %swap3A_67 : vector<1x45x16x576xf32> to vector<45x16x576xf32>
    %swap3A_69 = vector.shape_cast %add3A : vector<45x16x576xf32> to vector<1x45x16x576xf32>
    tpu.vector_store %arg9[%swap3A, %swap3A_64, %swap3A_65, %swap3A_66], %swap3A_69 {strides = array<i32>} : memref<1x45x16x576xf32, #tpu.memory_space<vmem>>, vector<1x45x16x576xf32>,
    %add3A_70 = arith.addf %mul3A_54, %mul3A_57 : vector<45x16x576xf32>
    %swap3A_71 = arith.constant 0 : index
    %swap3A_72 = arith.constant 0 : index
    %swap3A_73 = arith.constant 0 : index
    %swap3A_74 = arith.constant 0 : index
    %swap3A_75 = vector.load %arg10[%swap3A_71, %swap3A_72, %swap3A_73, %swap3A_74] : memref<1x45x16x576xf32, #tpu.memory_space<vmem>>, vector<1x45x16x576xf32>
    %swap3A_76 = vector.shape_cast %swap3A_75 : vector<1x45x16x576xf32> to vector<45x16x576xf32>
    %swap3A_77 = vector.shape_cast %add3A_70 : vector<45x16x576xf32> to vector<1x45x16x576xf32>
    tpu.vector_store %arg10[%swap3A_71, %swap3A_72, %swap3A_73, %swap3A_74], %swap3A_77 {strides = array<i32>} : memref<1x45x16x576xf32, #tpu.memory_space<vmem>>, vector<1x45x16x576xf32>,
    %get3A_78 = arith.constant 0 : index
    %get3A_79 = arith.constant 0 : index
    %get3A_80 = vector.load %arg12[%get3A_78, %get3A_79] : memref<1x16xf32, #tpu.memory_space<vmem>>, vector<1x16xf32>
    %get3A_81 = arith.constant 0 : index
    %get3A_82 = arith.constant 0 : index
    %get3A_83 = arith.constant 0 : index
    %get3A_84 = vector.load %arg7[%get3A_81, %get3A_82, %get3A_83] : memref<1x1x16xf32, #tpu.memory_space<vmem>>, vector<1x1x16xf32>
    %get3A_85 = vector.shape_cast %get3A_84 : vector<1x1x16xf32> to vector<1x16xf32>
    %get3A_86 = arith.constant 0 : index
    %get3A_87 = arith.constant 0 : index
    %get3A_88 = arith.constant 0 : index
    %get3A_89 = vector.load %arg8[%get3A_86, %get3A_87, %get3A_88] : memref<1x1x16xf32, #tpu.memory_space<vmem>>, vector<1x1x16xf32>
    %get3A_90 = vector.shape_cast %get3A_89 : vector<1x1x16xf32> to vector<1x16xf32>
    %mul3A_91 = arith.mulf %get3A_85, %get3A_90 : vector<1x16xf32>
    %add3A_92 = arith.addf %get3A_80, %mul3A_91 : vector<1x16xf32>
    %swap3A_93 = arith.constant 0 : index
    %swap3A_94 = arith.constant 0 : index
    %swap3A_95 = vector.load %arg12[%swap3A_93, %swap3A_94] : memref<1x16xf32, #tpu.memory_space<vmem>>, vector<1x16xf32>
    tpu.vector_store %arg12[%swap3A_93, %swap3A_94], %add3A_92 {strides = array<i32>} : memref<1x16xf32, #tpu.memory_space<vmem>>, vector<1x16xf32>,
    %eq3A_96 = arith.constant 31 : i32
    %eq3A_97 = arith.cmpi eq, %arg0, %eq3A_96 : i32
    %convert_element_type3A_98 = arith.extui %eq3A_97 : i1 to i32
    %cond3A_99 = arith.constant 0 : i32
    %cond3A_100 = arith.cmpi ne, %convert_element_type3A_98, %cond3A_99 : i32
    scf.if %cond3A_100 {
      %get3A_101 = arith.constant 0 : index
      %get3A_102 = arith.constant 0 : index
      %get3A_103 = vector.load %arg12[%get3A_101, %get3A_102] : memref<1x16xf32, #tpu.memory_space<vmem>>, vector<1x16xf32>
      %reduce_sum3A = arith.constant dense<0.000000e+00> : vector<1xf32>
      %reduce_sum3A_104 = vector.multi_reduction <add>, %get3A_103, %reduce_sum3A [1] : vector<1x16xf32> to vector<1xf32>
      %broadcast_in_dim3A_105 = vector.shape_cast %reduce_sum3A_104 : vector<1xf32> to vector<1x1xf32>
      %mul3A_106 = arith.constant 1.50704091E-6 : f32
      %mul3A_107 = vector.broadcast %mul3A_106 : f32 to vector<1x1xf32>
      %mul3A_108 = arith.mulf %broadcast_in_dim3A_105, %mul3A_107 : vector<1x1xf32>
      %swap3A_109 = arith.constant 0 : index
      %swap3A_110 = arith.constant 0 : index
      %swap3A_111 = vector.load %arg11[%swap3A_109, %swap3A_110] : memref<1x1xf32, #tpu.memory_space<vmem>>, vector<1x1xf32>
      tpu.vector_store %arg11[%swap3A_109, %swap3A_110], %mul3A_108 {strides = array<i32>} : memref<1x1xf32, #tpu.memory_space<vmem>>, vector<1x1xf32>,
    } else {
    }
    return
  }
  func.func @transform_0(%arg0: i32) -> (i32, i32, i32) {
    %c0_i32 = arith.constant 0 : i32
    %c0_i32_0 = arith.constant 0 : i32
    %c0_i32_1 = arith.constant 0 : i32
    return %arg0, %c0_i32, %c0_i32_0 : i32, i32, i32
  }
  func.func @transform_1(%arg0: i32) -> (i32, i32, i32) {
    %c0_i32 = arith.constant 0 : i32
    %c0_i32_0 = arith.constant 0 : i32
    %c0_i32_1 = arith.constant 0 : i32
    return %arg0, %c0_i32, %c0_i32_0 : i32, i32, i32
  }
  func.func @transform_2(%arg0: i32) -> (i32, i32, i32) {
    %c0_i32 = arith.constant 0 : i32
    %c0_i32_0 = arith.constant 0 : i32
    %c0_i32_1 = arith.constant 0 : i32
    return %arg0, %c0_i32, %c0_i32_0 : i32, i32, i32
  }
  func.func @transform_3(%arg0: i32) -> (i32, i32, i32) {
    %c0_i32 = arith.constant 0 : i32
    %c0_i32_0 = arith.constant 0 : i32
    %c0_i32_1 = arith.constant 0 : i32
    return %arg0, %c0_i32, %c0_i32_0 : i32, i32, i32
  }
  func.func @transform_4(%arg0: i32) -> (i32, i32, i32) {
    %c0_i32 = arith.constant 0 : i32
    %c0_i32_0 = arith.constant 0 : i32
    %c0_i32_1 = arith.constant 0 : i32
    return %arg0, %c0_i32, %c0_i32_0 : i32, i32, i32
  }
  func.func @transform_5(%arg0: i32) -> (i32, i32, i32) {
    %c0_i32 = arith.constant 0 : i32
    %c0_i32_0 = arith.constant 0 : i32
    %c0_i32_1 = arith.constant 0 : i32
    return %arg0, %c0_i32, %c0_i32_0 : i32, i32, i32
  }
  func.func @transform_6(%arg0: i32) -> (i32, i32, i32) {
    %c0_i32 = arith.constant 0 : i32
    %c0_i32_0 = arith.constant 0 : i32
    %c0_i32_1 = arith.constant 0 : i32
    return %arg0, %c0_i32, %c0_i32_0 : i32, i32, i32
  }
  func.func @transform_7(%arg0: i32) -> (i32, i32, i32) {
    %c0_i32 = arith.constant 0 : i32
    %c0_i32_0 = arith.constant 0 : i32
    %c0_i32_1 = arith.constant 0 : i32
    return %arg0, %c0_i32, %c0_i32_0 : i32, i32, i32
  }
  func.func @transform_8(%arg0: i32) -> (i32, i32, i32, i32) {
    %c0_i32 = arith.constant 0 : i32
    %c0_i32_0 = arith.constant 0 : i32
    %c0_i32_1 = arith.constant 0 : i32
    %c0_i32_2 = arith.constant 0 : i32
    return %arg0, %c0_i32, %c0_i32_0, %c0_i32_1 : i32, i32, i32, i32
  }
  func.func @transform_9(%arg0: i32) -> (i32, i32, i32, i32) {
    %c0_i32 = arith.constant 0 : i32
    %c0_i32_0 = arith.constant 0 : i32
    %c0_i32_1 = arith.constant 0 : i32
    %c0_i32_2 = arith.constant 0 : i32
    return %arg0, %c0_i32, %c0_i32_0, %c0_i32_1 : i32, i32, i32, i32
  }
  func.func @transform_10(%arg0: i32) -> (i32, i32) {
    %c0_i32 = arith.constant 0 : i32
    %c0_i32_0 = arith.constant 0 : i32
    %c0_i32_1 = arith.constant 0 : i32
    return %c0_i32, %c0_i32_0 : i32, i32
  }
}

module attributes {stable_mosaic.version = 14 : i64} {
  func.func @_stage_a_body(%arg0: i32, %arg1: memref<4x1x576x768xf32, #tpu.memory_space<vmem>>, %arg2: memref<16x768xf32, #tpu.memory_space<vmem>>, %arg3: memref<1x16xf32, #tpu.memory_space<vmem>>, %arg4: memref<1x16xf32, #tpu.memory_space<vmem>>, %arg5: memref<1x16xf32, #tpu.memory_space<vmem>>, %arg6: memref<4x1x576x16xf32, #tpu.memory_space<vmem>>, %arg7: memref<2x16xf32, #tpu.memory_space<vmem>>, %arg8: memref<1x16xf32, #tpu.memory_space<vmem>>, %arg9: memref<1x16xf32, #tpu.memory_space<vmem>>) attributes {dimension_semantics = [#tpu.dimension_semantics<arbitrary>], iteration_bounds = array<i64: 8>, scalar_prefetch = 0 : i64, scratch_operands = 2 : i64, tpu.core_type = #tpu.core_type<tc>, window_params = [{transform_indices = @transform_0, window_bounds = array<i64: 4, 1, 576, 768>}, {pipeline_mode = #tpu.pipeline_mode<synchronous>, transform_indices = @transform_1, window_bounds = array<i64: 16, 768>}, {pipeline_mode = #tpu.pipeline_mode<synchronous>, transform_indices = @transform_2, window_bounds = array<i64: 1, 16>}, {pipeline_mode = #tpu.pipeline_mode<synchronous>, transform_indices = @transform_3, window_bounds = array<i64: 1, 16>}, {pipeline_mode = #tpu.pipeline_mode<synchronous>, transform_indices = @transform_4, window_bounds = array<i64: 1, 16>}, {transform_indices = @transform_5, window_bounds = array<i64: 4, 1, 576, 16>}, {pipeline_mode = #tpu.pipeline_mode<synchronous>, transform_indices = @transform_6, window_bounds = array<i64: 2, 16>}]} {
    %eq3A = arith.constant 0 : i32
    %eq3A_0 = arith.cmpi eq, %arg0, %eq3A : i32
    %convert_element_type3A = arith.extui %eq3A_0 : i1 to i32
    %cond3A = arith.constant 0 : i32
    %cond3A_1 = arith.cmpi ne, %convert_element_type3A, %cond3A : i32
    scf.if %cond3A_1 {
      %broadcast_in_dim3A_176 = arith.constant 0.000000e+00 : f32
      %broadcast_in_dim3A_177 = vector.broadcast %broadcast_in_dim3A_176 : f32 to vector<1x16xf32>
      %swap3A_178 = arith.constant 0 : index
      %swap3A_179 = arith.constant 0 : index
      %swap3A_180 = vector.load %arg8[%swap3A_178, %swap3A_179] : memref<1x16xf32, #tpu.memory_space<vmem>>, vector<1x16xf32>
      tpu.vector_store %arg8[%swap3A_178, %swap3A_179], %broadcast_in_dim3A_177 {strides = array<i32>} : memref<1x16xf32, #tpu.memory_space<vmem>>, vector<1x16xf32>,
      %broadcast_in_dim3A_181 = arith.constant 0.000000e+00 : f32
      %broadcast_in_dim3A_182 = vector.broadcast %broadcast_in_dim3A_181 : f32 to vector<1x16xf32>
      %swap3A_183 = arith.constant 0 : index
      %swap3A_184 = arith.constant 0 : index
      %swap3A_185 = vector.load %arg9[%swap3A_183, %swap3A_184] : memref<1x16xf32, #tpu.memory_space<vmem>>, vector<1x16xf32>
      tpu.vector_store %arg9[%swap3A_183, %swap3A_184], %broadcast_in_dim3A_182 {strides = array<i32>} : memref<1x16xf32, #tpu.memory_space<vmem>>, vector<1x16xf32>,
    } else {
    }
    %get3A = arith.constant 0 : index
    %get3A_2 = arith.constant 0 : index
    %get3A_3 = vector.load %arg2[%get3A, %get3A_2] : memref<16x768xf32, #tpu.memory_space<vmem>>, vector<16x768xf32>
    %get3A_4 = arith.constant 0 : index
    %get3A_5 = arith.constant 0 : index
    %get3A_6 = vector.load %arg3[%get3A_4, %get3A_5] : memref<1x16xf32, #tpu.memory_space<vmem>>, vector<1x16xf32>
    %broadcast_in_dim3A = arith.constant 0.000000e+00 : f32
    %broadcast_in_dim3A_7 = vector.broadcast %broadcast_in_dim3A : f32 to vector<576x768xf32>
    %broadcast_in_dim3A_8 = arith.constant 0.000000e+00 : f32
    %broadcast_in_dim3A_9 = vector.broadcast %broadcast_in_dim3A_8 : f32 to vector<1x16xf32>
    %broadcast_in_dim3A_10 = arith.constant 0.000000e+00 : f32
    %broadcast_in_dim3A_11 = vector.broadcast %broadcast_in_dim3A_10 : f32 to vector<1x16xf32>
    %get3A_12 = arith.constant 0 : index
    %get3A_13 = arith.constant 0 : index
    %get3A_14 = arith.constant 0 : index
    %get3A_15 = arith.constant 0 : index
    %get3A_16 = vector.load %arg1[%get3A_12, %get3A_13, %get3A_14, %get3A_15] : memref<4x1x576x768xf32, #tpu.memory_space<vmem>>, vector<1x1x576x768xf32>
    %get3A_17 = vector.shape_cast %get3A_16 : vector<1x1x576x768xf32> to vector<576x768xf32>
    %add3A = arith.addf %broadcast_in_dim3A_7, %get3A_17 : vector<576x768xf32>
    %mul3A = arith.constant 5.000000e-01 : f32
    %mul3A_18 = vector.broadcast %mul3A : f32 to vector<576x768xf32>
    %mul3A_19 = arith.mulf %add3A, %mul3A_18 : vector<576x768xf32>
    %ge3A = arith.constant 1.000000e+00 : f32
    %ge3A_20 = vector.broadcast %ge3A : f32 to vector<576x768xf32>
    %ge3A_21 = arith.cmpf oge, %mul3A_19, %ge3A_20 : vector<576x768xf32>
    %convert_element_type3A_22 = arith.extui %ge3A_21 : vector<576x768xi1> to vector<576x768xi32>
    %convert_element_type3A_23 = arith.sitofp %convert_element_type3A_22 : vector<576x768xi32> to vector<576x768xf32>
    %sub3A = arith.constant 1.000000e+00 : f32
    %sub3A_24 = vector.broadcast %sub3A : f32 to vector<576x768xf32>
    %sub3A_25 = arith.subf %sub3A_24, %convert_element_type3A_23 : vector<576x768xf32>
    %mul3A_26 = arith.mulf %mul3A_19, %sub3A_25 : vector<576x768xf32>
    %dot_general3A = arith.constant dense<0.000000e+00> : vector<576x16xf32>
    %dot_general3A_27 = tpu.matmul %convert_element_type3A_23, %get3A_3, %dot_general3A {dimension_numbers = #tpu.dot_dimension_numbers<[1], [1], [0], [0], [0, 0, 1, 0], [], []>, transpose_lhs_hint = false} : vector<576x768xf32>, vector<16x768xf32>, vector<576x16xf32> -> vector<576x16xf32>
    %add3A_28 = vector.broadcast %get3A_6 : vector<1x16xf32> to vector<576x16xf32>
    %add3A_29 = arith.addf %dot_general3A_27, %add3A_28 : vector<576x16xf32>
    %swap3A = arith.constant 0 : index
    %swap3A_30 = arith.constant 0 : index
    %swap3A_31 = arith.constant 0 : index
    %swap3A_32 = arith.constant 0 : index
    %swap3A_33 = vector.load %arg6[%swap3A, %swap3A_30, %swap3A_31, %swap3A_32] : memref<4x1x576x16xf32, #tpu.memory_space<vmem>>, vector<1x1x576x16xf32>
    %swap3A_34 = vector.shape_cast %swap3A_33 : vector<1x1x576x16xf32> to vector<576x16xf32>
    %swap3A_35 = vector.shape_cast %add3A_29 : vector<576x16xf32> to vector<1x1x576x16xf32>
    tpu.vector_store %arg6[%swap3A, %swap3A_30, %swap3A_31, %swap3A_32], %swap3A_35 {strides = array<i32>} : memref<4x1x576x16xf32, #tpu.memory_space<vmem>>, vector<1x1x576x16xf32>,
    %reduce_sum3A = arith.constant dense<0.000000e+00> : vector<16xf32>
    %reduce_sum3A_36 = vector.multi_reduction <add>, %add3A_29, %reduce_sum3A [0] : vector<576x16xf32> to vector<16xf32>
    %broadcast_in_dim3A_37 = vector.shape_cast %reduce_sum3A_36 : vector<16xf32> to vector<1x16xf32>
    %add3A_38 = arith.addf %broadcast_in_dim3A_9, %broadcast_in_dim3A_37 : vector<1x16xf32>
    %mul3A_39 = arith.mulf %add3A_29, %add3A_29 : vector<576x16xf32>
    %reduce_sum3A_40 = arith.constant dense<0.000000e+00> : vector<16xf32>
    %reduce_sum3A_41 = vector.multi_reduction <add>, %mul3A_39, %reduce_sum3A_40 [0] : vector<576x16xf32> to vector<16xf32>
    %broadcast_in_dim3A_42 = vector.shape_cast %reduce_sum3A_41 : vector<16xf32> to vector<1x16xf32>
    %add3A_43 = arith.addf %broadcast_in_dim3A_11, %broadcast_in_dim3A_42 : vector<1x16xf32>
    %get3A_44 = arith.constant 1 : index
    %get3A_45 = arith.constant 0 : index
    %get3A_46 = arith.constant 0 : index
    %get3A_47 = arith.constant 0 : index
    %get3A_48 = vector.load %arg1[%get3A_44, %get3A_45, %get3A_46, %get3A_47] : memref<4x1x576x768xf32, #tpu.memory_space<vmem>>, vector<1x1x576x768xf32>
    %get3A_49 = vector.shape_cast %get3A_48 : vector<1x1x576x768xf32> to vector<576x768xf32>
    %add3A_50 = arith.addf %mul3A_26, %get3A_49 : vector<576x768xf32>
    %mul3A_51 = arith.constant 5.000000e-01 : f32
    %mul3A_52 = vector.broadcast %mul3A_51 : f32 to vector<576x768xf32>
    %mul3A_53 = arith.mulf %add3A_50, %mul3A_52 : vector<576x768xf32>
    %ge3A_54 = arith.constant 1.000000e+00 : f32
    %ge3A_55 = vector.broadcast %ge3A_54 : f32 to vector<576x768xf32>
    %ge3A_56 = arith.cmpf oge, %mul3A_53, %ge3A_55 : vector<576x768xf32>
    %convert_element_type3A_57 = arith.extui %ge3A_56 : vector<576x768xi1> to vector<576x768xi32>
    %convert_element_type3A_58 = arith.sitofp %convert_element_type3A_57 : vector<576x768xi32> to vector<576x768xf32>
    %sub3A_59 = arith.constant 1.000000e+00 : f32
    %sub3A_60 = vector.broadcast %sub3A_59 : f32 to vector<576x768xf32>
    %sub3A_61 = arith.subf %sub3A_60, %convert_element_type3A_58 : vector<576x768xf32>
    %mul3A_62 = arith.mulf %mul3A_53, %sub3A_61 : vector<576x768xf32>
    %dot_general3A_63 = arith.constant dense<0.000000e+00> : vector<576x16xf32>
    %dot_general3A_64 = tpu.matmul %convert_element_type3A_58, %get3A_3, %dot_general3A_63 {dimension_numbers = #tpu.dot_dimension_numbers<[1], [1], [0], [0], [0, 0, 1, 0], [], []>, transpose_lhs_hint = false} : vector<576x768xf32>, vector<16x768xf32>, vector<576x16xf32> -> vector<576x16xf32>
    %add3A_65 = vector.broadcast %get3A_6 : vector<1x16xf32> to vector<576x16xf32>
    %add3A_66 = arith.addf %dot_general3A_64, %add3A_65 : vector<576x16xf32>
    %swap3A_67 = arith.constant 1 : index
    %swap3A_68 = arith.constant 0 : index
    %swap3A_69 = arith.constant 0 : index
    %swap3A_70 = arith.constant 0 : index
    %swap3A_71 = vector.load %arg6[%swap3A_67, %swap3A_68, %swap3A_69, %swap3A_70] : memref<4x1x576x16xf32, #tpu.memory_space<vmem>>, vector<1x1x576x16xf32>
    %swap3A_72 = vector.shape_cast %swap3A_71 : vector<1x1x576x16xf32> to vector<576x16xf32>
    %swap3A_73 = vector.shape_cast %add3A_66 : vector<576x16xf32> to vector<1x1x576x16xf32>
    tpu.vector_store %arg6[%swap3A_67, %swap3A_68, %swap3A_69, %swap3A_70], %swap3A_73 {strides = array<i32>} : memref<4x1x576x16xf32, #tpu.memory_space<vmem>>, vector<1x1x576x16xf32>,
    %reduce_sum3A_74 = arith.constant dense<0.000000e+00> : vector<16xf32>
    %reduce_sum3A_75 = vector.multi_reduction <add>, %add3A_66, %reduce_sum3A_74 [0] : vector<576x16xf32> to vector<16xf32>
    %broadcast_in_dim3A_76 = vector.shape_cast %reduce_sum3A_75 : vector<16xf32> to vector<1x16xf32>
    %add3A_77 = arith.addf %add3A_38, %broadcast_in_dim3A_76 : vector<1x16xf32>
    %mul3A_78 = arith.mulf %add3A_66, %add3A_66 : vector<576x16xf32>
    %reduce_sum3A_79 = arith.constant dense<0.000000e+00> : vector<16xf32>
    %reduce_sum3A_80 = vector.multi_reduction <add>, %mul3A_78, %reduce_sum3A_79 [0] : vector<576x16xf32> to vector<16xf32>
    %broadcast_in_dim3A_81 = vector.shape_cast %reduce_sum3A_80 : vector<16xf32> to vector<1x16xf32>
    %add3A_82 = arith.addf %add3A_43, %broadcast_in_dim3A_81 : vector<1x16xf32>
    %get3A_83 = arith.constant 2 : index
    %get3A_84 = arith.constant 0 : index
    %get3A_85 = arith.constant 0 : index
    %get3A_86 = arith.constant 0 : index
    %get3A_87 = vector.load %arg1[%get3A_83, %get3A_84, %get3A_85, %get3A_86] : memref<4x1x576x768xf32, #tpu.memory_space<vmem>>, vector<1x1x576x768xf32>
    %get3A_88 = vector.shape_cast %get3A_87 : vector<1x1x576x768xf32> to vector<576x768xf32>
    %add3A_89 = arith.addf %mul3A_62, %get3A_88 : vector<576x768xf32>
    %mul3A_90 = arith.constant 5.000000e-01 : f32
    %mul3A_91 = vector.broadcast %mul3A_90 : f32 to vector<576x768xf32>
    %mul3A_92 = arith.mulf %add3A_89, %mul3A_91 : vector<576x768xf32>
    %ge3A_93 = arith.constant 1.000000e+00 : f32
    %ge3A_94 = vector.broadcast %ge3A_93 : f32 to vector<576x768xf32>
    %ge3A_95 = arith.cmpf oge, %mul3A_92, %ge3A_94 : vector<576x768xf32>
    %convert_element_type3A_96 = arith.extui %ge3A_95 : vector<576x768xi1> to vector<576x768xi32>
    %convert_element_type3A_97 = arith.sitofp %convert_element_type3A_96 : vector<576x768xi32> to vector<576x768xf32>
    %sub3A_98 = arith.constant 1.000000e+00 : f32
    %sub3A_99 = vector.broadcast %sub3A_98 : f32 to vector<576x768xf32>
    %sub3A_100 = arith.subf %sub3A_99, %convert_element_type3A_97 : vector<576x768xf32>
    %mul3A_101 = arith.mulf %mul3A_92, %sub3A_100 : vector<576x768xf32>
    %dot_general3A_102 = arith.constant dense<0.000000e+00> : vector<576x16xf32>
    %dot_general3A_103 = tpu.matmul %convert_element_type3A_97, %get3A_3, %dot_general3A_102 {dimension_numbers = #tpu.dot_dimension_numbers<[1], [1], [0], [0], [0, 0, 1, 0], [], []>, transpose_lhs_hint = false} : vector<576x768xf32>, vector<16x768xf32>, vector<576x16xf32> -> vector<576x16xf32>
    %add3A_104 = vector.broadcast %get3A_6 : vector<1x16xf32> to vector<576x16xf32>
    %add3A_105 = arith.addf %dot_general3A_103, %add3A_104 : vector<576x16xf32>
    %swap3A_106 = arith.constant 2 : index
    %swap3A_107 = arith.constant 0 : index
    %swap3A_108 = arith.constant 0 : index
    %swap3A_109 = arith.constant 0 : index
    %swap3A_110 = vector.load %arg6[%swap3A_106, %swap3A_107, %swap3A_108, %swap3A_109] : memref<4x1x576x16xf32, #tpu.memory_space<vmem>>, vector<1x1x576x16xf32>
    %swap3A_111 = vector.shape_cast %swap3A_110 : vector<1x1x576x16xf32> to vector<576x16xf32>
    %swap3A_112 = vector.shape_cast %add3A_105 : vector<576x16xf32> to vector<1x1x576x16xf32>
    tpu.vector_store %arg6[%swap3A_106, %swap3A_107, %swap3A_108, %swap3A_109], %swap3A_112 {strides = array<i32>} : memref<4x1x576x16xf32, #tpu.memory_space<vmem>>, vector<1x1x576x16xf32>,
    %reduce_sum3A_113 = arith.constant dense<0.000000e+00> : vector<16xf32>
    %reduce_sum3A_114 = vector.multi_reduction <add>, %add3A_105, %reduce_sum3A_113 [0] : vector<576x16xf32> to vector<16xf32>
    %broadcast_in_dim3A_115 = vector.shape_cast %reduce_sum3A_114 : vector<16xf32> to vector<1x16xf32>
    %add3A_116 = arith.addf %add3A_77, %broadcast_in_dim3A_115 : vector<1x16xf32>
    %mul3A_117 = arith.mulf %add3A_105, %add3A_105 : vector<576x16xf32>
    %reduce_sum3A_118 = arith.constant dense<0.000000e+00> : vector<16xf32>
    %reduce_sum3A_119 = vector.multi_reduction <add>, %mul3A_117, %reduce_sum3A_118 [0] : vector<576x16xf32> to vector<16xf32>
    %broadcast_in_dim3A_120 = vector.shape_cast %reduce_sum3A_119 : vector<16xf32> to vector<1x16xf32>
    %add3A_121 = arith.addf %add3A_82, %broadcast_in_dim3A_120 : vector<1x16xf32>
    %get3A_122 = arith.constant 3 : index
    %get3A_123 = arith.constant 0 : index
    %get3A_124 = arith.constant 0 : index
    %get3A_125 = arith.constant 0 : index
    %get3A_126 = vector.load %arg1[%get3A_122, %get3A_123, %get3A_124, %get3A_125] : memref<4x1x576x768xf32, #tpu.memory_space<vmem>>, vector<1x1x576x768xf32>
    %get3A_127 = vector.shape_cast %get3A_126 : vector<1x1x576x768xf32> to vector<576x768xf32>
    %add3A_128 = arith.addf %mul3A_101, %get3A_127 : vector<576x768xf32>
    %mul3A_129 = arith.constant 5.000000e-01 : f32
    %mul3A_130 = vector.broadcast %mul3A_129 : f32 to vector<576x768xf32>
    %mul3A_131 = arith.mulf %add3A_128, %mul3A_130 : vector<576x768xf32>
    %ge3A_132 = arith.constant 1.000000e+00 : f32
    %ge3A_133 = vector.broadcast %ge3A_132 : f32 to vector<576x768xf32>
    %ge3A_134 = arith.cmpf oge, %mul3A_131, %ge3A_133 : vector<576x768xf32>
    %convert_element_type3A_135 = arith.extui %ge3A_134 : vector<576x768xi1> to vector<576x768xi32>
    %convert_element_type3A_136 = arith.sitofp %convert_element_type3A_135 : vector<576x768xi32> to vector<576x768xf32>
    %dot_general3A_137 = arith.constant dense<0.000000e+00> : vector<576x16xf32>
    %dot_general3A_138 = tpu.matmul %convert_element_type3A_136, %get3A_3, %dot_general3A_137 {dimension_numbers = #tpu.dot_dimension_numbers<[1], [1], [0], [0], [0, 0, 1, 0], [], []>, transpose_lhs_hint = false} : vector<576x768xf32>, vector<16x768xf32>, vector<576x16xf32> -> vector<576x16xf32>
    %add3A_139 = vector.broadcast %get3A_6 : vector<1x16xf32> to vector<576x16xf32>
    %add3A_140 = arith.addf %dot_general3A_138, %add3A_139 : vector<576x16xf32>
    %swap3A_141 = arith.constant 3 : index
    %swap3A_142 = arith.constant 0 : index
    %swap3A_143 = arith.constant 0 : index
    %swap3A_144 = arith.constant 0 : index
    %swap3A_145 = vector.load %arg6[%swap3A_141, %swap3A_142, %swap3A_143, %swap3A_144] : memref<4x1x576x16xf32, #tpu.memory_space<vmem>>, vector<1x1x576x16xf32>
    %swap3A_146 = vector.shape_cast %swap3A_145 : vector<1x1x576x16xf32> to vector<576x16xf32>
    %swap3A_147 = vector.shape_cast %add3A_140 : vector<576x16xf32> to vector<1x1x576x16xf32>
    tpu.vector_store %arg6[%swap3A_141, %swap3A_142, %swap3A_143, %swap3A_144], %swap3A_147 {strides = array<i32>} : memref<4x1x576x16xf32, #tpu.memory_space<vmem>>, vector<1x1x576x16xf32>,
    %reduce_sum3A_148 = arith.constant dense<0.000000e+00> : vector<16xf32>
    %reduce_sum3A_149 = vector.multi_reduction <add>, %add3A_140, %reduce_sum3A_148 [0] : vector<576x16xf32> to vector<16xf32>
    %broadcast_in_dim3A_150 = vector.shape_cast %reduce_sum3A_149 : vector<16xf32> to vector<1x16xf32>
    %add3A_151 = arith.addf %add3A_116, %broadcast_in_dim3A_150 : vector<1x16xf32>
    %mul3A_152 = arith.mulf %add3A_140, %add3A_140 : vector<576x16xf32>
    %reduce_sum3A_153 = arith.constant dense<0.000000e+00> : vector<16xf32>
    %reduce_sum3A_154 = vector.multi_reduction <add>, %mul3A_152, %reduce_sum3A_153 [0] : vector<576x16xf32> to vector<16xf32>
    %broadcast_in_dim3A_155 = vector.shape_cast %reduce_sum3A_154 : vector<16xf32> to vector<1x16xf32>
    %add3A_156 = arith.addf %add3A_121, %broadcast_in_dim3A_155 : vector<1x16xf32>
    %get3A_157 = arith.constant 0 : index
    %get3A_158 = arith.constant 0 : index
    %get3A_159 = vector.load %arg8[%get3A_157, %get3A_158] : memref<1x16xf32, #tpu.memory_space<vmem>>, vector<1x16xf32>
    %add3A_160 = arith.addf %get3A_159, %add3A_151 : vector<1x16xf32>
    %swap3A_161 = arith.constant 0 : index
    %swap3A_162 = arith.constant 0 : index
    %swap3A_163 = vector.load %arg8[%swap3A_161, %swap3A_162] : memref<1x16xf32, #tpu.memory_space<vmem>>, vector<1x16xf32>
    tpu.vector_store %arg8[%swap3A_161, %swap3A_162], %add3A_160 {strides = array<i32>} : memref<1x16xf32, #tpu.memory_space<vmem>>, vector<1x16xf32>,
    %get3A_164 = arith.constant 0 : index
    %get3A_165 = arith.constant 0 : index
    %get3A_166 = vector.load %arg9[%get3A_164, %get3A_165] : memref<1x16xf32, #tpu.memory_space<vmem>>, vector<1x16xf32>
    %add3A_167 = arith.addf %get3A_166, %add3A_156 : vector<1x16xf32>
    %swap3A_168 = arith.constant 0 : index
    %swap3A_169 = arith.constant 0 : index
    %swap3A_170 = vector.load %arg9[%swap3A_168, %swap3A_169] : memref<1x16xf32, #tpu.memory_space<vmem>>, vector<1x16xf32>
    tpu.vector_store %arg9[%swap3A_168, %swap3A_169], %add3A_167 {strides = array<i32>} : memref<1x16xf32, #tpu.memory_space<vmem>>, vector<1x16xf32>,
    %eq3A_171 = arith.constant 7 : i32
    %eq3A_172 = arith.cmpi eq, %arg0, %eq3A_171 : i32
    %convert_element_type3A_173 = arith.extui %eq3A_172 : i1 to i32
    %cond3A_174 = arith.constant 0 : i32
    %cond3A_175 = arith.cmpi ne, %convert_element_type3A_173, %cond3A_174 : i32
    scf.if %cond3A_175 {
      %get3A_176 = arith.constant 0 : index
      %get3A_177 = arith.constant 0 : index
      %get3A_178 = vector.load %arg8[%get3A_176, %get3A_177] : memref<1x16xf32, #tpu.memory_space<vmem>>, vector<1x16xf32>
      %mul3A_179 = arith.constant 5.42534726E-5 : f32
      %mul3A_180 = vector.broadcast %mul3A_179 : f32 to vector<1x16xf32>
      %mul3A_181 = arith.mulf %get3A_178, %mul3A_180 : vector<1x16xf32>
      %get3A_182 = arith.constant 0 : index
      %get3A_183 = arith.constant 0 : index
      %get3A_184 = vector.load %arg9[%get3A_182, %get3A_183] : memref<1x16xf32, #tpu.memory_space<vmem>>, vector<1x16xf32>
      %mul3A_185 = arith.constant 5.42534726E-5 : f32
      %mul3A_186 = vector.broadcast %mul3A_185 : f32 to vector<1x16xf32>
      %mul3A_187 = arith.mulf %get3A_184, %mul3A_186 : vector<1x16xf32>
      %mul3A_188 = arith.mulf %mul3A_181, %mul3A_181 : vector<1x16xf32>
      %sub3A_189 = arith.subf %mul3A_187, %mul3A_188 : vector<1x16xf32>
      %get3A_190 = arith.constant 0 : index
      %get3A_191 = arith.constant 0 : index
      %get3A_192 = vector.load %arg4[%get3A_190, %get3A_191] : memref<1x16xf32, #tpu.memory_space<vmem>>, vector<1x16xf32>
      %add3A_193 = arith.constant 9.99999974E-6 : f32
      %add3A_194 = vector.broadcast %add3A_193 : f32 to vector<1x16xf32>
      %add3A_195 = arith.addf %sub3A_189, %add3A_194 : vector<1x16xf32>
      %rsqrt3A = math.rsqrt %add3A_195 : vector<1x16xf32>
      %mul3A_196 = arith.mulf %get3A_192, %rsqrt3A : vector<1x16xf32>
      %get3A_197 = arith.constant 0 : index
      %get3A_198 = arith.constant 0 : index
      %get3A_199 = vector.load %arg5[%get3A_197, %get3A_198] : memref<1x16xf32, #tpu.memory_space<vmem>>, vector<1x16xf32>
      %mul3A_200 = arith.mulf %mul3A_181, %mul3A_196 : vector<1x16xf32>
      %sub3A_201 = arith.subf %get3A_199, %mul3A_200 : vector<1x16xf32>
      %swap3A_202 = arith.constant 0 : index
      %swap3A_203 = arith.constant 0 : index
      %swap3A_204 = vector.load %arg7[%swap3A_202, %swap3A_203] : memref<2x16xf32, #tpu.memory_space<vmem>>, vector<1x16xf32>
      tpu.vector_store %arg7[%swap3A_202, %swap3A_203], %mul3A_196 {strides = array<i32>} : memref<2x16xf32, #tpu.memory_space<vmem>>, vector<1x16xf32>,
      %swap3A_205 = arith.constant 1 : index
      %swap3A_206 = arith.constant 0 : index
      %swap3A_207 = vector.load %arg7[%swap3A_205, %swap3A_206] : memref<2x16xf32, #tpu.memory_space<vmem>>, vector<1x16xf32>
      tpu.vector_store %arg7[%swap3A_205, %swap3A_206], %sub3A_201 {strides = array<i32>} : memref<2x16xf32, #tpu.memory_space<vmem>>, vector<1x16xf32>,
    } else {
    }
    return
  }
  func.func @transform_0(%arg0: i32) -> (i32, i32, i32, i32) {
    %c0_i32 = arith.constant 0 : i32
    %c0_i32_0 = arith.constant 0 : i32
    %c0_i32_1 = arith.constant 0 : i32
    %c0_i32_2 = arith.constant 0 : i32
    return %c0_i32, %arg0, %c0_i32_0, %c0_i32_1 : i32, i32, i32, i32
  }
  func.func @transform_1(%arg0: i32) -> (i32, i32) {
    %c0_i32 = arith.constant 0 : i32
    %c0_i32_0 = arith.constant 0 : i32
    %c0_i32_1 = arith.constant 0 : i32
    return %c0_i32, %c0_i32_0 : i32, i32
  }
  func.func @transform_2(%arg0: i32) -> (i32, i32) {
    %c0_i32 = arith.constant 0 : i32
    %c0_i32_0 = arith.constant 0 : i32
    %c0_i32_1 = arith.constant 0 : i32
    return %c0_i32, %c0_i32_0 : i32, i32
  }
  func.func @transform_3(%arg0: i32) -> (i32, i32) {
    %c0_i32 = arith.constant 0 : i32
    %c0_i32_0 = arith.constant 0 : i32
    %c0_i32_1 = arith.constant 0 : i32
    return %c0_i32, %c0_i32_0 : i32, i32
  }
  func.func @transform_4(%arg0: i32) -> (i32, i32) {
    %c0_i32 = arith.constant 0 : i32
    %c0_i32_0 = arith.constant 0 : i32
    %c0_i32_1 = arith.constant 0 : i32
    return %c0_i32, %c0_i32_0 : i32, i32
  }
  func.func @transform_5(%arg0: i32) -> (i32, i32, i32, i32) {
    %c0_i32 = arith.constant 0 : i32
    %c0_i32_0 = arith.constant 0 : i32
    %c0_i32_1 = arith.constant 0 : i32
    %c0_i32_2 = arith.constant 0 : i32
    return %c0_i32, %arg0, %c0_i32_0, %c0_i32_1 : i32, i32, i32, i32
  }
  func.func @transform_6(%arg0: i32) -> (i32, i32) {
    %c0_i32 = arith.constant 0 : i32
    %c0_i32_0 = arith.constant 0 : i32
    %c0_i32_1 = arith.constant 0 : i32
    return %c0_i32, %c0_i32_0 : i32, i32
  }
}

</mosaic_0001>

<sc_bundles>
// kernel: kernel.5.cloned.1.call-start
scs
__scs_entry_jumppad:
0x0: {  	(pc) =	sbr.rel $0x88, $3  }
0x1: {  	(tag) =	ssettag $0x0;
	lr =	simm.s32 $0x1  }
0x2: {  	[smem:$0x3F9C] =	sst lr;
	_ =	strace $0xD0000000  }
0x3: {  	_ = 	snop  }
0x4: {  	_ = 	snop  }
0x5: {  	_ = 	snop  }
0x6: {  	_ = 	snop  }
0x7: {  	_ = 	snop  }
__scs_overlays_trampoline_lowered:
0x8: {  	[smem:$0x3FAB] =	sst s0  }
0x9: {  	[smem:$0x3FAC] =	sst s1  }
0xa: {  	[smem:$0x3FAD] =	sst s2  }
0xb: {  	[smem:$0x3FAE] =	sst s3  }
0xc: {  	[smem:$0x3FAF] =	sst s4  }
0xd: {  	[smem:$0x3FB0] =	sst s5  }
0xe: {  	[smem:$0x3FB1] =	sst s6  }
0xf: {  	[smem:$0x3FB2] =	sst s7  }
0x10: {  	[smem:$0x3FB3] =	sst s8  }
0x11: {  	[smem:$0x3FB4] =	sst s9;
	s0 =	simm.s32 @!p0 $0x0  }
0x12: {  	s1 =	sld [smem:$0x3F9A];
	s0 =	simm.s32 @p0 $0x1  }
0x13: {  	[smem:$0x3FB5] =	sst s0;
	s0 =	simm.s32 @!p1 $0x0  }
0x14: {  	s2 =	sld [smem:$0x3F99];
	s0 =	simm.s32 @p1 $0x1  }
0x15: {  	[smem:$0x3FB6] =	sst s0;
	s0 =	simm.s32 @!p2 $0x0  }
0x16: {  	s3 =	sld [smem:$0x3FDB];
	s0 =	simm.s32 @p2 $0x1  }
0x17: {  	s4 =	simm.s32 $0x1BF5;
	[smem:$0x3FB8] =	sst s0  }
0x18: {  	s0 =	sld [smem:$0x3F9B];
	_ =	swait.ge [sflag:s4], $0x0  }
0x19: {  	s7 =	sld [smem:$0x3F9C]  }
0x1a: {  	s8 =	sadd.s32 $0xFFFFE003, lr  }
0x1b: {  	s9 =	sadd.s32 $0xFFFFFEF7, lr;
	s5 =	simm.s32 $0xFFFFFFFF;
	p2 =	slt.u32 s8, $0xFFFFF086  }
0x1c: {  	p1 =	slt.u32 s9, $0xF7A;
	s5 =	simm.s32 @!p2 $0x0  }
0x1d: {  	s5 =	simm.s32 @p1 $0x1;
	p0 =	seq.s32 s7, s2  }
0x1e: {  	s7 =	smul.u32 @!p0 $0xF7A, s2;
	p2 =	seq.s32 @!p0 s5, $0x0  }
0x1f: {  	s9 =	smul.u32 $0xF7A, s1;
	s8 =	simm.s32 @!p0 $0x1BF5;
	p2 =	por !p2, p0  }
0x20: {  	[sflag:s8] =	ssyncset.s32 @!p0 $0xFFFFF086;
	s6 =	sadd.s32 @!p0 s3, s7;
	s7 =	simm.s32 @!p0 $0x108  }
0x21: {  	s3 =	sadd.s32 s3, s9;
	s6 =	sadd.s32 @!p0 $0x88, s6;
	s7 =	simm.s32 @p2 $0x1082  }
0x22: {  	[simem:s7], [sflag:s8] =	dma.local @!p0 [hbm:s6], $0xF7A  }
0x23: {  	s9 =	sor.u32 $0xD0000000, s2;
	s6 =	simm.s32 $0x108;
	_ =	swait.ge @!p0 [sflag:s8], $0x0  }
0x24: {  	s3 =	sadd.s32 $0x88, s3;
	s6 =	simm.s32 @!p1 $0x1082;
	[sflag:s4] =	ssyncset.s32 $0xFFFFF086  }
0x25: {  	[simem:s6], [sflag:s4] =	dma.local [hbm:s3], $0xF7A  }
0x26: {  	[smem:$0x3F9C] =	sst s1;
	(tag) =	ssettag s2;
	_ =	strace s9  }
0x27: {  	s1 =	sld [smem:$0x3FAC]  }
0x28: {  	s2 =	sld [smem:$0x3FAD]  }
0x29: {  	s4 =	sld [smem:$0x3FAF]  }
0x2a: {  	p0 =	seq.s32 s5, $0x0;
	s5 =	sld [smem:$0x3FB0]  }
0x2b: {  	s6 =	sld [smem:$0x3FB1]  }
0x2c: {  	s7 =	sld [smem:$0x3FB2]  }
0x2d: {  	s3 =	simm.s32 $0x108;
	s8 =	sld [smem:$0x3FB3]  }
0x2e: {  	s3 =	simm.s32 @!p0 $0x1082;
	s9 =	sld [smem:$0x3FB4]  }
0x2f: {  	lr =	sadd.s32 s0, s3;
	s0 =	sld [smem:$0x3FAB]  }
0x30: {  	s3 =	sld [smem:$0x3FAE]  }
0x31: {  	[smem:$0x3FB7] =	sst s10  }
0x32: {  	s10 =	sld [smem:$0x3FB5];
	_ =	sdelay $0x3  }
0x33: {  	p0 =	seq.s32 s10, $0x1;
	s10 =	sld [smem:$0x3FB7];
	_ =	sdelay $0x3  }
0x34: {  	[smem:$0x3FB7] =	sst s10  }
0x35: {  	s10 =	sld [smem:$0x3FB6];
	_ =	sdelay $0x3  }
0x36: {  	p1 =	seq.s32 s10, $0x1;
	s10 =	sld [smem:$0x3FB7];
	_ =	sdelay $0x3  }
0x37: {  	[smem:$0x3FB7] =	sst s10  }
0x38: {  	s10 =	sld [smem:$0x3FB8]  }
0x39: {  	_ = 	snop;
	(pc) =	sbr.ind lr, $3  }
0x3a: {  	_ = 	snop  }
0x3b: {  	_ = 	snop  }
0x3c: {  	p2 =	seq.s32 s10, $0x1;
	s10 =	sld [smem:$0x3FB7]  }
0x3d: {  	_ =	shalt  }
0x3e: {  	_ =	shalt  }
0x3f: {  	_ =	shalt  }
0x40: {  	_ =	shalt  }
0x41: {  	_ =	shalt  }
0x42: {  	_ =	shalt  }
0x43: {  	_ =	shalt  }
0x44: {  	_ =	shalt  }
0x45: {  	_ =	shalt  }
0x46: {  	_ =	shalt  }
0x47: {  	_ =	shalt  }
0x48: {  	_ =	shalt  }
0x49: {  	_ =	shalt  }
0x4a: {  	_ =	shalt  }
0x4b: {  	_ =	shalt  }
0x4c: {  	_ =	shalt  }
0x4d: {  	_ =	shalt  }
0x4e: {  	_ =	shalt  }
0x4f: {  	_ =	shalt  }
0x50: {  	_ =	shalt  }
0x51: {  	_ =	shalt  }
0x52: {  	_ =	shalt  }
0x53: {  	_ =	shalt  }
0x54: {  	_ =	shalt  }
0x55: {  	_ =	shalt  }
0x56: {  	_ =	shalt  }
0x57: {  	_ =	shalt  }
0x58: {  	_ =	shalt  }
0x59: {  	_ =	shalt  }
0x5a: {  	_ =	shalt  }
0x5b: {  	_ =	shalt  }
0x5c: {  	_ =	shalt  }
0x5d: {  	_ =	shalt  }
0x5e: {  	_ =	shalt  }
0x5f: {  	_ =	shalt  }
0x60: {  	_ =	shalt  }
0x61: {  	_ =	shalt  }
0x62: {  	_ =	shalt  }
0x63: {  	_ =	shalt  }
0x64: {  	_ =	shalt  }
0x65: {  	_ =	shalt  }
0x66: {  	_ =	shalt  }
0x67: {  	_ =	shalt  }
0x68: {  	_ =	shalt  }
0x69: {  	_ =	shalt  }
0x6a: {  	_ =	shalt  }
0x6b: {  	_ =	shalt  }
0x6c: {  	_ =	shalt  }
0x6d: {  	_ =	shalt  }
0x6e: {  	_ =	shalt  }
0x6f: {  	_ =	shalt  }
0x70: {  	_ =	shalt  }
0x71: {  	_ =	shalt  }
0x72: {  	_ =	shalt  }
0x73: {  	_ =	shalt  }
0x74: {  	_ =	shalt  }
0x75: {  	_ =	shalt  }
0x76: {  	_ =	shalt  }
0x77: {  	_ =	shalt  }
0x78: {  	_ =	shalt  }
0x79: {  	_ =	shalt  }
0x7a: {  	_ =	shalt  }
0x7b: {  	_ =	shalt  }
0x7c: {  	_ =	shalt  }
0x7d: {  	_ =	shalt  }
0x7e: {  	_ =	shalt  }
0x7f: {  	_ =	shalt  }
0x80: {  	_ =	shalt  }
0x81: {  	_ =	shalt  }
0x82: {  	_ =	shalt  }
0x83: {  	_ =	shalt  }
0x84: {  	_ =	shalt  }
0x85: {  	_ =	shalt  }
0x86: {  	_ =	shalt  }
0x87: {  	_ =	shalt  }
.Lfunc_end0:
.L_simem_size_0:
called_computation_lowered:
.L_overlay_start_0:
0x88: {  	s2 =	sld [smem:$0x3FD9]  }
0x89: {  	s3 =	sld [smem:$0x3FFE];
	_ =	sdelay $0x1  }
0x8a: {  	s1 =	srdreg.scid  }
0x8b: {  	s0 =	sand.u32 $0x1, s1  }
0x8c: {  	s14 =	sshll.u32 s0, $0xA;
	s2 =	sadd.s32 s3, s2  }
0x8d: {  	s2 =	sadd.s32 s2, s14  }
0x8e: {  	[smem:$0x3FC3] =	sst s2  }
0x8f: {  	_ = 	snop  }
0x90: {  	s2 =	sld [smem:$0x3FD0];
	_ =	sdelay $0x2  }
0x91: {  	s15 =	simm.s32 $0xA;
	s4 =	simm.s32 $0x10  }
0x92: {  	[smem:s4], [sflag:s15] =	dma.local [hbm:s2], $0x1  }
0x93: {  	_ =	swait.eq [sflag:s15], $0x1  }
0x94: {  	[sflag:s15] =	ssyncset.done $0x0  }
0x95: {  	s16 =	sld [smem:$0x10];
	[sflag:s15] =	ssyncadd.s32 $0xFFFFFFFF  }
0x96: {  	s17 =	sld [smem:$0x11];
	(tm) =	ssettm $0x1  }
0x97: {  	s18 =	sld [smem:$0x3FFB];
	_ =	sdelay $0x3  }
0x98: {  	_ =	strace s18  }
0x99: {  	s4 =	sld [smem:$0x3FFC];
	_ =	sdelay $0x3  }
0x9a: {  	_ =	strace s4  }
0x9b: {  	s4 =	sld [smem:$0x3FFD];
	_ =	sdelay $0x3  }
0x9c: {  	_ =	strace s4  }
0x9d: {  	_ =	strace $0x8FFFFFFF  }
0x9e: {  	s19 =	sld [smem:$0x3FDB];
	_ =	sdelay $0x1  }
0x9f: {  	s5 =	simm.s32 $_scs_section_size  }
0xa0: {  	s6 =	simm.s32 $_size__tile_overlayer_lowered;
	s7 =	simm.s32 $_tile_overlayer_lowered  }
0xa1: {  	s22 =	simm.s32 $0x1BFF;
	s21 =	sshll.u32 s7, $0x1;
	s4 =	sadd.s32 s5, s19  }
0xa2: {  	s8 =	simm.s32 $0x0;
	s20 =	sshll.u32 s6, $0x1;
	s6 =	sadd.s32 s21, s4  }
0xa3: {  	[timem:s8], [sflag:s22] =	dma.local [hbm:s6], s20  }
0xa4: {  	_ =	swait.ge [sflag:s22], s20  }
0xa5: {  	s5 =	ssub.s32 $0x0, s20;
	[sflag:s22] =	ssyncset.done $0x0  }
0xa6: {  	[sflag:s22] =	ssyncadd.s32 s5;
	_ =	sdelay $0x1  }
0xa7: {  	s23 =	simm.s32 $0x1B8B  }
0xa8: {  	_ =	swait.ge [sflag:s23], $0x1  }
0xa9: {  	[sflag:s23] =	ssyncset.done $0x0  }
0xaa: {  	s25 =	simm.s32 $0x1B8E;
	s24 =	sld [smem:$0x3FFE];
	[sflag:s23] =	ssyncadd.s32 $0xFFFFFFFF  }
0xab: {  	s26 =	simm.s32 $execute0_lowered;
	[smem:$0x3FD2] =	sst s25  }
0xac: {  	s6 =	sshll.u32 s26, $0x1;
	_ =	strace $0x80000046;
	[dreg:$0x1] =	wrdreg $0xFFFFFFFF  }
0xad: {  	s28 =	simm.s32 $_size_execute0_lowered;
	s4 =	sadd.s32 s4, s6;
	[dreg:$0x0] =	wrdreg $0x0  }
0xae: {  	s6 =	sshll.u32 s28, $0x1;
	[dreg:$0x2] =	wrdreg s4  }
0xaf: {  	[dreg:$0x3] =	wrdreg s6  }
0xb0: {  	[dreg:$0x4] =	wrdreg $0xC0  }
0xb1: {  	_ =	task [dreg:s8], $0x5FFFF  }
0xb2: {  	[dreg:$0x1] =	wrdreg $0xFFFFFFFF  }
0xb3: {  	[dreg:$0x0] =	wrdreg $0x60  }
0xb4: {  	[dreg:$0x2] =	wrdreg s16  }
0xb5: {  	[dreg:$0x3] =	wrdreg s24  }
0xb6: {  	[dreg:$0x4] =	wrdreg s17  }
0xb7: {  	[dreg:$0x5] =	wrdreg $0x9  }
0xb8: {  	_ =	task.clear_ibuf [dreg:s8], $0x6FFFF;
	_ =	strace $0x90000046  }
0xb9: {  	s29 =	simm.s32 $0x9;
	_ =	strace $0x80000048  }
0xba: {  	_ =	swait.ge [sflag:s29], $0x1  }
0xbb: {  	[sflag:s29] =	ssyncadd.s32 $0xFFFFFFFF  }
0xbc: {  	_ =	strace $0x90000048  }
0xbd: {  	_ =	sfence  }
0xbe: {  	s30 =	sld [smem:$0x0];
	_ =	sdelay $0x2  }
0xbf: {  	s31 =	sshll.u32 s1, $0xD;
	s1 =	sshrl.u32 s1, $0x2  }
0xc0: {  	s3 =	sand.u32 $0x4000, s31;
	s1 =	sadd.s32 s1, s30  }
0xc1: {  	s0 =	sor.u32 s3, s0;
	s1 =	sshll.u32 s1, $0x11  }
0xc2: {  	s0 =	sor.u32 s1, s0  }
0xc3: {  	s0 =	sadd.s32 $0x8F2B, s0  }
0xc4: {  	[sflag:s0] =	ssyncadd.remote.s32 $0x1  }
0xc5: {  	_ =	sfence.sel $0xFFFF  }
0xc6: {  	[dreg:$0x0] =	wrdreg $0xFFFFFFFF;
	(pc) =	sbr.abs _section_cstart, $3  }
0xc7: {  	[dreg:$0x1] =	wrdreg $0xFFFFFFFF  }
0xc8: {  	_ =	task.clear_ibuf [dreg:s8], $0x2FFFF;
	_ =	strace $0x9FFFFFFF  }
0xc9: {  	(tm) =	ssettm $0x7FFFFFFF  }
tec
execute0_lowered:
.L_overlay_start_1:
0x0: {  	(tag) =	ssettag $0x1  }
0x1: {  	v0 =	vimm.f32 $1.500000000e+01;
	vm0 =	vcmask $0x300  }
0x2: {  	vm9 =	vcmask $0x704;
	v0 =	vsel vm0, $0x0, v0  }
0x3: {  	vm10 =	vcmask $0xB08;
	v0 =	vsel vm9, $0x3F800000, v0  }
0x4: {  	vm11 =	vcmask $0xF0C;
	v0 =	vsel vm10, $0x40000000, v0  }
0x5: {  	vm4 =	vcmask $0x1310;
	v0 =	vsel vm11, $0x40400000, v0  }
0x6: {  	vm5 =	vcmask $0x1714;
	v0 =	vsel vm4, $0x40800000, v0  }
0x7: {  	vm6 =	vcmask $0x1B18;
	v0 =	vsel vm5, $0x40A00000, v0  }
0x8: {  	s1 =	rddreg [dreg:$0x0];
	vm7 =	vcmask $0x1F1C;
	v0 =	vsel vm6, $0x40C00000, v0  }
0x9: {  	s2 =	rddreg [dreg:$0x1];
	s10 =	simm.s32 $0x0;
	v2 =	vimm.s32 $0x0;
	v0 =	vsel vm7, $0x40E00000, v0;
	vm7 =	vmmov $0x1  }
0xa: {  	vm8 =	vcmask $0x2320;
	[smem:$0x7FF] =	sst s10;
	v2 =	vsel vm7, $0xFFFFFFFF, v2  }
0xb: {  	s4 =	rddreg [dreg:$0x2];
	_ =	strace $0x80000047;
	v0 =	vsel vm8, $0x41000000, v0;
	vm8 =	vmmov $0x3;
	[tilespmem:$0x1FF20] =	vst v2;
	v2 =	vimm.s32 $0x0  }
0xc: {  	vm9 =	vcmask $0x2724;
	v2 =	vsel vm8, $0xFFFFFFFF, v2  }
0xd: {  	v0 =	vsel vm9, $0x41100000, v0;
	vm9 =	vmmov $0x7;
	[tilespmem:$0x1FF30] =	vst v2;
	v2 =	vimm.s32 $0x0  }
0xe: {  	vm10 =	vcmask $0x2B28;
	v2 =	vsel vm9, $0xFFFFFFFF, v2  }
0xf: {  	v0 =	vsel vm10, $0x41200000, v0;
	vm10 =	vmmov $0xf;
	[tilespmem:$0x1FF40] =	vst v2;
	v2 =	vimm.s32 $0x0  }
0x10: {  	vm11 =	vcmask $0x2F2C;
	v2 =	vsel vm10, $0xFFFFFFFF, v2  }
0x11: {  	v0 =	vsel vm11, $0x41300000, v0;
	vm11 =	vmmov $0x1f;
	[tilespmem:$0x1FF50] =	vst v2;
	v2 =	vimm.s32 $0x0  }
0x12: {  	s0 =	srdreg.scid;
	vm4 =	vcmask $0x3330;
	v2 =	vsel vm11, $0xFFFFFFFF, v2  }
0x13: {  	s0 =	sand.u32 $0x1, s0;
	v0 =	vsel vm4, $0x41400000, v0;
	vm4 =	vmmov $0x3f;
	[tilespmem:$0x1FF60] =	vst v2;
	v2 =	vimm.s32 $0x0  }
0x14: {  	s5 =	stileid.u32;
	s3 =	sshll.u32 s0, $0x4;
	vm5 =	vcmask $0x3734;
	v2 =	vsel vm4, $0xFFFFFFFF, v2  }
0x15: {  	s3 =	sor.u32 s5, s3;
	v1 =	vsel vm5, $0x41500000, v0;
	vm5 =	vmmov $0x7f;
	[tilespmem:$0x1FF70] =	vst v2;
	v2 =	vimm.s32 $0x0  }
0x16: {  	s3 =	sshrl.u32 s3, $0x3;
	vm6 =	vcmask $0x3B38;
	v2 =	vsel vm5, $0xFFFFFFFF, v2  }
0x17: {  	s0 =	ssub.s32 $0x2, s0;
	s6 =	smul.u32 $0x1400, s3;
	v1 =	vsel vm6, $0x41600000, v1;
	vm6 =	vmmov $0xff;
	[tilespmem:$0x1FF80] =	vst v2;
	v2 =	vimm.s32 $0x0  }
0x18: {  	s5 =	sshll.u32 s5, $0x7;
	s22 =	sshll.u32 s3, $0xA;
	s3 =	smul.u32 $0x12000, s3;
	v2 =	vsel vm6, $0xFFFFFFFF, v2  }
0x19: {  	s7 =	sadd.s32 $0x1A00, s2;
	s9 =	sshrl.u32 s0, $0x1;
	s5 =	sand.u32 $0x380, s5;
	vm7 =	vmmov $0x1ff;
	[tilespmem:$0x1FF90] =	vst v2;
	v2 =	vimm.s32 $0x0  }
0x1a: {  	[dreg:$0x4] =	wrdreg s7;
	s0 =	ssub.s32 s0, s9;
	s3 =	sor.u32 s5, s3;
	v2 =	vsel vm7, $0xFFFFFFFF, v2  }
0x1b: {  	s0 =	smax.u32 s0, $0x1;
	s6 =	sor.u32 s5, s6;
	s3 =	sshrl.u32 s3, $0x3;
	vm8 =	vmmov $0x3ff;
	[tilespmem:$0x1FFA0] =	vst v2;
	v2 =	vimm.s32 $0x0  }
0x1c: {  	[dreg:$0xe] =	wrdreg s0;
	s6 =	sshrl.u32 s6, $0x3;
	s1 =	sadd.s32 s1, s3;
	v2 =	vsel vm8, $0xFFFFFFFF, v2  }
0x1d: {  	s8 =	sadd.s32 s6, s2;
	s23 =	sadd.s32 s4, s6;
	[dreg:$0x5] =	wrdreg s1;
	vm9 =	vmmov $0x7ff;
	[tilespmem:$0x1FFB0] =	vst v2;
	v2 =	vimm.s32 $0x0  }
0x1e: {  	[dreg:$0x6] =	wrdreg s23;
	s24 =	sadd.s32 $0x1C00, s8;
	v2 =	vsel vm9, $0xFFFFFFFF, v2  }
0x1f: {  	s17 =	simm.s32 $0x3A00;
	s25 =	sadd.s32 $0x2600, s8;
	[dreg:$0x7] =	wrdreg s24;
	vm10 =	vmmov $0xfff;
	[tilespmem:$0x1FFC0] =	vst v2;
	v2 =	vimm.s32 $0x0  }
0x20: {  	s7 =	sor.u32 s5, s22;
	s26 =	sadd.s32 $0x3000, s8;
	[dreg:$0x8] =	wrdreg s25;
	v2 =	vsel vm10, $0xFFFFFFFF, v2  }
0x21: {  	s7 =	sshrl.u32 s7, $0x3;
	s28 =	sadd.s32 $0x3A00, s8;
	[dreg:$0x9] =	wrdreg s26;
	vm11 =	vmmov $0x1fff;
	[tilespmem:$0x1FFD0] =	vst v2;
	v2 =	vimm.s32 $0x0  }
0x22: {  	s2 =	sadd.s32 s7, s2;
	s29 =	sadd.s32 $0x4400, s8;
	[dreg:$0xa] =	wrdreg s28;
	v2 =	vsel vm11, $0xFFFFFFFF, v2  }
0x23: {  	vm15 =	vmmov $0x3fff;
	s3 =	simm.s32 $0x80;
	s30 =	sadd.s32 $0x4E00, s2;
	[dreg:$0xb] =	wrdreg s29;
	[tilespmem:$0x1FFE0] =	vst v2;
	v2 =	vimm.s32 $0x0  }
0x24: {  	s4 =	simm.s32 $0x0;
	s31 =	sadd.s32 $0x5000, s2;
	[dreg:$0xc] =	wrdreg s30;
	v2 =	vsel vm15, $0xFFFFFFFF, v2  }
0x25: {  	vm13 =	vmmov $0x7fff;
	s1 =	simm.s32 $0x400;
	s2 =	simm.s32 $0x1;
	[dreg:$0xd] =	wrdreg s31;
	v0 =	vimm.s32 $0x0;
	[tilespmem:$0x1FFF0] =	vst v2  }
.LBB2_1:
0x26: {  	[dreg:$0xf] =	wrdreg s4  }
0x27: {  	s0 =	rddreg [dreg:$0x5]  }
0x28: {  	[tilespmem:s10], [sflag:$0x1] =	stream.strided.gather [hbm4b:s0+s3], $0x2400, s1, s3, $0x38;
	[tilespmem:$0x3A80] =	vst v63  }
0x29: {  	_ =	swait.ge [sflag:s2], $0x2400  }
0x2a: {  	[sflag:s2] =	ssyncset.done $0x0  }
0x2b: {  	s31 =	simm.s32 $0x2400;
	s30 =	rddreg [dreg:$0x4];
	[sflag:s2] =	ssyncadd.s32 $0xFFFFDC00  }
0x2c: {  	[tilespmem:s31], [sflag:$0x1] =	stream.linear.gather [hbm4b:s30+s10], $0x100, $0x38;
	[tilespmem:$0x3A80] =	vst v63  }
0x2d: {  	_ =	swait.ge [sflag:s2], $0x100  }
0x2e: {  	v2 =	vld [tilespmem:$0x1FF20];
	_ =	sdelay $0x4  }
0x2f: {  	vm0 =	vnez.u8 v2;
	v2 =	vld [tilespmem:$0x1FF30];
	_ =	sdelay $0x4  }
0x30: {  	vm1 =	vnez.u8 v2;
	v2 =	vld [tilespmem:$0x1FF40];
	_ =	sdelay $0x4  }
0x31: {  	vm2 =	vnez.u8 v2;
	v2 =	vld [tilespmem:$0x1FF50];
	_ =	sdelay $0x4  }
0x32: {  	vm3 =	vnez.u8 v2;
	v2 =	vld [tilespmem:$0x1FF60];
	_ =	sdelay $0x4  }
0x33: {  	vm4 =	vnez.u8 v2;
	v2 =	vld [tilespmem:$0x1FF70];
	_ =	sdelay $0x4  }
0x34: {  	vm5 =	vnez.u8 v2;
	v2 =	vld [tilespmem:$0x1FF80];
	_ =	sdelay $0x4  }
0x35: {  	vm6 =	vnez.u8 v2;
	v2 =	vld [tilespmem:$0x1FF90];
	_ =	sdelay $0x4  }
0x36: {  	vm7 =	vnez.u8 v2;
	v2 =	vld [tilespmem:$0x1FFA0];
	_ =	sdelay $0x4  }
0x37: {  	vm8 =	vnez.u8 v2;
	v2 =	vld [tilespmem:$0x1FFB0];
	_ =	sdelay $0x4  }
0x38: {  	vm9 =	vnez.u8 v2;
	v2 =	vld [tilespmem:$0x1FFC0];
	_ =	sdelay $0x4  }
0x39: {  	vm10 =	vnez.u8 v2;
	v2 =	vld [tilespmem:$0x1FFD0];
	_ =	sdelay $0x4  }
0x3a: {  	vm11 =	vnez.u8 v2;
	v2 =	vld [tilespmem:$0x1FFE0];
	_ =	sdelay $0x1  }
0x3b: {  	[sflag:s2] =	ssyncset.done $0x0  }
0x3c: {  	[sflag:s2] =	ssyncadd.s32 $0xFFFFFF00  }
0x3d: {  	v34 =	vimm.f32 $0.0e+00;
	v59 =	vld [tilespmem:$0x2400]  }
0x3e: {  	s29 =	simm.s32 $0x80;
	s22 =	simm.s32 $0x0;
	v4 =	vimm.f32 $0.0e+00;
	v5 =	vimm.f32 $0.0e+00;
	v3 =	vld [tilespmem:$0x2480];
	vm12 =	vnez.u8 v2  }
.LBB2_2:
0x3f: {  	v2 =	vld [tilespmem:s29+$0xFFFFFF80];
	_ =	sdelay $0x4  }
0x40: {  	v2 =	vmul.f32 v2, v59;
	_ =	sdelay $0x1  }
0x41: {  	v2 =	vadd.f32 v2, v3;
	_ =	sdelay $0x1  }
0x42: {  	(xrf0) =	vmax.scan.msk.f32 $0xffff, v2;
	_ =	sdelay $0x5  }
0x43: {  	v6, _, _ =	vpop (xrf0)  }
0x44: {  	v6 =	vbroadcast v6, $0xF;
	_ =	sdelay $0x1  }
0x45: {  	v2 =	vsub.f32 v2, v6;
	_ =	sdelay $0x1  }
0x46: {  	v2 =	vmul.f32 $1.442695020e+00, v2;
	_ =	sdelay $0x1  }
0x47: {  	(erf) = vpow2.f32 v2;
	_ =	sdelay $0x8  }
0x48: {  	v2 =	vpop (erf)  }
0x49: {  	(xrf2) =	vadd.scan.msk.f32 $0xffff, v2;
	_ =	sdelay $0x9  }
0x4a: {  	v6, _, _ =	vpop (xrf2)  }
0x4b: {  	v6 =	vbroadcast v6, $0xF;
	_ =	sdelay $0x1  }
0x4c: {  	(erf) = vrcp.f32 v6;
	_ =	sdelay $0x8  }
0x4d: {  	v6 =	vpop (erf)  }
0x4e: {  	v35 =	vmul.f32 v6, v2;
	_ =	sdelay $0x1  }
0x4f: {  	(xrf0) =	vmax.scan.msk.f32 $0xffff, v35;
	_ =	sdelay $0x5  }
0x50: {  	v2, _, _ =	vpop (xrf0)  }
0x51: {  	v36 =	vbroadcast v2, $0xF;
	_ =	sdelay $0x1  }
0x52: {  	vm14 =	veq.f32 v35, v36  }
0x53: {  	v6 =	vsel vm14, $0x3F800000, v0  }
0x54: {  	(xrf2) =	vadd.scan.msk.f32 $0xffff, v6;
	_ =	sdelay $0x9  }
0x55: {  	v7, _, _ =	vpop (xrf2)  }
0x56: {  	vm14 =	veq.f32 v7, $1.000000000e+00  }
0x57: {  	v7 =	vsel vm14, $0x3F800000, v0  }
0x58: {  	v6 =	vmul.f32 v7, v6;
	_ =	sdelay $0x1  }
0x59: {  	v7 =	vsub.f32 $1.000000000e+00, v6;
	_ =	sdelay $0x1  }
0x5a: {  	v7 =	vmul.f32 v7, v35;
	_ =	sdelay $0x1  }
0x5b: {  	(xrf0) =	vmax.scan.msk.f32 $0xffff, v7;
	_ =	sdelay $0x4  }
0x5c: {  	v8 =	vld [tilespmem:s29+$0xFFFFFF90]  }
0x5d: {  	(v2sf) =	vpush v2, $0xF;
	v2, _, _ =	vpop (xrf0)  }
0x5e: {  	(v2sf) =	vpush v2, $0xF;
	_ =	sdelay $0x2  }
0x5f: {  	v8 =	vmul.f32 v8, v59;
	_ =	sdelay $0x1  }
0x60: {  	v8 =	vadd.f32 v8, v3;
	_ =	sdelay $0x1  }
0x61: {  	(xrf0) =	vmax.scan.msk.f32 $0xffff, v8  }
0x62: {  	v38 =	vbroadcast v2, $0xF;
	_ =	sdelay $0x1  }
0x63: {  	vm14 =	veq.f32 v7, v38  }
0x64: {  	v2 =	vsel vm14, $0x3F800000, v0  }
0x65: {  	(xrf2) =	vadd.scan.msk.f32 $0xffff, v2  }
0x66: {  	v7, _, _ =	vpop (xrf0)  }
0x67: {  	s0 =	spop (v2sf);
	v7 =	vbroadcast v7, $0xF  }
0x68: {  	s1 =	spop (v2sf)  }
0x69: {  	v7 =	vsub.f32 v8, v7;
	s0 =	sadd.f32 s1, s0;
	_ =	sdelay $0x1  }
0x6a: {  	v7 =	vmul.f32 $1.442695020e+00, v7;
	s0 =	sadd.f32 $9.999999710e-10, s0;
	_ =	sdelay $0x1  }
0x6b: {  	v61 =	vmov s0  }
0x6c: {  	vm14 =	vlt.f32 v5, $4.500000000e+01;
	(erf) = vrcp.f32 v61  }
0x6d: {  	v62 =	vsel vm14, $0x3F800000, v0;
	(erf) = vpow2.f32 v7;
	v7, _, _ =	vpop (xrf2)  }
0x6e: {  	vm14 =	veq.f32 v7, $1.000000000e+00;
	v7 =	vmul.f32 v62, v6;
	_ =	sdelay $0x1  }
0x6f: {  	v63 =	vsel vm14, $0x3F800000, v0;
	v12 =	vmul.f32 v7, v5  }
0x70: {  	v2 =	vmul.f32 v63, v2;
	(xrf2) =	vadd.scan.msk.f32 $0xffff, v7;
	v7 =	vmul.f32 v1, v6  }
0x71: {  	(xrf2) =	vadd.scan.msk.f32 $0xffff, v12  }
0x72: {  	(xrf2) =	vadd.scan.msk.f32 $0xffff, v7;
	v7 =	vmul.f32 v2, v4  }
0x73: {  	v13 =	vmul.f32 v1, v2;
	_ =	sdelay $0x1  }
0x74: {  	(xrf2) =	vadd.scan.msk.f32 $0xffff, v13;
	v41 =	vpop (erf)  }
0x75: {  	(xrf2) =	vadd.scan.msk.f32 $0xffff, v7;
	v7 =	vpop (erf)  }
0x76: {  	(xrf2) =	vadd.scan.msk.f32 $0xffff, v7;
	_ =	sdelay $0x4  }
0x77: {  	v45, _, _ =	vpop (xrf2)  }
0x78: {  	v14, _, _ =	vpop (xrf2)  }
0x79: {  	v9, _, _ =	vpop (xrf2)  }
0x7a: {  	v15, _, _ =	vpop (xrf2)  }
0x7b: {  	v16, _, _ =	vpop (xrf2)  }
0x7c: {  	v17, _, _ =	vpop (xrf2)  }
0x7d: {  	[tilespmem:$0x1FA90] =	vst v9;
	v9 =	vbroadcast v17, $0xF;
	_ =	sdelay $0x1  }
0x7e: {  	(erf) = vrcp.f32 v9;
	_ =	sdelay $0x8  }
0x7f: {  	v9 =	vpop (erf)  }
0x80: {  	v52 =	vmul.f32 v9, v7;
	_ =	sdelay $0x1  }
0x81: {  	(xrf0) =	vmax.scan.msk.f32 $0xffff, v52;
	_ =	sdelay $0x5  }
0x82: {  	v7, _, _ =	vpop (xrf0)  }
0x83: {  	v46 =	vbroadcast v7, $0xF;
	_ =	sdelay $0x1  }
0x84: {  	vm14 =	veq.f32 v52, v46  }
0x85: {  	v18 =	vsel vm14, $0x3F800000, v0  }
0x86: {  	(xrf2) =	vadd.scan.msk.f32 $0xffff, v18;
	_ =	sdelay $0x9  }
0x87: {  	v10, _, _ =	vpop (xrf2)  }
0x88: {  	vm14 =	veq.f32 v10, $1.000000000e+00  }
0x89: {  	v10 =	vsel vm14, $0x3F800000, v0  }
0x8a: {  	v9 =	vmul.f32 v10, v18;
	_ =	sdelay $0x1  }
0x8b: {  	v10 =	vsub.f32 $1.000000000e+00, v9;
	_ =	sdelay $0x1  }
0x8c: {  	v10 =	vmul.f32 v10, v52;
	_ =	sdelay $0x1  }
0x8d: {  	(xrf0) =	vmax.scan.msk.f32 $0xffff, v10;
	_ =	sdelay $0x3  }
0x8e: {  	(v2sf) =	vpush v45, $0xF  }
0x8f: {  	(v2sf) =	vpush v14, $0xF  }
0x90: {  	(v2sf) =	vpush v7, $0xF;
	v7, _, _ =	vpop (xrf0)  }
0x91: {  	(v2sf) =	vpush v7, $0xF;
	_ =	sdelay $0x1  }
0x92: {  	v19 =	vld [tilespmem:s29+$0xFFFFFFA0];
	_ =	sdelay $0x4  }
0x93: {  	v8 =	vmul.f32 v19, v59;
	_ =	sdelay $0x1  }
0x94: {  	v8 =	vadd.f32 v8, v3;
	v44 =	vbroadcast v7, $0xF;
	_ =	sdelay $0x1  }
0x95: {  	(xrf0) =	vmax.scan.msk.f32 $0xffff, v8;
	vm14 =	veq.f32 v10, v44  }
0x96: {  	s15 =	spop (v2sf);
	v7 =	vsel vm14, $0x3F800000, v0  }
0x97: {  	s4 =	spop (v2sf);
	(xrf2) =	vadd.scan.msk.f32 $0xffff, v7  }
0x98: {  	s16 =	spop (v2sf)  }
0x99: {  	s18 =	spop (v2sf)  }
0x9a: {  	s0 =	sadd.f32 s18, s16  }
0x9b: {  	v20, _, _ =	vpop (xrf0)  }
0x9c: {  	v10 =	vbroadcast v20, $0xF;
	s0 =	sadd.f32 $9.999999710e-10, s0;
	_ =	sdelay $0x1  }
0x9d: {  	v5 =	vadd.f32 v6, v5;
	v8 =	vsub.f32 v8, v10;
	v6 =	vmov s0;
	_ =	sdelay $0x1  }
0x9e: {  	vm14 =	vlt.f32 v5, $4.500000000e+01;
	v8 =	vmul.f32 $1.442695020e+00, v8  }
0x9f: {  	v21 =	vsel vm14, $0x3F800000, v0;
	(erf) = vrcp.f32 v6;
	v6, _, _ =	vpop (xrf2)  }
0xa0: {  	(erf) = vpow2.f32 v8;
	vm14 =	veq.f32 v6, $1.000000000e+00;
	v6 =	vmul.f32 v21, v9;
	_ =	sdelay $0x1  }
0xa1: {  	v22 =	vsel vm14, $0x3F800000, v0;
	v23 =	vmul.f32 v6, v5  }
0xa2: {  	v2 =	vadd.f32 v2, v4;
	v4 =	vmul.f32 v1, v9;
	v7 =	vmul.f32 v22, v7;
	(xrf2) =	vadd.scan.msk.f32 $0xffff, v6  }
0xa3: {  	(xrf2) =	vadd.scan.msk.f32 $0xffff, v23  }
0xa4: {  	(xrf2) =	vadd.scan.msk.f32 $0xffff, v4;
	v4 =	vmul.f32 v2, v7  }
0xa5: {  	v6 =	vmul.f32 v1, v7;
	_ =	sdelay $0x1  }
0xa6: {  	v47 =	vpop (erf);
	(xrf2) =	vadd.scan.msk.f32 $0xffff, v6  }
0xa7: {  	(xrf2) =	vadd.scan.msk.f32 $0xffff, v4;
	v4 =	vpop (erf)  }
0xa8: {  	(xrf2) =	vadd.scan.msk.f32 $0xffff, v4;
	_ =	sdelay $0x4  }
0xa9: {  	v39, _, _ =	vpop (xrf2)  }
0xaa: {  	v6, _, _ =	vpop (xrf2)  }
0xab: {  	v24, _, _ =	vpop (xrf2)  }
0xac: {  	v25, _, _ =	vpop (xrf2)  }
0xad: {  	v26, _, _ =	vpop (xrf2)  }
0xae: {  	v27, _, _ =	vpop (xrf2)  }
0xaf: {  	v8 =	vbroadcast v27, $0xF;
	_ =	sdelay $0x1  }
0xb0: {  	(erf) = vrcp.f32 v8;
	_ =	sdelay $0x8  }
0xb1: {  	v8 =	vpop (erf)  }
0xb2: {  	v11 =	vmul.f32 v8, v4;
	_ =	sdelay $0x1  }
0xb3: {  	(xrf0) =	vmax.scan.msk.f32 $0xffff, v11;
	_ =	sdelay $0x5  }
0xb4: {  	v4, _, _ =	vpop (xrf0)  }
0xb5: {  	v28 =	vbroadcast v4, $0xF;
	_ =	sdelay $0x1  }
0xb6: {  	vm14 =	veq.f32 v11, v28  }
0xb7: {  	v8 =	vsel vm14, $0x3F800000, v0  }
0xb8: {  	(xrf2) =	vadd.scan.msk.f32 $0xffff, v8;
	_ =	sdelay $0x9  }
0xb9: {  	v29, _, _ =	vpop (xrf2)  }
0xba: {  	vm14 =	veq.f32 v29, $1.000000000e+00  }
0xbb: {  	v10 =	vsel vm14, $0x3F800000, v0  }
0xbc: {  	v8 =	vmul.f32 v10, v8;
	_ =	sdelay $0x1  }
0xbd: {  	v10 =	vsub.f32 $1.000000000e+00, v8;
	_ =	sdelay $0x1  }
0xbe: {  	v10 =	vmul.f32 v10, v11;
	_ =	sdelay $0x1  }
0xbf: {  	(xrf0) =	vmax.scan.msk.f32 $0xffff, v10;
	_ =	sdelay $0x3  }
0xc0: {  	(v2sf) =	vpush v39, $0xF  }
0xc1: {  	(v2sf) =	vpush v6, $0xF  }
0xc2: {  	(v2sf) =	vpush v4, $0xF;
	v4, _, _ =	vpop (xrf0)  }
0xc3: {  	(v2sf) =	vpush v4, $0xF;
	_ =	sdelay $0x7  }
0xc4: {  	v32 =	vld [tilespmem:s29+$0xFFFFFFB0];
	_ =	sdelay $0x2  }
0xc5: {  	v4 =	vbroadcast v4, $0xF  }
0xc6: {  	s19 =	spop (v2sf)  }
0xc7: {  	s31 =	spop (v2sf);
	vm14 =	veq.f32 v10, v4;
	v10 =	vmul.f32 v32, v59  }
0xc8: {  	s20 =	spop (v2sf)  }
0xc9: {  	v10 =	vadd.f32 v10, v3;
	s21 =	spop (v2sf)  }
0xca: {  	s0 =	sadd.f32 s21, s20  }
0xcb: {  	(xrf0) =	vmax.scan.msk.f32 $0xffff, v10  }
0xcc: {  	[tilespmem:$0x1FB10] =	vst v4;
	v4 =	vsel vm14, $0x3F800000, v0;
	s0 =	sadd.f32 $9.999999710e-10, s0  }
0xcd: {  	(xrf2) =	vadd.scan.msk.f32 $0xffff, v4  }
0xce: {  	v30 =	vmov s0  }
0xcf: {  	(erf) = vrcp.f32 v30;
	_ =	sdelay $0x1  }
0xd0: {  	v33, _, _ =	vpop (xrf0)  }
0xd1: {  	v5 =	vadd.f32 v9, v5;
	[tilespmem:$0x1FB90] =	vst v11;
	v11 =	vbroadcast v33, $0xF;
	_ =	sdelay $0x1  }
0xd2: {  	vm15 =	vlt.f32 v5, $4.500000000e+01;
	v10 =	vsub.f32 v10, v11  }
0xd3: {  	v6 =	vsel vm15, $0x3F800000, v0  }
0xd4: {  	v6 =	vmul.f32 v6, v8;
	v10 =	vmul.f32 $1.442695020e+00, v10  }
0xd5: {  	v31, _, _ =	vpop (xrf2)  }
0xd6: {  	(xrf2) =	vadd.scan.msk.f32 $0xffff, v6;
	v58 =	vpop (erf);
	(erf) = vpow2.f32 v10  }
0xd7: {  	vm14 =	veq.f32 v31, $1.000000000e+00  }
0xd8: {  	v9 =	vsel vm14, $0x3F800000, v0  }
0xd9: {  	v6 =	vmul.f32 v6, v5;
	v4 =	vmul.f32 v9, v4;
	_ =	sdelay $0x1  }
0xda: {  	v2 =	vadd.f32 v7, v2;
	v7 =	vmul.f32 v1, v8;
	(xrf2) =	vadd.scan.msk.f32 $0xffff, v6;
	v6 =	vmul.f32 v1, v4;
	_ =	sdelay $0x1  }
0xdb: {  	(xrf2) =	vadd.scan.msk.f32 $0xffff, v7;
	v7 =	vmul.f32 v2, v4  }
0xdc: {  	(xrf2) =	vadd.scan.msk.f32 $0xffff, v6  }
0xdd: {  	(xrf2) =	vadd.scan.msk.f32 $0xffff, v7;
	v6 =	vpop (erf)  }
0xde: {  	v12, _, _ =	vpop (xrf2);
	(xrf2) =	vadd.scan.msk.f32 $0xffff, v6;
	_ =	sdelay $0x5  }
0xdf: {  	v7, _, _ =	vpop (xrf2)  }
0xe0: {  	v37, _, _ =	vpop (xrf2)  }
0xe1: {  	v40, _, _ =	vpop (xrf2)  }
0xe2: {  	v42, _, _ =	vpop (xrf2)  }
0xe3: {  	v43, _, _ =	vpop (xrf2)  }
0xe4: {  	v9 =	vbroadcast v43, $0xF;
	_ =	sdelay $0x1  }
0xe5: {  	(erf) = vrcp.f32 v9;
	_ =	sdelay $0x8  }
0xe6: {  	v9 =	vpop (erf)  }
0xe7: {  	v48 =	vmul.f32 v9, v6;
	_ =	sdelay $0x1  }
0xe8: {  	(xrf0) =	vmax.scan.msk.f32 $0xffff, v48;
	_ =	sdelay $0x5  }
0xe9: {  	v6, _, _ =	vpop (xrf0)  }
0xea: {  	v49 =	vbroadcast v6, $0xF;
	_ =	sdelay $0x1  }
0xeb: {  	vm14 =	veq.f32 v48, v49  }
0xec: {  	v9 =	vsel vm14, $0x3F800000, v0  }
0xed: {  	(xrf2) =	vadd.scan.msk.f32 $0xffff, v9;
	_ =	sdelay $0x9  }
0xee: {  	v50, _, _ =	vpop (xrf2)  }
0xef: {  	vm14 =	veq.f32 v50, $1.000000000e+00  }
0xf0: {  	v10 =	vsel vm14, $0x3F800000, v0  }
0xf1: {  	v9 =	vmul.f32 v10, v9;
	_ =	sdelay $0x1  }
0xf2: {  	v10 =	vsub.f32 $1.000000000e+00, v9;
	_ =	sdelay $0x1  }
0xf3: {  	v10 =	vmul.f32 v10, v48;
	_ =	sdelay $0x1  }
0xf4: {  	(xrf0) =	vmax.scan.msk.f32 $0xffff, v10;
	_ =	sdelay $0x3  }
0xf5: {  	(v2sf) =	vpush v12, $0xF  }
0xf6: {  	(v2sf) =	vpush v7, $0xF;
	v7 =	vld [tilespmem:s29+$0xFFFFFFC0]  }
0xf7: {  	(v2sf) =	vpush v6, $0xF;
	v6, _, _ =	vpop (xrf0)  }
0xf8: {  	(v2sf) =	vpush v6, $0xF;
	_ =	sdelay $0x2  }
0xf9: {  	v7 =	vmul.f32 v7, v59;
	_ =	sdelay $0x1  }
0xfa: {  	v7 =	vadd.f32 v7, v3;
	_ =	sdelay $0x1  }
0xfb: {  	(xrf0) =	vmax.scan.msk.f32 $0xffff, v7  }
0xfc: {  	v6 =	vbroadcast v6, $0xF;
	_ =	sdelay $0x1  }
0xfd: {  	vm14 =	veq.f32 v10, v6  }
0xfe: {  	[tilespmem:$0x1FBA0] =	vst v6;
	v6 =	vsel vm14, $0x3F800000, v0  }
0xff: {  	s23 =	spop (v2sf);
	(xrf2) =	vadd.scan.msk.f32 $0xffff, v6  }
0x100: {  	[dreg:$0x10] =	wrdreg s19;
	s19 =	spop (v2sf);
	v51, _, _ =	vpop (xrf0)  }
0x101: {  	s24 =	spop (v2sf);
	v10 =	vbroadcast v51, $0xF  }
0x102: {  	s25 =	spop (v2sf)  }
0x103: {  	v7 =	vsub.f32 v7, v10;
	s0 =	sadd.f32 s25, s24;
	_ =	sdelay $0x1  }
0x104: {  	v7 =	vmul.f32 $1.442695020e+00, v7;
	s0 =	sadd.f32 $9.999999710e-10, s0  }
0x105: {  	v5 =	vadd.f32 v8, v5  }
0x106: {  	v53 =	vmov s0  }
0x107: {  	vm14 =	vlt.f32 v5, $4.500000000e+01;
	(erf) = vrcp.f32 v53  }
0x108: {  	v54 =	vsel vm14, $0x3F800000, v0;
	(erf) = vpow2.f32 v7;
	v7, _, _ =	vpop (xrf2)  }
0x109: {  	vm14 =	veq.f32 v7, $1.000000000e+00;
	v7 =	vmul.f32 v54, v9;
	_ =	sdelay $0x1  }
0x10a: {  	v55 =	vsel vm14, $0x3F800000, v0;
	v56 =	vmul.f32 v7, v5  }
0x10b: {  	v2 =	vadd.f32 v4, v2;
	v4 =	vmul.f32 v1, v9;
	v6 =	vmul.f32 v55, v6;
	(xrf2) =	vadd.scan.msk.f32 $0xffff, v7  }
0x10c: {  	(xrf2) =	vadd.scan.msk.f32 $0xffff, v56  }
0x10d: {  	(xrf2) =	vadd.scan.msk.f32 $0xffff, v4;
	v4 =	vmul.f32 v2, v6  }
0x10e: {  	v7 =	vmul.f32 v1, v6;
	_ =	sdelay $0x1  }
0x10f: {  	(xrf2) =	vadd.scan.msk.f32 $0xffff, v7;
	v57 =	vpop (erf)  }
0x110: {  	(xrf2) =	vadd.scan.msk.f32 $0xffff, v4;
	v4 =	vpop (erf)  }
0x111: {  	(xrf2) =	vadd.scan.msk.f32 $0xffff, v4;
	_ =	sdelay $0x4  }
0x112: {  	v60, _, _ =	vpop (xrf2)  }
0x113: {  	v7, _, _ =	vpop (xrf2)  }
0x114: {  	v61, _, _ =	vpop (xrf2)  }
0x115: {  	v62, _, _ =	vpop (xrf2)  }
0x116: {  	v63, _, _ =	vpop (xrf2)  }
0x117: {  	[tilespmem:$0x1FB00] =	vst v12;
	v12, _, _ =	vpop (xrf2)  }
0x118: {  	v8 =	vbroadcast v12, $0xF;
	_ =	sdelay $0x1  }
0x119: {  	(erf) = vrcp.f32 v8;
	_ =	sdelay $0x8  }
0x11a: {  	v8 =	vpop (erf)  }
0x11b: {  	v32 =	vmul.f32 v8, v4;
	_ =	sdelay $0x1  }
0x11c: {  	(xrf0) =	vmax.scan.msk.f32 $0xffff, v32;
	_ =	sdelay $0x5  }
0x11d: {  	v4, _, _ =	vpop (xrf0)  }
0x11e: {  	v13 =	vbroadcast v4, $0xF;
	_ =	sdelay $0x1  }
0x11f: {  	vm14 =	veq.f32 v32, v13  }
0x120: {  	v8 =	vsel vm14, $0x3F800000, v0  }
0x121: {  	(xrf2) =	vadd.scan.msk.f32 $0xffff, v8;
	_ =	sdelay $0x9  }
0x122: {  	v14, _, _ =	vpop (xrf2)  }
0x123: {  	vm14 =	veq.f32 v14, $1.000000000e+00  }
0x124: {  	v10 =	vsel vm14, $0x3F800000, v0  }
0x125: {  	v8 =	vmul.f32 v10, v8;
	_ =	sdelay $0x1  }
0x126: {  	v10 =	vsub.f32 $1.000000000e+00, v8;
	_ =	sdelay $0x1  }
0x127: {  	v10 =	vmul.f32 v10, v32;
	_ =	sdelay $0x1  }
0x128: {  	(xrf0) =	vmax.scan.msk.f32 $0xffff, v10;
	_ =	sdelay $0x3  }
0x129: {  	(v2sf) =	vpush v60, $0xF  }
0x12a: {  	(v2sf) =	vpush v7, $0xF;
	v7 =	vld [tilespmem:s29+$0xFFFFFFD0]  }
0x12b: {  	(v2sf) =	vpush v4, $0xF;
	v4, _, _ =	vpop (xrf0)  }
0x12c: {  	(v2sf) =	vpush v4, $0xF;
	_ =	sdelay $0x2  }
0x12d: {  	v7 =	vmul.f32 v7, v59;
	_ =	sdelay $0x1  }
0x12e: {  	v7 =	vadd.f32 v7, v3;
	_ =	sdelay $0x1  }
0x12f: {  	(xrf0) =	vmax.scan.msk.f32 $0xffff, v7  }
0x130: {  	v4 =	vbroadcast v4, $0xF;
	_ =	sdelay $0x1  }
0x131: {  	vm14 =	veq.f32 v10, v4  }
0x132: {  	[tilespmem:$0x1FC20] =	vst v4;
	v4 =	vsel vm14, $0x3F800000, v0  }
0x133: {  	s26 =	spop (v2sf);
	(xrf2) =	vadd.scan.msk.f32 $0xffff, v4  }
0x134: {  	[tilespmem:$0x1FAB0] =	vst v15;
	s21 =	spop (v2sf);
	v15, _, _ =	vpop (xrf0)  }
0x135: {  	s28 =	spop (v2sf);
	v10 =	vbroadcast v15, $0xF  }
0x136: {  	s30 =	spop (v2sf)  }
0x137: {  	v7 =	vsub.f32 v7, v10;
	s0 =	sadd.f32 s30, s28;
	_ =	sdelay $0x1  }
0x138: {  	v7 =	vmul.f32 $1.442695020e+00, v7;
	s0 =	sadd.f32 $9.999999710e-10, s0  }
0x139: {  	v5 =	vadd.f32 v9, v5  }
0x13a: {  	[tilespmem:$0x1FAC0] =	vst v16;
	v16 =	vmov s0  }
0x13b: {  	vm14 =	vlt.f32 v5, $4.500000000e+01;
	(erf) = vrcp.f32 v16  }
0x13c: {  	v17 =	vsel vm14, $0x3F800000, v0;
	(erf) = vpow2.f32 v7;
	v7, _, _ =	vpop (xrf2)  }
0x13d: {  	vm14 =	veq.f32 v7, $1.000000000e+00;
	v7 =	vmul.f32 v17, v8;
	_ =	sdelay $0x1  }
0x13e: {  	v18 =	vsel vm14, $0x3F800000, v0;
	v19 =	vmul.f32 v7, v5  }
0x13f: {  	v2 =	vadd.f32 v6, v2;
	v6 =	vmul.f32 v1, v8;
	v4 =	vmul.f32 v18, v4;
	(xrf2) =	vadd.scan.msk.f32 $0xffff, v7  }
0x140: {  	(xrf2) =	vadd.scan.msk.f32 $0xffff, v19  }
0x141: {  	(xrf2) =	vadd.scan.msk.f32 $0xffff, v6;
	v6 =	vmul.f32 v2, v4  }
0x142: {  	v7 =	vmul.f32 v1, v4;
	_ =	sdelay $0x1  }
0x143: {  	(xrf2) =	vadd.scan.msk.f32 $0xffff, v7;
	v20 =	vpop (erf)  }
0x144: {  	(xrf2) =	vadd.scan.msk.f32 $0xffff, v6;
	v6 =	vpop (erf)  }
0x145: {  	(xrf2) =	vadd.scan.msk.f32 $0xffff, v6;
	_ =	sdelay $0x4  }
0x146: {  	v21, _, _ =	vpop (xrf2)  }
0x147: {  	v7, _, _ =	vpop (xrf2)  }
0x148: {  	v22, _, _ =	vpop (xrf2)  }
0x149: {  	v23, _, _ =	vpop (xrf2)  }
0x14a: {  	[tilespmem:$0x1FAA0] =	vst v24;
	v24, _, _ =	vpop (xrf2)  }
0x14b: {  	[tilespmem:$0x1FAD0] =	vst v25;
	v25, _, _ =	vpop (xrf2)  }
0x14c: {  	v9 =	vbroadcast v25, $0xF;
	_ =	sdelay $0x1  }
0x14d: {  	(erf) = vrcp.f32 v9;
	_ =	sdelay $0x8  }
0x14e: {  	v9 =	vpop (erf)  }
0x14f: {  	[tilespmem:$0x1FB30] =	vst v40;
	v40 =	vmul.f32 v9, v6;
	_ =	sdelay $0x1  }
0x150: {  	(xrf0) =	vmax.scan.msk.f32 $0xffff, v40;
	_ =	sdelay $0x5  }
0x151: {  	v6, _, _ =	vpop (xrf0)  }
0x152: {  	[tilespmem:$0x1FAE0] =	vst v26;
	v26 =	vbroadcast v6, $0xF;
	_ =	sdelay $0x1  }
0x153: {  	vm14 =	veq.f32 v40, v26  }
0x154: {  	v9 =	vsel vm14, $0x3F800000, v0  }
0x155: {  	(xrf2) =	vadd.scan.msk.f32 $0xffff, v9;
	_ =	sdelay $0x9  }
0x156: {  	v27, _, _ =	vpop (xrf2)  }
0x157: {  	vm14 =	veq.f32 v27, $1.000000000e+00  }
0x158: {  	v10 =	vsel vm14, $0x3F800000, v0  }
0x159: {  	v9 =	vmul.f32 v10, v9;
	_ =	sdelay $0x1  }
0x15a: {  	v10 =	vsub.f32 $1.000000000e+00, v9;
	_ =	sdelay $0x1  }
0x15b: {  	v10 =	vmul.f32 v10, v40;
	_ =	sdelay $0x1  }
0x15c: {  	(xrf0) =	vmax.scan.msk.f32 $0xffff, v10;
	_ =	sdelay $0x3  }
0x15d: {  	(v2sf) =	vpush v21, $0xF  }
0x15e: {  	(v2sf) =	vpush v7, $0xF;
	v7 =	vld [tilespmem:s29+$0xFFFFFFE0]  }
0x15f: {  	(v2sf) =	vpush v6, $0xF;
	v6, _, _ =	vpop (xrf0)  }
0x160: {  	(v2sf) =	vpush v6, $0xF;
	_ =	sdelay $0x2  }
0x161: {  	v7 =	vmul.f32 v7, v59;
	_ =	sdelay $0x1  }
0x162: {  	v7 =	vadd.f32 v7, v3;
	_ =	sdelay $0x1  }
0x163: {  	(xrf0) =	vmax.scan.msk.f32 $0xffff, v7  }
0x164: {  	v6 =	vbroadcast v6, $0xF;
	_ =	sdelay $0x1  }
0x165: {  	vm14 =	veq.f32 v10, v6  }
0x166: {  	[tilespmem:$0x1FC80] =	vst v6;
	v6 =	vsel vm14, $0x3F800000, v0  }
0x167: {  	s1 =	spop (v2sf);
	(xrf2) =	vadd.scan.msk.f32 $0xffff, v6  }
0x168: {  	[tilespmem:$0x1FAF0] =	vst v28;
	[dreg:$0x12] =	wrdreg s23;
	s23 =	spop (v2sf);
	v28, _, _ =	vpop (xrf0)  }
0x169: {  	s2 =	spop (v2sf);
	v10 =	vbroadcast v28, $0xF  }
0x16a: {  	s3 =	spop (v2sf)  }
0x16b: {  	v7 =	vsub.f32 v7, v10;
	s0 =	sadd.f32 s3, s2;
	_ =	sdelay $0x1  }
0x16c: {  	v7 =	vmul.f32 $1.442695020e+00, v7;
	s0 =	sadd.f32 $9.999999710e-10, s0  }
0x16d: {  	v5 =	vadd.f32 v8, v5  }
0x16e: {  	[tilespmem:$0x1FB20] =	vst v37;
	v29 =	vmov s0  }
0x16f: {  	[tilespmem:$0x1FB40] =	vst v42;
	vm14 =	vlt.f32 v5, $4.500000000e+01;
	(erf) = vrcp.f32 v29  }
0x170: {  	[tilespmem:$0x1FC10] =	vst v48;
	v30 =	vsel vm14, $0x3F800000, v0;
	(erf) = vpow2.f32 v7;
	v7, _, _ =	vpop (xrf2)  }
0x171: {  	[tilespmem:$0x1FB50] =	vst v49;
	vm14 =	veq.f32 v7, $1.000000000e+00;
	v7 =	vmul.f32 v30, v9  }
0x172: {  	[tilespmem:$0x1FB60] =	vst v57  }
0x173: {  	[tilespmem:$0x1FB70] =	vst v60;
	v31 =	vsel vm14, $0x3F800000, v0;
	v33 =	vmul.f32 v7, v5  }
0x174: {  	v2 =	vadd.f32 v4, v2;
	v4 =	vmul.f32 v1, v9;
	v6 =	vmul.f32 v31, v6;
	(xrf2) =	vadd.scan.msk.f32 $0xffff, v7  }
0x175: {  	[tilespmem:$0x1FB80] =	vst v61;
	(xrf2) =	vadd.scan.msk.f32 $0xffff, v33  }
0x176: {  	[tilespmem:$0x1FBB0] =	vst v62;
	(xrf2) =	vadd.scan.msk.f32 $0xffff, v4;
	v4 =	vmul.f32 v2, v6  }
0x177: {  	[tilespmem:$0x1FBC0] =	vst v63;
	v7 =	vmul.f32 v1, v6  }
0x178: {  	[tilespmem:$0x1FBD0] =	vst v13  }
0x179: {  	[tilespmem:$0x1FBE0] =	vst v20;
	(xrf2) =	vadd.scan.msk.f32 $0xffff, v7;
	v37 =	vpop (erf)  }
0x17a: {  	[tilespmem:$0x1FBF0] =	vst v21;
	(xrf2) =	vadd.scan.msk.f32 $0xffff, v4;
	v4 =	vpop (erf)  }
0x17b: {  	[tilespmem:$0x1FC00] =	vst v22;
	(xrf2) =	vadd.scan.msk.f32 $0xffff, v4  }
0x17c: {  	[tilespmem:$0x1FC30] =	vst v23  }
0x17d: {  	[tilespmem:$0x1FC40] =	vst v24  }
0x17e: {  	[dreg:$0x11] =	wrdreg s15;
	[tilespmem:$0x1FC50] =	vst v26  }
0x17f: {  	[dreg:$0x13] =	wrdreg s26;
	[tilespmem:$0x1FC60] =	vst v37;
	v42, _, _ =	vpop (xrf2)  }
0x180: {  	[dreg:$0x14] =	wrdreg s1;
	[tilespmem:$0x1FC70] =	vst v42  }
0x181: {  	v7, _, _ =	vpop (xrf2)  }
0x182: {  	v43, _, _ =	vpop (xrf2)  }
0x183: {  	v48, _, _ =	vpop (xrf2)  }
0x184: {  	v49, _, _ =	vpop (xrf2)  }
0x185: {  	v50, _, _ =	vpop (xrf2)  }
0x186: {  	v8 =	vbroadcast v50, $0xF;
	_ =	sdelay $0x1  }
0x187: {  	(erf) = vrcp.f32 v8;
	_ =	sdelay $0x8  }
0x188: {  	v8 =	vpop (erf)  }
0x189: {  	[tilespmem:$0x1FCA0] =	vst v48;
	v48 =	vmul.f32 v8, v4;
	_ =	sdelay $0x1  }
0x18a: {  	(xrf0) =	vmax.scan.msk.f32 $0xffff, v48;
	_ =	sdelay $0x5  }
0x18b: {  	v4, _, _ =	vpop (xrf0)  }
0x18c: {  	v51 =	vbroadcast v4, $0xF;
	_ =	sdelay $0x1  }
0x18d: {  	vm14 =	veq.f32 v48, v51  }
0x18e: {  	v8 =	vsel vm14, $0x3F800000, v0  }
0x18f: {  	(xrf2) =	vadd.scan.msk.f32 $0xffff, v8;
	_ =	sdelay $0x9  }
0x190: {  	v53, _, _ =	vpop (xrf2)  }
0x191: {  	vm14 =	veq.f32 v53, $1.000000000e+00  }
0x192: {  	v10 =	vsel vm14, $0x3F800000, v0  }
0x193: {  	v8 =	vmul.f32 v10, v8;
	_ =	sdelay $0x1  }
0x194: {  	v10 =	vsub.f32 $1.000000000e+00, v8;
	_ =	sdelay $0x1  }
0x195: {  	v10 =	vmul.f32 v10, v48;
	_ =	sdelay $0x1  }
0x196: {  	(xrf0) =	vmax.scan.msk.f32 $0xffff, v10;
	_ =	sdelay $0x3  }
0x197: {  	(v2sf) =	vpush v42, $0xF  }
0x198: {  	(v2sf) =	vpush v7, $0xF;
	v7 =	vld [tilespmem:s29+$0xFFFFFFF0]  }
0x199: {  	(v2sf) =	vpush v4, $0xF;
	v4, _, _ =	vpop (xrf0)  }
0x19a: {  	(v2sf) =	vpush v4, $0xF;
	_ =	sdelay $0x2  }
0x19b: {  	v7 =	vmul.f32 v7, v59;
	_ =	sdelay $0x1  }
0x19c: {  	v7 =	vadd.f32 v7, v3;
	_ =	sdelay $0x1  }
0x19d: {  	(xrf0) =	vmax.scan.msk.f32 $0xffff, v7  }
0x19e: {  	v4 =	vbroadcast v4, $0xF;
	_ =	sdelay $0x1  }
0x19f: {  	vm14 =	veq.f32 v10, v4  }
0x1a0: {  	[tilespmem:$0x1FCF0] =	vst v4;
	v4 =	vsel vm14, $0x3F800000, v0  }
0x1a1: {  	s26 =	spop (v2sf);
	(xrf2) =	vadd.scan.msk.f32 $0xffff, v4  }
0x1a2: {  	s24 =	spop (v2sf);
	v54, _, _ =	vpop (xrf0)  }
0x1a3: {  	s5 =	spop (v2sf);
	v10 =	vbroadcast v54, $0xF  }
0x1a4: {  	s6 =	spop (v2sf)  }
0x1a5: {  	v7 =	vsub.f32 v7, v10;
	s0 =	sadd.f32 s6, s5;
	_ =	sdelay $0x1  }
0x1a6: {  	v7 =	vmul.f32 $1.442695020e+00, v7;
	s0 =	sadd.f32 $9.999999710e-10, s0  }
0x1a7: {  	v5 =	vadd.f32 v9, v5  }
0x1a8: {  	v55 =	vmov s0  }
0x1a9: {  	vm14 =	vlt.f32 v5, $4.500000000e+01;
	(erf) = vrcp.f32 v55  }
0x1aa: {  	v56 =	vsel vm14, $0x3F800000, v0;
	(erf) = vpow2.f32 v7;
	v7, _, _ =	vpop (xrf2)  }
0x1ab: {  	vm14 =	veq.f32 v7, $1.000000000e+00;
	v7 =	vmul.f32 v56, v8;
	_ =	sdelay $0x1  }
0x1ac: {  	v57 =	vsel vm14, $0x3F800000, v0;
	v60 =	vmul.f32 v7, v5  }
0x1ad: {  	v2 =	vadd.f32 v6, v2;
	v6 =	vmul.f32 v1, v8;
	v4 =	vmul.f32 v57, v4;
	(xrf2) =	vadd.scan.msk.f32 $0xffff, v7  }
0x1ae: {  	(xrf2) =	vadd.scan.msk.f32 $0xffff, v60  }
0x1af: {  	(xrf2) =	vadd.scan.msk.f32 $0xffff, v6;
	v6 =	vmul.f32 v2, v4  }
0x1b0: {  	v7 =	vmul.f32 v1, v4;
	_ =	sdelay $0x1  }
0x1b1: {  	(xrf2) =	vadd.scan.msk.f32 $0xffff, v7;
	v61 =	vpop (erf)  }
0x1b2: {  	(xrf2) =	vadd.scan.msk.f32 $0xffff, v6;
	v6 =	vpop (erf)  }
0x1b3: {  	(xrf2) =	vadd.scan.msk.f32 $0xffff, v6;
	_ =	sdelay $0x4  }
0x1b4: {  	v62, _, _ =	vpop (xrf2)  }
0x1b5: {  	v7, _, _ =	vpop (xrf2)  }
0x1b6: {  	v63, _, _ =	vpop (xrf2)  }
0x1b7: {  	v12, _, _ =	vpop (xrf2)  }
0x1b8: {  	v13, _, _ =	vpop (xrf2)  }
0x1b9: {  	v14, _, _ =	vpop (xrf2)  }
0x1ba: {  	v9 =	vbroadcast v14, $0xF;
	_ =	sdelay $0x1  }
0x1bb: {  	(erf) = vrcp.f32 v9;
	_ =	sdelay $0x8  }
0x1bc: {  	v9 =	vpop (erf)  }
0x1bd: {  	v56 =	vmul.f32 v9, v6;
	_ =	sdelay $0x1  }
0x1be: {  	(xrf0) =	vmax.scan.msk.f32 $0xffff, v56;
	_ =	sdelay $0x5  }
0x1bf: {  	v6, _, _ =	vpop (xrf0)  }
0x1c0: {  	v15 =	vbroadcast v6, $0xF;
	_ =	sdelay $0x1  }
0x1c1: {  	vm14 =	veq.f32 v56, v15  }
0x1c2: {  	v9 =	vsel vm14, $0x3F800000, v0  }
0x1c3: {  	(xrf2) =	vadd.scan.msk.f32 $0xffff, v9;
	_ =	sdelay $0x9  }
0x1c4: {  	v16, _, _ =	vpop (xrf2)  }
0x1c5: {  	vm14 =	veq.f32 v16, $1.000000000e+00  }
0x1c6: {  	v10 =	vsel vm14, $0x3F800000, v0  }
0x1c7: {  	v9 =	vmul.f32 v10, v9;
	_ =	sdelay $0x1  }
0x1c8: {  	v10 =	vsub.f32 $1.000000000e+00, v9;
	_ =	sdelay $0x1  }
0x1c9: {  	v10 =	vmul.f32 v10, v56;
	_ =	sdelay $0x1  }
0x1ca: {  	(xrf0) =	vmax.scan.msk.f32 $0xffff, v10;
	_ =	sdelay $0x3  }
0x1cb: {  	(v2sf) =	vpush v62, $0xF  }
0x1cc: {  	(v2sf) =	vpush v7, $0xF;
	v7 =	vld [tilespmem:s29+$0x0]  }
0x1cd: {  	(v2sf) =	vpush v6, $0xF;
	v6, _, _ =	vpop (xrf0)  }
0x1ce: {  	(v2sf) =	vpush v6, $0xF;
	_ =	sdelay $0x2  }
0x1cf: {  	v7 =	vmul.f32 v7, v59;
	_ =	sdelay $0x1  }
0x1d0: {  	v7 =	vadd.f32 v7, v3;
	_ =	sdelay $0x1  }
0x1d1: {  	(xrf0) =	vmax.scan.msk.f32 $0xffff, v7  }
0x1d2: {  	v6 =	vbroadcast v6, $0xF;
	_ =	sdelay $0x1  }
0x1d3: {  	vm14 =	veq.f32 v10, v6  }
0x1d4: {  	[tilespmem:$0x1FDC0] =	vst v6;
	v6 =	vsel vm14, $0x3F800000, v0  }
0x1d5: {  	s16 =	spop (v2sf);
	(xrf2) =	vadd.scan.msk.f32 $0xffff, v6  }
0x1d6: {  	s3 =	spop (v2sf);
	v17, _, _ =	vpop (xrf0)  }
0x1d7: {  	s7 =	spop (v2sf);
	v10 =	vbroadcast v17, $0xF  }
0x1d8: {  	s8 =	spop (v2sf)  }
0x1d9: {  	v7 =	vsub.f32 v7, v10;
	s0 =	sadd.f32 s8, s7;
	_ =	sdelay $0x1  }
0x1da: {  	v7 =	vmul.f32 $1.442695020e+00, v7;
	s0 =	sadd.f32 $9.999999710e-10, s0  }
0x1db: {  	v5 =	vadd.f32 v8, v5  }
0x1dc: {  	v18 =	vmov s0  }
0x1dd: {  	vm14 =	vlt.f32 v5, $4.500000000e+01;
	(erf) = vrcp.f32 v18  }
0x1de: {  	v19 =	vsel vm14, $0x3F800000, v0;
	(erf) = vpow2.f32 v7;
	v7, _, _ =	vpop (xrf2)  }
0x1df: {  	vm14 =	veq.f32 v7, $1.000000000e+00;
	v7 =	vmul.f32 v19, v9  }
0x1e0: {  	v20 =	vsel vm14, $0x3F800000, v0  }
0x1e1: {  	v6 =	vmul.f32 v20, v6;
	v21 =	vmul.f32 v7, v5  }
0x1e2: {  	v2 =	vadd.f32 v4, v2;
	v4 =	vmul.f32 v1, v9;
	(xrf2) =	vadd.scan.msk.f32 $0xffff, v7  }
0x1e3: {  	(xrf2) =	vadd.scan.msk.f32 $0xffff, v21;
	v7 =	vmul.f32 v1, v6  }
0x1e4: {  	(xrf2) =	vadd.scan.msk.f32 $0xffff, v4;
	v4 =	vmul.f32 v2, v6;
	_ =	sdelay $0x2  }
0x1e5: {  	(xrf2) =	vadd.scan.msk.f32 $0xffff, v7;
	v7 =	vpop (erf)  }
0x1e6: {  	(xrf2) =	vadd.scan.msk.f32 $0xffff, v4;
	v4 =	vpop (erf)  }
0x1e7: {  	(xrf2) =	vadd.scan.msk.f32 $0xffff, v4;
	_ =	sdelay $0x4  }
0x1e8: {  	v22, _, _ =	vpop (xrf2)  }
0x1e9: {  	[tilespmem:$0x1FD40] =	vst v7;
	v7, _, _ =	vpop (xrf2)  }
0x1ea: {  	v23, _, _ =	vpop (xrf2)  }
0x1eb: {  	v24, _, _ =	vpop (xrf2)  }
0x1ec: {  	v25, _, _ =	vpop (xrf2)  }
0x1ed: {  	v26, _, _ =	vpop (xrf2)  }
0x1ee: {  	v8 =	vbroadcast v26, $0xF;
	_ =	sdelay $0x1  }
0x1ef: {  	(erf) = vrcp.f32 v8;
	_ =	sdelay $0x8  }
0x1f0: {  	v8 =	vpop (erf)  }
0x1f1: {  	v16 =	vmul.f32 v8, v4;
	_ =	sdelay $0x1  }
0x1f2: {  	(xrf0) =	vmax.scan.msk.f32 $0xffff, v16;
	_ =	sdelay $0x5  }
0x1f3: {  	v4, _, _ =	vpop (xrf0)  }
0x1f4: {  	v27 =	vbroadcast v4, $0xF;
	_ =	sdelay $0x1  }
0x1f5: {  	vm14 =	veq.f32 v16, v27  }
0x1f6: {  	v8 =	vsel vm14, $0x3F800000, v0  }
0x1f7: {  	(xrf2) =	vadd.scan.msk.f32 $0xffff, v8;
	_ =	sdelay $0x9  }
0x1f8: {  	v28, _, _ =	vpop (xrf2)  }
0x1f9: {  	vm14 =	veq.f32 v28, $1.000000000e+00  }
0x1fa: {  	v10 =	vsel vm14, $0x3F800000, v0  }
0x1fb: {  	v8 =	vmul.f32 v10, v8;
	_ =	sdelay $0x1  }
0x1fc: {  	v10 =	vsub.f32 $1.000000000e+00, v8;
	_ =	sdelay $0x1  }
0x1fd: {  	v10 =	vmul.f32 v10, v16;
	_ =	sdelay $0x1  }
0x1fe: {  	(xrf0) =	vmax.scan.msk.f32 $0xffff, v10;
	_ =	sdelay $0x3  }
0x1ff: {  	(v2sf) =	vpush v22, $0xF  }
0x200: {  	(v2sf) =	vpush v7, $0xF;
	v7 =	vld [tilespmem:s29+$0x10]  }
0x201: {  	(v2sf) =	vpush v4, $0xF;
	v4, _, _ =	vpop (xrf0)  }
0x202: {  	(v2sf) =	vpush v4, $0xF;
	_ =	sdelay $0x2  }
0x203: {  	v7 =	vmul.f32 v7, v59;
	_ =	sdelay $0x1  }
0x204: {  	v7 =	vadd.f32 v7, v3;
	_ =	sdelay $0x1  }
0x205: {  	(xrf0) =	vmax.scan.msk.f32 $0xffff, v7  }
0x206: {  	v4 =	vbroadcast v4, $0xF;
	_ =	sdelay $0x1  }
0x207: {  	vm14 =	veq.f32 v10, v4  }
0x208: {  	[tilespmem:$0x1FDF0] =	vst v4;
	v4 =	vsel vm14, $0x3F800000, v0  }
0x209: {  	s6 =	spop (v2sf);
	(xrf2) =	vadd.scan.msk.f32 $0xffff, v4  }
0x20a: {  	s5 =	spop (v2sf);
	v29, _, _ =	vpop (xrf0)  }
0x20b: {  	s9 =	spop (v2sf);
	v10 =	vbroadcast v29, $0xF  }
0x20c: {  	s10 =	spop (v2sf)  }
0x20d: {  	v7 =	vsub.f32 v7, v10;
	s0 =	sadd.f32 s10, s9;
	_ =	sdelay $0x1  }
0x20e: {  	v7 =	vmul.f32 $1.442695020e+00, v7;
	s0 =	sadd.f32 $9.999999710e-10, s0  }
0x20f: {  	v5 =	vadd.f32 v9, v5  }
0x210: {  	v30 =	vmov s0  }
0x211: {  	vm14 =	vlt.f32 v5, $4.500000000e+01;
	(erf) = vrcp.f32 v30  }
0x212: {  	v31 =	vsel vm14, $0x3F800000, v0;
	(erf) = vpow2.f32 v7;
	v7, _, _ =	vpop (xrf2)  }
0x213: {  	vm14 =	veq.f32 v7, $1.000000000e+00;
	v7 =	vmul.f32 v31, v8  }
0x214: {  	v33 =	vsel vm14, $0x3F800000, v0  }
0x215: {  	v4 =	vmul.f32 v33, v4;
	v37 =	vmul.f32 v7, v5  }
0x216: {  	v2 =	vadd.f32 v6, v2;
	v6 =	vmul.f32 v1, v8;
	(xrf2) =	vadd.scan.msk.f32 $0xffff, v7  }
0x217: {  	(xrf2) =	vadd.scan.msk.f32 $0xffff, v37;
	v7 =	vmul.f32 v1, v4  }
0x218: {  	(xrf2) =	vadd.scan.msk.f32 $0xffff, v6;
	v6 =	vmul.f32 v2, v4;
	_ =	sdelay $0x2  }
0x219: {  	(xrf2) =	vadd.scan.msk.f32 $0xffff, v7;
	v7 =	vpop (erf)  }
0x21a: {  	(xrf2) =	vadd.scan.msk.f32 $0xffff, v6;
	v6 =	vpop (erf)  }
0x21b: {  	(xrf2) =	vadd.scan.msk.f32 $0xffff, v6;
	_ =	sdelay $0x4  }
0x21c: {  	v42, _, _ =	vpop (xrf2)  }
0x21d: {  	[tilespmem:$0x1FDA0] =	vst v7;
	v7, _, _ =	vpop (xrf2)  }
0x21e: {  	[tilespmem:$0x1FC90] =	vst v43;
	v43, _, _ =	vpop (xrf2)  }
0x21f: {  	[tilespmem:$0x1FCB0] =	vst v49;
	v49, _, _ =	vpop (xrf2)  }
0x220: {  	v50, _, _ =	vpop (xrf2)  }
0x221: {  	[tilespmem:$0x1FCC0] =	vst v51;
	v51, _, _ =	vpop (xrf2)  }
0x222: {  	v9 =	vbroadcast v51, $0xF;
	_ =	sdelay $0x1  }
0x223: {  	(erf) = vrcp.f32 v9;
	_ =	sdelay $0x8  }
0x224: {  	v9 =	vpop (erf)  }
0x225: {  	v28 =	vmul.f32 v9, v6;
	_ =	sdelay $0x1  }
0x226: {  	(xrf0) =	vmax.scan.msk.f32 $0xffff, v28;
	_ =	sdelay $0x5  }
0x227: {  	v6, _, _ =	vpop (xrf0)  }
0x228: {  	v53 =	vbroadcast v6, $0xF;
	_ =	sdelay $0x1  }
0x229: {  	vm14 =	veq.f32 v28, v53  }
0x22a: {  	v9 =	vsel vm14, $0x3F800000, v0  }
0x22b: {  	(xrf2) =	vadd.scan.msk.f32 $0xffff, v9;
	_ =	sdelay $0x9  }
0x22c: {  	v54, _, _ =	vpop (xrf2)  }
0x22d: {  	vm14 =	veq.f32 v54, $1.000000000e+00  }
0x22e: {  	v10 =	vsel vm14, $0x3F800000, v0  }
0x22f: {  	v9 =	vmul.f32 v10, v9;
	_ =	sdelay $0x1  }
0x230: {  	v10 =	vsub.f32 $1.000000000e+00, v9;
	_ =	sdelay $0x1  }
0x231: {  	v10 =	vmul.f32 v10, v28;
	_ =	sdelay $0x1  }
0x232: {  	(xrf0) =	vmax.scan.msk.f32 $0xffff, v10;
	_ =	sdelay $0x3  }
0x233: {  	(v2sf) =	vpush v42, $0xF  }
0x234: {  	(v2sf) =	vpush v7, $0xF;
	v7 =	vld [tilespmem:s29+$0x20]  }
0x235: {  	(v2sf) =	vpush v6, $0xF;
	v6, _, _ =	vpop (xrf0)  }
0x236: {  	(v2sf) =	vpush v6, $0xF;
	_ =	sdelay $0x2  }
0x237: {  	v7 =	vmul.f32 v7, v59;
	_ =	sdelay $0x1  }
0x238: {  	v7 =	vadd.f32 v7, v3;
	_ =	sdelay $0x1  }
0x239: {  	(xrf0) =	vmax.scan.msk.f32 $0xffff, v7  }
0x23a: {  	v6 =	vbroadcast v6, $0xF;
	_ =	sdelay $0x1  }
0x23b: {  	vm14 =	veq.f32 v10, v6  }
0x23c: {  	[tilespmem:$0x1FE30] =	vst v6;
	v6 =	vsel vm14, $0x3F800000, v0  }
0x23d: {  	s8 =	spop (v2sf);
	(xrf2) =	vadd.scan.msk.f32 $0xffff, v6  }
0x23e: {  	s7 =	spop (v2sf);
	v55, _, _ =	vpop (xrf0)  }
0x23f: {  	s11 =	spop (v2sf);
	v10 =	vbroadcast v55, $0xF  }
0x240: {  	s12 =	spop (v2sf)  }
0x241: {  	v7 =	vsub.f32 v7, v10;
	s0 =	sadd.f32 s12, s11;
	_ =	sdelay $0x1  }
0x242: {  	v7 =	vmul.f32 $1.442695020e+00, v7;
	s0 =	sadd.f32 $9.999999710e-10, s0  }
0x243: {  	v5 =	vadd.f32 v8, v5  }
0x244: {  	v57 =	vmov s0  }
0x245: {  	vm14 =	vlt.f32 v5, $4.500000000e+01;
	(erf) = vrcp.f32 v57  }
0x246: {  	v60 =	vsel vm14, $0x3F800000, v0;
	(erf) = vpow2.f32 v7;
	v7, _, _ =	vpop (xrf2)  }
0x247: {  	vm14 =	veq.f32 v7, $1.000000000e+00;
	v7 =	vmul.f32 v60, v9  }
0x248: {  	[tilespmem:$0x1FCD0] =	vst v61;
	v61 =	vsel vm14, $0x3F800000, v0  }
0x249: {  	[tilespmem:$0x1FCE0] =	vst v62;
	v6 =	vmul.f32 v61, v6;
	v62 =	vmul.f32 v7, v5  }
0x24a: {  	v2 =	vadd.f32 v4, v2;
	v4 =	vmul.f32 v1, v9;
	(xrf2) =	vadd.scan.msk.f32 $0xffff, v7  }
0x24b: {  	(xrf2) =	vadd.scan.msk.f32 $0xffff, v62;
	v7 =	vmul.f32 v1, v6  }
0x24c: {  	(xrf2) =	vadd.scan.msk.f32 $0xffff, v4;
	v4 =	vmul.f32 v2, v6;
	_ =	sdelay $0x2  }
0x24d: {  	(xrf2) =	vadd.scan.msk.f32 $0xffff, v7;
	v7 =	vpop (erf)  }
0x24e: {  	(xrf2) =	vadd.scan.msk.f32 $0xffff, v4;
	v4 =	vpop (erf)  }
0x24f: {  	(xrf2) =	vadd.scan.msk.f32 $0xffff, v4;
	_ =	sdelay $0x4  }
0x250: {  	[tilespmem:$0x1FD00] =	vst v63;
	v63, _, _ =	vpop (xrf2)  }
0x251: {  	[tilespmem:$0x1FE20] =	vst v7;
	v7, _, _ =	vpop (xrf2)  }
0x252: {  	[tilespmem:$0x1FD10] =	vst v12;
	v12, _, _ =	vpop (xrf2)  }
0x253: {  	[tilespmem:$0x1FD20] =	vst v13;
	v13, _, _ =	vpop (xrf2)  }
0x254: {  	v14, _, _ =	vpop (xrf2)  }
0x255: {  	[tilespmem:$0x1FD30] =	vst v15;
	v15, _, _ =	vpop (xrf2)  }
0x256: {  	v8 =	vbroadcast v15, $0xF;
	_ =	sdelay $0x1  }
0x257: {  	(erf) = vrcp.f32 v8;
	_ =	sdelay $0x8  }
0x258: {  	v8 =	vpop (erf)  }
0x259: {  	[tilespmem:$0x1FE00] =	vst v50;
	v50 =	vmul.f32 v8, v4;
	_ =	sdelay $0x1  }
0x25a: {  	(xrf0) =	vmax.scan.msk.f32 $0xffff, v50;
	_ =	sdelay $0x5  }
0x25b: {  	v4, _, _ =	vpop (xrf0)  }
0x25c: {  	v17 =	vbroadcast v4, $0xF;
	_ =	sdelay $0x1  }
0x25d: {  	vm14 =	veq.f32 v50, v17  }
0x25e: {  	v8 =	vsel vm14, $0x3F800000, v0  }
0x25f: {  	(xrf2) =	vadd.scan.msk.f32 $0xffff, v8;
	_ =	sdelay $0x9  }
0x260: {  	v18, _, _ =	vpop (xrf2)  }
0x261: {  	vm14 =	veq.f32 v18, $1.000000000e+00  }
0x262: {  	v10 =	vsel vm14, $0x3F800000, v0  }
0x263: {  	v8 =	vmul.f32 v10, v8;
	_ =	sdelay $0x1  }
0x264: {  	v10 =	vsub.f32 $1.000000000e+00, v8;
	_ =	sdelay $0x1  }
0x265: {  	v10 =	vmul.f32 v10, v50;
	_ =	sdelay $0x1  }
0x266: {  	(xrf0) =	vmax.scan.msk.f32 $0xffff, v10;
	_ =	sdelay $0x3  }
0x267: {  	(v2sf) =	vpush v63, $0xF  }
0x268: {  	(v2sf) =	vpush v7, $0xF;
	v7 =	vld [tilespmem:s29+$0x30]  }
0x269: {  	(v2sf) =	vpush v4, $0xF;
	v4, _, _ =	vpop (xrf0)  }
0x26a: {  	(v2sf) =	vpush v4, $0xF;
	_ =	sdelay $0x2  }
0x26b: {  	v7 =	vmul.f32 v7, v59;
	_ =	sdelay $0x1  }
0x26c: {  	v7 =	vadd.f32 v7, v3;
	_ =	sdelay $0x1  }
0x26d: {  	(xrf0) =	vmax.scan.msk.f32 $0xffff, v7  }
0x26e: {  	v60 =	vbroadcast v4, $0xF;
	_ =	sdelay $0x1  }
0x26f: {  	vm14 =	veq.f32 v10, v60  }
0x270: {  	v4 =	vsel vm14, $0x3F800000, v0  }
0x271: {  	s10 =	spop (v2sf);
	(xrf2) =	vadd.scan.msk.f32 $0xffff, v4  }
0x272: {  	s9 =	spop (v2sf);
	v19, _, _ =	vpop (xrf0)  }
0x273: {  	s13 =	spop (v2sf);
	v10 =	vbroadcast v19, $0xF  }
0x274: {  	s14 =	spop (v2sf)  }
0x275: {  	v7 =	vsub.f32 v7, v10;
	s0 =	sadd.f32 s14, s13;
	_ =	sdelay $0x1  }
0x276: {  	v7 =	vmul.f32 $1.442695020e+00, v7;
	s0 =	sadd.f32 $9.999999710e-10, s0  }
0x277: {  	v5 =	vadd.f32 v9, v5  }
0x278: {  	v20 =	vmov s0  }
0x279: {  	vm14 =	vlt.f32 v5, $4.500000000e+01;
	(erf) = vrcp.f32 v20  }
0x27a: {  	v21 =	vsel vm14, $0x3F800000, v0;
	(erf) = vpow2.f32 v7;
	v7, _, _ =	vpop (xrf2)  }
0x27b: {  	vm14 =	veq.f32 v7, $1.000000000e+00;
	v7 =	vmul.f32 v21, v8  }
0x27c: {  	[tilespmem:$0x1FD50] =	vst v22  }
0x27d: {  	[tilespmem:$0x1FD60] =	vst v23;
	v22 =	vsel vm14, $0x3F800000, v0;
	v23 =	vmul.f32 v7, v5  }
0x27e: {  	v2 =	vadd.f32 v6, v2;
	v6 =	vmul.f32 v1, v8;
	v4 =	vmul.f32 v22, v4;
	(xrf2) =	vadd.scan.msk.f32 $0xffff, v7  }
0x27f: {  	(xrf2) =	vadd.scan.msk.f32 $0xffff, v23  }
0x280: {  	(xrf2) =	vadd.scan.msk.f32 $0xffff, v6;
	v6 =	vmul.f32 v2, v4  }
0x281: {  	v7 =	vmul.f32 v1, v4;
	_ =	sdelay $0x1  }
0x282: {  	[tilespmem:$0x1FDB0] =	vst v42;
	(xrf2) =	vadd.scan.msk.f32 $0xffff, v7;
	v42 =	vpop (erf)  }
0x283: {  	(xrf2) =	vadd.scan.msk.f32 $0xffff, v6;
	v6 =	vpop (erf)  }
0x284: {  	(xrf2) =	vadd.scan.msk.f32 $0xffff, v6;
	_ =	sdelay $0x4  }
0x285: {  	[tilespmem:$0x1FD80] =	vst v25;
	v25, _, _ =	vpop (xrf2)  }
0x286: {  	v7, _, _ =	vpop (xrf2)  }
0x287: {  	[tilespmem:$0x1FD70] =	vst v24;
	v24, _, _ =	vpop (xrf2)  }
0x288: {  	v26, _, _ =	vpop (xrf2)  }
0x289: {  	[tilespmem:$0x1FD90] =	vst v27;
	v27, _, _ =	vpop (xrf2)  }
0x28a: {  	v29, _, _ =	vpop (xrf2)  }
0x28b: {  	v9 =	vbroadcast v29, $0xF;
	_ =	sdelay $0x1  }
0x28c: {  	(erf) = vrcp.f32 v9;
	_ =	sdelay $0x8  }
0x28d: {  	v9 =	vpop (erf)  }
0x28e: {  	[tilespmem:$0x1FDD0] =	vst v43;
	v43 =	vmul.f32 v9, v6;
	_ =	sdelay $0x1  }
0x28f: {  	(xrf0) =	vmax.scan.msk.f32 $0xffff, v43;
	_ =	sdelay $0x5  }
0x290: {  	v6, _, _ =	vpop (xrf0)  }
0x291: {  	[tilespmem:$0x1FE90] =	vst v24;
	v24 =	vbroadcast v6, $0xF;
	_ =	sdelay $0x1  }
0x292: {  	vm14 =	veq.f32 v43, v24  }
0x293: {  	v30 =	vsel vm14, $0x3F800000, v0  }
0x294: {  	(xrf2) =	vadd.scan.msk.f32 $0xffff, v30;
	_ =	sdelay $0x9  }
0x295: {  	v31, _, _ =	vpop (xrf2)  }
0x296: {  	vm14 =	veq.f32 v31, $1.000000000e+00  }
0x297: {  	v10 =	vsel vm14, $0x3F800000, v0  }
0x298: {  	v9 =	vmul.f32 v10, v30;
	_ =	sdelay $0x1  }
0x299: {  	v10 =	vsub.f32 $1.000000000e+00, v9;
	_ =	sdelay $0x1  }
0x29a: {  	v10 =	vmul.f32 v10, v43;
	_ =	sdelay $0x1  }
0x29b: {  	(xrf0) =	vmax.scan.msk.f32 $0xffff, v10;
	_ =	sdelay $0x3  }
0x29c: {  	(v2sf) =	vpush v25, $0xF  }
0x29d: {  	(v2sf) =	vpush v7, $0xF;
	v7 =	vld [tilespmem:s29+$0x40]  }
0x29e: {  	(v2sf) =	vpush v6, $0xF;
	v6, _, _ =	vpop (xrf0)  }
0x29f: {  	(v2sf) =	vpush v6, $0xF;
	_ =	sdelay $0x2  }
0x2a0: {  	v7 =	vmul.f32 v7, v59;
	_ =	sdelay $0x1  }
0x2a1: {  	v7 =	vadd.f32 v7, v3;
	_ =	sdelay $0x1  }
0x2a2: {  	(xrf0) =	vmax.scan.msk.f32 $0xffff, v7  }
0x2a3: {  	v23 =	vbroadcast v6, $0xF;
	_ =	sdelay $0x1  }
0x2a4: {  	vm14 =	veq.f32 v10, v23  }
0x2a5: {  	v6 =	vsel vm14, $0x3F800000, v0  }
0x2a6: {  	s12 =	spop (v2sf);
	(xrf2) =	vadd.scan.msk.f32 $0xffff, v6  }
0x2a7: {  	s11 =	spop (v2sf);
	v33, _, _ =	vpop (xrf0)  }
0x2a8: {  	s15 =	spop (v2sf);
	v10 =	vbroadcast v33, $0xF  }
0x2a9: {  	s18 =	spop (v2sf)  }
0x2aa: {  	v7 =	vsub.f32 v7, v10;
	s0 =	sadd.f32 s18, s15;
	_ =	sdelay $0x1  }
0x2ab: {  	v7 =	vmul.f32 $1.442695020e+00, v7;
	s0 =	sadd.f32 $9.999999710e-10, s0  }
0x2ac: {  	v5 =	vadd.f32 v8, v5  }
0x2ad: {  	v37 =	vmov s0  }
0x2ae: {  	vm14 =	vlt.f32 v5, $4.500000000e+01;
	(erf) = vrcp.f32 v37  }
0x2af: {  	[tilespmem:$0x1FDE0] =	vst v49;
	v49 =	vsel vm14, $0x3F800000, v0;
	(erf) = vpow2.f32 v7;
	v7, _, _ =	vpop (xrf2)  }
0x2b0: {  	vm14 =	veq.f32 v7, $1.000000000e+00;
	v7 =	vmul.f32 v49, v9;
	_ =	sdelay $0x1  }
0x2b1: {  	[tilespmem:$0x1FE10] =	vst v53;
	v51 =	vsel vm14, $0x3F800000, v0;
	v53 =	vmul.f32 v7, v5  }
0x2b2: {  	v2 =	vadd.f32 v4, v2;
	v4 =	vmul.f32 v1, v9;
	v6 =	vmul.f32 v51, v6;
	(xrf2) =	vadd.scan.msk.f32 $0xffff, v7  }
0x2b3: {  	(xrf2) =	vadd.scan.msk.f32 $0xffff, v53  }
0x2b4: {  	(xrf2) =	vadd.scan.msk.f32 $0xffff, v4;
	v4 =	vmul.f32 v2, v6  }
0x2b5: {  	v7 =	vmul.f32 v1, v6;
	_ =	sdelay $0x1  }
0x2b6: {  	(xrf2) =	vadd.scan.msk.f32 $0xffff, v7;
	v19 =	vpop (erf)  }
0x2b7: {  	(xrf2) =	vadd.scan.msk.f32 $0xffff, v4;
	v4 =	vpop (erf)  }
0x2b8: {  	(xrf2) =	vadd.scan.msk.f32 $0xffff, v4;
	_ =	sdelay $0x4  }
0x2b9: {  	v30, _, _ =	vpop (xrf2)  }
0x2ba: {  	v7, _, _ =	vpop (xrf2)  }
0x2bb: {  	v54, _, _ =	vpop (xrf2)  }
0x2bc: {  	v55, _, _ =	vpop (xrf2)  }
0x2bd: {  	v57, _, _ =	vpop (xrf2)  }
0x2be: {  	v61, _, _ =	vpop (xrf2)  }
0x2bf: {  	v8 =	vbroadcast v61, $0xF;
	_ =	sdelay $0x1  }
0x2c0: {  	(erf) = vrcp.f32 v8;
	_ =	sdelay $0x8  }
0x2c1: {  	v8 =	vpop (erf)  }
0x2c2: {  	[tilespmem:$0x1FE80] =	vst v17;
	v17 =	vmul.f32 v8, v4;
	_ =	sdelay $0x1  }
0x2c3: {  	(xrf0) =	vmax.scan.msk.f32 $0xffff, v17;
	_ =	sdelay $0x5  }
0x2c4: {  	v4, _, _ =	vpop (xrf0)  }
0x2c5: {  	v31 =	vbroadcast v4, $0xF;
	_ =	sdelay $0x1  }
0x2c6: {  	vm14 =	veq.f32 v17, v31  }
0x2c7: {  	v62 =	vsel vm14, $0x3F800000, v0  }
0x2c8: {  	(xrf2) =	vadd.scan.msk.f32 $0xffff, v62;
	_ =	sdelay $0x9  }
0x2c9: {  	[tilespmem:$0x1FE40] =	vst v63;
	v63, _, _ =	vpop (xrf2)  }
0x2ca: {  	vm14 =	veq.f32 v63, $1.000000000e+00  }
0x2cb: {  	v10 =	vsel vm14, $0x3F800000, v0  }
0x2cc: {  	v8 =	vmul.f32 v10, v62;
	_ =	sdelay $0x1  }
0x2cd: {  	v10 =	vsub.f32 $1.000000000e+00, v8;
	_ =	sdelay $0x1  }
0x2ce: {  	v10 =	vmul.f32 v10, v17;
	_ =	sdelay $0x1  }
0x2cf: {  	(xrf0) =	vmax.scan.msk.f32 $0xffff, v10;
	_ =	sdelay $0x3  }
0x2d0: {  	(v2sf) =	vpush v30, $0xF  }
0x2d1: {  	(v2sf) =	vpush v7, $0xF;
	v7 =	vld [tilespmem:s29+$0x50]  }
0x2d2: {  	(v2sf) =	vpush v4, $0xF;
	v4, _, _ =	vpop (xrf0)  }
0x2d3: {  	(v2sf) =	vpush v4, $0xF;
	_ =	sdelay $0x2  }
0x2d4: {  	v7 =	vmul.f32 v7, v59;
	_ =	sdelay $0x1  }
0x2d5: {  	v7 =	vadd.f32 v7, v3;
	_ =	sdelay $0x1  }
0x2d6: {  	(xrf0) =	vmax.scan.msk.f32 $0xffff, v7  }
0x2d7: {  	v18 =	vbroadcast v4, $0xF;
	_ =	sdelay $0x1  }
0x2d8: {  	vm14 =	veq.f32 v10, v18  }
0x2d9: {  	v4 =	vsel vm14, $0x3F800000, v0  }
0x2da: {  	s2 =	spop (v2sf);
	(xrf2) =	vadd.scan.msk.f32 $0xffff, v4  }
0x2db: {  	[tilespmem:$0x1FE50] =	vst v12;
	s13 =	spop (v2sf);
	v12, _, _ =	vpop (xrf0)  }
0x2dc: {  	s20 =	spop (v2sf);
	v10 =	vbroadcast v12, $0xF  }
0x2dd: {  	s25 =	spop (v2sf)  }
0x2de: {  	v7 =	vsub.f32 v7, v10;
	s0 =	sadd.f32 s25, s20;
	_ =	sdelay $0x1  }
0x2df: {  	v7 =	vmul.f32 $1.442695020e+00, v7;
	s0 =	sadd.f32 $9.999999710e-10, s0  }
0x2e0: {  	v5 =	vadd.f32 v9, v5  }
0x2e1: {  	[tilespmem:$0x1FE60] =	vst v13;
	v13 =	vmov s0  }
0x2e2: {  	vm14 =	vlt.f32 v5, $4.500000000e+01;
	(erf) = vrcp.f32 v13  }
0x2e3: {  	[tilespmem:$0x1FE70] =	vst v14;
	v14 =	vsel vm14, $0x3F800000, v0;
	(erf) = vpow2.f32 v7;
	v7, _, _ =	vpop (xrf2)  }
0x2e4: {  	vm14 =	veq.f32 v7, $1.000000000e+00;
	v7 =	vmul.f32 v14, v8;
	_ =	sdelay $0x1  }
0x2e5: {  	v15 =	vsel vm14, $0x3F800000, v0;
	v20 =	vmul.f32 v7, v5  }
0x2e6: {  	v2 =	vadd.f32 v6, v2;
	v6 =	vmul.f32 v1, v8;
	v4 =	vmul.f32 v15, v4;
	(xrf2) =	vadd.scan.msk.f32 $0xffff, v7  }
0x2e7: {  	(xrf2) =	vadd.scan.msk.f32 $0xffff, v20  }
0x2e8: {  	(xrf2) =	vadd.scan.msk.f32 $0xffff, v6;
	v6 =	vmul.f32 v2, v4  }
0x2e9: {  	v7 =	vmul.f32 v1, v4;
	_ =	sdelay $0x1  }
0x2ea: {  	(xrf2) =	vadd.scan.msk.f32 $0xffff, v7;
	v33 =	vpop (erf)  }
0x2eb: {  	(xrf2) =	vadd.scan.msk.f32 $0xffff, v6;
	v6 =	vpop (erf)  }
0x2ec: {  	(xrf2) =	vadd.scan.msk.f32 $0xffff, v6;
	_ =	sdelay $0x4  }
0x2ed: {  	v15, _, _ =	vpop (xrf2)  }
0x2ee: {  	v7, _, _ =	vpop (xrf2)  }
0x2ef: {  	v21, _, _ =	vpop (xrf2)  }
0x2f0: {  	v22, _, _ =	vpop (xrf2)  }
0x2f1: {  	[tilespmem:$0x1FEA0] =	vst v26;
	v26, _, _ =	vpop (xrf2)  }
0x2f2: {  	[tilespmem:$0x1FEB0] =	vst v27;
	v27, _, _ =	vpop (xrf2)  }
0x2f3: {  	v9 =	vbroadcast v27, $0xF;
	_ =	sdelay $0x1  }
0x2f4: {  	(erf) = vrcp.f32 v9;
	_ =	sdelay $0x8  }
0x2f5: {  	v9 =	vpop (erf)  }
0x2f6: {  	v13 =	vmul.f32 v9, v6;
	_ =	sdelay $0x1  }
0x2f7: {  	(xrf0) =	vmax.scan.msk.f32 $0xffff, v13;
	_ =	sdelay $0x5  }
0x2f8: {  	v6, _, _ =	vpop (xrf0)  }
0x2f9: {  	v37 =	vbroadcast v6, $0xF;
	_ =	sdelay $0x1  }
0x2fa: {  	vm14 =	veq.f32 v13, v37  }
0x2fb: {  	v29 =	vsel vm14, $0x3F800000, v0  }
0x2fc: {  	(xrf2) =	vadd.scan.msk.f32 $0xffff, v29;
	_ =	sdelay $0x9  }
0x2fd: {  	v49, _, _ =	vpop (xrf2)  }
0x2fe: {  	vm14 =	veq.f32 v49, $1.000000000e+00  }
0x2ff: {  	v10 =	vsel vm14, $0x3F800000, v0  }
0x300: {  	v20 =	vmul.f32 v10, v29;
	_ =	sdelay $0x1  }
0x301: {  	v9 =	vsub.f32 $1.000000000e+00, v20;
	_ =	sdelay $0x1  }
0x302: {  	v9 =	vmul.f32 v9, v13;
	_ =	sdelay $0x1  }
0x303: {  	(xrf0) =	vmax.scan.msk.f32 $0xffff, v9;
	_ =	sdelay $0x3  }
0x304: {  	(v2sf) =	vpush v15, $0xF  }
0x305: {  	(v2sf) =	vpush v7, $0xF;
	v7 =	vld [tilespmem:s29+$0x60]  }
0x306: {  	(v2sf) =	vpush v6, $0xF;
	v6, _, _ =	vpop (xrf0)  }
0x307: {  	(v2sf) =	vpush v6, $0xF;
	_ =	sdelay $0x2  }
0x308: {  	v7 =	vmul.f32 v7, v59;
	_ =	sdelay $0x1  }
0x309: {  	v7 =	vadd.f32 v7, v3;
	_ =	sdelay $0x1  }
0x30a: {  	(xrf0) =	vmax.scan.msk.f32 $0xffff, v7  }
0x30b: {  	v14 =	vbroadcast v6, $0xF;
	_ =	sdelay $0x1  }
0x30c: {  	vm14 =	veq.f32 v9, v14  }
0x30d: {  	v6 =	vsel vm14, $0x3F800000, v0  }
0x30e: {  	s18 =	spop (v2sf);
	(xrf2) =	vadd.scan.msk.f32 $0xffff, v6  }
0x30f: {  	s14 =	spop (v2sf);
	v51, _, _ =	vpop (xrf0)  }
0x310: {  	s28 =	spop (v2sf);
	v9 =	vbroadcast v51, $0xF  }
0x311: {  	s30 =	spop (v2sf)  }
0x312: {  	v7 =	vsub.f32 v7, v9;
	s0 =	sadd.f32 s30, s28;
	_ =	sdelay $0x1  }
0x313: {  	v7 =	vmul.f32 $1.442695020e+00, v7;
	s0 =	sadd.f32 $9.999999710e-10, s0  }
0x314: {  	v5 =	vadd.f32 v8, v5  }
0x315: {  	v53 =	vmov s0  }
0x316: {  	vm14 =	vlt.f32 v5, $4.500000000e+01;
	(erf) = vrcp.f32 v53  }
0x317: {  	[tilespmem:$0x1FEC0] =	vst v54;
	v54 =	vsel vm14, $0x3F800000, v0;
	(erf) = vpow2.f32 v7;
	v7, _, _ =	vpop (xrf2)  }
0x318: {  	vm14 =	veq.f32 v7, $1.000000000e+00;
	v7 =	vmul.f32 v54, v20  }
0x319: {  	[tilespmem:$0x1FED0] =	vst v55  }
0x31a: {  	[tilespmem:$0x1FEE0] =	vst v57;
	v55 =	vsel vm14, $0x3F800000, v0;
	v57 =	vmul.f32 v7, v5  }
0x31b: {  	v2 =	vadd.f32 v4, v2;
	v4 =	vmul.f32 v1, v20;
	v6 =	vmul.f32 v55, v6;
	(xrf2) =	vadd.scan.msk.f32 $0xffff, v7  }
0x31c: {  	(xrf2) =	vadd.scan.msk.f32 $0xffff, v57  }
0x31d: {  	(xrf2) =	vadd.scan.msk.f32 $0xffff, v4;
	v4 =	vmul.f32 v2, v6  }
0x31e: {  	v7 =	vmul.f32 v1, v6;
	_ =	sdelay $0x1  }
0x31f: {  	(xrf2) =	vadd.scan.msk.f32 $0xffff, v7;
	v8 =	vpop (erf)  }
0x320: {  	(xrf2) =	vadd.scan.msk.f32 $0xffff, v4;
	v4 =	vpop (erf)  }
0x321: {  	(xrf2) =	vadd.scan.msk.f32 $0xffff, v4;
	_ =	sdelay $0x4  }
0x322: {  	v9, _, _ =	vpop (xrf2)  }
0x323: {  	v7, _, _ =	vpop (xrf2)  }
0x324: {  	[tilespmem:$0x1FF10] =	vst v26;
	v26, _, _ =	vpop (xrf2)  }
0x325: {  	v27, _, _ =	vpop (xrf2)  }
0x326: {  	v29, _, _ =	vpop (xrf2)  }
0x327: {  	v61, _, _ =	vpop (xrf2)  }
0x328: {  	v10 =	vbroadcast v61, $0xF;
	_ =	sdelay $0x1  }
0x329: {  	(erf) = vrcp.f32 v10;
	_ =	sdelay $0x8  }
0x32a: {  	v10 =	vpop (erf)  }
0x32b: {  	v12 =	vmul.f32 v10, v4;
	_ =	sdelay $0x1  }
0x32c: {  	(xrf0) =	vmax.scan.msk.f32 $0xffff, v12;
	_ =	sdelay $0x5  }
0x32d: {  	v4, _, _ =	vpop (xrf0)  }
0x32e: {  	v10 =	vbroadcast v4, $0xF;
	_ =	sdelay $0x1  }
0x32f: {  	vm14 =	veq.f32 v12, v10  }
0x330: {  	v62 =	vsel vm14, $0x3F800000, v0  }
0x331: {  	(xrf2) =	vadd.scan.msk.f32 $0xffff, v62;
	_ =	sdelay $0x9  }
0x332: {  	[tilespmem:$0x1FEF0] =	vst v21;
	v21, _, _ =	vpop (xrf2)  }
0x333: {  	vm14 =	veq.f32 v21, $1.000000000e+00  }
0x334: {  	v21 =	vsel vm14, $0x3F800000, v0  }
0x335: {  	v54 =	vmul.f32 v21, v62;
	_ =	sdelay $0x1  }
0x336: {  	v11 =	vsub.f32 $1.000000000e+00, v54;
	_ =	sdelay $0x1  }
0x337: {  	v63 =	vmul.f32 v11, v12;
	_ =	sdelay $0x1  }
0x338: {  	(xrf0) =	vmax.scan.msk.f32 $0xffff, v63;
	_ =	sdelay $0x3  }
0x339: {  	(v2sf) =	vpush v9, $0xF  }
0x33a: {  	(v2sf) =	vpush v7, $0xF;
	v7 =	vld [tilespmem:s29+$0x70]  }
0x33b: {  	(v2sf) =	vpush v4, $0xF;
	v4, _, _ =	vpop (xrf0)  }
0x33c: {  	(v2sf) =	vpush v4, $0xF;
	_ =	sdelay $0x2  }
0x33d: {  	v7 =	vmul.f32 v7, v59;
	_ =	sdelay $0x1  }
0x33e: {  	v7 =	vadd.f32 v7, v3;
	_ =	sdelay $0x1  }
0x33f: {  	(xrf0) =	vmax.scan.msk.f32 $0xffff, v7  }
0x340: {  	v11 =	vbroadcast v4, $0xF;
	_ =	sdelay $0x1  }
0x341: {  	vm14 =	veq.f32 v63, v11  }
0x342: {  	v4 =	vsel vm14, $0x3F800000, v0  }
0x343: {  	s15 =	spop (v2sf);
	(xrf2) =	vadd.scan.msk.f32 $0xffff, v4  }
0x344: {  	s28 =	spop (v2sf);
	v49, _, _ =	vpop (xrf0)  }
0x345: {  	s1 =	spop (v2sf);
	v21 =	vbroadcast v49, $0xF  }
0x346: {  	s20 =	spop (v2sf)  }
0x347: {  	v7 =	vsub.f32 v7, v21;
	s0 =	sadd.f32 s20, s1;
	_ =	sdelay $0x1  }
0x348: {  	v7 =	vmul.f32 $1.442695020e+00, v7;
	s0 =	sadd.f32 $9.999999710e-10, s0  }
0x349: {  	v5 =	vadd.f32 v20, v5  }
0x34a: {  	v51 =	vmov s0  }
0x34b: {  	vm14 =	vlt.f32 v5, $4.500000000e+01;
	(erf) = vrcp.f32 v51  }
0x34c: {  	v53 =	vsel vm14, $0x3F800000, v0;
	(erf) = vpow2.f32 v7;
	v7, _, _ =	vpop (xrf2)  }
0x34d: {  	vm14 =	veq.f32 v7, $1.000000000e+00;
	v7 =	vmul.f32 v53, v54;
	_ =	sdelay $0x1  }
0x34e: {  	v55 =	vsel vm14, $0x3F800000, v0;
	v57 =	vmul.f32 v7, v5  }
0x34f: {  	v63 =	vmul.f32 v55, v4;
	v4 =	vadd.f32 v6, v2;
	(xrf2) =	vadd.scan.msk.f32 $0xffff, v7;
	v2 =	vmul.f32 v1, v54  }
0x350: {  	(xrf2) =	vadd.scan.msk.f32 $0xffff, v57  }
0x351: {  	(xrf2) =	vadd.scan.msk.f32 $0xffff, v2;
	v2 =	vmul.f32 v4, v63  }
0x352: {  	v6 =	vmul.f32 v1, v63;
	_ =	sdelay $0x1  }
0x353: {  	(xrf2) =	vadd.scan.msk.f32 $0xffff, v6;
	v7 =	vpop (erf)  }
0x354: {  	(xrf2) =	vadd.scan.msk.f32 $0xffff, v2;
	v2 =	vpop (erf)  }
0x355: {  	(xrf2) =	vadd.scan.msk.f32 $0xffff, v2;
	_ =	sdelay $0x4  }
0x356: {  	v6, _, _ =	vpop (xrf2)  }
0x357: {  	v55, _, _ =	vpop (xrf2)  }
0x358: {  	v20, _, _ =	vpop (xrf2)  }
0x359: {  	v21, _, _ =	vpop (xrf2)  }
0x35a: {  	[tilespmem:$0x1FF00] =	vst v22;
	v22, _, _ =	vpop (xrf2)  }
0x35b: {  	v53, _, _ =	vpop (xrf2)  }
0x35c: {  	v53 =	vbroadcast v53, $0xF;
	_ =	sdelay $0x1  }
0x35d: {  	(erf) = vrcp.f32 v53;
	_ =	sdelay $0x8  }
0x35e: {  	v53 =	vpop (erf)  }
0x35f: {  	v2 =	vmul.f32 v53, v2;
	_ =	sdelay $0x1  }
0x360: {  	(xrf0) =	vmax.scan.msk.f32 $0xffff, v2;
	_ =	sdelay $0x5  }
0x361: {  	v62, _, _ =	vpop (xrf0)  }
0x362: {  	v61 =	vbroadcast v62, $0xF;
	_ =	sdelay $0x1  }
0x363: {  	vm14 =	veq.f32 v2, v61  }
0x364: {  	v53 =	vsel vm14, $0x3F800000, v0  }
0x365: {  	(xrf2) =	vadd.scan.msk.f32 $0xffff, v53;
	_ =	sdelay $0x9  }
0x366: {  	v57, _, _ =	vpop (xrf2)  }
0x367: {  	vm14 =	veq.f32 v57, $1.000000000e+00  }
0x368: {  	v57 =	vsel vm14, $0x3F800000, v0  }
0x369: {  	v53 =	vmul.f32 v57, v53;
	_ =	sdelay $0x1  }
0x36a: {  	v57 =	vsub.f32 $1.000000000e+00, v53;
	_ =	sdelay $0x1  }
0x36b: {  	v61 =	vmul.f32 v57, v2;
	_ =	sdelay $0x1  }
0x36c: {  	(xrf0) =	vmax.scan.msk.f32 $0xffff, v61;
	_ =	sdelay $0x5  }
0x36d: {  	v54 =	vadd.f32 v54, v5;
	v57, _, _ =	vpop (xrf0)  }
0x36e: {  	v5 =	vbroadcast v57, $0xF  }
0x36f: {  	vm14 =	vlt.f32 v54, $4.500000000e+01  }
0x370: {  	vm15 =	veq.f32 v61, v5;
	v5 =	vsel vm14, $0x3F800000, v0  }
0x371: {  	v5 =	vmul.f32 v5, v53;
	v61 =	vsel vm15, $0x3F800000, v0  }
0x372: {  	(xrf2) =	vadd.scan.msk.f32 $0xffff, v61  }
0x373: {  	(xrf2) =	vadd.scan.msk.f32 $0xffff, v5;
	v5 =	vmul.f32 v5, v54;
	_ =	sdelay $0x1  }
0x374: {  	(xrf2) =	vadd.scan.msk.f32 $0xffff, v5;
	_ =	sdelay $0x4  }
0x375: {  	(v2sf) =	vpush v6, $0xF  }
0x376: {  	(v2sf) =	vpush v55, $0xF  }
0x377: {  	(v2sf) =	vpush v62, $0xF;
	v55, _, _ =	vpop (xrf2)  }
0x378: {  	(v2sf) =	vpush v57, $0xF;
	v5, _, _ =	vpop (xrf2)  }
0x379: {  	(v2sf) =	vpush v5, $0xF  }
0x37a: {  	v49, _, _ =	vpop (xrf2)  }
0x37b: {  	(v2sf) =	vpush v49, $0xF;
	_ =	sdelay $0x7  }
0x37c: {  	v51 =	vbroadcast v45, $0xF;
	v49 =	vmul.f32 v41, v36;
	v36 =	vmov v47  }
0x37d: {  	v45 =	vmul.f32 v41, v38;
	s1 =	spop (v2sf);
	v41 =	vmul.f32 v36, v44;
	v44 =	vld [tilespmem:$0x1FAA0]  }
0x37e: {  	s0 =	spop (v2sf);
	v49 =	vmul.f32 v49, v51;
	v51 =	vld [tilespmem:$0x1FA90]  }
0x37f: {  	s30 =	spop (v2sf)  }
0x380: {  	s20 =	spop (v2sf)  }
0x381: {  	s25 =	spop (v2sf)  }
0x382: {  	p0 =	sgt.f32 s25, $0.0e+00;
	s25 =	rddreg [dreg:$0x11]  }
0x383: {  	v36 =	vbroadcast v44, $0xF;
	v51 =	vbroadcast v51, $0xF;
	p1 =	sgt.f32 s25, $0.0e+00;
	s25 =	spop (v2sf)  }
0x384: {  	v47 =	vmul.f32 v47, v46;
	v46 =	vbroadcast v39, $0xF;
	v39 =	vld [tilespmem:$0x1FAC0];
	s25 =	simm.s32 @!p0 $0xBF800000  }
0x385: {  	vm14 =	vcmask $0x300;
	v36 =	vsel vm0, v51, v36;
	v51 =	vld [tilespmem:$0x1FAD0];
	v38 =	vmov s25;
	s4 =	simm.s32 @!p1 $0xBF800000  }
0x386: {  	v46 =	vmul.f32 v47, v46;
	v47 =	vsel vm14, s4, v38;
	v38 =	vld [tilespmem:$0x1FAB0];
	_ =	sdelay $0x3  }
0x387: {  	v44 =	vadd.f32 v35, v34;
	v35 =	vbroadcast v39, $0xF  }
0x388: {  	v39 =	vld [tilespmem:$0x1FAE0];
	v51 =	vbroadcast v51, $0xF;
	v38 =	vbroadcast v38, $0xF;
	_ =	sdelay $0x1  }
0x389: {  	v38 =	vsel vm0, v38, v51;
	v51 =	vld [tilespmem:$0x1FB10]  }
0x38a: {  	v46 =	vsel vm0, v49, v46;
	v49 =	vld [tilespmem:$0x1FAF0];
	_ =	sdelay $0x1  }
0x38b: {  	v34 =	vld [tilespmem:$0x1FB00];
	v39 =	vbroadcast v39, $0xF  }
0x38c: {  	v44 =	vadd.f32 v52, v44;
	v52 =	vld [tilespmem:$0x1FB30]  }
0x38d: {  	v35 =	vsel vm0, v35, v39;
	v39 =	vmul.f32 v58, v51;
	v51 =	vld [tilespmem:$0x1FB20]  }
0x38e: {  	v49 =	vmul.f32 v58, v49;
	v58 =	vld [tilespmem:$0x1FB40];
	_ =	sdelay $0x1  }
0x38f: {  	v34 =	vbroadcast v34, $0xF;
	_ =	sdelay $0x1  }
0x390: {  	v34 =	vmul.f32 v49, v34;
	v49 =	vbroadcast v52, $0xF;
	v52 =	vld [tilespmem:$0x1FB50]  }
0x391: {  	v41 =	vsel vm0, v45, v41;
	v45 =	vbroadcast v51, $0xF;
	v51 =	vbroadcast v58, $0xF;
	v58 =	vld [tilespmem:$0x1FB60];
	_ =	sdelay $0x4  }
0x392: {  	v36 =	vsel vm1, v36, v45;
	v45 =	vmul.f32 v58, v52;
	v52 =	vld [tilespmem:$0x1FB70];
	_ =	sdelay $0x4  }
0x393: {  	v52 =	vbroadcast v52, $0xF;
	_ =	sdelay $0x1  }
0x394: {  	v39 =	vsel vm1, v41, v39;
	v41 =	vmul.f32 v45, v52;
	v52 =	vld [tilespmem:$0x1FBA0];
	_ =	sdelay $0x2  }
0x395: {  	v35 =	vsel vm1, v35, v51;
	v51 =	vld [tilespmem:$0x1FB90]  }
0x396: {  	v38 =	vsel vm1, v38, v49;
	v49 =	vld [tilespmem:$0x1FB80]  }
0x397: {  	v34 =	vsel vm1, v46, v34;
	v46 =	vmul.f32 v58, v52;
	v58 =	vld [tilespmem:$0x1FBB0];
	_ =	sdelay $0x2  }
0x398: {  	v44 =	vadd.f32 v51, v44;
	v51 =	vld [tilespmem:$0x1FBE0]  }
0x399: {  	v52 =	vld [tilespmem:$0x1FBC0]  }
0x39a: {  	v45 =	vbroadcast v49, $0xF;
	v49 =	vbroadcast v58, $0xF;
	v58 =	vld [tilespmem:$0x1FBD0];
	_ =	sdelay $0x3  }
0x39b: {  	v34 =	vsel vm2, v34, v41;
	v41 =	vbroadcast v52, $0xF;
	v52 =	vld [tilespmem:$0x1FC10]  }
0x39c: {  	v36 =	vsel vm2, v36, v45;
	v45 =	vmul.f32 v51, v58;
	v58 =	vld [tilespmem:$0x1FBF0];
	_ =	sdelay $0x2  }
0x39d: {  	v39 =	vsel vm2, v39, v46;
	v46 =	vld [tilespmem:$0x1FC00]  }
0x39e: {  	v44 =	vadd.f32 v52, v44;
	v52 =	vld [tilespmem:$0x1FC40]  }
0x39f: {  	v38 =	vsel vm2, v38, v49;
	v49 =	vbroadcast v58, $0xF;
	v58 =	vld [tilespmem:$0x1FC20];
	_ =	sdelay $0x3  }
0x3a0: {  	v45 =	vmul.f32 v45, v49;
	v49 =	vbroadcast v52, $0xF;
	v52 =	vld [tilespmem:$0x1FC60]  }
0x3a1: {  	v35 =	vsel vm2, v35, v41;
	v41 =	vbroadcast v46, $0xF;
	v46 =	vmul.f32 v51, v58;
	v58 =	vld [tilespmem:$0x1FC50];
	_ =	sdelay $0x3  }
0x3a2: {  	v51 =	vld [tilespmem:$0x1FC30]  }
0x3a3: {  	v34 =	vsel vm3, v34, v45;
	v45 =	vmul.f32 v52, v58;
	v58 =	vld [tilespmem:$0x1FC70];
	_ =	sdelay $0x4  }
0x3a4: {  	v36 =	vsel vm3, v36, v41;
	v41 =	vbroadcast v51, $0xF;
	v51 =	vbroadcast v58, $0xF;
	v58 =	vld [tilespmem:$0x1FC80];
	_ =	sdelay $0x3  }
0x3a5: {  	v35 =	vsel vm3, v35, v49;
	v49 =	vld [tilespmem:$0x1FC90]  }
0x3a6: {  	v38 =	vsel vm3, v38, v41;
	v41 =	vmul.f32 v52, v58;
	v52 =	vld [tilespmem:$0x1FCB0];
	_ =	sdelay $0x3  }
0x3a7: {  	v58 =	vld [tilespmem:$0x1FCC0]  }
0x3a8: {  	v39 =	vsel vm3, v39, v46;
	v46 =	vbroadcast v49, $0xF;
	v49 =	vbroadcast v52, $0xF;
	v52 =	vld [tilespmem:$0x1FCD0];
	_ =	sdelay $0x3  }
0x3a9: {  	v45 =	vmul.f32 v45, v51;
	v51 =	vld [tilespmem:$0x1FCA0]  }
0x3aa: {  	v36 =	vsel vm4, v36, v46;
	v46 =	vmul.f32 v52, v58;
	v58 =	vld [tilespmem:$0x1FCE0];
	_ =	sdelay $0x4  }
0x3ab: {  	v32 =	vadd.f32 v32, v44;
	v44 =	vbroadcast v51, $0xF;
	v51 =	vbroadcast v58, $0xF;
	v58 =	vld [tilespmem:$0x1FCF0];
	_ =	sdelay $0x3  }
0x3ac: {  	v35 =	vsel vm4, v35, v49;
	v49 =	vld [tilespmem:$0x1FD00]  }
0x3ad: {  	v38 =	vsel vm4, v38, v44;
	v44 =	vmul.f32 v52, v58;
	v52 =	vld [tilespmem:$0x1FD20];
	_ =	sdelay $0x3  }
0x3ae: {  	v34 =	vsel vm4, v34, v45;
	v45 =	vmul.f32 v46, v51;
	v58 =	vld [tilespmem:$0x1FD30]  }
0x3af: {  	v46 =	vbroadcast v49, $0xF;
	v49 =	vbroadcast v52, $0xF;
	v52 =	vld [tilespmem:$0x1FD40];
	_ =	sdelay $0x3  }
0x3b0: {  	v51 =	vld [tilespmem:$0x1FD10]  }
0x3b1: {  	v32 =	vadd.f32 v40, v32;
	v40 =	vmul.f32 v52, v58;
	v58 =	vld [tilespmem:$0x1FD50];
	_ =	sdelay $0x4  }
0x3b2: {  	v39 =	vsel vm4, v39, v41;
	v41 =	vbroadcast v51, $0xF;
	v51 =	vbroadcast v58, $0xF;
	_ =	sdelay $0x1  }
0x3b3: {  	v40 =	vmul.f32 v40, v51;
	v51 =	vld [tilespmem:$0x1FD80];
	_ =	sdelay $0x2  }
0x3b4: {  	v36 =	vsel vm5, v36, v46;
	v46 =	vld [tilespmem:$0x1FD60]  }
0x3b5: {  	v58 =	vld [tilespmem:$0x1FD90]  }
0x3b6: {  	v34 =	vsel vm5, v34, v45;
	v45 =	vbroadcast v51, $0xF;
	v51 =	vld [tilespmem:$0x1FDA0];
	_ =	sdelay $0x4  }
0x3b7: {  	v38 =	vsel vm5, v38, v41;
	v41 =	vbroadcast v46, $0xF;
	v46 =	vmul.f32 v51, v58;
	v58 =	vld [tilespmem:$0x1FDB0];
	_ =	sdelay $0x3  }
0x3b8: {  	v25 =	vbroadcast v25, $0xF;
	v35 =	vsel vm5, v35, v49;
	v49 =	vld [tilespmem:$0x1FD70]  }
0x3b9: {  	v24 =	vmul.f32 v19, v24;
	v32 =	vadd.f32 v48, v32;
	v48 =	vbroadcast v58, $0xF;
	v58 =	vld [tilespmem:$0x1FDC0]  }
0x3ba: {  	v19 =	vmul.f32 v19, v23;
	v30 =	vbroadcast v30, $0xF  }
0x3bb: {  	v31 =	vmul.f32 v33, v31;
	v15 =	vbroadcast v15, $0xF;
	v32 =	vadd.f32 v56, v32;
	v56 =	vld [tilespmem:$0x1FDF0]  }
0x3bc: {  	v24 =	vmul.f32 v24, v30;
	v18 =	vmul.f32 v33, v18  }
0x3bd: {  	v15 =	vmul.f32 v31, v15;
	v9 =	vbroadcast v9, $0xF;
	v16 =	vadd.f32 v16, v32  }
0x3be: {  	v39 =	vsel vm5, v39, v44;
	v44 =	vbroadcast v49, $0xF;
	v49 =	vmul.f32 v52, v58;
	v52 =	vld [tilespmem:$0x1FDE0]  }
0x3bf: {  	v4 =	vadd.f32 v63, v4;
	v10 =	vmul.f32 v7, v10;
	v16 =	vadd.f32 v28, v16;
	v58 =	vld [tilespmem:$0x1FE00]  }
0x3c0: {  	v6 =	vbroadcast v6, $0xF;
	v35 =	vsel vm6, v35, v45;
	v45 =	vmul.f32 v51, v56  }
0x3c1: {  	v7 =	vmul.f32 v7, v11;
	v16 =	vadd.f32 v50, v16;
	v39 =	vsel vm6, v39, v49;
	v49 =	vld [tilespmem:$0x1FDD0]  }
0x3c2: {  	v6 =	vmul.f32 v10, v6;
	vm15 =	vcmask $0x704;
	v39 =	vsel vm7, v39, v45;
	v45 =	vld [tilespmem:$0x1FE20]  }
0x3c3: {  	s25 =	rddreg [dreg:$0x10];
	v16 =	vadd.f32 v43, v16;
	v38 =	vsel vm6, v38, v44;
	v44 =	vbroadcast v52, $0xF;
	v52 =	vld [tilespmem:$0x1FE70]  }
0x3c4: {  	p1 =	sgt.f32 s25, $0.0e+00;
	vm14 =	vcmask $0xB08;
	v48 =	vmul.f32 v46, v48;
	v46 =	vbroadcast v58, $0xF;
	v58 =	vld [tilespmem:$0x1FEA0]  }
0x3c5: {  	s25 =	rddreg [dreg:$0x12];
	v16 =	vadd.f32 v17, v16;
	v36 =	vsel vm6, v36, v41;
	v38 =	vsel vm7, v38, v44;
	v44 =	vld [tilespmem:$0x1FE10]  }
0x3c6: {  	p2 =	sgt.f32 s25, $0.0e+00;
	s25 =	rddreg [dreg:$0x13];
	s31 =	simm.s32 @!p1 $0xBF800000;
	v34 =	vsel vm6, v34, v40;
	v41 =	vbroadcast v49, $0xF;
	v35 =	vsel vm7, v35, v46;
	v46 =	vld [tilespmem:$0x1FE30]  }
0x3c7: {  	p0 =	sgt.f32 s25, $0.0e+00;
	v47 =	vsel vm15, s31, v47;
	vm15 =	vcmask $0xF0C;
	v34 =	vsel vm7, v34, v48;
	v48 =	vld [tilespmem:$0x1FE40]  }
0x3c8: {  	s19 =	simm.s32 @!p2 $0xBF800000;
	v43 =	vbroadcast v29, $0xF;
	v13 =	vadd.f32 v13, v16;
	v49 =	vld [tilespmem:$0x1FE50];
	v36 =	vsel vm7, v36, v41  }
0x3c9: {  	s25 =	sadd.f32 s20, s30;
	s21 =	simm.s32 @!p0 $0xBF800000;
	v41 =	vsel vm14, s19, v47;
	vm14 =	veq.f32 v55, $1.000000000e+00;
	v47 =	vbroadcast v52, $0xF  }
0x3ca: {  	s30 =	rddreg [dreg:$0x14];
	v51 =	vld [tilespmem:$0x1FE60];
	v41 =	vsel vm15, s21, v41;
	v28 =	vbroadcast v58, $0xF;
	v58 =	vmul.f32 v1, v53  }
0x3cb: {  	p1 =	sgt.f32 s30, $0.0e+00;
	v55 =	vld [tilespmem:$0x1FE80];
	vm15 =	vcmask $0x1714;
	v32 =	vmul.f32 v45, v44;
	v40 =	vmul.f32 v45, v46  }
0x3cc: {  	v44 =	vbroadcast v48, $0xF;
	v45 =	vsel vm14, $0x3F800000, v0;
	vm14 =	vcmask $0x1310  }
0x3cd: {  	s4 =	sadd.f32 $9.999999710e-10, s25;
	s23 =	simm.s32 @!p1 $0xBF800000;
	v46 =	vbroadcast v49, $0xF;
	v35 =	vsel vm8, v35, v47;
	(xrf2) =	vadd.scan.msk.f32 $0xffff, v58;
	v58 =	vbroadcast v22, $0xF  }
0x3ce: {  	v56 =	vld [tilespmem:$0x1FE90];
	v41 =	vsel vm14, s23, v41;
	vm14 =	vcmask $0x1B18;
	v32 =	vmul.f32 v32, v44  }
0x3cf: {  	v49 =	vld [tilespmem:$0x1FEE0];
	v44 =	vmov s4;
	v36 =	vsel vm8, v36, v46;
	v46 =	vbroadcast v51, $0xF  }
0x3d0: {  	p0 =	sgt.f32 s26, $0.0e+00;
	v32 =	vsel vm8, v34, v32;
	v34 =	vmul.f32 v42, v55;
	v42 =	vmul.f32 v42, v60;
	v60 =	vld [tilespmem:$0x1FEB0]  }
0x3d1: {  	p1 =	sgt.f32 s16, $0.0e+00;
	v39 =	vsel vm8, v39, v40;
	(erf) = vrcp.f32 v44;
	v38 =	vsel vm8, v38, v46;
	v46 =	vld [tilespmem:$0x1FEC0]  }
0x3d2: {  	s24 =	simm.s32 @!p0 $0xBF800000;
	v55 =	vld [tilespmem:$0x1FF00];
	v28 =	vsel vm9, v38, v28;
	v38 =	vbroadcast v26, $0xF;
	v25 =	vmul.f32 v34, v25  }
0x3d3: {  	s3 =	simm.s32 @!p1 $0xBF800000;
	v48 =	vld [tilespmem:$0x1FED0];
	v34 =	vbroadcast v56, $0xF;
	v47 =	vsel vm9, v39, v42;
	v42 =	vsel vm15, s24, v41  }
0x3d4: {  	v56 =	vld [tilespmem:$0x1FF10];
	vm15 =	vcmask $0x1F1C;
	v19 =	vsel vm10, v47, v19;
	v26 =	vsel vm14, s3, v42  }
0x3d5: {  	vm14 =	vcmask $0x2320;
	v47 =	vbroadcast v20, $0xF;
	v34 =	vsel vm9, v36, v34  }
0x3d6: {  	v25 =	vsel vm9, v32, v25;
	v36 =	vbroadcast v49, $0xF;
	v40 =	vbroadcast v60, $0xF  }
0x3d7: {  	p2 =	sgt.f32 s6, $0.0e+00;
	v30 =	vbroadcast v46, $0xF;
	v24 =	vsel vm10, v25, v24;
	v31 =	vbroadcast v55, $0xF  }
0x3d8: {  	v55 =	vbroadcast v21, $0xF;
	v15 =	vsel vm11, v24, v15;
	v40 =	vsel vm9, v35, v40  }
0x3d9: {  	s5 =	simm.s32 @!p2 $0xBF800000;
	v52 =	vld [tilespmem:$0x1FEF0];
	v35 =	vbroadcast v48, $0xF;
	v30 =	vsel vm10, v34, v30;
	v32 =	vbroadcast v56, $0xF  }
0x3da: {  	p0 =	sgt.f32 s8, $0.0e+00;
	v34 =	vmul.f32 v45, v61;
	v45 =	vsel vm15, s5, v26;
	vm15 =	vcmask $0x2724  }
0x3db: {  	v50 =	vld [tilespmem:$0x1FFF0];
	v23 =	vsel vm10, v40, v36;
	v36 =	vsel vm11, v19, v18;
	v40 =	vbroadcast v27, $0xF  }
0x3dc: {  	p1 =	sgt.f32 s10, $0.0e+00;
	s7 =	simm.s32 @!p0 $0xBF800000;
	v51 =	vsel vm10, v28, v35;
	v35 =	vmul.f32 v8, v37;
	v37 =	vmul.f32 v1, v34  }
0x3dd: {  	p0 =	sgt.f32 s12, $0.0e+00;
	v46 =	vsel vm14, s7, v45;
	vm14 =	vcmask $0x2B28;
	v39 =	vmul.f32 v4, v34  }
0x3de: {  	s9 =	simm.s32 @!p1 $0xBF800000;
	v28 =	vbroadcast v52, $0xF;
	v23 =	vsel vm11, v23, v32;
	v8 =	vmul.f32 v8, v14;
	(xrf2) =	vadd.scan.msk.f32 $0xffff, v37  }
0x3df: {  	p1 =	sgt.f32 s2, $0.0e+00;
	s11 =	simm.s32 @!p0 $0xBF800000;
	v56 =	vld [tilespmem:$0x1FFF0];
	v14 =	vsel vm15, s9, v46;
	vm15 =	vcmask $0x2F2C;
	v60 =	vsel vm11, v51, v31;
	(xrf2) =	vadd.scan.msk.f32 $0xffff, v39  }
0x3e0: {  	p0 =	sgt.f32 s18, $0.0e+00;
	v48 =	vpop (erf);
	v14 =	vsel vm14, s11, v14;
	vm14 =	vnez.u8 v50;
	v28 =	vsel vm11, v30, v28  }
0x3e1: {  	s13 =	simm.s32 @!p1 $0xBF800000;
	p1 =	sgt.f32 s15, $0.0e+00;
	v51 =	vmul.f32 v48, v62;
	v9 =	vmul.f32 v35, v9;
	v17 =	vsel vm12, v28, v38  }
0x3e2: {  	s14 =	simm.s32 @!p0 $0xBF800000;
	v14 =	vsel vm15, s13, v14;
	v16 =	vsel vm14, v17, v47;
	vm14 =	vcmask $0x3330  }
0x3e3: {  	s28 =	simm.s32 @!p1 $0xBF800000;
	vm15 =	vcmask $0x3734;
	v5 =	vmul.f32 v51, v5;
	v14 =	vsel vm14, s14, v14  }
0x3e4: {  	p0 =	sgt.f32 s1, $0.0e+00;
	v49, _, _ =	vpop (xrf2);
	v9 =	vsel vm12, v15, v9;
	v14 =	vsel vm15, s28, v14;
	vm15 =	vnez.u8 v56  }
0x3e5: {  	s31 =	sshra.s32 s22, $0x2;
	v62 =	vmul.f32 v48, v57;
	v52 =	vsel vm13, v16, v49;
	v6 =	vsel vm15, v9, v6  }
0x3e6: {  	s0 =	simm.s32 @!p0 $0xBF800000;
	p0 =	sne.s32 s22, $0x8C0;
	v8 =	vsel vm12, v36, v8;
	vm14 =	vcmask $0x3B38;
	[tilespmem:s31+$0x2500] =	vst v52;
	v5 =	vsel vm13, v6, v5  }
.Ltmp0:
0x3e7: {  	v44 =	vsel vm12, v60, v40;
	v14 =	vsel vm14, s0, v14;
	[tilespmem:s31+$0x2A00] =	vst v5;
	v5 =	vsel vm15, v8, v7;
	(pc) =	sbr.rel @p0 .LBB2_2-.Ltmp0, $4  }
0x3e8: {  	v19 =	vsel vm12, v23, v43;
	v61 =	vsel vm15, v44, v55;
	[tilespmem:s31+$0x2780] =	vst v14;
	v8 =	vsel vm13, v5, v62;
	v60, _, _ =	vpop (xrf2)  }
0x3e9: {  	v6 =	vsel vm15, v19, v58;
	v7 =	vadd.f32 v12, v13;
	[tilespmem:s31+$0x3180] =	vst v8;
	v10 =	vsel vm13, v61, v60;
	v63, _, _ =	vpop (xrf2)  }
0x3ea: {  	v4 =	vadd.f32 v34, v4;
	v6 =	vsel vm13, v6, v63;
	[tilespmem:s31+$0x2C80] =	vst v10  }
0x3eb: {  	s29 =	sadd.s32 $0x100, s29;
	s22 =	sadd.s32 $0x40, s22;
	v5 =	vadd.f32 v53, v54;
	v34 =	vadd.f32 v2, v7;
	[tilespmem:s31+$0x2F00] =	vst v6  }
0x3ec: {  	_ = 	snop  }
0x3ed: {  	[tilespmem:$0x3980] =	vst v5  }
0x3ee: {  	[tilespmem:$0x3900] =	vst v34;
	v2 =	vmin.f32 v5, $4.500000000e+01  }
0x3ef: {  	s1 =	simm.s32 $0x0;
	[tilespmem:$0x3A00] =	vst v2  }
0x3f0: {  	v2 =	vld [tilespmem:s1+$0x2C80];
	_ =	sdelay $0x4  }
0x3f1: {  	v2 =	vtrunc.f32 v2  }
0x3f2: {  	v2 =	vcvt.f32.s32 v2;
	_ =	sdelay $0x3  }
0x3f3: {  	s0 =	simm.s32 $0x10  }
0x3f4: {  	s2 =	simm.s32 $0x80;
	v3 =	vld [tilespmem:s0+$0x2C80]  }
.LBB2_4:
0x3f5: {  	p0 =	sne.s32 s2, $0x8C0;
	v4 =	vld.idx.msk [tilespmem:v2+s17+$0x0], $0xffff  }
0x3f6: {  	v5 =	vld [tilespmem:s1+$0x2F00];
	_ =	sdelay $0x2  }
0x3f7: {  	v6 =	vld [tilespmem:s1+$0x3180]  }
0x3f8: {  	v2 =	vtrunc.f32 v3  }
0x3f9: {  	v2 =	vcvt.f32.s32 v2;
	v3 =	vadd.f32 v5, v4  }
.Ltmp1:
0x3fa: {  	(pc) =	sbr.rel @p0 .LBB2_4-.Ltmp1, $4  }
0x3fb: {  	vm14 =	vlt.f32 v3, $4.500000000e+01  }
0x3fc: {  	v3 =	vnsel vm14, $0xBF800000, v3;
	v4 =	vnsel vm14, $0x0, v6  }
0x3fd: {  	s3 =	sshra.s32 s2, $0x2;
	[tilespmem:s1+$0x3400] =	vst v3  }
0x3fe: {  	s2 =	sadd.s32 $0x40, s2;
	v3 =	vld [tilespmem:s3+$0x2C80];
	[tilespmem:s1+$0x3680] =	vst v4;
	s1 =	smov.u32 s0;
	s0 =	smov.u32 s3  }
0x3ff: {  	_ =	sdelay $0x3  }
0x400: {  	v2 =	vld.idx.msk [tilespmem:v2+s17+$0x0], $0xffff  }
0x401: {  	v4 =	vld [tilespmem:s1+$0x2F00];
	_ =	sdelay $0x3  }
0x402: {  	v5 =	vld [tilespmem:s1+$0x3180];
	v3 =	vtrunc.f32 v3  }
0x403: {  	v3 =	vcvt.f32.s32 v3;
	v2 =	vadd.f32 v4, v2;
	_ =	sdelay $0x1  }
0x404: {  	vm14 =	vlt.f32 v2, $4.500000000e+01  }
0x405: {  	v2 =	vnsel vm14, $0xBF800000, v2  }
0x406: {  	v63 =	vnsel vm14, $0x0, v5;
	[tilespmem:s1+$0x3400] =	vst v2  }
0x407: {  	[tilespmem:s1+$0x3680] =	vst v63  }
0x408: {  	v2 =	vld.idx.msk [tilespmem:v3+s17+$0x0], $0xffff  }
0x409: {  	v3 =	vld [tilespmem:s0+$0x2F00];
	_ =	sdelay $0x3  }
0x40a: {  	v4 =	vld [tilespmem:s0+$0x3180]  }
0x40b: {  	v2 =	vadd.f32 v3, v2;
	_ =	sdelay $0x1  }
0x40c: {  	vm14 =	vlt.f32 v2, $4.500000000e+01  }
0x40d: {  	v2 =	vnsel vm14, $0xBF800000, v2  }
0x40e: {  	s14 =	rddreg [dreg:$0x6];
	v3 =	vnsel vm14, $0x0, v4;
	[tilespmem:s0+$0x3400] =	vst v2  }
0x40f: {  	s3 =	simm.s32 $0x80;
	s2 =	simm.s32 $0x2500;
	s1 =	simm.s32 $0x400;
	[tilespmem:s0+$0x3680] =	vst v3  }
0x410: {  	[hbm4b:s14+s3] =	stream.strided.scatter [tilespmem:s2], [sflag:$0x1], $0x280, s1, s3, $0x38;
	[tilespmem:$0x3A80] =	vst v63  }
0x411: {  	s2 =	simm.s32 $0x1  }
0x412: {  	_ =	swait.ge [sflag:s2], $0x280  }
0x413: {  	[sflag:s2] =	ssyncset.done $0x0  }
0x414: {  	s4 =	simm.s32 $0x2780;
	s15 =	rddreg [dreg:$0x7];
	[sflag:s2] =	ssyncadd.s32 $0xFFFFFD80  }
0x415: {  	[hbm4b:s15+s3] =	stream.strided.scatter [tilespmem:s4], [sflag:$0x1], $0x280, s1, s3, $0x38;
	[tilespmem:$0x3A80] =	vst v63  }
0x416: {  	_ =	swait.ge [sflag:s2], $0x280  }
0x417: {  	[sflag:s2] =	ssyncset.done $0x0  }
0x418: {  	s18 =	simm.s32 $0x2A00;
	s16 =	rddreg [dreg:$0x8];
	[sflag:s2] =	ssyncadd.s32 $0xFFFFFD80  }
0x419: {  	[hbm4b:s16+s3] =	stream.strided.scatter [tilespmem:s18], [sflag:$0x1], $0x280, s1, s3, $0x38;
	[tilespmem:$0x3A80] =	vst v63  }
0x41a: {  	_ =	swait.ge [sflag:s2], $0x280  }
0x41b: {  	[sflag:s2] =	ssyncset.done $0x0  }
0x41c: {  	s20 =	simm.s32 $0x2C80;
	s19 =	rddreg [dreg:$0x9];
	[sflag:s2] =	ssyncadd.s32 $0xFFFFFD80  }
0x41d: {  	[hbm4b:s19+s3] =	stream.strided.scatter [tilespmem:s20], [sflag:$0x1], $0x280, s1, s3, $0x38;
	[tilespmem:$0x3A80] =	vst v63  }
0x41e: {  	_ =	swait.ge [sflag:s2], $0x280  }
0x41f: {  	[sflag:s2] =	ssyncset.done $0x0  }
0x420: {  	s22 =	simm.s32 $0x3400;
	s21 =	rddreg [dreg:$0xa];
	[sflag:s2] =	ssyncadd.s32 $0xFFFFFD80  }
0x421: {  	[hbm4b:s21+s3] =	stream.strided.scatter [tilespmem:s22], [sflag:$0x1], $0x280, s1, s3, $0x38;
	[tilespmem:$0x3A80] =	vst v63  }
0x422: {  	_ =	swait.ge [sflag:s2], $0x280  }
0x423: {  	[sflag:s2] =	ssyncset.done $0x0  }
0x424: {  	s24 =	simm.s32 $0x3680;
	s23 =	rddreg [dreg:$0xb];
	[sflag:s2] =	ssyncadd.s32 $0xFFFFFD80  }
0x425: {  	[hbm4b:s23+s3] =	stream.strided.scatter [tilespmem:s24], [sflag:$0x1], $0x280, s1, s3, $0x38;
	[tilespmem:$0x3A80] =	vst v63  }
0x426: {  	_ =	swait.ge [sflag:s2], $0x280  }
0x427: {  	s10 =	simm.s32 $0x0;
	[sflag:s2] =	ssyncset.done $0x0  }
0x428: {  	s26 =	simm.s32 $0x3900;
	s25 =	rddreg [dreg:$0xc];
	[sflag:s2] =	ssyncadd.s32 $0xFFFFFD80  }
0x429: {  	[hbm4b:s25+s10] =	stream.linear.scatter [tilespmem:s26], [sflag:$0x1], $0x80, $0x38;
	[tilespmem:$0x3A80] =	vst v63  }
0x42a: {  	_ =	swait.ge [sflag:s2], $0x80  }
0x42b: {  	[sflag:s2] =	ssyncset.done $0x0  }
0x42c: {  	s29 =	simm.s32 $0x3980;
	s28 =	rddreg [dreg:$0xd];
	[sflag:s2] =	ssyncadd.s32 $0xFFFFFF80  }
0x42d: {  	[hbm4b:s28+s10] =	stream.linear.scatter [tilespmem:s29], [sflag:$0x1], $0x80, $0x38;
	[tilespmem:$0x3A80] =	vst v63  }
0x42e: {  	_ =	swait.ge [sflag:s2], $0x80  }
0x42f: {  	s30 =	rddreg [dreg:$0xf]  }
0x430: {  	s31 =	rddreg [dreg:$0xe];
	s4 =	sadd.s32 $0x1, s30  }
0x431: {  	p0 =	sne.s32 s4, s31  }
.Ltmp2:
0x432: {  	_ = 	snop;
	(pc) =	sbr.rel @p0 .LBB2_1-.Ltmp2, $3  }
0x433: {  	_ =	sdelay $0x1  }
0x434: {  	[sflag:s2] =	ssyncset.done $0x0  }
0x435: {  	[sflag:s2] =	ssyncadd.s32 $0xFFFFFF80  }
0x436: {  	_ =	sfence.sel $0x180000  }
0x437: {  	[bflag:$0x0] =	sbarrier.arrive $0xFFFF  }
0x438: {  	_ =	strace $0x90000047  }
0x439: {  	s0 =	stileid.u32;
	[bflag:$0x2] =	sbarrier.arrive $0xFFFF  }
0x43a: {  	p0 =	sne.s32 s0, $0x0;
	s0 =	rddreg [dreg:$0x3]  }
0x43b: {  	s0 =	sadd.s32 @!p0 $0x100000, s0  }
0x43c: {  	[sflag:s0] =	ssyncadd.tile.s32 @!p0 $0x1;
	_ =	shalt  }
.Lfunc_end2:
_tile_overlayer_lowered:
.L_overlay_start_2:
0x43d: {  	(tag) =	ssettag $0x2  }
0x43e: {  	s0 =	rddreg [dreg:$0x0];
	s2 =	stileid.u32  }
0x43f: {  	s1 =	rddreg [dreg:$0x1];
	p0 =	sne.s32 s2, $0x0  }
0x440: {  	s3 =	rddreg [dreg:$0x2];
	[bflag:$0x3] =	sbarrier.arrive $0xFFFF;
	s2 =	simm.s32 @!p0 $0x1C02  }
0x441: {  	[timem:s3], [sflag:s2] =	dma.local @!p0 [hbm:s0], s1  }
0x442: {  	s0 =	simm.s32 @!p0 $0x2  }
0x443: {  	_ =	swait.ge @!p0 [sflag:s0], s1  }
0x444: {  	s1 =	ssub.s32 @!p0 $0x0, s1;
	[sflag:s0] =	ssyncset.done @!p0 $0x0  }
0x445: {  	[sflag:s0] =	ssyncadd.s32 @!p0 s1  }
0x446: {  	[bflag:$0x3] =	sbarrier.arrive $0xFFFF  }
0x447: {  	_ =	shalt  }

</sc_bundles>
